<compile_context>
chip_gen: v7x
topology: tpu7x:2x2x1
jax: 0.10.2.dev20260603
libtpu: 0.0.44.dev20260713+nightly
codegen_flags: <defaults>
</compile_context>

<pallas_src>
import functools

import jax
import jax.numpy as jnp
from jax import lax
from jax.experimental import pallas as pl
from jax.experimental.pallas import tpu as pltpu
from jax.experimental.pallas import tpu_sc as plsc

N = 10000
E = 320000
CW = 128
NCH = E // CW
NC, NS = 2, 16
NW = NC * NS
CPW = NCH // NW
NEXTRA = NCH - CPW * NW
RPT = N // NS
D1, D2 = 128, 64
DW = 16
NH = N // 2
DROWS = NH + 8

_MESH = dict(core_axis_name="c", subcore_axis_name="s", num_cores=NC,
             num_subcores=NS)


def _worker_id():
    return lax.axis_index("s") * NC + lax.axis_index("c")


def _chunk_base(wid):
    return CPW * wid + jnp.maximum(wid - (NW - NEXTRA), 0)


def _deg_body(edge_hbm, onesa_hbm, onesb_hbm, zer_hbm, out_hbm,
              dst_v, idxa_v, idxb_v, onesa_v, onesb_v, deg_sh, sa0, sa1,
              sb0, sb1):
    asem = (sa0, sa1)
    bsem = (sb0, sb1)
    cid = lax.axis_index("c")
    sid = lax.axis_index("s")
    wid = _worker_id()
    base = _chunk_base(wid)
    pltpu.sync_copy(edge_hbm.at[1, pl.ds(base * CW, (CPW + 1) * CW)], dst_v)
    pltpu.sync_copy(onesa_hbm, onesa_v)
    pltpu.sync_copy(onesb_hbm, onesb_v)

    drpt = DROWS // NS
    r0 = sid * drpt
    pltpu.sync_copy(zer_hbm.at[pl.ds(r0, drpt)], deg_sh.at[pl.ds(r0, drpt)])
    plsc.subcore_barrier()

    dump = NH + (lax.iota(jnp.int32, 16) & 7)

    def compute_idx(j, s):
        for g in range(CW // 16):
            d = dst_v[pl.ds(j * CW + g * 16, 16)]
            lo = d < NH
            idxa_v[s, pl.ds(g * 16, 16)] = jnp.where(lo, d, dump)
            idxb_v[s, pl.ds(g * 16, 16)] = jnp.where(lo, dump, d - NH)

    def fire(s):
        pltpu.async_copy(onesa_v, deg_sh.at[idxa_v.at[s]], asem[s], add=True)
        pltpu.async_copy(onesb_v, deg_sh.at[idxb_v.at[s]], bsem[s], add=True)

    def drain(s):
        pltpu.make_async_copy(onesa_v, deg_sh.at[idxa_v.at[s]],
                              asem[s]).wait()
        pltpu.make_async_copy(onesb_v, deg_sh.at[idxb_v.at[s]],
                              bsem[s]).wait()

    compute_idx(0, 0)
    fire(0)
    compute_idx(1, 1)
    fire(1)

    def body(i, _):
        j = 2 * i
        for s in range(2):
            drain(s)
            compute_idx(jnp.minimum(j + 2 + s, CPW - 1), s)

            @pl.when(j + 2 + s <= CPW - 1)
            def _():
                fire(s)
        return 0

    lax.fori_loop(0, CPW // 2 - 1, body, 0)
    drain(0)
    drain(1)

    @pl.when(wid >= NW - NEXTRA)
    def _():
        compute_idx(CPW, 0)
        pltpu.sync_copy(onesa_v, deg_sh.at[idxa_v.at[0]], add=True)
        pltpu.sync_copy(onesb_v, deg_sh.at[idxb_v.at[0]], add=True)

    plsc.subcore_barrier()
    pltpu.sync_copy(deg_sh.at[pl.ds(r0, drpt)],
                    out_hbm.at[cid, pl.ds(r0, drpt)])


@functools.cache
def _deg_kernel():
    return functools.partial(
        pl.kernel,
        out_type=jax.ShapeDtypeStruct((NC, DROWS, DW), jnp.float32),
        mesh=plsc.VectorSubcoreMesh(**_MESH),
        compiler_params=pltpu.CompilerParams(use_tc_tiling_on_sc=False),
        scratch_types=[
            pltpu.VMEM(((CPW + 1) * CW,), jnp.int32),
            pltpu.VMEM((2, CW), jnp.int32),
            pltpu.VMEM((2, CW), jnp.int32),
            pltpu.VMEM((CW, DW), jnp.float32),
            pltpu.VMEM((CW, DW), jnp.float32),
            pltpu.VMEM_SHARED((DROWS, DW), jnp.float32),
        ] + [pltpu.SemaphoreType.DMA] * 4,
    )(_deg_body)


SLOTS = 2
MAIN = (CPW // SLOTS) * SLOTS


def _agg_body(D, h_hbm, edge_hbm, zer_hbm, out_hbm, src_v, dstb,
              b0, b1, agg_sh, g0, g1, d0, d1):
    bufs = (b0, b1)
    gsem = (g0, g1)
    dsem = (d0, d1)
    cid = lax.axis_index("c")
    sid = lax.axis_index("s")
    wid = _worker_id()
    base = _chunk_base(wid)
    pltpu.sync_copy(edge_hbm.at[0, pl.ds(base * CW, (CPW + 1) * CW)], src_v)
    r0 = sid * RPT

    @pl.when(cid == 0)
    def _():
        pltpu.sync_copy(h_hbm.at[pl.ds(r0, RPT)], agg_sh.at[pl.ds(r0, RPT)])

    @pl.when(cid == 1)
    def _():
        pltpu.sync_copy(zer_hbm.at[pl.ds(r0, RPT)], agg_sh.at[pl.ds(r0, RPT)])

    plsc.subcore_barrier()

    def gather(j, k):
        pltpu.async_copy(h_hbm.at[src_v.at[pl.ds(j * CW, CW)]], bufs[k],
                         gsem[k])
        pltpu.async_copy(edge_hbm.at[1, pl.ds((base + j) * CW, CW)],
                         dstb.at[k], dsem[k])

    def wait_gather(k):
        pltpu.make_async_copy(h_hbm.at[src_v.at[pl.ds(0, CW)]], bufs[k],
                              gsem[k]).wait()
        pltpu.make_async_copy(edge_hbm.at[1, pl.ds(0, CW)], dstb.at[k],
                              dsem[k]).wait()

    def scatter(k):
        pltpu.sync_copy(bufs[k], agg_sh.at[dstb.at[k]], add=True)

    for k in range(SLOTS):
        gather(k, k)

    def body(i, _):
        j = SLOTS * i
        for k in range(SLOTS):
            wait_gather(k)
            scatter(k)
            gather(jnp.minimum(j + SLOTS + k, CPW - 1), k)
        return 0

    lax.fori_loop(0, MAIN // SLOTS, body, 0)

    for k in range(SLOTS):
        wait_gather(k)
        if k < CPW - MAIN:
            scatter(k)

    @pl.when(wid >= NW - NEXTRA)
    def _():
        pltpu.sync_copy(edge_hbm.at[1, pl.ds((base + CPW) * CW, CW)],
                        dstb.at[0])
        pltpu.sync_copy(h_hbm.at[src_v.at[pl.ds(CPW * CW, CW)]], b0)
        pltpu.sync_copy(b0, agg_sh.at[dstb.at[0]], add=True)

    plsc.subcore_barrier()
    pltpu.sync_copy(agg_sh.at[pl.ds(r0, RPT)], out_hbm.at[cid, pl.ds(r0, RPT)])


@functools.cache
def _agg_kernel(D):
    return functools.partial(
        pl.kernel,
        out_type=jax.ShapeDtypeStruct((NC, N, D), jnp.float32),
        mesh=plsc.VectorSubcoreMesh(**_MESH),
        compiler_params=pltpu.CompilerParams(use_tc_tiling_on_sc=False),
        scratch_types=[
            pltpu.VMEM(((CPW + 1) * CW,), jnp.int32),
            pltpu.VMEM((SLOTS, CW), jnp.int32),
            pltpu.VMEM((CW, D), jnp.float32),
            pltpu.VMEM((CW, D), jnp.float32),
            pltpu.VMEM_SHARED((N, D), jnp.float32),
        ] + [pltpu.SemaphoreType.DMA] * 4,
    )(functools.partial(_agg_body, D))


def _tc0_body(x_ref, w_ref, u_ref):
    u_ref[...] = jnp.dot(x_ref[...], w_ref[...],
                         preferred_element_type=jnp.float32)


def _tc1_body(u_ref, deg_ref, h_ref, dv_ref):
    dd = deg_ref[...]
    lo = jnp.sum(dd[:, :, 0:8], axis=(0, 2))
    hi = jnp.sum(dd[:, :, 8:16], axis=(0, 2))
    blk = pl.program_id(0)
    d = jnp.where(blk < _GRID // 2, lo, hi)[:, None] + 1.0
    dv = lax.rsqrt(d)
    h_ref[...] = u_ref[...] * dv
    dv_ref[...] = jnp.broadcast_to(dv, (TBLK, 8))


def _tc2_body(a_ref, dv_ref, b_ref, w_ref, o_ref):
    dv = dv_ref[:, 0:1]
    h = jnp.maximum((a_ref[0] + a_ref[1]) * dv + b_ref[...], 0.0)
    o_ref[...] = jnp.dot(h, w_ref[...], preferred_element_type=jnp.float32) * dv


def _tc3_body(a_ref, dv_ref, b_ref, o_ref):
    dv = dv_ref[:, 0:1]
    o_ref[...] = (a_ref[0] + a_ref[1]) * dv + b_ref[...]


TBLK = 1000
_GRID = N // TBLK


def _row_spec(d):
    return pl.BlockSpec((TBLK, d), lambda i: (i, 0))


def _rep_spec(r, c):
    return pl.BlockSpec((r, c), lambda i: (0, 0))


def _agg_spec(d):
    return pl.BlockSpec((NC, TBLK, d), lambda i: (0, i, 0))


_tc0 = pl.pallas_call(
    _tc0_body,
    grid=(_GRID,),
    in_specs=[_row_spec(D1), _rep_spec(D1, D1)],
    out_specs=_row_spec(D1),
    out_shape=jax.ShapeDtypeStruct((N, D1), jnp.float32),
)

_tc1 = pl.pallas_call(
    _tc1_body,
    grid=(_GRID,),
    in_specs=[_row_spec(D1),
              pl.BlockSpec((NC, TBLK, DW), lambda i: (0, i % (_GRID // 2), 0))],
    out_specs=[_row_spec(D1), _row_spec(8)],
    out_shape=[jax.ShapeDtypeStruct((N, D1), jnp.float32),
               jax.ShapeDtypeStruct((N, 8), jnp.float32)],
)

_tc2 = pl.pallas_call(
    _tc2_body,
    grid=(_GRID,),
    in_specs=[_agg_spec(D1), _row_spec(8), _rep_spec(1, D1),
              _rep_spec(D1, D2)],
    out_specs=_row_spec(D2),
    out_shape=jax.ShapeDtypeStruct((N, D2), jnp.float32),
)

_tc3 = pl.pallas_call(
    _tc3_body,
    grid=(_GRID,),
    in_specs=[_agg_spec(D2), _row_spec(8), _rep_spec(1, D2)],
    out_specs=_row_spec(D2),
    out_shape=jax.ShapeDtypeStruct((N, D2), jnp.float32),
)


def kernel(x, edge_index, W1, b1, W2, b2):
    er = edge_index.astype(jnp.int32)

    zdeg = jnp.zeros((DROWS, DW), jnp.float32)
    onesa = jnp.zeros((CW, DW), jnp.float32).at[:, 0].set(1.0)
    onesb = jnp.zeros((CW, DW), jnp.float32).at[:, 8].set(1.0)
    zer1 = jnp.zeros((N, D1), jnp.float32)
    zer2 = jnp.zeros((N, D2), jnp.float32)

    u = _tc0(x, W1)
    deg = _deg_kernel()(er, onesa, onesb, zdeg)
    h1p, dinv = _tc1(u, deg)
    agg1 = _agg_kernel(D1)(h1p, er, zer1)
    h2p = _tc2(agg1, dinv, b1.reshape(1, D1), W2)
    agg2 = _agg_kernel(D2)(h2p, er, zer2)
    return _tc3(agg2, dinv, b2.reshape(1, D2))

# --- scband reference (transcript-rebuilt; emitter-appended) ---
"""Pipeline reference for scband-encoder-23639499997815 (READ-ONLY COPY).

The authoritative reference and input builder live on the scoring server;
editing this copy changes nothing except your own understanding.
"""

import jax, jax.numpy as jnp
import numpy as np

N_NODES = 10000
IN_DIM = 128
HID_DIM = 128  # 2 * output_dim
OUT_DIM = 64
N_EDGES = 320000


def setup_inputs(seed: int = 0) -> dict:
    key = jax.random.key(seed)
    k1, k2, k3, k4 = jax.random.split(key, 4)
    x = jax.random.normal(k1, (N_NODES, IN_DIM), dtype=jnp.float32)
    edge_index = jax.random.randint(k2, (2, N_EDGES), 0, N_NODES, dtype=jnp.int64)
    # GCNConv layer 1: input_dim -> 2*output_dim
    W1 = jax.random.normal(k3, (IN_DIM, HID_DIM), dtype=jnp.float32) * (1.0 / np.sqrt(IN_DIM))
    b1 = jnp.zeros((HID_DIM,), dtype=jnp.float32)
    # GCNConv layer 2: 2*output_dim -> output_dim
    W2 = jax.random.normal(k4, (HID_DIM, OUT_DIM), dtype=jnp.float32) * (1.0 / np.sqrt(HID_DIM))
    b2 = jnp.zeros((OUT_DIM,), dtype=jnp.float32)
    return {"x": x, "edge_index": edge_index, "W1": W1, "b1": b1, "W2": W2, "b2": b2}


def _gcn_conv(x, src, dst, norm, W, b, n_nodes):
    h = x @ W
    msg = h[src] * norm[:, None]
    out = jnp.zeros((n_nodes, W.shape[1]), dtype=h.dtype).at[dst].add(msg)
    return out + b


def reference(x, edge_index, W1, b1, W2, b2):
    n_nodes = x.shape[0]
    src = edge_index[0]
    dst = edge_index[1]
    # add self loops (PyG GCNConv default)
    loop = jnp.arange(n_nodes, dtype=src.dtype)
    src = jnp.concatenate([src, loop])
    dst = jnp.concatenate([dst, loop])
    # symmetric normalization D^-1/2 A D^-1/2 (shared/cached across layers)
    deg = jnp.zeros((n_nodes,), dtype=jnp.float32).at[dst].add(1.0)
    deg_inv_sqrt = jnp.where(deg > 0, deg ** -0.5, 0.0)
    norm = deg_inv_sqrt[src] * deg_inv_sqrt[dst]
    h = _gcn_conv(x, src, dst, norm, W1, b1, n_nodes)
    h = jax.nn.relu(h)
    out = _gcn_conv(h, src, dst, norm, W2, b2, n_nodes)
    return out

if __name__ == "__main__":
    import jax
    _d = setup_inputs()
    print(jax.jit(kernel)(*tuple(_d.values())))

</pallas_src>

<mosaic_0001>
#map = affine_map<(d0, d1) -> (0, 0)>
#map1 = affine_map<(d0, d1) -> (0, 0, 0)>
module attributes {stable_mosaic.version = 14 : i64} {
  func.func @_agg_body(%arg0: i32, %arg1: i32, %arg2: memref<10000x64xf32, #tpu.memory_space<hbm>>, %arg3: memref<2x320000xi32, #tpu.memory_space<hbm>>, %arg4: memref<10000x64xf32, #tpu.memory_space<hbm>>, %arg5: memref<2x10000x64xf32, #tpu.memory_space<hbm>>, %arg6: memref<10112xi32, #tpu.memory_space<vmem>>, %arg7: memref<2x128xi32, #tpu.memory_space<vmem>>, %arg8: memref<128x64xf32, #tpu.memory_space<vmem>>, %arg9: memref<128x64xf32, #tpu.memory_space<vmem>>, %arg10: memref<10000x64xf32, #tpu.memory_space<vmem_shared>>, %arg11: memref<!tpu.dma_semaphore, #tpu.memory_space<semaphore_mem>>, %arg12: memref<!tpu.dma_semaphore, #tpu.memory_space<semaphore_mem>>, %arg13: memref<!tpu.dma_semaphore, #tpu.memory_space<semaphore_mem>>, %arg14: memref<!tpu.dma_semaphore, #tpu.memory_space<semaphore_mem>>) attributes {dimension_semantics = [#tpu.dimension_semantics<core_parallel>, #tpu.dimension_semantics<subcore_parallel>], iteration_bounds = array<i64: 2, 16>, scalar_prefetch = 0 : i64, scratch_operands = 9 : i64, tpu.core_type = #tpu.core_type<sc_vector_subcore>, window_params = [{transform_indices = #map}, {transform_indices = #map}, {transform_indices = #map}, {transform_indices = #map1}]} {
    %mul3A = arith.constant 2 : i32
    %mul3A_0 = arith.muli %arg1, %mul3A : i32
    %add3A = arith.addi %mul3A_0, %arg0 : i32
    %mul3A_1 = arith.constant 78 : i32
    %mul3A_2 = arith.muli %mul3A_1, %add3A : i32
    %sub3A = arith.constant 28 : i32
    %sub3A_3 = arith.subi %add3A, %sub3A : i32
    %max3A = arith.constant 0 : i32
    %max3A_4 = arith.maxsi %sub3A_3, %max3A : i32
    %add3A_5 = arith.addi %mul3A_2, %max3A_4 : i32
    %mul3A_6 = arith.constant 128 : i32
    %mul3A_7 = arith.muli %add3A_5, %mul3A_6 : i32
    %run_scoped3A = arith.constant 0 : i32
    "tpu.region"() ({
      %run_scoped3A_106 = tpu.sem_alloc : memref<!tpu.dma_semaphore, #tpu.memory_space<semaphore_mem>>
      %dma_start3A_107 = tpu.memref_slice %arg3[%run_scoped3A, %mul3A_7] : memref<2x320000xi32, #tpu.memory_space<hbm>> -> memref<1x10112xi32, #tpu.memory_space<hbm>>
      %dma_start3A_108 = tpu.memref_squeeze %dma_start3A_107 : memref<1x10112xi32, #tpu.memory_space<hbm>> -> memref<10112xi32, #tpu.memory_space<hbm>>
      %dma_start3A_109 = tpu.memref_slice %arg3[%run_scoped3A, %mul3A_7] : memref<2x320000xi32, #tpu.memory_space<hbm>> -> memref<1x10112xi32, #tpu.memory_space<hbm>>
      %dma_start3A_110 = tpu.memref_squeeze %dma_start3A_109 : memref<1x10112xi32, #tpu.memory_space<hbm>> -> memref<10112xi32, #tpu.memory_space<hbm>>
      tpu.enqueue_dma source(%dma_start3A_110 : memref<10112xi32, #tpu.memory_space<hbm>>) target(%arg6 : memref<10112xi32, #tpu.memory_space<vmem>>) target_semaphore(%run_scoped3A_106 : memref<!tpu.dma_semaphore, #tpu.memory_space<semaphore_mem>>)
      %dma_wait3A_111 = tpu.memref_slice %arg3[%run_scoped3A, %mul3A_7] : memref<2x320000xi32, #tpu.memory_space<hbm>> -> memref<1x10112xi32, #tpu.memory_space<hbm>>
      %dma_wait3A_112 = tpu.memref_squeeze %dma_wait3A_111 : memref<1x10112xi32, #tpu.memory_space<hbm>> -> memref<10112xi32, #tpu.memory_space<hbm>>
      %dma_wait3A_113 = tpu.memref_slice %arg3[%run_scoped3A, %mul3A_7] : memref<2x320000xi32, #tpu.memory_space<hbm>> -> memref<1x10112xi32, #tpu.memory_space<hbm>>
      %dma_wait3A_114 = tpu.memref_squeeze %dma_wait3A_113 : memref<1x10112xi32, #tpu.memory_space<hbm>> -> memref<10112xi32, #tpu.memory_space<hbm>>
      tpu.wait_dma2 semaphore(%run_scoped3A_106 : memref<!tpu.dma_semaphore, #tpu.memory_space<semaphore_mem>>) src(%dma_wait3A_114 : memref<10112xi32, #tpu.memory_space<hbm>>) dst(%arg6 : memref<10112xi32, #tpu.memory_space<vmem>>)
      tpu.yield
    }) : () -> ()
    %mul3A_8 = arith.constant 625 : i32
    %mul3A_9 = arith.muli %arg1, %mul3A_8 : i32
    %eq3A = arith.constant 0 : i32
    %eq3A_10 = arith.cmpi eq, %arg0, %eq3A : i32
    %convert_element_type3A = arith.extui %eq3A_10 : i1 to i32
    %cond3A = arith.constant 0 : i32
    %cond3A_11 = arith.cmpi ne, %convert_element_type3A, %cond3A : i32
    scf.if %cond3A_11 {
      "tpu.region"() ({
        %run_scoped3A_106 = tpu.sem_alloc : memref<!tpu.dma_semaphore, #tpu.memory_space<semaphore_mem>>
        %dma_start3A_107 = arith.constant 0 : i32
        %dma_start3A_108 = tpu.memref_slice %arg10[%mul3A_9, %dma_start3A_107] : memref<10000x64xf32, #tpu.memory_space<vmem_shared>> -> memref<625x64xf32, #tpu.memory_space<vmem_shared>>
        %dma_start3A_109 = arith.constant 0 : i32
        %dma_start3A_110 = tpu.memref_slice %arg2[%mul3A_9, %dma_start3A_109] : memref<10000x64xf32, #tpu.memory_space<hbm>> -> memref<625x64xf32, #tpu.memory_space<hbm>>
        tpu.enqueue_dma source(%dma_start3A_110 : memref<625x64xf32, #tpu.memory_space<hbm>>) target(%dma_start3A_108 : memref<625x64xf32, #tpu.memory_space<vmem_shared>>) target_semaphore(%run_scoped3A_106 : memref<!tpu.dma_semaphore, #tpu.memory_space<semaphore_mem>>)
        %dma_wait3A_111 = arith.constant 0 : i32
        %dma_wait3A_112 = tpu.memref_slice %arg10[%mul3A_9, %dma_wait3A_111] : memref<10000x64xf32, #tpu.memory_space<vmem_shared>> -> memref<625x64xf32, #tpu.memory_space<vmem_shared>>
        %dma_wait3A_113 = arith.constant 0 : i32
        %dma_wait3A_114 = tpu.memref_slice %arg2[%mul3A_9, %dma_wait3A_113] : memref<10000x64xf32, #tpu.memory_space<hbm>> -> memref<625x64xf32, #tpu.memory_space<hbm>>
        tpu.wait_dma2 semaphore(%run_scoped3A_106 : memref<!tpu.dma_semaphore, #tpu.memory_space<semaphore_mem>>) src(%dma_wait3A_114 : memref<625x64xf32, #tpu.memory_space<hbm>>) dst(%dma_wait3A_112 : memref<625x64xf32, #tpu.memory_space<vmem_shared>>)
        tpu.yield
      }) : () -> ()
    } else {
    }
    %eq3A_12 = arith.constant 1 : i32
    %eq3A_13 = arith.cmpi eq, %arg0, %eq3A_12 : i32
    %convert_element_type3A_14 = arith.extui %eq3A_13 : i1 to i32
    %cond3A_15 = arith.constant 0 : i32
    %cond3A_16 = arith.cmpi ne, %convert_element_type3A_14, %cond3A_15 : i32
    scf.if %cond3A_16 {
      "tpu.region"() ({
        %run_scoped3A_106 = tpu.sem_alloc : memref<!tpu.dma_semaphore, #tpu.memory_space<semaphore_mem>>
        %dma_start3A_107 = arith.constant 0 : i32
        %dma_start3A_108 = tpu.memref_slice %arg10[%mul3A_9, %dma_start3A_107] : memref<10000x64xf32, #tpu.memory_space<vmem_shared>> -> memref<625x64xf32, #tpu.memory_space<vmem_shared>>
        %dma_start3A_109 = arith.constant 0 : i32
        %dma_start3A_110 = tpu.memref_slice %arg4[%mul3A_9, %dma_start3A_109] : memref<10000x64xf32, #tpu.memory_space<hbm>> -> memref<625x64xf32, #tpu.memory_space<hbm>>
        tpu.enqueue_dma source(%dma_start3A_110 : memref<625x64xf32, #tpu.memory_space<hbm>>) target(%dma_start3A_108 : memref<625x64xf32, #tpu.memory_space<vmem_shared>>) target_semaphore(%run_scoped3A_106 : memref<!tpu.dma_semaphore, #tpu.memory_space<semaphore_mem>>)
        %dma_wait3A_111 = arith.constant 0 : i32
        %dma_wait3A_112 = tpu.memref_slice %arg10[%mul3A_9, %dma_wait3A_111] : memref<10000x64xf32, #tpu.memory_space<vmem_shared>> -> memref<625x64xf32, #tpu.memory_space<vmem_shared>>
        %dma_wait3A_113 = arith.constant 0 : i32
        %dma_wait3A_114 = tpu.memref_slice %arg4[%mul3A_9, %dma_wait3A_113] : memref<10000x64xf32, #tpu.memory_space<hbm>> -> memref<625x64xf32, #tpu.memory_space<hbm>>
        tpu.wait_dma2 semaphore(%run_scoped3A_106 : memref<!tpu.dma_semaphore, #tpu.memory_space<semaphore_mem>>) src(%dma_wait3A_114 : memref<625x64xf32, #tpu.memory_space<hbm>>) dst(%dma_wait3A_112 : memref<625x64xf32, #tpu.memory_space<vmem_shared>>)
        tpu.yield
      }) : () -> ()
    } else {
    }
    %barrier3A = arith.constant 0 : index
    tpu.barrier barrier_id(%barrier3A)
    %dma_start3A = arith.constant 0 : i32
    %dma_start3A_17 = tpu.memref_slice %arg6[%dma_start3A] : memref<10112xi32, #tpu.memory_space<vmem>> -> memref<128xi32, #tpu.memory_space<vmem>>
    %dma_start3A_18 = arith.constant 0 : i32
    %dma_start3A_19 = arith.constant 0 : i32
    %dma_start3A_20 = tpu.memref_slice %arg2[%dma_start3A_18, %dma_start3A_19] : memref<10000x64xf32, #tpu.memory_space<hbm>> -> memref<10000x64xf32, #tpu.memory_space<hbm>>
    tpu.enqueue_indirect_dma source(%dma_start3A_20 : memref<10000x64xf32, #tpu.memory_space<hbm>>) target(%arg8 : memref<128x64xf32, #tpu.memory_space<vmem>>) offsets(%dma_start3A_17 : memref<128xi32, #tpu.memory_space<vmem>>) semaphore(%arg11 : memref<!tpu.dma_semaphore, #tpu.memory_space<semaphore_mem>>)
    %add3A_21 = arith.constant 0 : i32
    %add3A_22 = arith.addi %add3A_5, %add3A_21 : i32
    %mul3A_23 = arith.constant 128 : i32
    %mul3A_24 = arith.muli %add3A_22, %mul3A_23 : i32
    %dma_start3A_25 = arith.constant 1 : i32
    %dma_start3A_26 = arith.constant 0 : i32
    %dma_start3A_27 = arith.constant 0 : i32
    %dma_start3A_28 = tpu.memref_slice %arg7[%dma_start3A_26, %dma_start3A_27] : memref<2x128xi32, #tpu.memory_space<vmem>> -> memref<1x128xi32, #tpu.memory_space<vmem>>
    %dma_start3A_29 = tpu.memref_squeeze %dma_start3A_28 : memref<1x128xi32, #tpu.memory_space<vmem>> -> memref<128xi32, #tpu.memory_space<vmem>>
    %dma_start3A_30 = tpu.memref_slice %arg3[%dma_start3A_25, %mul3A_24] : memref<2x320000xi32, #tpu.memory_space<hbm>> -> memref<1x128xi32, #tpu.memory_space<hbm>>
    %dma_start3A_31 = tpu.memref_squeeze %dma_start3A_30 : memref<1x128xi32, #tpu.memory_space<hbm>> -> memref<128xi32, #tpu.memory_space<hbm>>
    %dma_start3A_32 = arith.constant 0 : i32
    %dma_start3A_33 = tpu.memref_slice %arg7[%dma_start3A_26, %dma_start3A_32] : memref<2x128xi32, #tpu.memory_space<vmem>> -> memref<1x128xi32, #tpu.memory_space<vmem>>
    %dma_start3A_34 = tpu.memref_squeeze %dma_start3A_33 : memref<1x128xi32, #tpu.memory_space<vmem>> -> memref<128xi32, #tpu.memory_space<vmem>>
    %dma_start3A_35 = tpu.memref_slice %arg3[%dma_start3A_25, %mul3A_24] : memref<2x320000xi32, #tpu.memory_space<hbm>> -> memref<1x128xi32, #tpu.memory_space<hbm>>
    %dma_start3A_36 = tpu.memref_squeeze %dma_start3A_35 : memref<1x128xi32, #tpu.memory_space<hbm>> -> memref<128xi32, #tpu.memory_space<hbm>>
    tpu.enqueue_dma source(%dma_start3A_36 : memref<128xi32, #tpu.memory_space<hbm>>) target(%dma_start3A_34 : memref<128xi32, #tpu.memory_space<vmem>>) target_semaphore(%arg13 : memref<!tpu.dma_semaphore, #tpu.memory_space<semaphore_mem>>)
    %dma_start3A_37 = arith.constant 128 : i32
    %dma_start3A_38 = tpu.memref_slice %arg6[%dma_start3A_37] : memref<10112xi32, #tpu.memory_space<vmem>> -> memref<128xi32, #tpu.memory_space<vmem>>
    %dma_start3A_39 = arith.constant 0 : i32
    %dma_start3A_40 = arith.constant 0 : i32
    %dma_start3A_41 = tpu.memref_slice %arg2[%dma_start3A_39, %dma_start3A_40] : memref<10000x64xf32, #tpu.memory_space<hbm>> -> memref<10000x64xf32, #tpu.memory_space<hbm>>
    tpu.enqueue_indirect_dma source(%dma_start3A_41 : memref<10000x64xf32, #tpu.memory_space<hbm>>) target(%arg9 : memref<128x64xf32, #tpu.memory_space<vmem>>) offsets(%dma_start3A_38 : memref<128xi32, #tpu.memory_space<vmem>>) semaphore(%arg12 : memref<!tpu.dma_semaphore, #tpu.memory_space<semaphore_mem>>)
    %add3A_42 = arith.constant 1 : i32
    %add3A_43 = arith.addi %add3A_5, %add3A_42 : i32
    %mul3A_44 = arith.constant 128 : i32
    %mul3A_45 = arith.muli %add3A_43, %mul3A_44 : i32
    %dma_start3A_46 = arith.constant 1 : i32
    %dma_start3A_47 = arith.constant 1 : i32
    %dma_start3A_48 = arith.constant 0 : i32
    %dma_start3A_49 = tpu.memref_slice %arg7[%dma_start3A_47, %dma_start3A_48] : memref<2x128xi32, #tpu.memory_space<vmem>> -> memref<1x128xi32, #tpu.memory_space<vmem>>
    %dma_start3A_50 = tpu.memref_squeeze %dma_start3A_49 : memref<1x128xi32, #tpu.memory_space<vmem>> -> memref<128xi32, #tpu.memory_space<vmem>>
    %dma_start3A_51 = tpu.memref_slice %arg3[%dma_start3A_46, %mul3A_45] : memref<2x320000xi32, #tpu.memory_space<hbm>> -> memref<1x128xi32, #tpu.memory_space<hbm>>
    %dma_start3A_52 = tpu.memref_squeeze %dma_start3A_51 : memref<1x128xi32, #tpu.memory_space<hbm>> -> memref<128xi32, #tpu.memory_space<hbm>>
    %dma_start3A_53 = arith.constant 0 : i32
    %dma_start3A_54 = tpu.memref_slice %arg7[%dma_start3A_47, %dma_start3A_53] : memref<2x128xi32, #tpu.memory_space<vmem>> -> memref<1x128xi32, #tpu.memory_space<vmem>>
    %dma_start3A_55 = tpu.memref_squeeze %dma_start3A_54 : memref<1x128xi32, #tpu.memory_space<vmem>> -> memref<128xi32, #tpu.memory_space<vmem>>
    %dma_start3A_56 = tpu.memref_slice %arg3[%dma_start3A_46, %mul3A_45] : memref<2x320000xi32, #tpu.memory_space<hbm>> -> memref<1x128xi32, #tpu.memory_space<hbm>>
    %dma_start3A_57 = tpu.memref_squeeze %dma_start3A_56 : memref<1x128xi32, #tpu.memory_space<hbm>> -> memref<128xi32, #tpu.memory_space<hbm>>
    tpu.enqueue_dma source(%dma_start3A_57 : memref<128xi32, #tpu.memory_space<hbm>>) target(%dma_start3A_55 : memref<128xi32, #tpu.memory_space<vmem>>) target_semaphore(%arg14 : memref<!tpu.dma_semaphore, #tpu.memory_space<semaphore_mem>>)
    %scan3A = arith.constant 0 : i32
    %scan3A_58 = arith.constant 0 : i32
    %scan3A_59 = arith.constant 39 : i32
    %scan3A_60 = arith.addi %scan3A_58, %scan3A_59 : i32
    %scan3A_61 = arith.constant 1 : i32
    %scan3A_62 = scf.for %scan3A_106 = %scan3A_58 to %scan3A_60 step %scan3A_61 iter_args(%scan3A_107 = %scan3A) -> (i32)  : i32 {
      %mul3A_108 = arith.constant 2 : i32
      %mul3A_109 = arith.muli %mul3A_108, %scan3A_106 : i32
      %dma_wait3A_110 = arith.constant 0 : i32
      %dma_wait3A_111 = tpu.memref_slice %arg6[%dma_wait3A_110] : memref<10112xi32, #tpu.memory_space<vmem>> -> memref<128xi32, #tpu.memory_space<vmem>>
      %dma_wait3A_112 = arith.constant 0 : i32
      %dma_wait3A_113 = arith.constant 0 : i32
      %dma_wait3A_114 = tpu.memref_slice %arg2[%dma_wait3A_112, %dma_wait3A_113] : memref<10000x64xf32, #tpu.memory_space<hbm>> -> memref<10000x64xf32, #tpu.memory_space<hbm>>
      tpu.wait_indirect_dma semaphore(%arg11 : memref<!tpu.dma_semaphore, #tpu.memory_space<semaphore_mem>>) src(%dma_wait3A_114 : memref<10000x64xf32, #tpu.memory_space<hbm>>) dst(%arg8 : memref<128x64xf32, #tpu.memory_space<vmem>>)
      %dma_wait3A_115 = arith.constant 1 : i32
      %dma_wait3A_116 = arith.constant 0 : i32
      %dma_wait3A_117 = arith.constant 0 : i32
      %dma_wait3A_118 = tpu.memref_slice %arg7[%dma_wait3A_116, %dma_wait3A_117] : memref<2x128xi32, #tpu.memory_space<vmem>> -> memref<1x128xi32, #tpu.memory_space<vmem>>
      %dma_wait3A_119 = tpu.memref_squeeze %dma_wait3A_118 : memref<1x128xi32, #tpu.memory_space<vmem>> -> memref<128xi32, #tpu.memory_space<vmem>>
      %dma_wait3A_120 = arith.constant 0 : i32
      %dma_wait3A_121 = tpu.memref_slice %arg3[%dma_wait3A_115, %dma_wait3A_120] : memref<2x320000xi32, #tpu.memory_space<hbm>> -> memref<1x128xi32, #tpu.memory_space<hbm>>
      %dma_wait3A_122 = tpu.memref_squeeze %dma_wait3A_121 : memref<1x128xi32, #tpu.memory_space<hbm>> -> memref<128xi32, #tpu.memory_space<hbm>>
      %dma_wait3A_123 = arith.constant 0 : i32
      %dma_wait3A_124 = tpu.memref_slice %arg7[%dma_wait3A_116, %dma_wait3A_123] : memref<2x128xi32, #tpu.memory_space<vmem>> -> memref<1x128xi32, #tpu.memory_space<vmem>>
      %dma_wait3A_125 = tpu.memref_squeeze %dma_wait3A_124 : memref<1x128xi32, #tpu.memory_space<vmem>> -> memref<128xi32, #tpu.memory_space<vmem>>
      %dma_wait3A_126 = arith.constant 0 : i32
      %dma_wait3A_127 = tpu.memref_slice %arg3[%dma_wait3A_115, %dma_wait3A_126] : memref<2x320000xi32, #tpu.memory_space<hbm>> -> memref<1x128xi32, #tpu.memory_space<hbm>>
      %dma_wait3A_128 = tpu.memref_squeeze %dma_wait3A_127 : memref<1x128xi32, #tpu.memory_space<hbm>> -> memref<128xi32, #tpu.memory_space<hbm>>
      tpu.wait_dma2 semaphore(%arg13 : memref<!tpu.dma_semaphore, #tpu.memory_space<semaphore_mem>>) src(%dma_wait3A_128 : memref<128xi32, #tpu.memory_space<hbm>>) dst(%dma_wait3A_125 : memref<128xi32, #tpu.memory_space<vmem>>)
      %run_scoped3A_129 = arith.constant 0 : i32
      "tpu.region"() ({
        %run_scoped3A_204 = tpu.sem_alloc : memref<!tpu.dma_semaphore, #tpu.memory_space<semaphore_mem>>
        %dma_start3A_205 = arith.constant 0 : i32
        %dma_start3A_206 = tpu.memref_slice %arg7[%run_scoped3A_129, %dma_start3A_205] : memref<2x128xi32, #tpu.memory_space<vmem>> -> memref<1x128xi32, #tpu.memory_space<vmem>>
        %dma_start3A_207 = tpu.memref_squeeze %dma_start3A_206 : memref<1x128xi32, #tpu.memory_space<vmem>> -> memref<128xi32, #tpu.memory_space<vmem>>
        %dma_start3A_208 = arith.constant 0 : i32
        %dma_start3A_209 = arith.constant 0 : i32
        %dma_start3A_210 = tpu.memref_slice %arg10[%dma_start3A_208, %dma_start3A_209] : memref<10000x64xf32, #tpu.memory_space<vmem_shared>> -> memref<10000x64xf32, #tpu.memory_space<vmem_shared>>
        tpu.enqueue_indirect_dma source(%arg8 : memref<128x64xf32, #tpu.memory_space<vmem>>) target(%dma_start3A_210 : memref<10000x64xf32, #tpu.memory_space<vmem_shared>>) offsets(%dma_start3A_207 : memref<128xi32, #tpu.memory_space<vmem>>) semaphore(%run_scoped3A_204 : memref<!tpu.dma_semaphore, #tpu.memory_space<semaphore_mem>>) {add = true}
        %dma_wait3A_211 = arith.constant 0 : i32
        %dma_wait3A_212 = tpu.memref_slice %arg7[%run_scoped3A_129, %dma_wait3A_211] : memref<2x128xi32, #tpu.memory_space<vmem>> -> memref<1x128xi32, #tpu.memory_space<vmem>>
        %dma_wait3A_213 = tpu.memref_squeeze %dma_wait3A_212 : memref<1x128xi32, #tpu.memory_space<vmem>> -> memref<128xi32, #tpu.memory_space<vmem>>
        %dma_wait3A_214 = arith.constant 0 : i32
        %dma_wait3A_215 = arith.constant 0 : i32
        %dma_wait3A_216 = tpu.memref_slice %arg10[%dma_wait3A_214, %dma_wait3A_215] : memref<10000x64xf32, #tpu.memory_space<vmem_shared>> -> memref<10000x64xf32, #tpu.memory_space<vmem_shared>>
        tpu.wait_indirect_dma semaphore(%run_scoped3A_204 : memref<!tpu.dma_semaphore, #tpu.memory_space<semaphore_mem>>) src(%arg8 : memref<128x64xf32, #tpu.memory_space<vmem>>) dst(%dma_wait3A_216 : memref<10000x64xf32, #tpu.memory_space<vmem_shared>>)
        tpu.yield
      }) : () -> ()
      %add3A_130 = arith.constant 2 : i32
      %add3A_131 = arith.addi %mul3A_109, %add3A_130 : i32
      %add3A_132 = arith.constant 0 : i32
      %add3A_133 = arith.addi %add3A_131, %add3A_132 : i32
      %min3A = arith.constant 77 : i32
      %min3A_134 = arith.minsi %add3A_133, %min3A : i32
      %mul3A_135 = arith.constant 128 : i32
      %mul3A_136 = arith.muli %min3A_134, %mul3A_135 : i32
      %dma_start3A_137 = tpu.memref_slice %arg6[%mul3A_136] : memref<10112xi32, #tpu.memory_space<vmem>> -> memref<128xi32, #tpu.memory_space<vmem>>
      %dma_start3A_138 = arith.constant 0 : i32
      %dma_start3A_139 = arith.constant 0 : i32
      %dma_start3A_140 = tpu.memref_slice %arg2[%dma_start3A_138, %dma_start3A_139] : memref<10000x64xf32, #tpu.memory_space<hbm>> -> memref<10000x64xf32, #tpu.memory_space<hbm>>
      tpu.enqueue_indirect_dma source(%dma_start3A_140 : memref<10000x64xf32, #tpu.memory_space<hbm>>) target(%arg8 : memref<128x64xf32, #tpu.memory_space<vmem>>) offsets(%dma_start3A_137 : memref<128xi32, #tpu.memory_space<vmem>>) semaphore(%arg11 : memref<!tpu.dma_semaphore, #tpu.memory_space<semaphore_mem>>)
      %add3A_141 = arith.addi %add3A_5, %min3A_134 : i32
      %mul3A_142 = arith.constant 128 : i32
      %mul3A_143 = arith.muli %add3A_141, %mul3A_142 : i32
      %dma_start3A_144 = arith.constant 1 : i32
      %dma_start3A_145 = arith.constant 0 : i32
      %dma_start3A_146 = arith.constant 0 : i32
      %dma_start3A_147 = tpu.memref_slice %arg7[%dma_start3A_145, %dma_start3A_146] : memref<2x128xi32, #tpu.memory_space<vmem>> -> memref<1x128xi32, #tpu.memory_space<vmem>>
      %dma_start3A_148 = tpu.memref_squeeze %dma_start3A_147 : memref<1x128xi32, #tpu.memory_space<vmem>> -> memref<128xi32, #tpu.memory_space<vmem>>
      %dma_start3A_149 = tpu.memref_slice %arg3[%dma_start3A_144, %mul3A_143] : memref<2x320000xi32, #tpu.memory_space<hbm>> -> memref<1x128xi32, #tpu.memory_space<hbm>>
      %dma_start3A_150 = tpu.memref_squeeze %dma_start3A_149 : memref<1x128xi32, #tpu.memory_space<hbm>> -> memref<128xi32, #tpu.memory_space<hbm>>
      %dma_start3A_151 = arith.constant 0 : i32
      %dma_start3A_152 = tpu.memref_slice %arg7[%dma_start3A_145, %dma_start3A_151] : memref<2x128xi32, #tpu.memory_space<vmem>> -> memref<1x128xi32, #tpu.memory_space<vmem>>
      %dma_start3A_153 = tpu.memref_squeeze %dma_start3A_152 : memref<1x128xi32, #tpu.memory_space<vmem>> -> memref<128xi32, #tpu.memory_space<vmem>>
      %dma_start3A_154 = tpu.memref_slice %arg3[%dma_start3A_144, %mul3A_143] : memref<2x320000xi32, #tpu.memory_space<hbm>> -> memref<1x128xi32, #tpu.memory_space<hbm>>
      %dma_start3A_155 = tpu.memref_squeeze %dma_start3A_154 : memref<1x128xi32, #tpu.memory_space<hbm>> -> memref<128xi32, #tpu.memory_space<hbm>>
      tpu.enqueue_dma source(%dma_start3A_155 : memref<128xi32, #tpu.memory_space<hbm>>) target(%dma_start3A_153 : memref<128xi32, #tpu.memory_space<vmem>>) target_semaphore(%arg13 : memref<!tpu.dma_semaphore, #tpu.memory_space<semaphore_mem>>)
      %dma_wait3A_156 = arith.constant 0 : i32
      %dma_wait3A_157 = tpu.memref_slice %arg6[%dma_wait3A_156] : memref<10112xi32, #tpu.memory_space<vmem>> -> memref<128xi32, #tpu.memory_space<vmem>>
      %dma_wait3A_158 = arith.constant 0 : i32
      %dma_wait3A_159 = arith.constant 0 : i32
      %dma_wait3A_160 = tpu.memref_slice %arg2[%dma_wait3A_158, %dma_wait3A_159] : memref<10000x64xf32, #tpu.memory_space<hbm>> -> memref<10000x64xf32, #tpu.memory_space<hbm>>
      tpu.wait_indirect_dma semaphore(%arg12 : memref<!tpu.dma_semaphore, #tpu.memory_space<semaphore_mem>>) src(%dma_wait3A_160 : memref<10000x64xf32, #tpu.memory_space<hbm>>) dst(%arg9 : memref<128x64xf32, #tpu.memory_space<vmem>>)
      %dma_wait3A_161 = arith.constant 1 : i32
      %dma_wait3A_162 = arith.constant 1 : i32
      %dma_wait3A_163 = arith.constant 0 : i32
      %dma_wait3A_164 = tpu.memref_slice %arg7[%dma_wait3A_162, %dma_wait3A_163] : memref<2x128xi32, #tpu.memory_space<vmem>> -> memref<1x128xi32, #tpu.memory_space<vmem>>
      %dma_wait3A_165 = tpu.memref_squeeze %dma_wait3A_164 : memref<1x128xi32, #tpu.memory_space<vmem>> -> memref<128xi32, #tpu.memory_space<vmem>>
      %dma_wait3A_166 = arith.constant 0 : i32
      %dma_wait3A_167 = tpu.memref_slice %arg3[%dma_wait3A_161, %dma_wait3A_166] : memref<2x320000xi32, #tpu.memory_space<hbm>> -> memref<1x128xi32, #tpu.memory_space<hbm>>
      %dma_wait3A_168 = tpu.memref_squeeze %dma_wait3A_167 : memref<1x128xi32, #tpu.memory_space<hbm>> -> memref<128xi32, #tpu.memory_space<hbm>>
      %dma_wait3A_169 = arith.constant 0 : i32
      %dma_wait3A_170 = tpu.memref_slice %arg7[%dma_wait3A_162, %dma_wait3A_169] : memref<2x128xi32, #tpu.memory_space<vmem>> -> memref<1x128xi32, #tpu.memory_space<vmem>>
      %dma_wait3A_171 = tpu.memref_squeeze %dma_wait3A_170 : memref<1x128xi32, #tpu.memory_space<vmem>> -> memref<128xi32, #tpu.memory_space<vmem>>
      %dma_wait3A_172 = arith.constant 0 : i32
      %dma_wait3A_173 = tpu.memref_slice %arg3[%dma_wait3A_161, %dma_wait3A_172] : memref<2x320000xi32, #tpu.memory_space<hbm>> -> memref<1x128xi32, #tpu.memory_space<hbm>>
      %dma_wait3A_174 = tpu.memref_squeeze %dma_wait3A_173 : memref<1x128xi32, #tpu.memory_space<hbm>> -> memref<128xi32, #tpu.memory_space<hbm>>
      tpu.wait_dma2 semaphore(%arg14 : memref<!tpu.dma_semaphore, #tpu.memory_space<semaphore_mem>>) src(%dma_wait3A_174 : memref<128xi32, #tpu.memory_space<hbm>>) dst(%dma_wait3A_171 : memref<128xi32, #tpu.memory_space<vmem>>)
      %run_scoped3A_175 = arith.constant 1 : i32
      "tpu.region"() ({
        %run_scoped3A_204 = tpu.sem_alloc : memref<!tpu.dma_semaphore, #tpu.memory_space<semaphore_mem>>
        %dma_start3A_205 = arith.constant 0 : i32
        %dma_start3A_206 = tpu.memref_slice %arg7[%run_scoped3A_175, %dma_start3A_205] : memref<2x128xi32, #tpu.memory_space<vmem>> -> memref<1x128xi32, #tpu.memory_space<vmem>>
        %dma_start3A_207 = tpu.memref_squeeze %dma_start3A_206 : memref<1x128xi32, #tpu.memory_space<vmem>> -> memref<128xi32, #tpu.memory_space<vmem>>
        %dma_start3A_208 = arith.constant 0 : i32
        %dma_start3A_209 = arith.constant 0 : i32
        %dma_start3A_210 = tpu.memref_slice %arg10[%dma_start3A_208, %dma_start3A_209] : memref<10000x64xf32, #tpu.memory_space<vmem_shared>> -> memref<10000x64xf32, #tpu.memory_space<vmem_shared>>
        tpu.enqueue_indirect_dma source(%arg9 : memref<128x64xf32, #tpu.memory_space<vmem>>) target(%dma_start3A_210 : memref<10000x64xf32, #tpu.memory_space<vmem_shared>>) offsets(%dma_start3A_207 : memref<128xi32, #tpu.memory_space<vmem>>) semaphore(%run_scoped3A_204 : memref<!tpu.dma_semaphore, #tpu.memory_space<semaphore_mem>>) {add = true}
        %dma_wait3A_211 = arith.constant 0 : i32
        %dma_wait3A_212 = tpu.memref_slice %arg7[%run_scoped3A_175, %dma_wait3A_211] : memref<2x128xi32, #tpu.memory_space<vmem>> -> memref<1x128xi32, #tpu.memory_space<vmem>>
        %dma_wait3A_213 = tpu.memref_squeeze %dma_wait3A_212 : memref<1x128xi32, #tpu.memory_space<vmem>> -> memref<128xi32, #tpu.memory_space<vmem>>
        %dma_wait3A_214 = arith.constant 0 : i32
        %dma_wait3A_215 = arith.constant 0 : i32
        %dma_wait3A_216 = tpu.memref_slice %arg10[%dma_wait3A_214, %dma_wait3A_215] : memref<10000x64xf32, #tpu.memory_space<vmem_shared>> -> memref<10000x64xf32, #tpu.memory_space<vmem_shared>>
        tpu.wait_indirect_dma semaphore(%run_scoped3A_204 : memref<!tpu.dma_semaphore, #tpu.memory_space<semaphore_mem>>) src(%arg9 : memref<128x64xf32, #tpu.memory_space<vmem>>) dst(%dma_wait3A_216 : memref<10000x64xf32, #tpu.memory_space<vmem_shared>>)
        tpu.yield
      }) : () -> ()
      %add3A_176 = arith.constant 2 : i32
      %add3A_177 = arith.addi %mul3A_109, %add3A_176 : i32
      %add3A_178 = arith.constant 1 : i32
      %add3A_179 = arith.addi %add3A_177, %add3A_178 : i32
      %min3A_180 = arith.constant 77 : i32
      %min3A_181 = arith.minsi %add3A_179, %min3A_180 : i32
      %mul3A_182 = arith.constant 128 : i32
      %mul3A_183 = arith.muli %min3A_181, %mul3A_182 : i32
      %dma_start3A_184 = tpu.memref_slice %arg6[%mul3A_183] : memref<10112xi32, #tpu.memory_space<vmem>> -> memref<128xi32, #tpu.memory_space<vmem>>
      %dma_start3A_185 = arith.constant 0 : i32
      %dma_start3A_186 = arith.constant 0 : i32
      %dma_start3A_187 = tpu.memref_slice %arg2[%dma_start3A_185, %dma_start3A_186] : memref<10000x64xf32, #tpu.memory_space<hbm>> -> memref<10000x64xf32, #tpu.memory_space<hbm>>
      tpu.enqueue_indirect_dma source(%dma_start3A_187 : memref<10000x64xf32, #tpu.memory_space<hbm>>) target(%arg9 : memref<128x64xf32, #tpu.memory_space<vmem>>) offsets(%dma_start3A_184 : memref<128xi32, #tpu.memory_space<vmem>>) semaphore(%arg12 : memref<!tpu.dma_semaphore, #tpu.memory_space<semaphore_mem>>)
      %add3A_188 = arith.addi %add3A_5, %min3A_181 : i32
      %mul3A_189 = arith.constant 128 : i32
      %mul3A_190 = arith.muli %add3A_188, %mul3A_189 : i32
      %dma_start3A_191 = arith.constant 1 : i32
      %dma_start3A_192 = arith.constant 1 : i32
      %dma_start3A_193 = arith.constant 0 : i32
      %dma_start3A_194 = tpu.memref_slice %arg7[%dma_start3A_192, %dma_start3A_193] : memref<2x128xi32, #tpu.memory_space<vmem>> -> memref<1x128xi32, #tpu.memory_space<vmem>>
      %dma_start3A_195 = tpu.memref_squeeze %dma_start3A_194 : memref<1x128xi32, #tpu.memory_space<vmem>> -> memref<128xi32, #tpu.memory_space<vmem>>
      %dma_start3A_196 = tpu.memref_slice %arg3[%dma_start3A_191, %mul3A_190] : memref<2x320000xi32, #tpu.memory_space<hbm>> -> memref<1x128xi32, #tpu.memory_space<hbm>>
      %dma_start3A_197 = tpu.memref_squeeze %dma_start3A_196 : memref<1x128xi32, #tpu.memory_space<hbm>> -> memref<128xi32, #tpu.memory_space<hbm>>
      %dma_start3A_198 = arith.constant 0 : i32
      %dma_start3A_199 = tpu.memref_slice %arg7[%dma_start3A_192, %dma_start3A_198] : memref<2x128xi32, #tpu.memory_space<vmem>> -> memref<1x128xi32, #tpu.memory_space<vmem>>
      %dma_start3A_200 = tpu.memref_squeeze %dma_start3A_199 : memref<1x128xi32, #tpu.memory_space<vmem>> -> memref<128xi32, #tpu.memory_space<vmem>>
      %dma_start3A_201 = tpu.memref_slice %arg3[%dma_start3A_191, %mul3A_190] : memref<2x320000xi32, #tpu.memory_space<hbm>> -> memref<1x128xi32, #tpu.memory_space<hbm>>
      %dma_start3A_202 = tpu.memref_squeeze %dma_start3A_201 : memref<1x128xi32, #tpu.memory_space<hbm>> -> memref<128xi32, #tpu.memory_space<hbm>>
      tpu.enqueue_dma source(%dma_start3A_202 : memref<128xi32, #tpu.memory_space<hbm>>) target(%dma_start3A_200 : memref<128xi32, #tpu.memory_space<vmem>>) target_semaphore(%arg14 : memref<!tpu.dma_semaphore, #tpu.memory_space<semaphore_mem>>)
      %scan3A_203 = arith.constant 0 : i32
      scf.yield %scan3A_203 : i32
    }
    %scan3A_63 = arith.constant 39 : i32
    %dma_wait3A = arith.constant 0 : i32
    %dma_wait3A_64 = tpu.memref_slice %arg6[%dma_wait3A] : memref<10112xi32, #tpu.memory_space<vmem>> -> memref<128xi32, #tpu.memory_space<vmem>>
    %dma_wait3A_65 = arith.constant 0 : i32
    %dma_wait3A_66 = arith.constant 0 : i32
    %dma_wait3A_67 = tpu.memref_slice %arg2[%dma_wait3A_65, %dma_wait3A_66] : memref<10000x64xf32, #tpu.memory_space<hbm>> -> memref<10000x64xf32, #tpu.memory_space<hbm>>
    tpu.wait_indirect_dma semaphore(%arg11 : memref<!tpu.dma_semaphore, #tpu.memory_space<semaphore_mem>>) src(%dma_wait3A_67 : memref<10000x64xf32, #tpu.memory_space<hbm>>) dst(%arg8 : memref<128x64xf32, #tpu.memory_space<vmem>>)
    %dma_wait3A_68 = arith.constant 1 : i32
    %dma_wait3A_69 = arith.constant 0 : i32
    %dma_wait3A_70 = arith.constant 0 : i32
    %dma_wait3A_71 = tpu.memref_slice %arg7[%dma_wait3A_69, %dma_wait3A_70] : memref<2x128xi32, #tpu.memory_space<vmem>> -> memref<1x128xi32, #tpu.memory_space<vmem>>
    %dma_wait3A_72 = tpu.memref_squeeze %dma_wait3A_71 : memref<1x128xi32, #tpu.memory_space<vmem>> -> memref<128xi32, #tpu.memory_space<vmem>>
    %dma_wait3A_73 = arith.constant 0 : i32
    %dma_wait3A_74 = tpu.memref_slice %arg3[%dma_wait3A_68, %dma_wait3A_73] : memref<2x320000xi32, #tpu.memory_space<hbm>> -> memref<1x128xi32, #tpu.memory_space<hbm>>
    %dma_wait3A_75 = tpu.memref_squeeze %dma_wait3A_74 : memref<1x128xi32, #tpu.memory_space<hbm>> -> memref<128xi32, #tpu.memory_space<hbm>>
    %dma_wait3A_76 = arith.constant 0 : i32
    %dma_wait3A_77 = tpu.memref_slice %arg7[%dma_wait3A_69, %dma_wait3A_76] : memref<2x128xi32, #tpu.memory_space<vmem>> -> memref<1x128xi32, #tpu.memory_space<vmem>>
    %dma_wait3A_78 = tpu.memref_squeeze %dma_wait3A_77 : memref<1x128xi32, #tpu.memory_space<vmem>> -> memref<128xi32, #tpu.memory_space<vmem>>
    %dma_wait3A_79 = arith.constant 0 : i32
    %dma_wait3A_80 = tpu.memref_slice %arg3[%dma_wait3A_68, %dma_wait3A_79] : memref<2x320000xi32, #tpu.memory_space<hbm>> -> memref<1x128xi32, #tpu.memory_space<hbm>>
    %dma_wait3A_81 = tpu.memref_squeeze %dma_wait3A_80 : memref<1x128xi32, #tpu.memory_space<hbm>> -> memref<128xi32, #tpu.memory_space<hbm>>
    tpu.wait_dma2 semaphore(%arg13 : memref<!tpu.dma_semaphore, #tpu.memory_space<semaphore_mem>>) src(%dma_wait3A_81 : memref<128xi32, #tpu.memory_space<hbm>>) dst(%dma_wait3A_78 : memref<128xi32, #tpu.memory_space<vmem>>)
    %dma_wait3A_82 = arith.constant 0 : i32
    %dma_wait3A_83 = tpu.memref_slice %arg6[%dma_wait3A_82] : memref<10112xi32, #tpu.memory_space<vmem>> -> memref<128xi32, #tpu.memory_space<vmem>>
    %dma_wait3A_84 = arith.constant 0 : i32
    %dma_wait3A_85 = arith.constant 0 : i32
    %dma_wait3A_86 = tpu.memref_slice %arg2[%dma_wait3A_84, %dma_wait3A_85] : memref<10000x64xf32, #tpu.memory_space<hbm>> -> memref<10000x64xf32, #tpu.memory_space<hbm>>
    tpu.wait_indirect_dma semaphore(%arg12 : memref<!tpu.dma_semaphore, #tpu.memory_space<semaphore_mem>>) src(%dma_wait3A_86 : memref<10000x64xf32, #tpu.memory_space<hbm>>) dst(%arg9 : memref<128x64xf32, #tpu.memory_space<vmem>>)
    %dma_wait3A_87 = arith.constant 1 : i32
    %dma_wait3A_88 = arith.constant 1 : i32
    %dma_wait3A_89 = arith.constant 0 : i32
    %dma_wait3A_90 = tpu.memref_slice %arg7[%dma_wait3A_88, %dma_wait3A_89] : memref<2x128xi32, #tpu.memory_space<vmem>> -> memref<1x128xi32, #tpu.memory_space<vmem>>
    %dma_wait3A_91 = tpu.memref_squeeze %dma_wait3A_90 : memref<1x128xi32, #tpu.memory_space<vmem>> -> memref<128xi32, #tpu.memory_space<vmem>>
    %dma_wait3A_92 = arith.constant 0 : i32
    %dma_wait3A_93 = tpu.memref_slice %arg3[%dma_wait3A_87, %dma_wait3A_92] : memref<2x320000xi32, #tpu.memory_space<hbm>> -> memref<1x128xi32, #tpu.memory_space<hbm>>
    %dma_wait3A_94 = tpu.memref_squeeze %dma_wait3A_93 : memref<1x128xi32, #tpu.memory_space<hbm>> -> memref<128xi32, #tpu.memory_space<hbm>>
    %dma_wait3A_95 = arith.constant 0 : i32
    %dma_wait3A_96 = tpu.memref_slice %arg7[%dma_wait3A_88, %dma_wait3A_95] : memref<2x128xi32, #tpu.memory_space<vmem>> -> memref<1x128xi32, #tpu.memory_space<vmem>>
    %dma_wait3A_97 = tpu.memref_squeeze %dma_wait3A_96 : memref<1x128xi32, #tpu.memory_space<vmem>> -> memref<128xi32, #tpu.memory_space<vmem>>
    %dma_wait3A_98 = arith.constant 0 : i32
    %dma_wait3A_99 = tpu.memref_slice %arg3[%dma_wait3A_87, %dma_wait3A_98] : memref<2x320000xi32, #tpu.memory_space<hbm>> -> memref<1x128xi32, #tpu.memory_space<hbm>>
    %dma_wait3A_100 = tpu.memref_squeeze %dma_wait3A_99 : memref<1x128xi32, #tpu.memory_space<hbm>> -> memref<128xi32, #tpu.memory_space<hbm>>
    tpu.wait_dma2 semaphore(%arg14 : memref<!tpu.dma_semaphore, #tpu.memory_space<semaphore_mem>>) src(%dma_wait3A_100 : memref<128xi32, #tpu.memory_space<hbm>>) dst(%dma_wait3A_97 : memref<128xi32, #tpu.memory_space<vmem>>)
    %ge3A = arith.constant 28 : i32
    %ge3A_101 = arith.cmpi sge, %add3A, %ge3A : i32
    %convert_element_type3A_102 = arith.extui %ge3A_101 : i1 to i32
    %cond3A_103 = arith.constant 0 : i32
    %cond3A_104 = arith.cmpi ne, %convert_element_type3A_102, %cond3A_103 : i32
    scf.if %cond3A_104 {
      %add3A_106 = arith.constant 78 : i32
      %add3A_107 = arith.addi %add3A_5, %add3A_106 : i32
      %mul3A_108 = arith.constant 128 : i32
      %mul3A_109 = arith.muli %add3A_107, %mul3A_108 : i32
      %run_scoped3A_110 = arith.constant 1 : i32
      %run_scoped3A_111 = arith.constant 0 : i32
      "tpu.region"() ({
        %run_scoped3A_113 = tpu.sem_alloc : memref<!tpu.dma_semaphore, #tpu.memory_space<semaphore_mem>>
        %dma_start3A_114 = arith.constant 0 : i32
        %dma_start3A_115 = tpu.memref_slice %arg7[%run_scoped3A_111, %dma_start3A_114] : memref<2x128xi32, #tpu.memory_space<vmem>> -> memref<1x128xi32, #tpu.memory_space<vmem>>
        %dma_start3A_116 = tpu.memref_squeeze %dma_start3A_115 : memref<1x128xi32, #tpu.memory_space<vmem>> -> memref<128xi32, #tpu.memory_space<vmem>>
        %dma_start3A_117 = tpu.memref_slice %arg3[%run_scoped3A_110, %mul3A_109] : memref<2x320000xi32, #tpu.memory_space<hbm>> -> memref<1x128xi32, #tpu.memory_space<hbm>>
        %dma_start3A_118 = tpu.memref_squeeze %dma_start3A_117 : memref<1x128xi32, #tpu.memory_space<hbm>> -> memref<128xi32, #tpu.memory_space<hbm>>
        %dma_start3A_119 = arith.constant 0 : i32
        %dma_start3A_120 = tpu.memref_slice %arg7[%run_scoped3A_111, %dma_start3A_119] : memref<2x128xi32, #tpu.memory_space<vmem>> -> memref<1x128xi32, #tpu.memory_space<vmem>>
        %dma_start3A_121 = tpu.memref_squeeze %dma_start3A_120 : memref<1x128xi32, #tpu.memory_space<vmem>> -> memref<128xi32, #tpu.memory_space<vmem>>
        %dma_start3A_122 = tpu.memref_slice %arg3[%run_scoped3A_110, %mul3A_109] : memref<2x320000xi32, #tpu.memory_space<hbm>> -> memref<1x128xi32, #tpu.memory_space<hbm>>
        %dma_start3A_123 = tpu.memref_squeeze %dma_start3A_122 : memref<1x128xi32, #tpu.memory_space<hbm>> -> memref<128xi32, #tpu.memory_space<hbm>>
        tpu.enqueue_dma source(%dma_start3A_123 : memref<128xi32, #tpu.memory_space<hbm>>) target(%dma_start3A_121 : memref<128xi32, #tpu.memory_space<vmem>>) target_semaphore(%run_scoped3A_113 : memref<!tpu.dma_semaphore, #tpu.memory_space<semaphore_mem>>)
        %dma_wait3A_124 = arith.constant 0 : i32
        %dma_wait3A_125 = tpu.memref_slice %arg7[%run_scoped3A_111, %dma_wait3A_124] : memref<2x128xi32, #tpu.memory_space<vmem>> -> memref<1x128xi32, #tpu.memory_space<vmem>>
        %dma_wait3A_126 = tpu.memref_squeeze %dma_wait3A_125 : memref<1x128xi32, #tpu.memory_space<vmem>> -> memref<128xi32, #tpu.memory_space<vmem>>
        %dma_wait3A_127 = tpu.memref_slice %arg3[%run_scoped3A_110, %mul3A_109] : memref<2x320000xi32, #tpu.memory_space<hbm>> -> memref<1x128xi32, #tpu.memory_space<hbm>>
        %dma_wait3A_128 = tpu.memref_squeeze %dma_wait3A_127 : memref<1x128xi32, #tpu.memory_space<hbm>> -> memref<128xi32, #tpu.memory_space<hbm>>
        %dma_wait3A_129 = arith.constant 0 : i32
        %dma_wait3A_130 = tpu.memref_slice %arg7[%run_scoped3A_111, %dma_wait3A_129] : memref<2x128xi32, #tpu.memory_space<vmem>> -> memref<1x128xi32, #tpu.memory_space<vmem>>
        %dma_wait3A_131 = tpu.memref_squeeze %dma_wait3A_130 : memref<1x128xi32, #tpu.memory_space<vmem>> -> memref<128xi32, #tpu.memory_space<vmem>>
        %dma_wait3A_132 = tpu.memref_slice %arg3[%run_scoped3A_110, %mul3A_109] : memref<2x320000xi32, #tpu.memory_space<hbm>> -> memref<1x128xi32, #tpu.memory_space<hbm>>
        %dma_wait3A_133 = tpu.memref_squeeze %dma_wait3A_132 : memref<1x128xi32, #tpu.memory_space<hbm>> -> memref<128xi32, #tpu.memory_space<hbm>>
        tpu.wait_dma2 semaphore(%run_scoped3A_113 : memref<!tpu.dma_semaphore, #tpu.memory_space<semaphore_mem>>) src(%dma_wait3A_133 : memref<128xi32, #tpu.memory_space<hbm>>) dst(%dma_wait3A_131 : memref<128xi32, #tpu.memory_space<vmem>>)
        tpu.yield
      }) : () -> ()
      "tpu.region"() ({
        %run_scoped3A_113 = tpu.sem_alloc : memref<!tpu.dma_semaphore, #tpu.memory_space<semaphore_mem>>
        %dma_start3A_114 = arith.constant 9984 : i32
        %dma_start3A_115 = tpu.memref_slice %arg6[%dma_start3A_114] : memref<10112xi32, #tpu.memory_space<vmem>> -> memref<128xi32, #tpu.memory_space<vmem>>
        %dma_start3A_116 = arith.constant 0 : i32
        %dma_start3A_117 = arith.constant 0 : i32
        %dma_start3A_118 = tpu.memref_slice %arg2[%dma_start3A_116, %dma_start3A_117] : memref<10000x64xf32, #tpu.memory_space<hbm>> -> memref<10000x64xf32, #tpu.memory_space<hbm>>
        tpu.enqueue_indirect_dma source(%dma_start3A_118 : memref<10000x64xf32, #tpu.memory_space<hbm>>) target(%arg8 : memref<128x64xf32, #tpu.memory_space<vmem>>) offsets(%dma_start3A_115 : memref<128xi32, #tpu.memory_space<vmem>>) semaphore(%run_scoped3A_113 : memref<!tpu.dma_semaphore, #tpu.memory_space<semaphore_mem>>)
        %dma_wait3A_119 = arith.constant 9984 : i32
        %dma_wait3A_120 = tpu.memref_slice %arg6[%dma_wait3A_119] : memref<10112xi32, #tpu.memory_space<vmem>> -> memref<128xi32, #tpu.memory_space<vmem>>
        %dma_wait3A_121 = arith.constant 0 : i32
        %dma_wait3A_122 = arith.constant 0 : i32
        %dma_wait3A_123 = tpu.memref_slice %arg2[%dma_wait3A_121, %dma_wait3A_122] : memref<10000x64xf32, #tpu.memory_space<hbm>> -> memref<10000x64xf32, #tpu.memory_space<hbm>>
        tpu.wait_indirect_dma semaphore(%run_scoped3A_113 : memref<!tpu.dma_semaphore, #tpu.memory_space<semaphore_mem>>) src(%dma_wait3A_123 : memref<10000x64xf32, #tpu.memory_space<hbm>>) dst(%arg8 : memref<128x64xf32, #tpu.memory_space<vmem>>)
        tpu.yield
      }) : () -> ()
      %run_scoped3A_112 = arith.constant 0 : i32
      "tpu.region"() ({
        %run_scoped3A_113 = tpu.sem_alloc : memref<!tpu.dma_semaphore, #tpu.memory_space<semaphore_mem>>
        %dma_start3A_114 = arith.constant 0 : i32
        %dma_start3A_115 = tpu.memref_slice %arg7[%run_scoped3A_112, %dma_start3A_114] : memref<2x128xi32, #tpu.memory_space<vmem>> -> memref<1x128xi32, #tpu.memory_space<vmem>>
        %dma_start3A_116 = tpu.memref_squeeze %dma_start3A_115 : memref<1x128xi32, #tpu.memory_space<vmem>> -> memref<128xi32, #tpu.memory_space<vmem>>
        %dma_start3A_117 = arith.constant 0 : i32
        %dma_start3A_118 = arith.constant 0 : i32
        %dma_start3A_119 = tpu.memref_slice %arg10[%dma_start3A_117, %dma_start3A_118] : memref<10000x64xf32, #tpu.memory_space<vmem_shared>> -> memref<10000x64xf32, #tpu.memory_space<vmem_shared>>
        tpu.enqueue_indirect_dma source(%arg8 : memref<128x64xf32, #tpu.memory_space<vmem>>) target(%dma_start3A_119 : memref<10000x64xf32, #tpu.memory_space<vmem_shared>>) offsets(%dma_start3A_116 : memref<128xi32, #tpu.memory_space<vmem>>) semaphore(%run_scoped3A_113 : memref<!tpu.dma_semaphore, #tpu.memory_space<semaphore_mem>>) {add = true}
        %dma_wait3A_120 = arith.constant 0 : i32
        %dma_wait3A_121 = tpu.memref_slice %arg7[%run_scoped3A_112, %dma_wait3A_120] : memref<2x128xi32, #tpu.memory_space<vmem>> -> memref<1x128xi32, #tpu.memory_space<vmem>>
        %dma_wait3A_122 = tpu.memref_squeeze %dma_wait3A_121 : memref<1x128xi32, #tpu.memory_space<vmem>> -> memref<128xi32, #tpu.memory_space<vmem>>
        %dma_wait3A_123 = arith.constant 0 : i32
        %dma_wait3A_124 = arith.constant 0 : i32
        %dma_wait3A_125 = tpu.memref_slice %arg10[%dma_wait3A_123, %dma_wait3A_124] : memref<10000x64xf32, #tpu.memory_space<vmem_shared>> -> memref<10000x64xf32, #tpu.memory_space<vmem_shared>>
        tpu.wait_indirect_dma semaphore(%run_scoped3A_113 : memref<!tpu.dma_semaphore, #tpu.memory_space<semaphore_mem>>) src(%arg8 : memref<128x64xf32, #tpu.memory_space<vmem>>) dst(%dma_wait3A_125 : memref<10000x64xf32, #tpu.memory_space<vmem_shared>>)
        tpu.yield
      }) : () -> ()
    } else {
    }
    %barrier3A_105 = arith.constant 0 : index
    tpu.barrier barrier_id(%barrier3A_105)
    "tpu.region"() ({
      %run_scoped3A_106 = tpu.sem_alloc : memref<!tpu.dma_semaphore, #tpu.memory_space<semaphore_mem>>
      %dma_start3A_107 = arith.constant 0 : i32
      %dma_start3A_108 = tpu.memref_slice %arg5[%arg0, %mul3A_9, %dma_start3A_107] : memref<2x10000x64xf32, #tpu.memory_space<hbm>> -> memref<1x625x64xf32, #tpu.memory_space<hbm>>
      %dma_start3A_109 = tpu.memref_squeeze %dma_start3A_108 : memref<1x625x64xf32, #tpu.memory_space<hbm>> -> memref<625x64xf32, #tpu.memory_space<hbm>>
      %dma_start3A_110 = arith.constant 0 : i32
      %dma_start3A_111 = tpu.memref_slice %arg10[%mul3A_9, %dma_start3A_110] : memref<10000x64xf32, #tpu.memory_space<vmem_shared>> -> memref<625x64xf32, #tpu.memory_space<vmem_shared>>
      tpu.enqueue_dma source(%dma_start3A_111 : memref<625x64xf32, #tpu.memory_space<vmem_shared>>) target(%dma_start3A_109 : memref<625x64xf32, #tpu.memory_space<hbm>>) target_semaphore(%run_scoped3A_106 : memref<!tpu.dma_semaphore, #tpu.memory_space<semaphore_mem>>)
      %dma_wait3A_112 = arith.constant 0 : i32
      %dma_wait3A_113 = tpu.memref_slice %arg5[%arg0, %mul3A_9, %dma_wait3A_112] : memref<2x10000x64xf32, #tpu.memory_space<hbm>> -> memref<1x625x64xf32, #tpu.memory_space<hbm>>
      %dma_wait3A_114 = tpu.memref_squeeze %dma_wait3A_113 : memref<1x625x64xf32, #tpu.memory_space<hbm>> -> memref<625x64xf32, #tpu.memory_space<hbm>>
      %dma_wait3A_115 = arith.constant 0 : i32
      %dma_wait3A_116 = tpu.memref_slice %arg10[%mul3A_9, %dma_wait3A_115] : memref<10000x64xf32, #tpu.memory_space<vmem_shared>> -> memref<625x64xf32, #tpu.memory_space<vmem_shared>>
      tpu.wait_dma2 semaphore(%run_scoped3A_106 : memref<!tpu.dma_semaphore, #tpu.memory_space<semaphore_mem>>) src(%dma_wait3A_116 : memref<625x64xf32, #tpu.memory_space<vmem_shared>>) dst(%dma_wait3A_114 : memref<625x64xf32, #tpu.memory_space<hbm>>)
      tpu.yield
    }) : () -> ()
    return
  }
}

#map = affine_map<(d0, d1) -> (0, 0)>
#map1 = affine_map<(d0, d1) -> (0, 0, 0)>
module attributes {stable_mosaic.version = 14 : i64} {
  func.func @_deg_body(%arg0: i32, %arg1: i32, %arg2: memref<2x320000xi32, #tpu.memory_space<hbm>>, %arg3: memref<128x16xf32, #tpu.memory_space<hbm>>, %arg4: memref<128x16xf32, #tpu.memory_space<hbm>>, %arg5: memref<5008x16xf32, #tpu.memory_space<hbm>>, %arg6: memref<2x5008x16xf32, #tpu.memory_space<hbm>>, %arg7: memref<10112xi32, #tpu.memory_space<vmem>>, %arg8: memref<2x128xi32, #tpu.memory_space<vmem>>, %arg9: memref<2x128xi32, #tpu.memory_space<vmem>>, %arg10: memref<128x16xf32, #tpu.memory_space<vmem>>, %arg11: memref<128x16xf32, #tpu.memory_space<vmem>>, %arg12: memref<5008x16xf32, #tpu.memory_space<vmem_shared>>, %arg13: memref<!tpu.dma_semaphore, #tpu.memory_space<semaphore_mem>>, %arg14: memref<!tpu.dma_semaphore, #tpu.memory_space<semaphore_mem>>, %arg15: memref<!tpu.dma_semaphore, #tpu.memory_space<semaphore_mem>>, %arg16: memref<!tpu.dma_semaphore, #tpu.memory_space<semaphore_mem>>) attributes {dimension_semantics = [#tpu.dimension_semantics<core_parallel>, #tpu.dimension_semantics<subcore_parallel>], iteration_bounds = array<i64: 2, 16>, scalar_prefetch = 0 : i64, scratch_operands = 10 : i64, tpu.core_type = #tpu.core_type<sc_vector_subcore>, window_params = [{transform_indices = #map}, {transform_indices = #map}, {transform_indices = #map}, {transform_indices = #map}, {transform_indices = #map1}]} {
    %mul3A = arith.constant 2 : i32
    %mul3A_0 = arith.muli %arg1, %mul3A : i32
    %add3A = arith.addi %mul3A_0, %arg0 : i32
    %mul3A_1 = arith.constant 78 : i32
    %mul3A_2 = arith.muli %mul3A_1, %add3A : i32
    %sub3A = arith.constant 28 : i32
    %sub3A_3 = arith.subi %add3A, %sub3A : i32
    %max3A = arith.constant 0 : i32
    %max3A_4 = arith.maxsi %sub3A_3, %max3A : i32
    %add3A_5 = arith.addi %mul3A_2, %max3A_4 : i32
    %mul3A_6 = arith.constant 128 : i32
    %mul3A_7 = arith.muli %add3A_5, %mul3A_6 : i32
    %run_scoped3A = arith.constant 1 : i32
    "tpu.region"() ({
      %run_scoped3A_442 = tpu.sem_alloc : memref<!tpu.dma_semaphore, #tpu.memory_space<semaphore_mem>>
      %dma_start3A_443 = tpu.memref_slice %arg2[%run_scoped3A, %mul3A_7] : memref<2x320000xi32, #tpu.memory_space<hbm>> -> memref<1x10112xi32, #tpu.memory_space<hbm>>
      %dma_start3A_444 = tpu.memref_squeeze %dma_start3A_443 : memref<1x10112xi32, #tpu.memory_space<hbm>> -> memref<10112xi32, #tpu.memory_space<hbm>>
      %dma_start3A_445 = tpu.memref_slice %arg2[%run_scoped3A, %mul3A_7] : memref<2x320000xi32, #tpu.memory_space<hbm>> -> memref<1x10112xi32, #tpu.memory_space<hbm>>
      %dma_start3A_446 = tpu.memref_squeeze %dma_start3A_445 : memref<1x10112xi32, #tpu.memory_space<hbm>> -> memref<10112xi32, #tpu.memory_space<hbm>>
      tpu.enqueue_dma source(%dma_start3A_446 : memref<10112xi32, #tpu.memory_space<hbm>>) target(%arg7 : memref<10112xi32, #tpu.memory_space<vmem>>) target_semaphore(%run_scoped3A_442 : memref<!tpu.dma_semaphore, #tpu.memory_space<semaphore_mem>>)
      %dma_wait3A_447 = tpu.memref_slice %arg2[%run_scoped3A, %mul3A_7] : memref<2x320000xi32, #tpu.memory_space<hbm>> -> memref<1x10112xi32, #tpu.memory_space<hbm>>
      %dma_wait3A_448 = tpu.memref_squeeze %dma_wait3A_447 : memref<1x10112xi32, #tpu.memory_space<hbm>> -> memref<10112xi32, #tpu.memory_space<hbm>>
      %dma_wait3A_449 = tpu.memref_slice %arg2[%run_scoped3A, %mul3A_7] : memref<2x320000xi32, #tpu.memory_space<hbm>> -> memref<1x10112xi32, #tpu.memory_space<hbm>>
      %dma_wait3A_450 = tpu.memref_squeeze %dma_wait3A_449 : memref<1x10112xi32, #tpu.memory_space<hbm>> -> memref<10112xi32, #tpu.memory_space<hbm>>
      tpu.wait_dma2 semaphore(%run_scoped3A_442 : memref<!tpu.dma_semaphore, #tpu.memory_space<semaphore_mem>>) src(%dma_wait3A_450 : memref<10112xi32, #tpu.memory_space<hbm>>) dst(%arg7 : memref<10112xi32, #tpu.memory_space<vmem>>)
      tpu.yield
    }) : () -> ()
    "tpu.region"() ({
      %run_scoped3A_442 = tpu.sem_alloc : memref<!tpu.dma_semaphore, #tpu.memory_space<semaphore_mem>>
      tpu.enqueue_dma source(%arg3 : memref<128x16xf32, #tpu.memory_space<hbm>>) target(%arg10 : memref<128x16xf32, #tpu.memory_space<vmem>>) target_semaphore(%run_scoped3A_442 : memref<!tpu.dma_semaphore, #tpu.memory_space<semaphore_mem>>)
      tpu.wait_dma2 semaphore(%run_scoped3A_442 : memref<!tpu.dma_semaphore, #tpu.memory_space<semaphore_mem>>) src(%arg3 : memref<128x16xf32, #tpu.memory_space<hbm>>) dst(%arg10 : memref<128x16xf32, #tpu.memory_space<vmem>>)
      tpu.yield
    }) : () -> ()
    "tpu.region"() ({
      %run_scoped3A_442 = tpu.sem_alloc : memref<!tpu.dma_semaphore, #tpu.memory_space<semaphore_mem>>
      tpu.enqueue_dma source(%arg4 : memref<128x16xf32, #tpu.memory_space<hbm>>) target(%arg11 : memref<128x16xf32, #tpu.memory_space<vmem>>) target_semaphore(%run_scoped3A_442 : memref<!tpu.dma_semaphore, #tpu.memory_space<semaphore_mem>>)
      tpu.wait_dma2 semaphore(%run_scoped3A_442 : memref<!tpu.dma_semaphore, #tpu.memory_space<semaphore_mem>>) src(%arg4 : memref<128x16xf32, #tpu.memory_space<hbm>>) dst(%arg11 : memref<128x16xf32, #tpu.memory_space<vmem>>)
      tpu.yield
    }) : () -> ()
    %mul3A_8 = arith.constant 313 : i32
    %mul3A_9 = arith.muli %arg1, %mul3A_8 : i32
    "tpu.region"() ({
      %run_scoped3A_442 = tpu.sem_alloc : memref<!tpu.dma_semaphore, #tpu.memory_space<semaphore_mem>>
      %dma_start3A_443 = arith.constant 0 : i32
      %dma_start3A_444 = tpu.memref_slice %arg12[%mul3A_9, %dma_start3A_443] : memref<5008x16xf32, #tpu.memory_space<vmem_shared>> -> memref<313x16xf32, #tpu.memory_space<vmem_shared>>
      %dma_start3A_445 = arith.constant 0 : i32
      %dma_start3A_446 = tpu.memref_slice %arg5[%mul3A_9, %dma_start3A_445] : memref<5008x16xf32, #tpu.memory_space<hbm>> -> memref<313x16xf32, #tpu.memory_space<hbm>>
      tpu.enqueue_dma source(%dma_start3A_446 : memref<313x16xf32, #tpu.memory_space<hbm>>) target(%dma_start3A_444 : memref<313x16xf32, #tpu.memory_space<vmem_shared>>) target_semaphore(%run_scoped3A_442 : memref<!tpu.dma_semaphore, #tpu.memory_space<semaphore_mem>>)
      %dma_wait3A_447 = arith.constant 0 : i32
      %dma_wait3A_448 = tpu.memref_slice %arg12[%mul3A_9, %dma_wait3A_447] : memref<5008x16xf32, #tpu.memory_space<vmem_shared>> -> memref<313x16xf32, #tpu.memory_space<vmem_shared>>
      %dma_wait3A_449 = arith.constant 0 : i32
      %dma_wait3A_450 = tpu.memref_slice %arg5[%mul3A_9, %dma_wait3A_449] : memref<5008x16xf32, #tpu.memory_space<hbm>> -> memref<313x16xf32, #tpu.memory_space<hbm>>
      tpu.wait_dma2 semaphore(%run_scoped3A_442 : memref<!tpu.dma_semaphore, #tpu.memory_space<semaphore_mem>>) src(%dma_wait3A_450 : memref<313x16xf32, #tpu.memory_space<hbm>>) dst(%dma_wait3A_448 : memref<313x16xf32, #tpu.memory_space<vmem_shared>>)
      tpu.yield
    }) : () -> ()
    %barrier3A = arith.constant 0 : index
    tpu.barrier barrier_id(%barrier3A)
    %iota3A = tpu.iota {dimensions = array<i32: 0>} : vector<16xi32>
    %and3A = arith.constant 7 : i32
    %and3A_10 = vector.broadcast %and3A : i32 to vector<16xi32>
    %and3A_11 = arith.andi %iota3A, %and3A_10 : vector<16xi32>
    %add3A_12 = arith.constant 5000 : i32
    %add3A_13 = vector.broadcast %add3A_12 : i32 to vector<16xi32>
    %add3A_14 = arith.addi %add3A_13, %and3A_11 : vector<16xi32>
    %get3A = arith.constant 0 : index
    %get3A_15 = tpu.vector_load %arg7[%get3A] {strides = array<i32>} : memref<10112xi32, #tpu.memory_space<vmem>>, vector<16xi32>,
    %get3A_16 = vector.shape_cast %get3A_15 : vector<16xi32> to vector<16xi32>
    %lt3A = arith.constant 5000 : i32
    %lt3A_17 = vector.broadcast %lt3A : i32 to vector<16xi32>
    %lt3A_18 = arith.cmpi slt, %get3A_16, %lt3A_17 : vector<16xi32>
    %select_n3A = arith.select %lt3A_18, %get3A_16, %add3A_14 : vector<16xi1>, vector<16xi32>
    %swap3A = arith.constant 0 : i32
    %swap3A_19 = arith.index_cast %swap3A : i32 to index
    %swap3A_20 = arith.constant 0 : index
    %swap3A_21 = tpu.vector_load %arg8[%swap3A_19, %swap3A_20] {strides = array<i32>} : memref<2x128xi32, #tpu.memory_space<vmem>>, vector<1x16xi32>,
    %swap3A_22 = vector.shape_cast %swap3A_21 : vector<1x16xi32> to vector<16xi32>
    %swap3A_23 = vector.shape_cast %select_n3A : vector<16xi32> to vector<1x16xi32>
    tpu.vector_store %arg8[%swap3A_19, %swap3A_20], %swap3A_23 {strides = array<i32>} : memref<2x128xi32, #tpu.memory_space<vmem>>, vector<1x16xi32>,
    %sub3A_24 = arith.constant 5000 : i32
    %sub3A_25 = vector.broadcast %sub3A_24 : i32 to vector<16xi32>
    %sub3A_26 = arith.subi %get3A_16, %sub3A_25 : vector<16xi32>
    %select_n3A_27 = arith.select %lt3A_18, %add3A_14, %sub3A_26 : vector<16xi1>, vector<16xi32>
    %swap3A_28 = arith.constant 0 : i32
    %swap3A_29 = arith.index_cast %swap3A_28 : i32 to index
    %swap3A_30 = arith.constant 0 : index
    %swap3A_31 = tpu.vector_load %arg9[%swap3A_29, %swap3A_30] {strides = array<i32>} : memref<2x128xi32, #tpu.memory_space<vmem>>, vector<1x16xi32>,
    %swap3A_32 = vector.shape_cast %swap3A_31 : vector<1x16xi32> to vector<16xi32>
    %swap3A_33 = vector.shape_cast %select_n3A_27 : vector<16xi32> to vector<1x16xi32>
    tpu.vector_store %arg9[%swap3A_29, %swap3A_30], %swap3A_33 {strides = array<i32>} : memref<2x128xi32, #tpu.memory_space<vmem>>, vector<1x16xi32>,
    %get3A_34 = arith.constant 16 : index
    %get3A_35 = tpu.vector_load %arg7[%get3A_34] {strides = array<i32>} : memref<10112xi32, #tpu.memory_space<vmem>>, vector<16xi32>,
    %get3A_36 = vector.shape_cast %get3A_35 : vector<16xi32> to vector<16xi32>
    %lt3A_37 = arith.constant 5000 : i32
    %lt3A_38 = vector.broadcast %lt3A_37 : i32 to vector<16xi32>
    %lt3A_39 = arith.cmpi slt, %get3A_36, %lt3A_38 : vector<16xi32>
    %select_n3A_40 = arith.select %lt3A_39, %get3A_36, %add3A_14 : vector<16xi1>, vector<16xi32>
    %swap3A_41 = arith.constant 0 : i32
    %swap3A_42 = arith.index_cast %swap3A_41 : i32 to index
    %swap3A_43 = arith.constant 16 : index
    %swap3A_44 = tpu.vector_load %arg8[%swap3A_42, %swap3A_43] {strides = array<i32>} : memref<2x128xi32, #tpu.memory_space<vmem>>, vector<1x16xi32>,
    %swap3A_45 = vector.shape_cast %swap3A_44 : vector<1x16xi32> to vector<16xi32>
    %swap3A_46 = vector.shape_cast %select_n3A_40 : vector<16xi32> to vector<1x16xi32>
    tpu.vector_store %arg8[%swap3A_42, %swap3A_43], %swap3A_46 {strides = array<i32>} : memref<2x128xi32, #tpu.memory_space<vmem>>, vector<1x16xi32>,
    %sub3A_47 = arith.constant 5000 : i32
    %sub3A_48 = vector.broadcast %sub3A_47 : i32 to vector<16xi32>
    %sub3A_49 = arith.subi %get3A_36, %sub3A_48 : vector<16xi32>
    %select_n3A_50 = arith.select %lt3A_39, %add3A_14, %sub3A_49 : vector<16xi1>, vector<16xi32>
    %swap3A_51 = arith.constant 0 : i32
    %swap3A_52 = arith.index_cast %swap3A_51 : i32 to index
    %swap3A_53 = arith.constant 16 : index
    %swap3A_54 = tpu.vector_load %arg9[%swap3A_52, %swap3A_53] {strides = array<i32>} : memref<2x128xi32, #tpu.memory_space<vmem>>, vector<1x16xi32>,
    %swap3A_55 = vector.shape_cast %swap3A_54 : vector<1x16xi32> to vector<16xi32>
    %swap3A_56 = vector.shape_cast %select_n3A_50 : vector<16xi32> to vector<1x16xi32>
    tpu.vector_store %arg9[%swap3A_52, %swap3A_53], %swap3A_56 {strides = array<i32>} : memref<2x128xi32, #tpu.memory_space<vmem>>, vector<1x16xi32>,
    %get3A_57 = arith.constant 32 : index
    %get3A_58 = tpu.vector_load %arg7[%get3A_57] {strides = array<i32>} : memref<10112xi32, #tpu.memory_space<vmem>>, vector<16xi32>,
    %get3A_59 = vector.shape_cast %get3A_58 : vector<16xi32> to vector<16xi32>
    %lt3A_60 = arith.constant 5000 : i32
    %lt3A_61 = vector.broadcast %lt3A_60 : i32 to vector<16xi32>
    %lt3A_62 = arith.cmpi slt, %get3A_59, %lt3A_61 : vector<16xi32>
    %select_n3A_63 = arith.select %lt3A_62, %get3A_59, %add3A_14 : vector<16xi1>, vector<16xi32>
    %swap3A_64 = arith.constant 0 : i32
    %swap3A_65 = arith.index_cast %swap3A_64 : i32 to index
    %swap3A_66 = arith.constant 32 : index
    %swap3A_67 = tpu.vector_load %arg8[%swap3A_65, %swap3A_66] {strides = array<i32>} : memref<2x128xi32, #tpu.memory_space<vmem>>, vector<1x16xi32>,
    %swap3A_68 = vector.shape_cast %swap3A_67 : vector<1x16xi32> to vector<16xi32>
    %swap3A_69 = vector.shape_cast %select_n3A_63 : vector<16xi32> to vector<1x16xi32>
    tpu.vector_store %arg8[%swap3A_65, %swap3A_66], %swap3A_69 {strides = array<i32>} : memref<2x128xi32, #tpu.memory_space<vmem>>, vector<1x16xi32>,
    %sub3A_70 = arith.constant 5000 : i32
    %sub3A_71 = vector.broadcast %sub3A_70 : i32 to vector<16xi32>
    %sub3A_72 = arith.subi %get3A_59, %sub3A_71 : vector<16xi32>
    %select_n3A_73 = arith.select %lt3A_62, %add3A_14, %sub3A_72 : vector<16xi1>, vector<16xi32>
    %swap3A_74 = arith.constant 0 : i32
    %swap3A_75 = arith.index_cast %swap3A_74 : i32 to index
    %swap3A_76 = arith.constant 32 : index
    %swap3A_77 = tpu.vector_load %arg9[%swap3A_75, %swap3A_76] {strides = array<i32>} : memref<2x128xi32, #tpu.memory_space<vmem>>, vector<1x16xi32>,
    %swap3A_78 = vector.shape_cast %swap3A_77 : vector<1x16xi32> to vector<16xi32>
    %swap3A_79 = vector.shape_cast %select_n3A_73 : vector<16xi32> to vector<1x16xi32>
    tpu.vector_store %arg9[%swap3A_75, %swap3A_76], %swap3A_79 {strides = array<i32>} : memref<2x128xi32, #tpu.memory_space<vmem>>, vector<1x16xi32>,
    %get3A_80 = arith.constant 48 : index
    %get3A_81 = tpu.vector_load %arg7[%get3A_80] {strides = array<i32>} : memref<10112xi32, #tpu.memory_space<vmem>>, vector<16xi32>,
    %get3A_82 = vector.shape_cast %get3A_81 : vector<16xi32> to vector<16xi32>
    %lt3A_83 = arith.constant 5000 : i32
    %lt3A_84 = vector.broadcast %lt3A_83 : i32 to vector<16xi32>
    %lt3A_85 = arith.cmpi slt, %get3A_82, %lt3A_84 : vector<16xi32>
    %select_n3A_86 = arith.select %lt3A_85, %get3A_82, %add3A_14 : vector<16xi1>, vector<16xi32>
    %swap3A_87 = arith.constant 0 : i32
    %swap3A_88 = arith.index_cast %swap3A_87 : i32 to index
    %swap3A_89 = arith.constant 48 : index
    %swap3A_90 = tpu.vector_load %arg8[%swap3A_88, %swap3A_89] {strides = array<i32>} : memref<2x128xi32, #tpu.memory_space<vmem>>, vector<1x16xi32>,
    %swap3A_91 = vector.shape_cast %swap3A_90 : vector<1x16xi32> to vector<16xi32>
    %swap3A_92 = vector.shape_cast %select_n3A_86 : vector<16xi32> to vector<1x16xi32>
    tpu.vector_store %arg8[%swap3A_88, %swap3A_89], %swap3A_92 {strides = array<i32>} : memref<2x128xi32, #tpu.memory_space<vmem>>, vector<1x16xi32>,
    %sub3A_93 = arith.constant 5000 : i32
    %sub3A_94 = vector.broadcast %sub3A_93 : i32 to vector<16xi32>
    %sub3A_95 = arith.subi %get3A_82, %sub3A_94 : vector<16xi32>
    %select_n3A_96 = arith.select %lt3A_85, %add3A_14, %sub3A_95 : vector<16xi1>, vector<16xi32>
    %swap3A_97 = arith.constant 0 : i32
    %swap3A_98 = arith.index_cast %swap3A_97 : i32 to index
    %swap3A_99 = arith.constant 48 : index
    %swap3A_100 = tpu.vector_load %arg9[%swap3A_98, %swap3A_99] {strides = array<i32>} : memref<2x128xi32, #tpu.memory_space<vmem>>, vector<1x16xi32>,
    %swap3A_101 = vector.shape_cast %swap3A_100 : vector<1x16xi32> to vector<16xi32>
    %swap3A_102 = vector.shape_cast %select_n3A_96 : vector<16xi32> to vector<1x16xi32>
    tpu.vector_store %arg9[%swap3A_98, %swap3A_99], %swap3A_102 {strides = array<i32>} : memref<2x128xi32, #tpu.memory_space<vmem>>, vector<1x16xi32>,
    %get3A_103 = arith.constant 64 : index
    %get3A_104 = tpu.vector_load %arg7[%get3A_103] {strides = array<i32>} : memref<10112xi32, #tpu.memory_space<vmem>>, vector<16xi32>,
    %get3A_105 = vector.shape_cast %get3A_104 : vector<16xi32> to vector<16xi32>
    %lt3A_106 = arith.constant 5000 : i32
    %lt3A_107 = vector.broadcast %lt3A_106 : i32 to vector<16xi32>
    %lt3A_108 = arith.cmpi slt, %get3A_105, %lt3A_107 : vector<16xi32>
    %select_n3A_109 = arith.select %lt3A_108, %get3A_105, %add3A_14 : vector<16xi1>, vector<16xi32>
    %swap3A_110 = arith.constant 0 : i32
    %swap3A_111 = arith.index_cast %swap3A_110 : i32 to index
    %swap3A_112 = arith.constant 64 : index
    %swap3A_113 = tpu.vector_load %arg8[%swap3A_111, %swap3A_112] {strides = array<i32>} : memref<2x128xi32, #tpu.memory_space<vmem>>, vector<1x16xi32>,
    %swap3A_114 = vector.shape_cast %swap3A_113 : vector<1x16xi32> to vector<16xi32>
    %swap3A_115 = vector.shape_cast %select_n3A_109 : vector<16xi32> to vector<1x16xi32>
    tpu.vector_store %arg8[%swap3A_111, %swap3A_112], %swap3A_115 {strides = array<i32>} : memref<2x128xi32, #tpu.memory_space<vmem>>, vector<1x16xi32>,
    %sub3A_116 = arith.constant 5000 : i32
    %sub3A_117 = vector.broadcast %sub3A_116 : i32 to vector<16xi32>
    %sub3A_118 = arith.subi %get3A_105, %sub3A_117 : vector<16xi32>
    %select_n3A_119 = arith.select %lt3A_108, %add3A_14, %sub3A_118 : vector<16xi1>, vector<16xi32>
    %swap3A_120 = arith.constant 0 : i32
    %swap3A_121 = arith.index_cast %swap3A_120 : i32 to index
    %swap3A_122 = arith.constant 64 : index
    %swap3A_123 = tpu.vector_load %arg9[%swap3A_121, %swap3A_122] {strides = array<i32>} : memref<2x128xi32, #tpu.memory_space<vmem>>, vector<1x16xi32>,
    %swap3A_124 = vector.shape_cast %swap3A_123 : vector<1x16xi32> to vector<16xi32>
    %swap3A_125 = vector.shape_cast %select_n3A_119 : vector<16xi32> to vector<1x16xi32>
    tpu.vector_store %arg9[%swap3A_121, %swap3A_122], %swap3A_125 {strides = array<i32>} : memref<2x128xi32, #tpu.memory_space<vmem>>, vector<1x16xi32>,
    %get3A_126 = arith.constant 80 : index
    %get3A_127 = tpu.vector_load %arg7[%get3A_126] {strides = array<i32>} : memref<10112xi32, #tpu.memory_space<vmem>>, vector<16xi32>,
    %get3A_128 = vector.shape_cast %get3A_127 : vector<16xi32> to vector<16xi32>
    %lt3A_129 = arith.constant 5000 : i32
    %lt3A_130 = vector.broadcast %lt3A_129 : i32 to vector<16xi32>
    %lt3A_131 = arith.cmpi slt, %get3A_128, %lt3A_130 : vector<16xi32>
    %select_n3A_132 = arith.select %lt3A_131, %get3A_128, %add3A_14 : vector<16xi1>, vector<16xi32>
    %swap3A_133 = arith.constant 0 : i32
    %swap3A_134 = arith.index_cast %swap3A_133 : i32 to index
    %swap3A_135 = arith.constant 80 : index
    %swap3A_136 = tpu.vector_load %arg8[%swap3A_134, %swap3A_135] {strides = array<i32>} : memref<2x128xi32, #tpu.memory_space<vmem>>, vector<1x16xi32>,
    %swap3A_137 = vector.shape_cast %swap3A_136 : vector<1x16xi32> to vector<16xi32>
    %swap3A_138 = vector.shape_cast %select_n3A_132 : vector<16xi32> to vector<1x16xi32>
    tpu.vector_store %arg8[%swap3A_134, %swap3A_135], %swap3A_138 {strides = array<i32>} : memref<2x128xi32, #tpu.memory_space<vmem>>, vector<1x16xi32>,
    %sub3A_139 = arith.constant 5000 : i32
    %sub3A_140 = vector.broadcast %sub3A_139 : i32 to vector<16xi32>
    %sub3A_141 = arith.subi %get3A_128, %sub3A_140 : vector<16xi32>
    %select_n3A_142 = arith.select %lt3A_131, %add3A_14, %sub3A_141 : vector<16xi1>, vector<16xi32>
    %swap3A_143 = arith.constant 0 : i32
    %swap3A_144 = arith.index_cast %swap3A_143 : i32 to index
    %swap3A_145 = arith.constant 80 : index
    %swap3A_146 = tpu.vector_load %arg9[%swap3A_144, %swap3A_145] {strides = array<i32>} : memref<2x128xi32, #tpu.memory_space<vmem>>, vector<1x16xi32>,
    %swap3A_147 = vector.shape_cast %swap3A_146 : vector<1x16xi32> to vector<16xi32>
    %swap3A_148 = vector.shape_cast %select_n3A_142 : vector<16xi32> to vector<1x16xi32>
    tpu.vector_store %arg9[%swap3A_144, %swap3A_145], %swap3A_148 {strides = array<i32>} : memref<2x128xi32, #tpu.memory_space<vmem>>, vector<1x16xi32>,
    %get3A_149 = arith.constant 96 : index
    %get3A_150 = tpu.vector_load %arg7[%get3A_149] {strides = array<i32>} : memref<10112xi32, #tpu.memory_space<vmem>>, vector<16xi32>,
    %get3A_151 = vector.shape_cast %get3A_150 : vector<16xi32> to vector<16xi32>
    %lt3A_152 = arith.constant 5000 : i32
    %lt3A_153 = vector.broadcast %lt3A_152 : i32 to vector<16xi32>
    %lt3A_154 = arith.cmpi slt, %get3A_151, %lt3A_153 : vector<16xi32>
    %select_n3A_155 = arith.select %lt3A_154, %get3A_151, %add3A_14 : vector<16xi1>, vector<16xi32>
    %swap3A_156 = arith.constant 0 : i32
    %swap3A_157 = arith.index_cast %swap3A_156 : i32 to index
    %swap3A_158 = arith.constant 96 : index
    %swap3A_159 = tpu.vector_load %arg8[%swap3A_157, %swap3A_158] {strides = array<i32>} : memref<2x128xi32, #tpu.memory_space<vmem>>, vector<1x16xi32>,
    %swap3A_160 = vector.shape_cast %swap3A_159 : vector<1x16xi32> to vector<16xi32>
    %swap3A_161 = vector.shape_cast %select_n3A_155 : vector<16xi32> to vector<1x16xi32>
    tpu.vector_store %arg8[%swap3A_157, %swap3A_158], %swap3A_161 {strides = array<i32>} : memref<2x128xi32, #tpu.memory_space<vmem>>, vector<1x16xi32>,
    %sub3A_162 = arith.constant 5000 : i32
    %sub3A_163 = vector.broadcast %sub3A_162 : i32 to vector<16xi32>
    %sub3A_164 = arith.subi %get3A_151, %sub3A_163 : vector<16xi32>
    %select_n3A_165 = arith.select %lt3A_154, %add3A_14, %sub3A_164 : vector<16xi1>, vector<16xi32>
    %swap3A_166 = arith.constant 0 : i32
    %swap3A_167 = arith.index_cast %swap3A_166 : i32 to index
    %swap3A_168 = arith.constant 96 : index
    %swap3A_169 = tpu.vector_load %arg9[%swap3A_167, %swap3A_168] {strides = array<i32>} : memref<2x128xi32, #tpu.memory_space<vmem>>, vector<1x16xi32>,
    %swap3A_170 = vector.shape_cast %swap3A_169 : vector<1x16xi32> to vector<16xi32>
    %swap3A_171 = vector.shape_cast %select_n3A_165 : vector<16xi32> to vector<1x16xi32>
    tpu.vector_store %arg9[%swap3A_167, %swap3A_168], %swap3A_171 {strides = array<i32>} : memref<2x128xi32, #tpu.memory_space<vmem>>, vector<1x16xi32>,
    %get3A_172 = arith.constant 112 : index
    %get3A_173 = tpu.vector_load %arg7[%get3A_172] {strides = array<i32>} : memref<10112xi32, #tpu.memory_space<vmem>>, vector<16xi32>,
    %get3A_174 = vector.shape_cast %get3A_173 : vector<16xi32> to vector<16xi32>
    %lt3A_175 = arith.constant 5000 : i32
    %lt3A_176 = vector.broadcast %lt3A_175 : i32 to vector<16xi32>
    %lt3A_177 = arith.cmpi slt, %get3A_174, %lt3A_176 : vector<16xi32>
    %select_n3A_178 = arith.select %lt3A_177, %get3A_174, %add3A_14 : vector<16xi1>, vector<16xi32>
    %swap3A_179 = arith.constant 0 : i32
    %swap3A_180 = arith.index_cast %swap3A_179 : i32 to index
    %swap3A_181 = arith.constant 112 : index
    %swap3A_182 = tpu.vector_load %arg8[%swap3A_180, %swap3A_181] {strides = array<i32>} : memref<2x128xi32, #tpu.memory_space<vmem>>, vector<1x16xi32>,
    %swap3A_183 = vector.shape_cast %swap3A_182 : vector<1x16xi32> to vector<16xi32>
    %swap3A_184 = vector.shape_cast %select_n3A_178 : vector<16xi32> to vector<1x16xi32>
    tpu.vector_store %arg8[%swap3A_180, %swap3A_181], %swap3A_184 {strides = array<i32>} : memref<2x128xi32, #tpu.memory_space<vmem>>, vector<1x16xi32>,
    %sub3A_185 = arith.constant 5000 : i32
    %sub3A_186 = vector.broadcast %sub3A_185 : i32 to vector<16xi32>
    %sub3A_187 = arith.subi %get3A_174, %sub3A_186 : vector<16xi32>
    %select_n3A_188 = arith.select %lt3A_177, %add3A_14, %sub3A_187 : vector<16xi1>, vector<16xi32>
    %swap3A_189 = arith.constant 0 : i32
    %swap3A_190 = arith.index_cast %swap3A_189 : i32 to index
    %swap3A_191 = arith.constant 112 : index
    %swap3A_192 = tpu.vector_load %arg9[%swap3A_190, %swap3A_191] {strides = array<i32>} : memref<2x128xi32, #tpu.memory_space<vmem>>, vector<1x16xi32>,
    %swap3A_193 = vector.shape_cast %swap3A_192 : vector<1x16xi32> to vector<16xi32>
    %swap3A_194 = vector.shape_cast %select_n3A_188 : vector<16xi32> to vector<1x16xi32>
    tpu.vector_store %arg9[%swap3A_190, %swap3A_191], %swap3A_194 {strides = array<i32>} : memref<2x128xi32, #tpu.memory_space<vmem>>, vector<1x16xi32>,
    %dma_start3A = arith.constant 0 : i32
    %dma_start3A_195 = arith.constant 0 : i32
    %dma_start3A_196 = tpu.memref_slice %arg8[%dma_start3A, %dma_start3A_195] : memref<2x128xi32, #tpu.memory_space<vmem>> -> memref<1x128xi32, #tpu.memory_space<vmem>>
    %dma_start3A_197 = tpu.memref_squeeze %dma_start3A_196 : memref<1x128xi32, #tpu.memory_space<vmem>> -> memref<128xi32, #tpu.memory_space<vmem>>
    %dma_start3A_198 = arith.constant 0 : i32
    %dma_start3A_199 = arith.constant 0 : i32
    %dma_start3A_200 = tpu.memref_slice %arg12[%dma_start3A_198, %dma_start3A_199] : memref<5008x16xf32, #tpu.memory_space<vmem_shared>> -> memref<5008x16xf32, #tpu.memory_space<vmem_shared>>
    tpu.enqueue_indirect_dma source(%arg10 : memref<128x16xf32, #tpu.memory_space<vmem>>) target(%dma_start3A_200 : memref<5008x16xf32, #tpu.memory_space<vmem_shared>>) offsets(%dma_start3A_197 : memref<128xi32, #tpu.memory_space<vmem>>) semaphore(%arg13 : memref<!tpu.dma_semaphore, #tpu.memory_space<semaphore_mem>>) {add = true}
    %dma_start3A_201 = arith.constant 0 : i32
    %dma_start3A_202 = arith.constant 0 : i32
    %dma_start3A_203 = tpu.memref_slice %arg9[%dma_start3A_201, %dma_start3A_202] : memref<2x128xi32, #tpu.memory_space<vmem>> -> memref<1x128xi32, #tpu.memory_space<vmem>>
    %dma_start3A_204 = tpu.memref_squeeze %dma_start3A_203 : memref<1x128xi32, #tpu.memory_space<vmem>> -> memref<128xi32, #tpu.memory_space<vmem>>
    %dma_start3A_205 = arith.constant 0 : i32
    %dma_start3A_206 = arith.constant 0 : i32
    %dma_start3A_207 = tpu.memref_slice %arg12[%dma_start3A_205, %dma_start3A_206] : memref<5008x16xf32, #tpu.memory_space<vmem_shared>> -> memref<5008x16xf32, #tpu.memory_space<vmem_shared>>
    tpu.enqueue_indirect_dma source(%arg11 : memref<128x16xf32, #tpu.memory_space<vmem>>) target(%dma_start3A_207 : memref<5008x16xf32, #tpu.memory_space<vmem_shared>>) offsets(%dma_start3A_204 : memref<128xi32, #tpu.memory_space<vmem>>) semaphore(%arg15 : memref<!tpu.dma_semaphore, #tpu.memory_space<semaphore_mem>>) {add = true}
    %get3A_208 = arith.constant 128 : index
    %get3A_209 = tpu.vector_load %arg7[%get3A_208] {strides = array<i32>} : memref<10112xi32, #tpu.memory_space<vmem>>, vector<16xi32>,
    %get3A_210 = vector.shape_cast %get3A_209 : vector<16xi32> to vector<16xi32>
    %lt3A_211 = arith.constant 5000 : i32
    %lt3A_212 = vector.broadcast %lt3A_211 : i32 to vector<16xi32>
    %lt3A_213 = arith.cmpi slt, %get3A_210, %lt3A_212 : vector<16xi32>
    %select_n3A_214 = arith.select %lt3A_213, %get3A_210, %add3A_14 : vector<16xi1>, vector<16xi32>
    %swap3A_215 = arith.constant 1 : i32
    %swap3A_216 = arith.index_cast %swap3A_215 : i32 to index
    %swap3A_217 = arith.constant 0 : index
    %swap3A_218 = tpu.vector_load %arg8[%swap3A_216, %swap3A_217] {strides = array<i32>} : memref<2x128xi32, #tpu.memory_space<vmem>>, vector<1x16xi32>,
    %swap3A_219 = vector.shape_cast %swap3A_218 : vector<1x16xi32> to vector<16xi32>
    %swap3A_220 = vector.shape_cast %select_n3A_214 : vector<16xi32> to vector<1x16xi32>
    tpu.vector_store %arg8[%swap3A_216, %swap3A_217], %swap3A_220 {strides = array<i32>} : memref<2x128xi32, #tpu.memory_space<vmem>>, vector<1x16xi32>,
    %sub3A_221 = arith.constant 5000 : i32
    %sub3A_222 = vector.broadcast %sub3A_221 : i32 to vector<16xi32>
    %sub3A_223 = arith.subi %get3A_210, %sub3A_222 : vector<16xi32>
    %select_n3A_224 = arith.select %lt3A_213, %add3A_14, %sub3A_223 : vector<16xi1>, vector<16xi32>
    %swap3A_225 = arith.constant 1 : i32
    %swap3A_226 = arith.index_cast %swap3A_225 : i32 to index
    %swap3A_227 = arith.constant 0 : index
    %swap3A_228 = tpu.vector_load %arg9[%swap3A_226, %swap3A_227] {strides = array<i32>} : memref<2x128xi32, #tpu.memory_space<vmem>>, vector<1x16xi32>,
    %swap3A_229 = vector.shape_cast %swap3A_228 : vector<1x16xi32> to vector<16xi32>
    %swap3A_230 = vector.shape_cast %select_n3A_224 : vector<16xi32> to vector<1x16xi32>
    tpu.vector_store %arg9[%swap3A_226, %swap3A_227], %swap3A_230 {strides = array<i32>} : memref<2x128xi32, #tpu.memory_space<vmem>>, vector<1x16xi32>,
    %get3A_231 = arith.constant 144 : index
    %get3A_232 = tpu.vector_load %arg7[%get3A_231] {strides = array<i32>} : memref<10112xi32, #tpu.memory_space<vmem>>, vector<16xi32>,
    %get3A_233 = vector.shape_cast %get3A_232 : vector<16xi32> to vector<16xi32>
    %lt3A_234 = arith.constant 5000 : i32
    %lt3A_235 = vector.broadcast %lt3A_234 : i32 to vector<16xi32>
    %lt3A_236 = arith.cmpi slt, %get3A_233, %lt3A_235 : vector<16xi32>
    %select_n3A_237 = arith.select %lt3A_236, %get3A_233, %add3A_14 : vector<16xi1>, vector<16xi32>
    %swap3A_238 = arith.constant 1 : i32
    %swap3A_239 = arith.index_cast %swap3A_238 : i32 to index
    %swap3A_240 = arith.constant 16 : index
    %swap3A_241 = tpu.vector_load %arg8[%swap3A_239, %swap3A_240] {strides = array<i32>} : memref<2x128xi32, #tpu.memory_space<vmem>>, vector<1x16xi32>,
    %swap3A_242 = vector.shape_cast %swap3A_241 : vector<1x16xi32> to vector<16xi32>
    %swap3A_243 = vector.shape_cast %select_n3A_237 : vector<16xi32> to vector<1x16xi32>
    tpu.vector_store %arg8[%swap3A_239, %swap3A_240], %swap3A_243 {strides = array<i32>} : memref<2x128xi32, #tpu.memory_space<vmem>>, vector<1x16xi32>,
    %sub3A_244 = arith.constant 5000 : i32
    %sub3A_245 = vector.broadcast %sub3A_244 : i32 to vector<16xi32>
    %sub3A_246 = arith.subi %get3A_233, %sub3A_245 : vector<16xi32>
    %select_n3A_247 = arith.select %lt3A_236, %add3A_14, %sub3A_246 : vector<16xi1>, vector<16xi32>
    %swap3A_248 = arith.constant 1 : i32
    %swap3A_249 = arith.index_cast %swap3A_248 : i32 to index
    %swap3A_250 = arith.constant 16 : index
    %swap3A_251 = tpu.vector_load %arg9[%swap3A_249, %swap3A_250] {strides = array<i32>} : memref<2x128xi32, #tpu.memory_space<vmem>>, vector<1x16xi32>,
    %swap3A_252 = vector.shape_cast %swap3A_251 : vector<1x16xi32> to vector<16xi32>
    %swap3A_253 = vector.shape_cast %select_n3A_247 : vector<16xi32> to vector<1x16xi32>
    tpu.vector_store %arg9[%swap3A_249, %swap3A_250], %swap3A_253 {strides = array<i32>} : memref<2x128xi32, #tpu.memory_space<vmem>>, vector<1x16xi32>,
    %get3A_254 = arith.constant 160 : index
    %get3A_255 = tpu.vector_load %arg7[%get3A_254] {strides = array<i32>} : memref<10112xi32, #tpu.memory_space<vmem>>, vector<16xi32>,
    %get3A_256 = vector.shape_cast %get3A_255 : vector<16xi32> to vector<16xi32>
    %lt3A_257 = arith.constant 5000 : i32
    %lt3A_258 = vector.broadcast %lt3A_257 : i32 to vector<16xi32>
    %lt3A_259 = arith.cmpi slt, %get3A_256, %lt3A_258 : vector<16xi32>
    %select_n3A_260 = arith.select %lt3A_259, %get3A_256, %add3A_14 : vector<16xi1>, vector<16xi32>
    %swap3A_261 = arith.constant 1 : i32
    %swap3A_262 = arith.index_cast %swap3A_261 : i32 to index
    %swap3A_263 = arith.constant 32 : index
    %swap3A_264 = tpu.vector_load %arg8[%swap3A_262, %swap3A_263] {strides = array<i32>} : memref<2x128xi32, #tpu.memory_space<vmem>>, vector<1x16xi32>,
    %swap3A_265 = vector.shape_cast %swap3A_264 : vector<1x16xi32> to vector<16xi32>
    %swap3A_266 = vector.shape_cast %select_n3A_260 : vector<16xi32> to vector<1x16xi32>
    tpu.vector_store %arg8[%swap3A_262, %swap3A_263], %swap3A_266 {strides = array<i32>} : memref<2x128xi32, #tpu.memory_space<vmem>>, vector<1x16xi32>,
    %sub3A_267 = arith.constant 5000 : i32
    %sub3A_268 = vector.broadcast %sub3A_267 : i32 to vector<16xi32>
    %sub3A_269 = arith.subi %get3A_256, %sub3A_268 : vector<16xi32>
    %select_n3A_270 = arith.select %lt3A_259, %add3A_14, %sub3A_269 : vector<16xi1>, vector<16xi32>
    %swap3A_271 = arith.constant 1 : i32
    %swap3A_272 = arith.index_cast %swap3A_271 : i32 to index
    %swap3A_273 = arith.constant 32 : index
    %swap3A_274 = tpu.vector_load %arg9[%swap3A_272, %swap3A_273] {strides = array<i32>} : memref<2x128xi32, #tpu.memory_space<vmem>>, vector<1x16xi32>,
    %swap3A_275 = vector.shape_cast %swap3A_274 : vector<1x16xi32> to vector<16xi32>
    %swap3A_276 = vector.shape_cast %select_n3A_270 : vector<16xi32> to vector<1x16xi32>
    tpu.vector_store %arg9[%swap3A_272, %swap3A_273], %swap3A_276 {strides = array<i32>} : memref<2x128xi32, #tpu.memory_space<vmem>>, vector<1x16xi32>,
    %get3A_277 = arith.constant 176 : index
    %get3A_278 = tpu.vector_load %arg7[%get3A_277] {strides = array<i32>} : memref<10112xi32, #tpu.memory_space<vmem>>, vector<16xi32>,
    %get3A_279 = vector.shape_cast %get3A_278 : vector<16xi32> to vector<16xi32>
    %lt3A_280 = arith.constant 5000 : i32
    %lt3A_281 = vector.broadcast %lt3A_280 : i32 to vector<16xi32>
    %lt3A_282 = arith.cmpi slt, %get3A_279, %lt3A_281 : vector<16xi32>
    %select_n3A_283 = arith.select %lt3A_282, %get3A_279, %add3A_14 : vector<16xi1>, vector<16xi32>
    %swap3A_284 = arith.constant 1 : i32
    %swap3A_285 = arith.index_cast %swap3A_284 : i32 to index
    %swap3A_286 = arith.constant 48 : index
    %swap3A_287 = tpu.vector_load %arg8[%swap3A_285, %swap3A_286] {strides = array<i32>} : memref<2x128xi32, #tpu.memory_space<vmem>>, vector<1x16xi32>,
    %swap3A_288 = vector.shape_cast %swap3A_287 : vector<1x16xi32> to vector<16xi32>
    %swap3A_289 = vector.shape_cast %select_n3A_283 : vector<16xi32> to vector<1x16xi32>
    tpu.vector_store %arg8[%swap3A_285, %swap3A_286], %swap3A_289 {strides = array<i32>} : memref<2x128xi32, #tpu.memory_space<vmem>>, vector<1x16xi32>,
    %sub3A_290 = arith.constant 5000 : i32
    %sub3A_291 = vector.broadcast %sub3A_290 : i32 to vector<16xi32>
    %sub3A_292 = arith.subi %get3A_279, %sub3A_291 : vector<16xi32>
    %select_n3A_293 = arith.select %lt3A_282, %add3A_14, %sub3A_292 : vector<16xi1>, vector<16xi32>
    %swap3A_294 = arith.constant 1 : i32
    %swap3A_295 = arith.index_cast %swap3A_294 : i32 to index
    %swap3A_296 = arith.constant 48 : index
    %swap3A_297 = tpu.vector_load %arg9[%swap3A_295, %swap3A_296] {strides = array<i32>} : memref<2x128xi32, #tpu.memory_space<vmem>>, vector<1x16xi32>,
    %swap3A_298 = vector.shape_cast %swap3A_297 : vector<1x16xi32> to vector<16xi32>
    %swap3A_299 = vector.shape_cast %select_n3A_293 : vector<16xi32> to vector<1x16xi32>
    tpu.vector_store %arg9[%swap3A_295, %swap3A_296], %swap3A_299 {strides = array<i32>} : memref<2x128xi32, #tpu.memory_space<vmem>>, vector<1x16xi32>,
    %get3A_300 = arith.constant 192 : index
    %get3A_301 = tpu.vector_load %arg7[%get3A_300] {strides = array<i32>} : memref<10112xi32, #tpu.memory_space<vmem>>, vector<16xi32>,
    %get3A_302 = vector.shape_cast %get3A_301 : vector<16xi32> to vector<16xi32>
    %lt3A_303 = arith.constant 5000 : i32
    %lt3A_304 = vector.broadcast %lt3A_303 : i32 to vector<16xi32>
    %lt3A_305 = arith.cmpi slt, %get3A_302, %lt3A_304 : vector<16xi32>
    %select_n3A_306 = arith.select %lt3A_305, %get3A_302, %add3A_14 : vector<16xi1>, vector<16xi32>
    %swap3A_307 = arith.constant 1 : i32
    %swap3A_308 = arith.index_cast %swap3A_307 : i32 to index
    %swap3A_309 = arith.constant 64 : index
    %swap3A_310 = tpu.vector_load %arg8[%swap3A_308, %swap3A_309] {strides = array<i32>} : memref<2x128xi32, #tpu.memory_space<vmem>>, vector<1x16xi32>,
    %swap3A_311 = vector.shape_cast %swap3A_310 : vector<1x16xi32> to vector<16xi32>
    %swap3A_312 = vector.shape_cast %select_n3A_306 : vector<16xi32> to vector<1x16xi32>
    tpu.vector_store %arg8[%swap3A_308, %swap3A_309], %swap3A_312 {strides = array<i32>} : memref<2x128xi32, #tpu.memory_space<vmem>>, vector<1x16xi32>,
    %sub3A_313 = arith.constant 5000 : i32
    %sub3A_314 = vector.broadcast %sub3A_313 : i32 to vector<16xi32>
    %sub3A_315 = arith.subi %get3A_302, %sub3A_314 : vector<16xi32>
    %select_n3A_316 = arith.select %lt3A_305, %add3A_14, %sub3A_315 : vector<16xi1>, vector<16xi32>
    %swap3A_317 = arith.constant 1 : i32
    %swap3A_318 = arith.index_cast %swap3A_317 : i32 to index
    %swap3A_319 = arith.constant 64 : index
    %swap3A_320 = tpu.vector_load %arg9[%swap3A_318, %swap3A_319] {strides = array<i32>} : memref<2x128xi32, #tpu.memory_space<vmem>>, vector<1x16xi32>,
    %swap3A_321 = vector.shape_cast %swap3A_320 : vector<1x16xi32> to vector<16xi32>
    %swap3A_322 = vector.shape_cast %select_n3A_316 : vector<16xi32> to vector<1x16xi32>
    tpu.vector_store %arg9[%swap3A_318, %swap3A_319], %swap3A_322 {strides = array<i32>} : memref<2x128xi32, #tpu.memory_space<vmem>>, vector<1x16xi32>,
    %get3A_323 = arith.constant 208 : index
    %get3A_324 = tpu.vector_load %arg7[%get3A_323] {strides = array<i32>} : memref<10112xi32, #tpu.memory_space<vmem>>, vector<16xi32>,
    %get3A_325 = vector.shape_cast %get3A_324 : vector<16xi32> to vector<16xi32>
    %lt3A_326 = arith.constant 5000 : i32
    %lt3A_327 = vector.broadcast %lt3A_326 : i32 to vector<16xi32>
    %lt3A_328 = arith.cmpi slt, %get3A_325, %lt3A_327 : vector<16xi32>
    %select_n3A_329 = arith.select %lt3A_328, %get3A_325, %add3A_14 : vector<16xi1>, vector<16xi32>
    %swap3A_330 = arith.constant 1 : i32
    %swap3A_331 = arith.index_cast %swap3A_330 : i32 to index
    %swap3A_332 = arith.constant 80 : index
    %swap3A_333 = tpu.vector_load %arg8[%swap3A_331, %swap3A_332] {strides = array<i32>} : memref<2x128xi32, #tpu.memory_space<vmem>>, vector<1x16xi32>,
    %swap3A_334 = vector.shape_cast %swap3A_333 : vector<1x16xi32> to vector<16xi32>
    %swap3A_335 = vector.shape_cast %select_n3A_329 : vector<16xi32> to vector<1x16xi32>
    tpu.vector_store %arg8[%swap3A_331, %swap3A_332], %swap3A_335 {strides = array<i32>} : memref<2x128xi32, #tpu.memory_space<vmem>>, vector<1x16xi32>,
    %sub3A_336 = arith.constant 5000 : i32
    %sub3A_337 = vector.broadcast %sub3A_336 : i32 to vector<16xi32>
    %sub3A_338 = arith.subi %get3A_325, %sub3A_337 : vector<16xi32>
    %select_n3A_339 = arith.select %lt3A_328, %add3A_14, %sub3A_338 : vector<16xi1>, vector<16xi32>
    %swap3A_340 = arith.constant 1 : i32
    %swap3A_341 = arith.index_cast %swap3A_340 : i32 to index
    %swap3A_342 = arith.constant 80 : index
    %swap3A_343 = tpu.vector_load %arg9[%swap3A_341, %swap3A_342] {strides = array<i32>} : memref<2x128xi32, #tpu.memory_space<vmem>>, vector<1x16xi32>,
    %swap3A_344 = vector.shape_cast %swap3A_343 : vector<1x16xi32> to vector<16xi32>
    %swap3A_345 = vector.shape_cast %select_n3A_339 : vector<16xi32> to vector<1x16xi32>
    tpu.vector_store %arg9[%swap3A_341, %swap3A_342], %swap3A_345 {strides = array<i32>} : memref<2x128xi32, #tpu.memory_space<vmem>>, vector<1x16xi32>,
    %get3A_346 = arith.constant 224 : index
    %get3A_347 = tpu.vector_load %arg7[%get3A_346] {strides = array<i32>} : memref<10112xi32, #tpu.memory_space<vmem>>, vector<16xi32>,
    %get3A_348 = vector.shape_cast %get3A_347 : vector<16xi32> to vector<16xi32>
    %lt3A_349 = arith.constant 5000 : i32
    %lt3A_350 = vector.broadcast %lt3A_349 : i32 to vector<16xi32>
    %lt3A_351 = arith.cmpi slt, %get3A_348, %lt3A_350 : vector<16xi32>
    %select_n3A_352 = arith.select %lt3A_351, %get3A_348, %add3A_14 : vector<16xi1>, vector<16xi32>
    %swap3A_353 = arith.constant 1 : i32
    %swap3A_354 = arith.index_cast %swap3A_353 : i32 to index
    %swap3A_355 = arith.constant 96 : index
    %swap3A_356 = tpu.vector_load %arg8[%swap3A_354, %swap3A_355] {strides = array<i32>} : memref<2x128xi32, #tpu.memory_space<vmem>>, vector<1x16xi32>,
    %swap3A_357 = vector.shape_cast %swap3A_356 : vector<1x16xi32> to vector<16xi32>
    %swap3A_358 = vector.shape_cast %select_n3A_352 : vector<16xi32> to vector<1x16xi32>
    tpu.vector_store %arg8[%swap3A_354, %swap3A_355], %swap3A_358 {strides = array<i32>} : memref<2x128xi32, #tpu.memory_space<vmem>>, vector<1x16xi32>,
    %sub3A_359 = arith.constant 5000 : i32
    %sub3A_360 = vector.broadcast %sub3A_359 : i32 to vector<16xi32>
    %sub3A_361 = arith.subi %get3A_348, %sub3A_360 : vector<16xi32>
    %select_n3A_362 = arith.select %lt3A_351, %add3A_14, %sub3A_361 : vector<16xi1>, vector<16xi32>
    %swap3A_363 = arith.constant 1 : i32
    %swap3A_364 = arith.index_cast %swap3A_363 : i32 to index
    %swap3A_365 = arith.constant 96 : index
    %swap3A_366 = tpu.vector_load %arg9[%swap3A_364, %swap3A_365] {strides = array<i32>} : memref<2x128xi32, #tpu.memory_space<vmem>>, vector<1x16xi32>,
    %swap3A_367 = vector.shape_cast %swap3A_366 : vector<1x16xi32> to vector<16xi32>
    %swap3A_368 = vector.shape_cast %select_n3A_362 : vector<16xi32> to vector<1x16xi32>
    tpu.vector_store %arg9[%swap3A_364, %swap3A_365], %swap3A_368 {strides = array<i32>} : memref<2x128xi32, #tpu.memory_space<vmem>>, vector<1x16xi32>,
    %get3A_369 = arith.constant 240 : index
    %get3A_370 = tpu.vector_load %arg7[%get3A_369] {strides = array<i32>} : memref<10112xi32, #tpu.memory_space<vmem>>, vector<16xi32>,
    %get3A_371 = vector.shape_cast %get3A_370 : vector<16xi32> to vector<16xi32>
    %lt3A_372 = arith.constant 5000 : i32
    %lt3A_373 = vector.broadcast %lt3A_372 : i32 to vector<16xi32>
    %lt3A_374 = arith.cmpi slt, %get3A_371, %lt3A_373 : vector<16xi32>
    %select_n3A_375 = arith.select %lt3A_374, %get3A_371, %add3A_14 : vector<16xi1>, vector<16xi32>
    %swap3A_376 = arith.constant 1 : i32
    %swap3A_377 = arith.index_cast %swap3A_376 : i32 to index
    %swap3A_378 = arith.constant 112 : index
    %swap3A_379 = tpu.vector_load %arg8[%swap3A_377, %swap3A_378] {strides = array<i32>} : memref<2x128xi32, #tpu.memory_space<vmem>>, vector<1x16xi32>,
    %swap3A_380 = vector.shape_cast %swap3A_379 : vector<1x16xi32> to vector<16xi32>
    %swap3A_381 = vector.shape_cast %select_n3A_375 : vector<16xi32> to vector<1x16xi32>
    tpu.vector_store %arg8[%swap3A_377, %swap3A_378], %swap3A_381 {strides = array<i32>} : memref<2x128xi32, #tpu.memory_space<vmem>>, vector<1x16xi32>,
    %sub3A_382 = arith.constant 5000 : i32
    %sub3A_383 = vector.broadcast %sub3A_382 : i32 to vector<16xi32>
    %sub3A_384 = arith.subi %get3A_371, %sub3A_383 : vector<16xi32>
    %select_n3A_385 = arith.select %lt3A_374, %add3A_14, %sub3A_384 : vector<16xi1>, vector<16xi32>
    %swap3A_386 = arith.constant 1 : i32
    %swap3A_387 = arith.index_cast %swap3A_386 : i32 to index
    %swap3A_388 = arith.constant 112 : index
    %swap3A_389 = tpu.vector_load %arg9[%swap3A_387, %swap3A_388] {strides = array<i32>} : memref<2x128xi32, #tpu.memory_space<vmem>>, vector<1x16xi32>,
    %swap3A_390 = vector.shape_cast %swap3A_389 : vector<1x16xi32> to vector<16xi32>
    %swap3A_391 = vector.shape_cast %select_n3A_385 : vector<16xi32> to vector<1x16xi32>
    tpu.vector_store %arg9[%swap3A_387, %swap3A_388], %swap3A_391 {strides = array<i32>} : memref<2x128xi32, #tpu.memory_space<vmem>>, vector<1x16xi32>,
    %dma_start3A_392 = arith.constant 1 : i32
    %dma_start3A_393 = arith.constant 0 : i32
    %dma_start3A_394 = tpu.memref_slice %arg8[%dma_start3A_392, %dma_start3A_393] : memref<2x128xi32, #tpu.memory_space<vmem>> -> memref<1x128xi32, #tpu.memory_space<vmem>>
    %dma_start3A_395 = tpu.memref_squeeze %dma_start3A_394 : memref<1x128xi32, #tpu.memory_space<vmem>> -> memref<128xi32, #tpu.memory_space<vmem>>
    %dma_start3A_396 = arith.constant 0 : i32
    %dma_start3A_397 = arith.constant 0 : i32
    %dma_start3A_398 = tpu.memref_slice %arg12[%dma_start3A_396, %dma_start3A_397] : memref<5008x16xf32, #tpu.memory_space<vmem_shared>> -> memref<5008x16xf32, #tpu.memory_space<vmem_shared>>
    tpu.enqueue_indirect_dma source(%arg10 : memref<128x16xf32, #tpu.memory_space<vmem>>) target(%dma_start3A_398 : memref<5008x16xf32, #tpu.memory_space<vmem_shared>>) offsets(%dma_start3A_395 : memref<128xi32, #tpu.memory_space<vmem>>) semaphore(%arg14 : memref<!tpu.dma_semaphore, #tpu.memory_space<semaphore_mem>>) {add = true}
    %dma_start3A_399 = arith.constant 1 : i32
    %dma_start3A_400 = arith.constant 0 : i32
    %dma_start3A_401 = tpu.memref_slice %arg9[%dma_start3A_399, %dma_start3A_400] : memref<2x128xi32, #tpu.memory_space<vmem>> -> memref<1x128xi32, #tpu.memory_space<vmem>>
    %dma_start3A_402 = tpu.memref_squeeze %dma_start3A_401 : memref<1x128xi32, #tpu.memory_space<vmem>> -> memref<128xi32, #tpu.memory_space<vmem>>
    %dma_start3A_403 = arith.constant 0 : i32
    %dma_start3A_404 = arith.constant 0 : i32
    %dma_start3A_405 = tpu.memref_slice %arg12[%dma_start3A_403, %dma_start3A_404] : memref<5008x16xf32, #tpu.memory_space<vmem_shared>> -> memref<5008x16xf32, #tpu.memory_space<vmem_shared>>
    tpu.enqueue_indirect_dma source(%arg11 : memref<128x16xf32, #tpu.memory_space<vmem>>) target(%dma_start3A_405 : memref<5008x16xf32, #tpu.memory_space<vmem_shared>>) offsets(%dma_start3A_402 : memref<128xi32, #tpu.memory_space<vmem>>) semaphore(%arg16 : memref<!tpu.dma_semaphore, #tpu.memory_space<semaphore_mem>>) {add = true}
    %scan3A = arith.constant 0 : i32
    %scan3A_406 = arith.constant 0 : i32
    %scan3A_407 = arith.constant 38 : i32
    %scan3A_408 = arith.addi %scan3A_406, %scan3A_407 : i32
    %scan3A_409 = arith.constant 1 : i32
    %scan3A_410 = scf.for %scan3A_442 = %scan3A_406 to %scan3A_408 step %scan3A_409 iter_args(%scan3A_443 = %scan3A) -> (i32)  : i32 {
      %mul3A_444 = arith.constant 2 : i32
      %mul3A_445 = arith.muli %mul3A_444, %scan3A_442 : i32
      %dma_wait3A_446 = arith.constant 0 : i32
      %dma_wait3A_447 = arith.constant 0 : i32
      %dma_wait3A_448 = tpu.memref_slice %arg8[%dma_wait3A_446, %dma_wait3A_447] : memref<2x128xi32, #tpu.memory_space<vmem>> -> memref<1x128xi32, #tpu.memory_space<vmem>>
      %dma_wait3A_449 = tpu.memref_squeeze %dma_wait3A_448 : memref<1x128xi32, #tpu.memory_space<vmem>> -> memref<128xi32, #tpu.memory_space<vmem>>
      %dma_wait3A_450 = arith.constant 0 : i32
      %dma_wait3A_451 = arith.constant 0 : i32
      %dma_wait3A_452 = tpu.memref_slice %arg12[%dma_wait3A_450, %dma_wait3A_451] : memref<5008x16xf32, #tpu.memory_space<vmem_shared>> -> memref<5008x16xf32, #tpu.memory_space<vmem_shared>>
      tpu.wait_indirect_dma semaphore(%arg13 : memref<!tpu.dma_semaphore, #tpu.memory_space<semaphore_mem>>) src(%arg10 : memref<128x16xf32, #tpu.memory_space<vmem>>) dst(%dma_wait3A_452 : memref<5008x16xf32, #tpu.memory_space<vmem_shared>>)
      %dma_wait3A_453 = arith.constant 0 : i32
      %dma_wait3A_454 = arith.constant 0 : i32
      %dma_wait3A_455 = tpu.memref_slice %arg9[%dma_wait3A_453, %dma_wait3A_454] : memref<2x128xi32, #tpu.memory_space<vmem>> -> memref<1x128xi32, #tpu.memory_space<vmem>>
      %dma_wait3A_456 = tpu.memref_squeeze %dma_wait3A_455 : memref<1x128xi32, #tpu.memory_space<vmem>> -> memref<128xi32, #tpu.memory_space<vmem>>
      %dma_wait3A_457 = arith.constant 0 : i32
      %dma_wait3A_458 = arith.constant 0 : i32
      %dma_wait3A_459 = tpu.memref_slice %arg12[%dma_wait3A_457, %dma_wait3A_458] : memref<5008x16xf32, #tpu.memory_space<vmem_shared>> -> memref<5008x16xf32, #tpu.memory_space<vmem_shared>>
      tpu.wait_indirect_dma semaphore(%arg15 : memref<!tpu.dma_semaphore, #tpu.memory_space<semaphore_mem>>) src(%arg11 : memref<128x16xf32, #tpu.memory_space<vmem>>) dst(%dma_wait3A_459 : memref<5008x16xf32, #tpu.memory_space<vmem_shared>>)
      %add3A_460 = arith.constant 2 : i32
      %add3A_461 = arith.addi %mul3A_445, %add3A_460 : i32
      %add3A_462 = arith.constant 0 : i32
      %add3A_463 = arith.addi %add3A_461, %add3A_462 : i32
      %min3A = arith.constant 77 : i32
      %min3A_464 = arith.minsi %add3A_463, %min3A : i32
      %mul3A_465 = arith.constant 128 : i32
      %mul3A_466 = arith.muli %min3A_464, %mul3A_465 : i32
      %add3A_467 = arith.constant 0 : i32
      %add3A_468 = arith.addi %mul3A_466, %add3A_467 : i32
      %get3A_469 = arith.index_cast %add3A_468 : i32 to index
      %get3A_470 = tpu.vector_load %arg7[%get3A_469] {strides = array<i32>} : memref<10112xi32, #tpu.memory_space<vmem>>, vector<16xi32>,
      %get3A_471 = vector.shape_cast %get3A_470 : vector<16xi32> to vector<16xi32>
      %lt3A_472 = arith.constant 5000 : i32
      %lt3A_473 = vector.broadcast %lt3A_472 : i32 to vector<16xi32>
      %lt3A_474 = arith.cmpi slt, %get3A_471, %lt3A_473 : vector<16xi32>
      %select_n3A_475 = arith.select %lt3A_474, %get3A_471, %add3A_14 : vector<16xi1>, vector<16xi32>
      %swap3A_476 = arith.constant 0 : i32
      %swap3A_477 = arith.index_cast %swap3A_476 : i32 to index
      %swap3A_478 = arith.constant 0 : index
      %swap3A_479 = tpu.vector_load %arg8[%swap3A_477, %swap3A_478] {strides = array<i32>} : memref<2x128xi32, #tpu.memory_space<vmem>>, vector<1x16xi32>,
      %swap3A_480 = vector.shape_cast %swap3A_479 : vector<1x16xi32> to vector<16xi32>
      %swap3A_481 = vector.shape_cast %select_n3A_475 : vector<16xi32> to vector<1x16xi32>
      tpu.vector_store %arg8[%swap3A_477, %swap3A_478], %swap3A_481 {strides = array<i32>} : memref<2x128xi32, #tpu.memory_space<vmem>>, vector<1x16xi32>,
      %sub3A_482 = arith.constant 5000 : i32
      %sub3A_483 = vector.broadcast %sub3A_482 : i32 to vector<16xi32>
      %sub3A_484 = arith.subi %get3A_471, %sub3A_483 : vector<16xi32>
      %select_n3A_485 = arith.select %lt3A_474, %add3A_14, %sub3A_484 : vector<16xi1>, vector<16xi32>
      %swap3A_486 = arith.constant 0 : i32
      %swap3A_487 = arith.index_cast %swap3A_486 : i32 to index
      %swap3A_488 = arith.constant 0 : index
      %swap3A_489 = tpu.vector_load %arg9[%swap3A_487, %swap3A_488] {strides = array<i32>} : memref<2x128xi32, #tpu.memory_space<vmem>>, vector<1x16xi32>,
      %swap3A_490 = vector.shape_cast %swap3A_489 : vector<1x16xi32> to vector<16xi32>
      %swap3A_491 = vector.shape_cast %select_n3A_485 : vector<16xi32> to vector<1x16xi32>
      tpu.vector_store %arg9[%swap3A_487, %swap3A_488], %swap3A_491 {strides = array<i32>} : memref<2x128xi32, #tpu.memory_space<vmem>>, vector<1x16xi32>,
      %mul3A_492 = arith.constant 128 : i32
      %mul3A_493 = arith.muli %min3A_464, %mul3A_492 : i32
      %add3A_494 = arith.constant 16 : i32
      %add3A_495 = arith.addi %mul3A_493, %add3A_494 : i32
      %get3A_496 = arith.index_cast %add3A_495 : i32 to index
      %get3A_497 = tpu.vector_load %arg7[%get3A_496] {strides = array<i32>} : memref<10112xi32, #tpu.memory_space<vmem>>, vector<16xi32>,
      %get3A_498 = vector.shape_cast %get3A_497 : vector<16xi32> to vector<16xi32>
      %lt3A_499 = arith.constant 5000 : i32
      %lt3A_500 = vector.broadcast %lt3A_499 : i32 to vector<16xi32>
      %lt3A_501 = arith.cmpi slt, %get3A_498, %lt3A_500 : vector<16xi32>
      %select_n3A_502 = arith.select %lt3A_501, %get3A_498, %add3A_14 : vector<16xi1>, vector<16xi32>
      %swap3A_503 = arith.constant 0 : i32
      %swap3A_504 = arith.index_cast %swap3A_503 : i32 to index
      %swap3A_505 = arith.constant 16 : index
      %swap3A_506 = tpu.vector_load %arg8[%swap3A_504, %swap3A_505] {strides = array<i32>} : memref<2x128xi32, #tpu.memory_space<vmem>>, vector<1x16xi32>,
      %swap3A_507 = vector.shape_cast %swap3A_506 : vector<1x16xi32> to vector<16xi32>
      %swap3A_508 = vector.shape_cast %select_n3A_502 : vector<16xi32> to vector<1x16xi32>
      tpu.vector_store %arg8[%swap3A_504, %swap3A_505], %swap3A_508 {strides = array<i32>} : memref<2x128xi32, #tpu.memory_space<vmem>>, vector<1x16xi32>,
      %sub3A_509 = arith.constant 5000 : i32
      %sub3A_510 = vector.broadcast %sub3A_509 : i32 to vector<16xi32>
      %sub3A_511 = arith.subi %get3A_498, %sub3A_510 : vector<16xi32>
      %select_n3A_512 = arith.select %lt3A_501, %add3A_14, %sub3A_511 : vector<16xi1>, vector<16xi32>
      %swap3A_513 = arith.constant 0 : i32
      %swap3A_514 = arith.index_cast %swap3A_513 : i32 to index
      %swap3A_515 = arith.constant 16 : index
      %swap3A_516 = tpu.vector_load %arg9[%swap3A_514, %swap3A_515] {strides = array<i32>} : memref<2x128xi32, #tpu.memory_space<vmem>>, vector<1x16xi32>,
      %swap3A_517 = vector.shape_cast %swap3A_516 : vector<1x16xi32> to vector<16xi32>
      %swap3A_518 = vector.shape_cast %select_n3A_512 : vector<16xi32> to vector<1x16xi32>
      tpu.vector_store %arg9[%swap3A_514, %swap3A_515], %swap3A_518 {strides = array<i32>} : memref<2x128xi32, #tpu.memory_space<vmem>>, vector<1x16xi32>,
      %mul3A_519 = arith.constant 128 : i32
      %mul3A_520 = arith.muli %min3A_464, %mul3A_519 : i32
      %add3A_521 = arith.constant 32 : i32
      %add3A_522 = arith.addi %mul3A_520, %add3A_521 : i32
      %get3A_523 = arith.index_cast %add3A_522 : i32 to index
      %get3A_524 = tpu.vector_load %arg7[%get3A_523] {strides = array<i32>} : memref<10112xi32, #tpu.memory_space<vmem>>, vector<16xi32>,
      %get3A_525 = vector.shape_cast %get3A_524 : vector<16xi32> to vector<16xi32>
      %lt3A_526 = arith.constant 5000 : i32
      %lt3A_527 = vector.broadcast %lt3A_526 : i32 to vector<16xi32>
      %lt3A_528 = arith.cmpi slt, %get3A_525, %lt3A_527 : vector<16xi32>
      %select_n3A_529 = arith.select %lt3A_528, %get3A_525, %add3A_14 : vector<16xi1>, vector<16xi32>
      %swap3A_530 = arith.constant 0 : i32
      %swap3A_531 = arith.index_cast %swap3A_530 : i32 to index
      %swap3A_532 = arith.constant 32 : index
      %swap3A_533 = tpu.vector_load %arg8[%swap3A_531, %swap3A_532] {strides = array<i32>} : memref<2x128xi32, #tpu.memory_space<vmem>>, vector<1x16xi32>,
      %swap3A_534 = vector.shape_cast %swap3A_533 : vector<1x16xi32> to vector<16xi32>
      %swap3A_535 = vector.shape_cast %select_n3A_529 : vector<16xi32> to vector<1x16xi32>
      tpu.vector_store %arg8[%swap3A_531, %swap3A_532], %swap3A_535 {strides = array<i32>} : memref<2x128xi32, #tpu.memory_space<vmem>>, vector<1x16xi32>,
      %sub3A_536 = arith.constant 5000 : i32
      %sub3A_537 = vector.broadcast %sub3A_536 : i32 to vector<16xi32>
      %sub3A_538 = arith.subi %get3A_525, %sub3A_537 : vector<16xi32>
      %select_n3A_539 = arith.select %lt3A_528, %add3A_14, %sub3A_538 : vector<16xi1>, vector<16xi32>
      %swap3A_540 = arith.constant 0 : i32
      %swap3A_541 = arith.index_cast %swap3A_540 : i32 to index
      %swap3A_542 = arith.constant 32 : index
      %swap3A_543 = tpu.vector_load %arg9[%swap3A_541, %swap3A_542] {strides = array<i32>} : memref<2x128xi32, #tpu.memory_space<vmem>>, vector<1x16xi32>,
      %swap3A_544 = vector.shape_cast %swap3A_543 : vector<1x16xi32> to vector<16xi32>
      %swap3A_545 = vector.shape_cast %select_n3A_539 : vector<16xi32> to vector<1x16xi32>
      tpu.vector_store %arg9[%swap3A_541, %swap3A_542], %swap3A_545 {strides = array<i32>} : memref<2x128xi32, #tpu.memory_space<vmem>>, vector<1x16xi32>,
      %mul3A_546 = arith.constant 128 : i32
      %mul3A_547 = arith.muli %min3A_464, %mul3A_546 : i32
      %add3A_548 = arith.constant 48 : i32
      %add3A_549 = arith.addi %mul3A_547, %add3A_548 : i32
      %get3A_550 = arith.index_cast %add3A_549 : i32 to index
      %get3A_551 = tpu.vector_load %arg7[%get3A_550] {strides = array<i32>} : memref<10112xi32, #tpu.memory_space<vmem>>, vector<16xi32>,
      %get3A_552 = vector.shape_cast %get3A_551 : vector<16xi32> to vector<16xi32>
      %lt3A_553 = arith.constant 5000 : i32
      %lt3A_554 = vector.broadcast %lt3A_553 : i32 to vector<16xi32>
      %lt3A_555 = arith.cmpi slt, %get3A_552, %lt3A_554 : vector<16xi32>
      %select_n3A_556 = arith.select %lt3A_555, %get3A_552, %add3A_14 : vector<16xi1>, vector<16xi32>
      %swap3A_557 = arith.constant 0 : i32
      %swap3A_558 = arith.index_cast %swap3A_557 : i32 to index
      %swap3A_559 = arith.constant 48 : index
      %swap3A_560 = tpu.vector_load %arg8[%swap3A_558, %swap3A_559] {strides = array<i32>} : memref<2x128xi32, #tpu.memory_space<vmem>>, vector<1x16xi32>,
      %swap3A_561 = vector.shape_cast %swap3A_560 : vector<1x16xi32> to vector<16xi32>
      %swap3A_562 = vector.shape_cast %select_n3A_556 : vector<16xi32> to vector<1x16xi32>
      tpu.vector_store %arg8[%swap3A_558, %swap3A_559], %swap3A_562 {strides = array<i32>} : memref<2x128xi32, #tpu.memory_space<vmem>>, vector<1x16xi32>,
      %sub3A_563 = arith.constant 5000 : i32
      %sub3A_564 = vector.broadcast %sub3A_563 : i32 to vector<16xi32>
      %sub3A_565 = arith.subi %get3A_552, %sub3A_564 : vector<16xi32>
      %select_n3A_566 = arith.select %lt3A_555, %add3A_14, %sub3A_565 : vector<16xi1>, vector<16xi32>
      %swap3A_567 = arith.constant 0 : i32
      %swap3A_568 = arith.index_cast %swap3A_567 : i32 to index
      %swap3A_569 = arith.constant 48 : index
      %swap3A_570 = tpu.vector_load %arg9[%swap3A_568, %swap3A_569] {strides = array<i32>} : memref<2x128xi32, #tpu.memory_space<vmem>>, vector<1x16xi32>,
      %swap3A_571 = vector.shape_cast %swap3A_570 : vector<1x16xi32> to vector<16xi32>
      %swap3A_572 = vector.shape_cast %select_n3A_566 : vector<16xi32> to vector<1x16xi32>
      tpu.vector_store %arg9[%swap3A_568, %swap3A_569], %swap3A_572 {strides = array<i32>} : memref<2x128xi32, #tpu.memory_space<vmem>>, vector<1x16xi32>,
      %mul3A_573 = arith.constant 128 : i32
      %mul3A_574 = arith.muli %min3A_464, %mul3A_573 : i32
      %add3A_575 = arith.constant 64 : i32
      %add3A_576 = arith.addi %mul3A_574, %add3A_575 : i32
      %get3A_577 = arith.index_cast %add3A_576 : i32 to index
      %get3A_578 = tpu.vector_load %arg7[%get3A_577] {strides = array<i32>} : memref<10112xi32, #tpu.memory_space<vmem>>, vector<16xi32>,
      %get3A_579 = vector.shape_cast %get3A_578 : vector<16xi32> to vector<16xi32>
      %lt3A_580 = arith.constant 5000 : i32
      %lt3A_581 = vector.broadcast %lt3A_580 : i32 to vector<16xi32>
      %lt3A_582 = arith.cmpi slt, %get3A_579, %lt3A_581 : vector<16xi32>
      %select_n3A_583 = arith.select %lt3A_582, %get3A_579, %add3A_14 : vector<16xi1>, vector<16xi32>
      %swap3A_584 = arith.constant 0 : i32
      %swap3A_585 = arith.index_cast %swap3A_584 : i32 to index
      %swap3A_586 = arith.constant 64 : index
      %swap3A_587 = tpu.vector_load %arg8[%swap3A_585, %swap3A_586] {strides = array<i32>} : memref<2x128xi32, #tpu.memory_space<vmem>>, vector<1x16xi32>,
      %swap3A_588 = vector.shape_cast %swap3A_587 : vector<1x16xi32> to vector<16xi32>
      %swap3A_589 = vector.shape_cast %select_n3A_583 : vector<16xi32> to vector<1x16xi32>
      tpu.vector_store %arg8[%swap3A_585, %swap3A_586], %swap3A_589 {strides = array<i32>} : memref<2x128xi32, #tpu.memory_space<vmem>>, vector<1x16xi32>,
      %sub3A_590 = arith.constant 5000 : i32
      %sub3A_591 = vector.broadcast %sub3A_590 : i32 to vector<16xi32>
      %sub3A_592 = arith.subi %get3A_579, %sub3A_591 : vector<16xi32>
      %select_n3A_593 = arith.select %lt3A_582, %add3A_14, %sub3A_592 : vector<16xi1>, vector<16xi32>
      %swap3A_594 = arith.constant 0 : i32
      %swap3A_595 = arith.index_cast %swap3A_594 : i32 to index
      %swap3A_596 = arith.constant 64 : index
      %swap3A_597 = tpu.vector_load %arg9[%swap3A_595, %swap3A_596] {strides = array<i32>} : memref<2x128xi32, #tpu.memory_space<vmem>>, vector<1x16xi32>,
      %swap3A_598 = vector.shape_cast %swap3A_597 : vector<1x16xi32> to vector<16xi32>
      %swap3A_599 = vector.shape_cast %select_n3A_593 : vector<16xi32> to vector<1x16xi32>
      tpu.vector_store %arg9[%swap3A_595, %swap3A_596], %swap3A_599 {strides = array<i32>} : memref<2x128xi32, #tpu.memory_space<vmem>>, vector<1x16xi32>,
      %mul3A_600 = arith.constant 128 : i32
      %mul3A_601 = arith.muli %min3A_464, %mul3A_600 : i32
      %add3A_602 = arith.constant 80 : i32
      %add3A_603 = arith.addi %mul3A_601, %add3A_602 : i32
      %get3A_604 = arith.index_cast %add3A_603 : i32 to index
      %get3A_605 = tpu.vector_load %arg7[%get3A_604] {strides = array<i32>} : memref<10112xi32, #tpu.memory_space<vmem>>, vector<16xi32>,
      %get3A_606 = vector.shape_cast %get3A_605 : vector<16xi32> to vector<16xi32>
      %lt3A_607 = arith.constant 5000 : i32
      %lt3A_608 = vector.broadcast %lt3A_607 : i32 to vector<16xi32>
      %lt3A_609 = arith.cmpi slt, %get3A_606, %lt3A_608 : vector<16xi32>
      %select_n3A_610 = arith.select %lt3A_609, %get3A_606, %add3A_14 : vector<16xi1>, vector<16xi32>
      %swap3A_611 = arith.constant 0 : i32
      %swap3A_612 = arith.index_cast %swap3A_611 : i32 to index
      %swap3A_613 = arith.constant 80 : index
      %swap3A_614 = tpu.vector_load %arg8[%swap3A_612, %swap3A_613] {strides = array<i32>} : memref<2x128xi32, #tpu.memory_space<vmem>>, vector<1x16xi32>,
      %swap3A_615 = vector.shape_cast %swap3A_614 : vector<1x16xi32> to vector<16xi32>
      %swap3A_616 = vector.shape_cast %select_n3A_610 : vector<16xi32> to vector<1x16xi32>
      tpu.vector_store %arg8[%swap3A_612, %swap3A_613], %swap3A_616 {strides = array<i32>} : memref<2x128xi32, #tpu.memory_space<vmem>>, vector<1x16xi32>,
      %sub3A_617 = arith.constant 5000 : i32
      %sub3A_618 = vector.broadcast %sub3A_617 : i32 to vector<16xi32>
      %sub3A_619 = arith.subi %get3A_606, %sub3A_618 : vector<16xi32>
      %select_n3A_620 = arith.select %lt3A_609, %add3A_14, %sub3A_619 : vector<16xi1>, vector<16xi32>
      %swap3A_621 = arith.constant 0 : i32
      %swap3A_622 = arith.index_cast %swap3A_621 : i32 to index
      %swap3A_623 = arith.constant 80 : index
      %swap3A_624 = tpu.vector_load %arg9[%swap3A_622, %swap3A_623] {strides = array<i32>} : memref<2x128xi32, #tpu.memory_space<vmem>>, vector<1x16xi32>,
      %swap3A_625 = vector.shape_cast %swap3A_624 : vector<1x16xi32> to vector<16xi32>
      %swap3A_626 = vector.shape_cast %select_n3A_620 : vector<16xi32> to vector<1x16xi32>
      tpu.vector_store %arg9[%swap3A_622, %swap3A_623], %swap3A_626 {strides = array<i32>} : memref<2x128xi32, #tpu.memory_space<vmem>>, vector<1x16xi32>,
      %mul3A_627 = arith.constant 128 : i32
      %mul3A_628 = arith.muli %min3A_464, %mul3A_627 : i32
      %add3A_629 = arith.constant 96 : i32
      %add3A_630 = arith.addi %mul3A_628, %add3A_629 : i32
      %get3A_631 = arith.index_cast %add3A_630 : i32 to index
      %get3A_632 = tpu.vector_load %arg7[%get3A_631] {strides = array<i32>} : memref<10112xi32, #tpu.memory_space<vmem>>, vector<16xi32>,
      %get3A_633 = vector.shape_cast %get3A_632 : vector<16xi32> to vector<16xi32>
      %lt3A_634 = arith.constant 5000 : i32
      %lt3A_635 = vector.broadcast %lt3A_634 : i32 to vector<16xi32>
      %lt3A_636 = arith.cmpi slt, %get3A_633, %lt3A_635 : vector<16xi32>
      %select_n3A_637 = arith.select %lt3A_636, %get3A_633, %add3A_14 : vector<16xi1>, vector<16xi32>
      %swap3A_638 = arith.constant 0 : i32
      %swap3A_639 = arith.index_cast %swap3A_638 : i32 to index
      %swap3A_640 = arith.constant 96 : index
      %swap3A_641 = tpu.vector_load %arg8[%swap3A_639, %swap3A_640] {strides = array<i32>} : memref<2x128xi32, #tpu.memory_space<vmem>>, vector<1x16xi32>,
      %swap3A_642 = vector.shape_cast %swap3A_641 : vector<1x16xi32> to vector<16xi32>
      %swap3A_643 = vector.shape_cast %select_n3A_637 : vector<16xi32> to vector<1x16xi32>
      tpu.vector_store %arg8[%swap3A_639, %swap3A_640], %swap3A_643 {strides = array<i32>} : memref<2x128xi32, #tpu.memory_space<vmem>>, vector<1x16xi32>,
      %sub3A_644 = arith.constant 5000 : i32
      %sub3A_645 = vector.broadcast %sub3A_644 : i32 to vector<16xi32>
      %sub3A_646 = arith.subi %get3A_633, %sub3A_645 : vector<16xi32>
      %select_n3A_647 = arith.select %lt3A_636, %add3A_14, %sub3A_646 : vector<16xi1>, vector<16xi32>
      %swap3A_648 = arith.constant 0 : i32
      %swap3A_649 = arith.index_cast %swap3A_648 : i32 to index
      %swap3A_650 = arith.constant 96 : index
      %swap3A_651 = tpu.vector_load %arg9[%swap3A_649, %swap3A_650] {strides = array<i32>} : memref<2x128xi32, #tpu.memory_space<vmem>>, vector<1x16xi32>,
      %swap3A_652 = vector.shape_cast %swap3A_651 : vector<1x16xi32> to vector<16xi32>
      %swap3A_653 = vector.shape_cast %select_n3A_647 : vector<16xi32> to vector<1x16xi32>
      tpu.vector_store %arg9[%swap3A_649, %swap3A_650], %swap3A_653 {strides = array<i32>} : memref<2x128xi32, #tpu.memory_space<vmem>>, vector<1x16xi32>,
      %mul3A_654 = arith.constant 128 : i32
      %mul3A_655 = arith.muli %min3A_464, %mul3A_654 : i32
      %add3A_656 = arith.constant 112 : i32
      %add3A_657 = arith.addi %mul3A_655, %add3A_656 : i32
      %get3A_658 = arith.index_cast %add3A_657 : i32 to index
      %get3A_659 = tpu.vector_load %arg7[%get3A_658] {strides = array<i32>} : memref<10112xi32, #tpu.memory_space<vmem>>, vector<16xi32>,
      %get3A_660 = vector.shape_cast %get3A_659 : vector<16xi32> to vector<16xi32>
      %lt3A_661 = arith.constant 5000 : i32
      %lt3A_662 = vector.broadcast %lt3A_661 : i32 to vector<16xi32>
      %lt3A_663 = arith.cmpi slt, %get3A_660, %lt3A_662 : vector<16xi32>
      %select_n3A_664 = arith.select %lt3A_663, %get3A_660, %add3A_14 : vector<16xi1>, vector<16xi32>
      %swap3A_665 = arith.constant 0 : i32
      %swap3A_666 = arith.index_cast %swap3A_665 : i32 to index
      %swap3A_667 = arith.constant 112 : index
      %swap3A_668 = tpu.vector_load %arg8[%swap3A_666, %swap3A_667] {strides = array<i32>} : memref<2x128xi32, #tpu.memory_space<vmem>>, vector<1x16xi32>,
      %swap3A_669 = vector.shape_cast %swap3A_668 : vector<1x16xi32> to vector<16xi32>
      %swap3A_670 = vector.shape_cast %select_n3A_664 : vector<16xi32> to vector<1x16xi32>
      tpu.vector_store %arg8[%swap3A_666, %swap3A_667], %swap3A_670 {strides = array<i32>} : memref<2x128xi32, #tpu.memory_space<vmem>>, vector<1x16xi32>,
      %sub3A_671 = arith.constant 5000 : i32
      %sub3A_672 = vector.broadcast %sub3A_671 : i32 to vector<16xi32>
      %sub3A_673 = arith.subi %get3A_660, %sub3A_672 : vector<16xi32>
      %select_n3A_674 = arith.select %lt3A_663, %add3A_14, %sub3A_673 : vector<16xi1>, vector<16xi32>
      %swap3A_675 = arith.constant 0 : i32
      %swap3A_676 = arith.index_cast %swap3A_675 : i32 to index
      %swap3A_677 = arith.constant 112 : index
      %swap3A_678 = tpu.vector_load %arg9[%swap3A_676, %swap3A_677] {strides = array<i32>} : memref<2x128xi32, #tpu.memory_space<vmem>>, vector<1x16xi32>,
      %swap3A_679 = vector.shape_cast %swap3A_678 : vector<1x16xi32> to vector<16xi32>
      %swap3A_680 = vector.shape_cast %select_n3A_674 : vector<16xi32> to vector<1x16xi32>
      tpu.vector_store %arg9[%swap3A_676, %swap3A_677], %swap3A_680 {strides = array<i32>} : memref<2x128xi32, #tpu.memory_space<vmem>>, vector<1x16xi32>,
      %add3A_681 = arith.constant 2 : i32
      %add3A_682 = arith.addi %mul3A_445, %add3A_681 : i32
      %add3A_683 = arith.constant 0 : i32
      %add3A_684 = arith.addi %add3A_682, %add3A_683 : i32
      %le3A = arith.constant 77 : i32
      %le3A_685 = arith.cmpi sle, %add3A_684, %le3A : i32
      %convert_element_type3A_686 = arith.extui %le3A_685 : i1 to i32
      %cond3A_687 = arith.constant 0 : i32
      %cond3A_688 = arith.cmpi ne, %convert_element_type3A_686, %cond3A_687 : i32
      scf.if %cond3A_688 {
        %dma_start3A_935 = arith.constant 0 : i32
        %dma_start3A_936 = arith.constant 0 : i32
        %dma_start3A_937 = tpu.memref_slice %arg8[%dma_start3A_935, %dma_start3A_936] : memref<2x128xi32, #tpu.memory_space<vmem>> -> memref<1x128xi32, #tpu.memory_space<vmem>>
        %dma_start3A_938 = tpu.memref_squeeze %dma_start3A_937 : memref<1x128xi32, #tpu.memory_space<vmem>> -> memref<128xi32, #tpu.memory_space<vmem>>
        %dma_start3A_939 = arith.constant 0 : i32
        %dma_start3A_940 = arith.constant 0 : i32
        %dma_start3A_941 = tpu.memref_slice %arg12[%dma_start3A_939, %dma_start3A_940] : memref<5008x16xf32, #tpu.memory_space<vmem_shared>> -> memref<5008x16xf32, #tpu.memory_space<vmem_shared>>
        tpu.enqueue_indirect_dma source(%arg10 : memref<128x16xf32, #tpu.memory_space<vmem>>) target(%dma_start3A_941 : memref<5008x16xf32, #tpu.memory_space<vmem_shared>>) offsets(%dma_start3A_938 : memref<128xi32, #tpu.memory_space<vmem>>) semaphore(%arg13 : memref<!tpu.dma_semaphore, #tpu.memory_space<semaphore_mem>>) {add = true}
        %dma_start3A_942 = arith.constant 0 : i32
        %dma_start3A_943 = arith.constant 0 : i32
        %dma_start3A_944 = tpu.memref_slice %arg9[%dma_start3A_942, %dma_start3A_943] : memref<2x128xi32, #tpu.memory_space<vmem>> -> memref<1x128xi32, #tpu.memory_space<vmem>>
        %dma_start3A_945 = tpu.memref_squeeze %dma_start3A_944 : memref<1x128xi32, #tpu.memory_space<vmem>> -> memref<128xi32, #tpu.memory_space<vmem>>
        %dma_start3A_946 = arith.constant 0 : i32
        %dma_start3A_947 = arith.constant 0 : i32
        %dma_start3A_948 = tpu.memref_slice %arg12[%dma_start3A_946, %dma_start3A_947] : memref<5008x16xf32, #tpu.memory_space<vmem_shared>> -> memref<5008x16xf32, #tpu.memory_space<vmem_shared>>
        tpu.enqueue_indirect_dma source(%arg11 : memref<128x16xf32, #tpu.memory_space<vmem>>) target(%dma_start3A_948 : memref<5008x16xf32, #tpu.memory_space<vmem_shared>>) offsets(%dma_start3A_945 : memref<128xi32, #tpu.memory_space<vmem>>) semaphore(%arg15 : memref<!tpu.dma_semaphore, #tpu.memory_space<semaphore_mem>>) {add = true}
      } else {
      }
      %dma_wait3A_689 = arith.constant 1 : i32
      %dma_wait3A_690 = arith.constant 0 : i32
      %dma_wait3A_691 = tpu.memref_slice %arg8[%dma_wait3A_689, %dma_wait3A_690] : memref<2x128xi32, #tpu.memory_space<vmem>> -> memref<1x128xi32, #tpu.memory_space<vmem>>
      %dma_wait3A_692 = tpu.memref_squeeze %dma_wait3A_691 : memref<1x128xi32, #tpu.memory_space<vmem>> -> memref<128xi32, #tpu.memory_space<vmem>>
      %dma_wait3A_693 = arith.constant 0 : i32
      %dma_wait3A_694 = arith.constant 0 : i32
      %dma_wait3A_695 = tpu.memref_slice %arg12[%dma_wait3A_693, %dma_wait3A_694] : memref<5008x16xf32, #tpu.memory_space<vmem_shared>> -> memref<5008x16xf32, #tpu.memory_space<vmem_shared>>
      tpu.wait_indirect_dma semaphore(%arg14 : memref<!tpu.dma_semaphore, #tpu.memory_space<semaphore_mem>>) src(%arg10 : memref<128x16xf32, #tpu.memory_space<vmem>>) dst(%dma_wait3A_695 : memref<5008x16xf32, #tpu.memory_space<vmem_shared>>)
      %dma_wait3A_696 = arith.constant 1 : i32
      %dma_wait3A_697 = arith.constant 0 : i32
      %dma_wait3A_698 = tpu.memref_slice %arg9[%dma_wait3A_696, %dma_wait3A_697] : memref<2x128xi32, #tpu.memory_space<vmem>> -> memref<1x128xi32, #tpu.memory_space<vmem>>
      %dma_wait3A_699 = tpu.memref_squeeze %dma_wait3A_698 : memref<1x128xi32, #tpu.memory_space<vmem>> -> memref<128xi32, #tpu.memory_space<vmem>>
      %dma_wait3A_700 = arith.constant 0 : i32
      %dma_wait3A_701 = arith.constant 0 : i32
      %dma_wait3A_702 = tpu.memref_slice %arg12[%dma_wait3A_700, %dma_wait3A_701] : memref<5008x16xf32, #tpu.memory_space<vmem_shared>> -> memref<5008x16xf32, #tpu.memory_space<vmem_shared>>
      tpu.wait_indirect_dma semaphore(%arg16 : memref<!tpu.dma_semaphore, #tpu.memory_space<semaphore_mem>>) src(%arg11 : memref<128x16xf32, #tpu.memory_space<vmem>>) dst(%dma_wait3A_702 : memref<5008x16xf32, #tpu.memory_space<vmem_shared>>)
      %add3A_703 = arith.constant 2 : i32
      %add3A_704 = arith.addi %mul3A_445, %add3A_703 : i32
      %add3A_705 = arith.constant 1 : i32
      %add3A_706 = arith.addi %add3A_704, %add3A_705 : i32
      %min3A_707 = arith.constant 77 : i32
      %min3A_708 = arith.minsi %add3A_706, %min3A_707 : i32
      %mul3A_709 = arith.constant 128 : i32
      %mul3A_710 = arith.muli %min3A_708, %mul3A_709 : i32
      %add3A_711 = arith.constant 0 : i32
      %add3A_712 = arith.addi %mul3A_710, %add3A_711 : i32
      %get3A_713 = arith.index_cast %add3A_712 : i32 to index
      %get3A_714 = tpu.vector_load %arg7[%get3A_713] {strides = array<i32>} : memref<10112xi32, #tpu.memory_space<vmem>>, vector<16xi32>,
      %get3A_715 = vector.shape_cast %get3A_714 : vector<16xi32> to vector<16xi32>
      %lt3A_716 = arith.constant 5000 : i32
      %lt3A_717 = vector.broadcast %lt3A_716 : i32 to vector<16xi32>
      %lt3A_718 = arith.cmpi slt, %get3A_715, %lt3A_717 : vector<16xi32>
      %select_n3A_719 = arith.select %lt3A_718, %get3A_715, %add3A_14 : vector<16xi1>, vector<16xi32>
      %swap3A_720 = arith.constant 1 : i32
      %swap3A_721 = arith.index_cast %swap3A_720 : i32 to index
      %swap3A_722 = arith.constant 0 : index
      %swap3A_723 = tpu.vector_load %arg8[%swap3A_721, %swap3A_722] {strides = array<i32>} : memref<2x128xi32, #tpu.memory_space<vmem>>, vector<1x16xi32>,
      %swap3A_724 = vector.shape_cast %swap3A_723 : vector<1x16xi32> to vector<16xi32>
      %swap3A_725 = vector.shape_cast %select_n3A_719 : vector<16xi32> to vector<1x16xi32>
      tpu.vector_store %arg8[%swap3A_721, %swap3A_722], %swap3A_725 {strides = array<i32>} : memref<2x128xi32, #tpu.memory_space<vmem>>, vector<1x16xi32>,
      %sub3A_726 = arith.constant 5000 : i32
      %sub3A_727 = vector.broadcast %sub3A_726 : i32 to vector<16xi32>
      %sub3A_728 = arith.subi %get3A_715, %sub3A_727 : vector<16xi32>
      %select_n3A_729 = arith.select %lt3A_718, %add3A_14, %sub3A_728 : vector<16xi1>, vector<16xi32>
      %swap3A_730 = arith.constant 1 : i32
      %swap3A_731 = arith.index_cast %swap3A_730 : i32 to index
      %swap3A_732 = arith.constant 0 : index
      %swap3A_733 = tpu.vector_load %arg9[%swap3A_731, %swap3A_732] {strides = array<i32>} : memref<2x128xi32, #tpu.memory_space<vmem>>, vector<1x16xi32>,
      %swap3A_734 = vector.shape_cast %swap3A_733 : vector<1x16xi32> to vector<16xi32>
      %swap3A_735 = vector.shape_cast %select_n3A_729 : vector<16xi32> to vector<1x16xi32>
      tpu.vector_store %arg9[%swap3A_731, %swap3A_732], %swap3A_735 {strides = array<i32>} : memref<2x128xi32, #tpu.memory_space<vmem>>, vector<1x16xi32>,
      %mul3A_736 = arith.constant 128 : i32
      %mul3A_737 = arith.muli %min3A_708, %mul3A_736 : i32
      %add3A_738 = arith.constant 16 : i32
      %add3A_739 = arith.addi %mul3A_737, %add3A_738 : i32
      %get3A_740 = arith.index_cast %add3A_739 : i32 to index
      %get3A_741 = tpu.vector_load %arg7[%get3A_740] {strides = array<i32>} : memref<10112xi32, #tpu.memory_space<vmem>>, vector<16xi32>,
      %get3A_742 = vector.shape_cast %get3A_741 : vector<16xi32> to vector<16xi32>
      %lt3A_743 = arith.constant 5000 : i32
      %lt3A_744 = vector.broadcast %lt3A_743 : i32 to vector<16xi32>
      %lt3A_745 = arith.cmpi slt, %get3A_742, %lt3A_744 : vector<16xi32>
      %select_n3A_746 = arith.select %lt3A_745, %get3A_742, %add3A_14 : vector<16xi1>, vector<16xi32>
      %swap3A_747 = arith.constant 1 : i32
      %swap3A_748 = arith.index_cast %swap3A_747 : i32 to index
      %swap3A_749 = arith.constant 16 : index
      %swap3A_750 = tpu.vector_load %arg8[%swap3A_748, %swap3A_749] {strides = array<i32>} : memref<2x128xi32, #tpu.memory_space<vmem>>, vector<1x16xi32>,
      %swap3A_751 = vector.shape_cast %swap3A_750 : vector<1x16xi32> to vector<16xi32>
      %swap3A_752 = vector.shape_cast %select_n3A_746 : vector<16xi32> to vector<1x16xi32>
      tpu.vector_store %arg8[%swap3A_748, %swap3A_749], %swap3A_752 {strides = array<i32>} : memref<2x128xi32, #tpu.memory_space<vmem>>, vector<1x16xi32>,
      %sub3A_753 = arith.constant 5000 : i32
      %sub3A_754 = vector.broadcast %sub3A_753 : i32 to vector<16xi32>
      %sub3A_755 = arith.subi %get3A_742, %sub3A_754 : vector<16xi32>
      %select_n3A_756 = arith.select %lt3A_745, %add3A_14, %sub3A_755 : vector<16xi1>, vector<16xi32>
      %swap3A_757 = arith.constant 1 : i32
      %swap3A_758 = arith.index_cast %swap3A_757 : i32 to index
      %swap3A_759 = arith.constant 16 : index
      %swap3A_760 = tpu.vector_load %arg9[%swap3A_758, %swap3A_759] {strides = array<i32>} : memref<2x128xi32, #tpu.memory_space<vmem>>, vector<1x16xi32>,
      %swap3A_761 = vector.shape_cast %swap3A_760 : vector<1x16xi32> to vector<16xi32>
      %swap3A_762 = vector.shape_cast %select_n3A_756 : vector<16xi32> to vector<1x16xi32>
      tpu.vector_store %arg9[%swap3A_758, %swap3A_759], %swap3A_762 {strides = array<i32>} : memref<2x128xi32, #tpu.memory_space<vmem>>, vector<1x16xi32>,
      %mul3A_763 = arith.constant 128 : i32
      %mul3A_764 = arith.muli %min3A_708, %mul3A_763 : i32
      %add3A_765 = arith.constant 32 : i32
      %add3A_766 = arith.addi %mul3A_764, %add3A_765 : i32
      %get3A_767 = arith.index_cast %add3A_766 : i32 to index
      %get3A_768 = tpu.vector_load %arg7[%get3A_767] {strides = array<i32>} : memref<10112xi32, #tpu.memory_space<vmem>>, vector<16xi32>,
      %get3A_769 = vector.shape_cast %get3A_768 : vector<16xi32> to vector<16xi32>
      %lt3A_770 = arith.constant 5000 : i32
      %lt3A_771 = vector.broadcast %lt3A_770 : i32 to vector<16xi32>
      %lt3A_772 = arith.cmpi slt, %get3A_769, %lt3A_771 : vector<16xi32>
      %select_n3A_773 = arith.select %lt3A_772, %get3A_769, %add3A_14 : vector<16xi1>, vector<16xi32>
      %swap3A_774 = arith.constant 1 : i32
      %swap3A_775 = arith.index_cast %swap3A_774 : i32 to index
      %swap3A_776 = arith.constant 32 : index
      %swap3A_777 = tpu.vector_load %arg8[%swap3A_775, %swap3A_776] {strides = array<i32>} : memref<2x128xi32, #tpu.memory_space<vmem>>, vector<1x16xi32>,
      %swap3A_778 = vector.shape_cast %swap3A_777 : vector<1x16xi32> to vector<16xi32>
      %swap3A_779 = vector.shape_cast %select_n3A_773 : vector<16xi32> to vector<1x16xi32>
      tpu.vector_store %arg8[%swap3A_775, %swap3A_776], %swap3A_779 {strides = array<i32>} : memref<2x128xi32, #tpu.memory_space<vmem>>, vector<1x16xi32>,
      %sub3A_780 = arith.constant 5000 : i32
      %sub3A_781 = vector.broadcast %sub3A_780 : i32 to vector<16xi32>
      %sub3A_782 = arith.subi %get3A_769, %sub3A_781 : vector<16xi32>
      %select_n3A_783 = arith.select %lt3A_772, %add3A_14, %sub3A_782 : vector<16xi1>, vector<16xi32>
      %swap3A_784 = arith.constant 1 : i32
      %swap3A_785 = arith.index_cast %swap3A_784 : i32 to index
      %swap3A_786 = arith.constant 32 : index
      %swap3A_787 = tpu.vector_load %arg9[%swap3A_785, %swap3A_786] {strides = array<i32>} : memref<2x128xi32, #tpu.memory_space<vmem>>, vector<1x16xi32>,
      %swap3A_788 = vector.shape_cast %swap3A_787 : vector<1x16xi32> to vector<16xi32>
      %swap3A_789 = vector.shape_cast %select_n3A_783 : vector<16xi32> to vector<1x16xi32>
      tpu.vector_store %arg9[%swap3A_785, %swap3A_786], %swap3A_789 {strides = array<i32>} : memref<2x128xi32, #tpu.memory_space<vmem>>, vector<1x16xi32>,
      %mul3A_790 = arith.constant 128 : i32
      %mul3A_791 = arith.muli %min3A_708, %mul3A_790 : i32
      %add3A_792 = arith.constant 48 : i32
      %add3A_793 = arith.addi %mul3A_791, %add3A_792 : i32
      %get3A_794 = arith.index_cast %add3A_793 : i32 to index
      %get3A_795 = tpu.vector_load %arg7[%get3A_794] {strides = array<i32>} : memref<10112xi32, #tpu.memory_space<vmem>>, vector<16xi32>,
      %get3A_796 = vector.shape_cast %get3A_795 : vector<16xi32> to vector<16xi32>
      %lt3A_797 = arith.constant 5000 : i32
      %lt3A_798 = vector.broadcast %lt3A_797 : i32 to vector<16xi32>
      %lt3A_799 = arith.cmpi slt, %get3A_796, %lt3A_798 : vector<16xi32>
      %select_n3A_800 = arith.select %lt3A_799, %get3A_796, %add3A_14 : vector<16xi1>, vector<16xi32>
      %swap3A_801 = arith.constant 1 : i32
      %swap3A_802 = arith.index_cast %swap3A_801 : i32 to index
      %swap3A_803 = arith.constant 48 : index
      %swap3A_804 = tpu.vector_load %arg8[%swap3A_802, %swap3A_803] {strides = array<i32>} : memref<2x128xi32, #tpu.memory_space<vmem>>, vector<1x16xi32>,
      %swap3A_805 = vector.shape_cast %swap3A_804 : vector<1x16xi32> to vector<16xi32>
      %swap3A_806 = vector.shape_cast %select_n3A_800 : vector<16xi32> to vector<1x16xi32>
      tpu.vector_store %arg8[%swap3A_802, %swap3A_803], %swap3A_806 {strides = array<i32>} : memref<2x128xi32, #tpu.memory_space<vmem>>, vector<1x16xi32>,
      %sub3A_807 = arith.constant 5000 : i32
      %sub3A_808 = vector.broadcast %sub3A_807 : i32 to vector<16xi32>
      %sub3A_809 = arith.subi %get3A_796, %sub3A_808 : vector<16xi32>
      %select_n3A_810 = arith.select %lt3A_799, %add3A_14, %sub3A_809 : vector<16xi1>, vector<16xi32>
      %swap3A_811 = arith.constant 1 : i32
      %swap3A_812 = arith.index_cast %swap3A_811 : i32 to index
      %swap3A_813 = arith.constant 48 : index
      %swap3A_814 = tpu.vector_load %arg9[%swap3A_812, %swap3A_813] {strides = array<i32>} : memref<2x128xi32, #tpu.memory_space<vmem>>, vector<1x16xi32>,
      %swap3A_815 = vector.shape_cast %swap3A_814 : vector<1x16xi32> to vector<16xi32>
      %swap3A_816 = vector.shape_cast %select_n3A_810 : vector<16xi32> to vector<1x16xi32>
      tpu.vector_store %arg9[%swap3A_812, %swap3A_813], %swap3A_816 {strides = array<i32>} : memref<2x128xi32, #tpu.memory_space<vmem>>, vector<1x16xi32>,
      %mul3A_817 = arith.constant 128 : i32
      %mul3A_818 = arith.muli %min3A_708, %mul3A_817 : i32
      %add3A_819 = arith.constant 64 : i32
      %add3A_820 = arith.addi %mul3A_818, %add3A_819 : i32
      %get3A_821 = arith.index_cast %add3A_820 : i32 to index
      %get3A_822 = tpu.vector_load %arg7[%get3A_821] {strides = array<i32>} : memref<10112xi32, #tpu.memory_space<vmem>>, vector<16xi32>,
      %get3A_823 = vector.shape_cast %get3A_822 : vector<16xi32> to vector<16xi32>
      %lt3A_824 = arith.constant 5000 : i32
      %lt3A_825 = vector.broadcast %lt3A_824 : i32 to vector<16xi32>
      %lt3A_826 = arith.cmpi slt, %get3A_823, %lt3A_825 : vector<16xi32>
      %select_n3A_827 = arith.select %lt3A_826, %get3A_823, %add3A_14 : vector<16xi1>, vector<16xi32>
      %swap3A_828 = arith.constant 1 : i32
      %swap3A_829 = arith.index_cast %swap3A_828 : i32 to index
      %swap3A_830 = arith.constant 64 : index
      %swap3A_831 = tpu.vector_load %arg8[%swap3A_829, %swap3A_830] {strides = array<i32>} : memref<2x128xi32, #tpu.memory_space<vmem>>, vector<1x16xi32>,
      %swap3A_832 = vector.shape_cast %swap3A_831 : vector<1x16xi32> to vector<16xi32>
      %swap3A_833 = vector.shape_cast %select_n3A_827 : vector<16xi32> to vector<1x16xi32>
      tpu.vector_store %arg8[%swap3A_829, %swap3A_830], %swap3A_833 {strides = array<i32>} : memref<2x128xi32, #tpu.memory_space<vmem>>, vector<1x16xi32>,
      %sub3A_834 = arith.constant 5000 : i32
      %sub3A_835 = vector.broadcast %sub3A_834 : i32 to vector<16xi32>
      %sub3A_836 = arith.subi %get3A_823, %sub3A_835 : vector<16xi32>
      %select_n3A_837 = arith.select %lt3A_826, %add3A_14, %sub3A_836 : vector<16xi1>, vector<16xi32>
      %swap3A_838 = arith.constant 1 : i32
      %swap3A_839 = arith.index_cast %swap3A_838 : i32 to index
      %swap3A_840 = arith.constant 64 : index
      %swap3A_841 = tpu.vector_load %arg9[%swap3A_839, %swap3A_840] {strides = array<i32>} : memref<2x128xi32, #tpu.memory_space<vmem>>, vector<1x16xi32>,
      %swap3A_842 = vector.shape_cast %swap3A_841 : vector<1x16xi32> to vector<16xi32>
      %swap3A_843 = vector.shape_cast %select_n3A_837 : vector<16xi32> to vector<1x16xi32>
      tpu.vector_store %arg9[%swap3A_839, %swap3A_840], %swap3A_843 {strides = array<i32>} : memref<2x128xi32, #tpu.memory_space<vmem>>, vector<1x16xi32>,
      %mul3A_844 = arith.constant 128 : i32
      %mul3A_845 = arith.muli %min3A_708, %mul3A_844 : i32
      %add3A_846 = arith.constant 80 : i32
      %add3A_847 = arith.addi %mul3A_845, %add3A_846 : i32
      %get3A_848 = arith.index_cast %add3A_847 : i32 to index
      %get3A_849 = tpu.vector_load %arg7[%get3A_848] {strides = array<i32>} : memref<10112xi32, #tpu.memory_space<vmem>>, vector<16xi32>,
      %get3A_850 = vector.shape_cast %get3A_849 : vector<16xi32> to vector<16xi32>
      %lt3A_851 = arith.constant 5000 : i32
      %lt3A_852 = vector.broadcast %lt3A_851 : i32 to vector<16xi32>
      %lt3A_853 = arith.cmpi slt, %get3A_850, %lt3A_852 : vector<16xi32>
      %select_n3A_854 = arith.select %lt3A_853, %get3A_850, %add3A_14 : vector<16xi1>, vector<16xi32>
      %swap3A_855 = arith.constant 1 : i32
      %swap3A_856 = arith.index_cast %swap3A_855 : i32 to index
      %swap3A_857 = arith.constant 80 : index
      %swap3A_858 = tpu.vector_load %arg8[%swap3A_856, %swap3A_857] {strides = array<i32>} : memref<2x128xi32, #tpu.memory_space<vmem>>, vector<1x16xi32>,
      %swap3A_859 = vector.shape_cast %swap3A_858 : vector<1x16xi32> to vector<16xi32>
      %swap3A_860 = vector.shape_cast %select_n3A_854 : vector<16xi32> to vector<1x16xi32>
      tpu.vector_store %arg8[%swap3A_856, %swap3A_857], %swap3A_860 {strides = array<i32>} : memref<2x128xi32, #tpu.memory_space<vmem>>, vector<1x16xi32>,
      %sub3A_861 = arith.constant 5000 : i32
      %sub3A_862 = vector.broadcast %sub3A_861 : i32 to vector<16xi32>
      %sub3A_863 = arith.subi %get3A_850, %sub3A_862 : vector<16xi32>
      %select_n3A_864 = arith.select %lt3A_853, %add3A_14, %sub3A_863 : vector<16xi1>, vector<16xi32>
      %swap3A_865 = arith.constant 1 : i32
      %swap3A_866 = arith.index_cast %swap3A_865 : i32 to index
      %swap3A_867 = arith.constant 80 : index
      %swap3A_868 = tpu.vector_load %arg9[%swap3A_866, %swap3A_867] {strides = array<i32>} : memref<2x128xi32, #tpu.memory_space<vmem>>, vector<1x16xi32>,
      %swap3A_869 = vector.shape_cast %swap3A_868 : vector<1x16xi32> to vector<16xi32>
      %swap3A_870 = vector.shape_cast %select_n3A_864 : vector<16xi32> to vector<1x16xi32>
      tpu.vector_store %arg9[%swap3A_866, %swap3A_867], %swap3A_870 {strides = array<i32>} : memref<2x128xi32, #tpu.memory_space<vmem>>, vector<1x16xi32>,
      %mul3A_871 = arith.constant 128 : i32
      %mul3A_872 = arith.muli %min3A_708, %mul3A_871 : i32
      %add3A_873 = arith.constant 96 : i32
      %add3A_874 = arith.addi %mul3A_872, %add3A_873 : i32
      %get3A_875 = arith.index_cast %add3A_874 : i32 to index
      %get3A_876 = tpu.vector_load %arg7[%get3A_875] {strides = array<i32>} : memref<10112xi32, #tpu.memory_space<vmem>>, vector<16xi32>,
      %get3A_877 = vector.shape_cast %get3A_876 : vector<16xi32> to vector<16xi32>
      %lt3A_878 = arith.constant 5000 : i32
      %lt3A_879 = vector.broadcast %lt3A_878 : i32 to vector<16xi32>
      %lt3A_880 = arith.cmpi slt, %get3A_877, %lt3A_879 : vector<16xi32>
      %select_n3A_881 = arith.select %lt3A_880, %get3A_877, %add3A_14 : vector<16xi1>, vector<16xi32>
      %swap3A_882 = arith.constant 1 : i32
      %swap3A_883 = arith.index_cast %swap3A_882 : i32 to index
      %swap3A_884 = arith.constant 96 : index
      %swap3A_885 = tpu.vector_load %arg8[%swap3A_883, %swap3A_884] {strides = array<i32>} : memref<2x128xi32, #tpu.memory_space<vmem>>, vector<1x16xi32>,
      %swap3A_886 = vector.shape_cast %swap3A_885 : vector<1x16xi32> to vector<16xi32>
      %swap3A_887 = vector.shape_cast %select_n3A_881 : vector<16xi32> to vector<1x16xi32>
      tpu.vector_store %arg8[%swap3A_883, %swap3A_884], %swap3A_887 {strides = array<i32>} : memref<2x128xi32, #tpu.memory_space<vmem>>, vector<1x16xi32>,
      %sub3A_888 = arith.constant 5000 : i32
      %sub3A_889 = vector.broadcast %sub3A_888 : i32 to vector<16xi32>
      %sub3A_890 = arith.subi %get3A_877, %sub3A_889 : vector<16xi32>
      %select_n3A_891 = arith.select %lt3A_880, %add3A_14, %sub3A_890 : vector<16xi1>, vector<16xi32>
      %swap3A_892 = arith.constant 1 : i32
      %swap3A_893 = arith.index_cast %swap3A_892 : i32 to index
      %swap3A_894 = arith.constant 96 : index
      %swap3A_895 = tpu.vector_load %arg9[%swap3A_893, %swap3A_894] {strides = array<i32>} : memref<2x128xi32, #tpu.memory_space<vmem>>, vector<1x16xi32>,
      %swap3A_896 = vector.shape_cast %swap3A_895 : vector<1x16xi32> to vector<16xi32>
      %swap3A_897 = vector.shape_cast %select_n3A_891 : vector<16xi32> to vector<1x16xi32>
      tpu.vector_store %arg9[%swap3A_893, %swap3A_894], %swap3A_897 {strides = array<i32>} : memref<2x128xi32, #tpu.memory_space<vmem>>, vector<1x16xi32>,
      %mul3A_898 = arith.constant 128 : i32
      %mul3A_899 = arith.muli %min3A_708, %mul3A_898 : i32
      %add3A_900 = arith.constant 112 : i32
      %add3A_901 = arith.addi %mul3A_899, %add3A_900 : i32
      %get3A_902 = arith.index_cast %add3A_901 : i32 to index
      %get3A_903 = tpu.vector_load %arg7[%get3A_902] {strides = array<i32>} : memref<10112xi32, #tpu.memory_space<vmem>>, vector<16xi32>,
      %get3A_904 = vector.shape_cast %get3A_903 : vector<16xi32> to vector<16xi32>
      %lt3A_905 = arith.constant 5000 : i32
      %lt3A_906 = vector.broadcast %lt3A_905 : i32 to vector<16xi32>
      %lt3A_907 = arith.cmpi slt, %get3A_904, %lt3A_906 : vector<16xi32>
      %select_n3A_908 = arith.select %lt3A_907, %get3A_904, %add3A_14 : vector<16xi1>, vector<16xi32>
      %swap3A_909 = arith.constant 1 : i32
      %swap3A_910 = arith.index_cast %swap3A_909 : i32 to index
      %swap3A_911 = arith.constant 112 : index
      %swap3A_912 = tpu.vector_load %arg8[%swap3A_910, %swap3A_911] {strides = array<i32>} : memref<2x128xi32, #tpu.memory_space<vmem>>, vector<1x16xi32>,
      %swap3A_913 = vector.shape_cast %swap3A_912 : vector<1x16xi32> to vector<16xi32>
      %swap3A_914 = vector.shape_cast %select_n3A_908 : vector<16xi32> to vector<1x16xi32>
      tpu.vector_store %arg8[%swap3A_910, %swap3A_911], %swap3A_914 {strides = array<i32>} : memref<2x128xi32, #tpu.memory_space<vmem>>, vector<1x16xi32>,
      %sub3A_915 = arith.constant 5000 : i32
      %sub3A_916 = vector.broadcast %sub3A_915 : i32 to vector<16xi32>
      %sub3A_917 = arith.subi %get3A_904, %sub3A_916 : vector<16xi32>
      %select_n3A_918 = arith.select %lt3A_907, %add3A_14, %sub3A_917 : vector<16xi1>, vector<16xi32>
      %swap3A_919 = arith.constant 1 : i32
      %swap3A_920 = arith.index_cast %swap3A_919 : i32 to index
      %swap3A_921 = arith.constant 112 : index
      %swap3A_922 = tpu.vector_load %arg9[%swap3A_920, %swap3A_921] {strides = array<i32>} : memref<2x128xi32, #tpu.memory_space<vmem>>, vector<1x16xi32>,
      %swap3A_923 = vector.shape_cast %swap3A_922 : vector<1x16xi32> to vector<16xi32>
      %swap3A_924 = vector.shape_cast %select_n3A_918 : vector<16xi32> to vector<1x16xi32>
      tpu.vector_store %arg9[%swap3A_920, %swap3A_921], %swap3A_924 {strides = array<i32>} : memref<2x128xi32, #tpu.memory_space<vmem>>, vector<1x16xi32>,
      %add3A_925 = arith.constant 2 : i32
      %add3A_926 = arith.addi %mul3A_445, %add3A_925 : i32
      %add3A_927 = arith.constant 1 : i32
      %add3A_928 = arith.addi %add3A_926, %add3A_927 : i32
      %le3A_929 = arith.constant 77 : i32
      %le3A_930 = arith.cmpi sle, %add3A_928, %le3A_929 : i32
      %convert_element_type3A_931 = arith.extui %le3A_930 : i1 to i32
      %cond3A_932 = arith.constant 0 : i32
      %cond3A_933 = arith.cmpi ne, %convert_element_type3A_931, %cond3A_932 : i32
      scf.if %cond3A_933 {
        %dma_start3A_935 = arith.constant 1 : i32
        %dma_start3A_936 = arith.constant 0 : i32
        %dma_start3A_937 = tpu.memref_slice %arg8[%dma_start3A_935, %dma_start3A_936] : memref<2x128xi32, #tpu.memory_space<vmem>> -> memref<1x128xi32, #tpu.memory_space<vmem>>
        %dma_start3A_938 = tpu.memref_squeeze %dma_start3A_937 : memref<1x128xi32, #tpu.memory_space<vmem>> -> memref<128xi32, #tpu.memory_space<vmem>>
        %dma_start3A_939 = arith.constant 0 : i32
        %dma_start3A_940 = arith.constant 0 : i32
        %dma_start3A_941 = tpu.memref_slice %arg12[%dma_start3A_939, %dma_start3A_940] : memref<5008x16xf32, #tpu.memory_space<vmem_shared>> -> memref<5008x16xf32, #tpu.memory_space<vmem_shared>>
        tpu.enqueue_indirect_dma source(%arg10 : memref<128x16xf32, #tpu.memory_space<vmem>>) target(%dma_start3A_941 : memref<5008x16xf32, #tpu.memory_space<vmem_shared>>) offsets(%dma_start3A_938 : memref<128xi32, #tpu.memory_space<vmem>>) semaphore(%arg14 : memref<!tpu.dma_semaphore, #tpu.memory_space<semaphore_mem>>) {add = true}
        %dma_start3A_942 = arith.constant 1 : i32
        %dma_start3A_943 = arith.constant 0 : i32
        %dma_start3A_944 = tpu.memref_slice %arg9[%dma_start3A_942, %dma_start3A_943] : memref<2x128xi32, #tpu.memory_space<vmem>> -> memref<1x128xi32, #tpu.memory_space<vmem>>
        %dma_start3A_945 = tpu.memref_squeeze %dma_start3A_944 : memref<1x128xi32, #tpu.memory_space<vmem>> -> memref<128xi32, #tpu.memory_space<vmem>>
        %dma_start3A_946 = arith.constant 0 : i32
        %dma_start3A_947 = arith.constant 0 : i32
        %dma_start3A_948 = tpu.memref_slice %arg12[%dma_start3A_946, %dma_start3A_947] : memref<5008x16xf32, #tpu.memory_space<vmem_shared>> -> memref<5008x16xf32, #tpu.memory_space<vmem_shared>>
        tpu.enqueue_indirect_dma source(%arg11 : memref<128x16xf32, #tpu.memory_space<vmem>>) target(%dma_start3A_948 : memref<5008x16xf32, #tpu.memory_space<vmem_shared>>) offsets(%dma_start3A_945 : memref<128xi32, #tpu.memory_space<vmem>>) semaphore(%arg16 : memref<!tpu.dma_semaphore, #tpu.memory_space<semaphore_mem>>) {add = true}
      } else {
      }
      %scan3A_934 = arith.constant 0 : i32
      scf.yield %scan3A_934 : i32
    }
    %scan3A_411 = arith.constant 38 : i32
    %dma_wait3A = arith.constant 0 : i32
    %dma_wait3A_412 = arith.constant 0 : i32
    %dma_wait3A_413 = tpu.memref_slice %arg8[%dma_wait3A, %dma_wait3A_412] : memref<2x128xi32, #tpu.memory_space<vmem>> -> memref<1x128xi32, #tpu.memory_space<vmem>>
    %dma_wait3A_414 = tpu.memref_squeeze %dma_wait3A_413 : memref<1x128xi32, #tpu.memory_space<vmem>> -> memref<128xi32, #tpu.memory_space<vmem>>
    %dma_wait3A_415 = arith.constant 0 : i32
    %dma_wait3A_416 = arith.constant 0 : i32
    %dma_wait3A_417 = tpu.memref_slice %arg12[%dma_wait3A_415, %dma_wait3A_416] : memref<5008x16xf32, #tpu.memory_space<vmem_shared>> -> memref<5008x16xf32, #tpu.memory_space<vmem_shared>>
    tpu.wait_indirect_dma semaphore(%arg13 : memref<!tpu.dma_semaphore, #tpu.memory_space<semaphore_mem>>) src(%arg10 : memref<128x16xf32, #tpu.memory_space<vmem>>) dst(%dma_wait3A_417 : memref<5008x16xf32, #tpu.memory_space<vmem_shared>>)
    %dma_wait3A_418 = arith.constant 0 : i32
    %dma_wait3A_419 = arith.constant 0 : i32
    %dma_wait3A_420 = tpu.memref_slice %arg9[%dma_wait3A_418, %dma_wait3A_419] : memref<2x128xi32, #tpu.memory_space<vmem>> -> memref<1x128xi32, #tpu.memory_space<vmem>>
    %dma_wait3A_421 = tpu.memref_squeeze %dma_wait3A_420 : memref<1x128xi32, #tpu.memory_space<vmem>> -> memref<128xi32, #tpu.memory_space<vmem>>
    %dma_wait3A_422 = arith.constant 0 : i32
    %dma_wait3A_423 = arith.constant 0 : i32
    %dma_wait3A_424 = tpu.memref_slice %arg12[%dma_wait3A_422, %dma_wait3A_423] : memref<5008x16xf32, #tpu.memory_space<vmem_shared>> -> memref<5008x16xf32, #tpu.memory_space<vmem_shared>>
    tpu.wait_indirect_dma semaphore(%arg15 : memref<!tpu.dma_semaphore, #tpu.memory_space<semaphore_mem>>) src(%arg11 : memref<128x16xf32, #tpu.memory_space<vmem>>) dst(%dma_wait3A_424 : memref<5008x16xf32, #tpu.memory_space<vmem_shared>>)
    %dma_wait3A_425 = arith.constant 1 : i32
    %dma_wait3A_426 = arith.constant 0 : i32
    %dma_wait3A_427 = tpu.memref_slice %arg8[%dma_wait3A_425, %dma_wait3A_426] : memref<2x128xi32, #tpu.memory_space<vmem>> -> memref<1x128xi32, #tpu.memory_space<vmem>>
    %dma_wait3A_428 = tpu.memref_squeeze %dma_wait3A_427 : memref<1x128xi32, #tpu.memory_space<vmem>> -> memref<128xi32, #tpu.memory_space<vmem>>
    %dma_wait3A_429 = arith.constant 0 : i32
    %dma_wait3A_430 = arith.constant 0 : i32
    %dma_wait3A_431 = tpu.memref_slice %arg12[%dma_wait3A_429, %dma_wait3A_430] : memref<5008x16xf32, #tpu.memory_space<vmem_shared>> -> memref<5008x16xf32, #tpu.memory_space<vmem_shared>>
    tpu.wait_indirect_dma semaphore(%arg14 : memref<!tpu.dma_semaphore, #tpu.memory_space<semaphore_mem>>) src(%arg10 : memref<128x16xf32, #tpu.memory_space<vmem>>) dst(%dma_wait3A_431 : memref<5008x16xf32, #tpu.memory_space<vmem_shared>>)
    %dma_wait3A_432 = arith.constant 1 : i32
    %dma_wait3A_433 = arith.constant 0 : i32
    %dma_wait3A_434 = tpu.memref_slice %arg9[%dma_wait3A_432, %dma_wait3A_433] : memref<2x128xi32, #tpu.memory_space<vmem>> -> memref<1x128xi32, #tpu.memory_space<vmem>>
    %dma_wait3A_435 = tpu.memref_squeeze %dma_wait3A_434 : memref<1x128xi32, #tpu.memory_space<vmem>> -> memref<128xi32, #tpu.memory_space<vmem>>
    %dma_wait3A_436 = arith.constant 0 : i32
    %dma_wait3A_437 = arith.constant 0 : i32
    %dma_wait3A_438 = tpu.memref_slice %arg12[%dma_wait3A_436, %dma_wait3A_437] : memref<5008x16xf32, #tpu.memory_space<vmem_shared>> -> memref<5008x16xf32, #tpu.memory_space<vmem_shared>>
    tpu.wait_indirect_dma semaphore(%arg16 : memref<!tpu.dma_semaphore, #tpu.memory_space<semaphore_mem>>) src(%arg11 : memref<128x16xf32, #tpu.memory_space<vmem>>) dst(%dma_wait3A_438 : memref<5008x16xf32, #tpu.memory_space<vmem_shared>>)
    %ge3A = arith.constant 28 : i32
    %ge3A_439 = arith.cmpi sge, %add3A, %ge3A : i32
    %convert_element_type3A = arith.extui %ge3A_439 : i1 to i32
    %cond3A = arith.constant 0 : i32
    %cond3A_440 = arith.cmpi ne, %convert_element_type3A, %cond3A : i32
    scf.if %cond3A_440 {
      %get3A_442 = arith.constant 9984 : index
      %get3A_443 = tpu.vector_load %arg7[%get3A_442] {strides = array<i32>} : memref<10112xi32, #tpu.memory_space<vmem>>, vector<16xi32>,
      %get3A_444 = vector.shape_cast %get3A_443 : vector<16xi32> to vector<16xi32>
      %lt3A_445 = arith.constant 5000 : i32
      %lt3A_446 = vector.broadcast %lt3A_445 : i32 to vector<16xi32>
      %lt3A_447 = arith.cmpi slt, %get3A_444, %lt3A_446 : vector<16xi32>
      %select_n3A_448 = arith.select %lt3A_447, %get3A_444, %add3A_14 : vector<16xi1>, vector<16xi32>
      %swap3A_449 = arith.constant 0 : i32
      %swap3A_450 = arith.index_cast %swap3A_449 : i32 to index
      %swap3A_451 = arith.constant 0 : index
      %swap3A_452 = tpu.vector_load %arg8[%swap3A_450, %swap3A_451] {strides = array<i32>} : memref<2x128xi32, #tpu.memory_space<vmem>>, vector<1x16xi32>,
      %swap3A_453 = vector.shape_cast %swap3A_452 : vector<1x16xi32> to vector<16xi32>
      %swap3A_454 = vector.shape_cast %select_n3A_448 : vector<16xi32> to vector<1x16xi32>
      tpu.vector_store %arg8[%swap3A_450, %swap3A_451], %swap3A_454 {strides = array<i32>} : memref<2x128xi32, #tpu.memory_space<vmem>>, vector<1x16xi32>,
      %sub3A_455 = arith.constant 5000 : i32
      %sub3A_456 = vector.broadcast %sub3A_455 : i32 to vector<16xi32>
      %sub3A_457 = arith.subi %get3A_444, %sub3A_456 : vector<16xi32>
      %select_n3A_458 = arith.select %lt3A_447, %add3A_14, %sub3A_457 : vector<16xi1>, vector<16xi32>
      %swap3A_459 = arith.constant 0 : i32
      %swap3A_460 = arith.index_cast %swap3A_459 : i32 to index
      %swap3A_461 = arith.constant 0 : index
      %swap3A_462 = tpu.vector_load %arg9[%swap3A_460, %swap3A_461] {strides = array<i32>} : memref<2x128xi32, #tpu.memory_space<vmem>>, vector<1x16xi32>,
      %swap3A_463 = vector.shape_cast %swap3A_462 : vector<1x16xi32> to vector<16xi32>
      %swap3A_464 = vector.shape_cast %select_n3A_458 : vector<16xi32> to vector<1x16xi32>
      tpu.vector_store %arg9[%swap3A_460, %swap3A_461], %swap3A_464 {strides = array<i32>} : memref<2x128xi32, #tpu.memory_space<vmem>>, vector<1x16xi32>,
      %get3A_465 = arith.constant 10000 : index
      %get3A_466 = tpu.vector_load %arg7[%get3A_465] {strides = array<i32>} : memref<10112xi32, #tpu.memory_space<vmem>>, vector<16xi32>,
      %get3A_467 = vector.shape_cast %get3A_466 : vector<16xi32> to vector<16xi32>
      %lt3A_468 = arith.constant 5000 : i32
      %lt3A_469 = vector.broadcast %lt3A_468 : i32 to vector<16xi32>
      %lt3A_470 = arith.cmpi slt, %get3A_467, %lt3A_469 : vector<16xi32>
      %select_n3A_471 = arith.select %lt3A_470, %get3A_467, %add3A_14 : vector<16xi1>, vector<16xi32>
      %swap3A_472 = arith.constant 0 : i32
      %swap3A_473 = arith.index_cast %swap3A_472 : i32 to index
      %swap3A_474 = arith.constant 16 : index
      %swap3A_475 = tpu.vector_load %arg8[%swap3A_473, %swap3A_474] {strides = array<i32>} : memref<2x128xi32, #tpu.memory_space<vmem>>, vector<1x16xi32>,
      %swap3A_476 = vector.shape_cast %swap3A_475 : vector<1x16xi32> to vector<16xi32>
      %swap3A_477 = vector.shape_cast %select_n3A_471 : vector<16xi32> to vector<1x16xi32>
      tpu.vector_store %arg8[%swap3A_473, %swap3A_474], %swap3A_477 {strides = array<i32>} : memref<2x128xi32, #tpu.memory_space<vmem>>, vector<1x16xi32>,
      %sub3A_478 = arith.constant 5000 : i32
      %sub3A_479 = vector.broadcast %sub3A_478 : i32 to vector<16xi32>
      %sub3A_480 = arith.subi %get3A_467, %sub3A_479 : vector<16xi32>
      %select_n3A_481 = arith.select %lt3A_470, %add3A_14, %sub3A_480 : vector<16xi1>, vector<16xi32>
      %swap3A_482 = arith.constant 0 : i32
      %swap3A_483 = arith.index_cast %swap3A_482 : i32 to index
      %swap3A_484 = arith.constant 16 : index
      %swap3A_485 = tpu.vector_load %arg9[%swap3A_483, %swap3A_484] {strides = array<i32>} : memref<2x128xi32, #tpu.memory_space<vmem>>, vector<1x16xi32>,
      %swap3A_486 = vector.shape_cast %swap3A_485 : vector<1x16xi32> to vector<16xi32>
      %swap3A_487 = vector.shape_cast %select_n3A_481 : vector<16xi32> to vector<1x16xi32>
      tpu.vector_store %arg9[%swap3A_483, %swap3A_484], %swap3A_487 {strides = array<i32>} : memref<2x128xi32, #tpu.memory_space<vmem>>, vector<1x16xi32>,
      %get3A_488 = arith.constant 10016 : index
      %get3A_489 = tpu.vector_load %arg7[%get3A_488] {strides = array<i32>} : memref<10112xi32, #tpu.memory_space<vmem>>, vector<16xi32>,
      %get3A_490 = vector.shape_cast %get3A_489 : vector<16xi32> to vector<16xi32>
      %lt3A_491 = arith.constant 5000 : i32
      %lt3A_492 = vector.broadcast %lt3A_491 : i32 to vector<16xi32>
      %lt3A_493 = arith.cmpi slt, %get3A_490, %lt3A_492 : vector<16xi32>
      %select_n3A_494 = arith.select %lt3A_493, %get3A_490, %add3A_14 : vector<16xi1>, vector<16xi32>
      %swap3A_495 = arith.constant 0 : i32
      %swap3A_496 = arith.index_cast %swap3A_495 : i32 to index
      %swap3A_497 = arith.constant 32 : index
      %swap3A_498 = tpu.vector_load %arg8[%swap3A_496, %swap3A_497] {strides = array<i32>} : memref<2x128xi32, #tpu.memory_space<vmem>>, vector<1x16xi32>,
      %swap3A_499 = vector.shape_cast %swap3A_498 : vector<1x16xi32> to vector<16xi32>
      %swap3A_500 = vector.shape_cast %select_n3A_494 : vector<16xi32> to vector<1x16xi32>
      tpu.vector_store %arg8[%swap3A_496, %swap3A_497], %swap3A_500 {strides = array<i32>} : memref<2x128xi32, #tpu.memory_space<vmem>>, vector<1x16xi32>,
      %sub3A_501 = arith.constant 5000 : i32
      %sub3A_502 = vector.broadcast %sub3A_501 : i32 to vector<16xi32>
      %sub3A_503 = arith.subi %get3A_490, %sub3A_502 : vector<16xi32>
      %select_n3A_504 = arith.select %lt3A_493, %add3A_14, %sub3A_503 : vector<16xi1>, vector<16xi32>
      %swap3A_505 = arith.constant 0 : i32
      %swap3A_506 = arith.index_cast %swap3A_505 : i32 to index
      %swap3A_507 = arith.constant 32 : index
      %swap3A_508 = tpu.vector_load %arg9[%swap3A_506, %swap3A_507] {strides = array<i32>} : memref<2x128xi32, #tpu.memory_space<vmem>>, vector<1x16xi32>,
      %swap3A_509 = vector.shape_cast %swap3A_508 : vector<1x16xi32> to vector<16xi32>
      %swap3A_510 = vector.shape_cast %select_n3A_504 : vector<16xi32> to vector<1x16xi32>
      tpu.vector_store %arg9[%swap3A_506, %swap3A_507], %swap3A_510 {strides = array<i32>} : memref<2x128xi32, #tpu.memory_space<vmem>>, vector<1x16xi32>,
      %get3A_511 = arith.constant 10032 : index
      %get3A_512 = tpu.vector_load %arg7[%get3A_511] {strides = array<i32>} : memref<10112xi32, #tpu.memory_space<vmem>>, vector<16xi32>,
      %get3A_513 = vector.shape_cast %get3A_512 : vector<16xi32> to vector<16xi32>
      %lt3A_514 = arith.constant 5000 : i32
      %lt3A_515 = vector.broadcast %lt3A_514 : i32 to vector<16xi32>
      %lt3A_516 = arith.cmpi slt, %get3A_513, %lt3A_515 : vector<16xi32>
      %select_n3A_517 = arith.select %lt3A_516, %get3A_513, %add3A_14 : vector<16xi1>, vector<16xi32>
      %swap3A_518 = arith.constant 0 : i32
      %swap3A_519 = arith.index_cast %swap3A_518 : i32 to index
      %swap3A_520 = arith.constant 48 : index
      %swap3A_521 = tpu.vector_load %arg8[%swap3A_519, %swap3A_520] {strides = array<i32>} : memref<2x128xi32, #tpu.memory_space<vmem>>, vector<1x16xi32>,
      %swap3A_522 = vector.shape_cast %swap3A_521 : vector<1x16xi32> to vector<16xi32>
      %swap3A_523 = vector.shape_cast %select_n3A_517 : vector<16xi32> to vector<1x16xi32>
      tpu.vector_store %arg8[%swap3A_519, %swap3A_520], %swap3A_523 {strides = array<i32>} : memref<2x128xi32, #tpu.memory_space<vmem>>, vector<1x16xi32>,
      %sub3A_524 = arith.constant 5000 : i32
      %sub3A_525 = vector.broadcast %sub3A_524 : i32 to vector<16xi32>
      %sub3A_526 = arith.subi %get3A_513, %sub3A_525 : vector<16xi32>
      %select_n3A_527 = arith.select %lt3A_516, %add3A_14, %sub3A_526 : vector<16xi1>, vector<16xi32>
      %swap3A_528 = arith.constant 0 : i32
      %swap3A_529 = arith.index_cast %swap3A_528 : i32 to index
      %swap3A_530 = arith.constant 48 : index
      %swap3A_531 = tpu.vector_load %arg9[%swap3A_529, %swap3A_530] {strides = array<i32>} : memref<2x128xi32, #tpu.memory_space<vmem>>, vector<1x16xi32>,
      %swap3A_532 = vector.shape_cast %swap3A_531 : vector<1x16xi32> to vector<16xi32>
      %swap3A_533 = vector.shape_cast %select_n3A_527 : vector<16xi32> to vector<1x16xi32>
      tpu.vector_store %arg9[%swap3A_529, %swap3A_530], %swap3A_533 {strides = array<i32>} : memref<2x128xi32, #tpu.memory_space<vmem>>, vector<1x16xi32>,
      %get3A_534 = arith.constant 10048 : index
      %get3A_535 = tpu.vector_load %arg7[%get3A_534] {strides = array<i32>} : memref<10112xi32, #tpu.memory_space<vmem>>, vector<16xi32>,
      %get3A_536 = vector.shape_cast %get3A_535 : vector<16xi32> to vector<16xi32>
      %lt3A_537 = arith.constant 5000 : i32
      %lt3A_538 = vector.broadcast %lt3A_537 : i32 to vector<16xi32>
      %lt3A_539 = arith.cmpi slt, %get3A_536, %lt3A_538 : vector<16xi32>
      %select_n3A_540 = arith.select %lt3A_539, %get3A_536, %add3A_14 : vector<16xi1>, vector<16xi32>
      %swap3A_541 = arith.constant 0 : i32
      %swap3A_542 = arith.index_cast %swap3A_541 : i32 to index
      %swap3A_543 = arith.constant 64 : index
      %swap3A_544 = tpu.vector_load %arg8[%swap3A_542, %swap3A_543] {strides = array<i32>} : memref<2x128xi32, #tpu.memory_space<vmem>>, vector<1x16xi32>,
      %swap3A_545 = vector.shape_cast %swap3A_544 : vector<1x16xi32> to vector<16xi32>
      %swap3A_546 = vector.shape_cast %select_n3A_540 : vector<16xi32> to vector<1x16xi32>
      tpu.vector_store %arg8[%swap3A_542, %swap3A_543], %swap3A_546 {strides = array<i32>} : memref<2x128xi32, #tpu.memory_space<vmem>>, vector<1x16xi32>,
      %sub3A_547 = arith.constant 5000 : i32
      %sub3A_548 = vector.broadcast %sub3A_547 : i32 to vector<16xi32>
      %sub3A_549 = arith.subi %get3A_536, %sub3A_548 : vector<16xi32>
      %select_n3A_550 = arith.select %lt3A_539, %add3A_14, %sub3A_549 : vector<16xi1>, vector<16xi32>
      %swap3A_551 = arith.constant 0 : i32
      %swap3A_552 = arith.index_cast %swap3A_551 : i32 to index
      %swap3A_553 = arith.constant 64 : index
      %swap3A_554 = tpu.vector_load %arg9[%swap3A_552, %swap3A_553] {strides = array<i32>} : memref<2x128xi32, #tpu.memory_space<vmem>>, vector<1x16xi32>,
      %swap3A_555 = vector.shape_cast %swap3A_554 : vector<1x16xi32> to vector<16xi32>
      %swap3A_556 = vector.shape_cast %select_n3A_550 : vector<16xi32> to vector<1x16xi32>
      tpu.vector_store %arg9[%swap3A_552, %swap3A_553], %swap3A_556 {strides = array<i32>} : memref<2x128xi32, #tpu.memory_space<vmem>>, vector<1x16xi32>,
      %get3A_557 = arith.constant 10064 : index
      %get3A_558 = tpu.vector_load %arg7[%get3A_557] {strides = array<i32>} : memref<10112xi32, #tpu.memory_space<vmem>>, vector<16xi32>,
      %get3A_559 = vector.shape_cast %get3A_558 : vector<16xi32> to vector<16xi32>
      %lt3A_560 = arith.constant 5000 : i32
      %lt3A_561 = vector.broadcast %lt3A_560 : i32 to vector<16xi32>
      %lt3A_562 = arith.cmpi slt, %get3A_559, %lt3A_561 : vector<16xi32>
      %select_n3A_563 = arith.select %lt3A_562, %get3A_559, %add3A_14 : vector<16xi1>, vector<16xi32>
      %swap3A_564 = arith.constant 0 : i32
      %swap3A_565 = arith.index_cast %swap3A_564 : i32 to index
      %swap3A_566 = arith.constant 80 : index
      %swap3A_567 = tpu.vector_load %arg8[%swap3A_565, %swap3A_566] {strides = array<i32>} : memref<2x128xi32, #tpu.memory_space<vmem>>, vector<1x16xi32>,
      %swap3A_568 = vector.shape_cast %swap3A_567 : vector<1x16xi32> to vector<16xi32>
      %swap3A_569 = vector.shape_cast %select_n3A_563 : vector<16xi32> to vector<1x16xi32>
      tpu.vector_store %arg8[%swap3A_565, %swap3A_566], %swap3A_569 {strides = array<i32>} : memref<2x128xi32, #tpu.memory_space<vmem>>, vector<1x16xi32>,
      %sub3A_570 = arith.constant 5000 : i32
      %sub3A_571 = vector.broadcast %sub3A_570 : i32 to vector<16xi32>
      %sub3A_572 = arith.subi %get3A_559, %sub3A_571 : vector<16xi32>
      %select_n3A_573 = arith.select %lt3A_562, %add3A_14, %sub3A_572 : vector<16xi1>, vector<16xi32>
      %swap3A_574 = arith.constant 0 : i32
      %swap3A_575 = arith.index_cast %swap3A_574 : i32 to index
      %swap3A_576 = arith.constant 80 : index
      %swap3A_577 = tpu.vector_load %arg9[%swap3A_575, %swap3A_576] {strides = array<i32>} : memref<2x128xi32, #tpu.memory_space<vmem>>, vector<1x16xi32>,
      %swap3A_578 = vector.shape_cast %swap3A_577 : vector<1x16xi32> to vector<16xi32>
      %swap3A_579 = vector.shape_cast %select_n3A_573 : vector<16xi32> to vector<1x16xi32>
      tpu.vector_store %arg9[%swap3A_575, %swap3A_576], %swap3A_579 {strides = array<i32>} : memref<2x128xi32, #tpu.memory_space<vmem>>, vector<1x16xi32>,
      %get3A_580 = arith.constant 10080 : index
      %get3A_581 = tpu.vector_load %arg7[%get3A_580] {strides = array<i32>} : memref<10112xi32, #tpu.memory_space<vmem>>, vector<16xi32>,
      %get3A_582 = vector.shape_cast %get3A_581 : vector<16xi32> to vector<16xi32>
      %lt3A_583 = arith.constant 5000 : i32
      %lt3A_584 = vector.broadcast %lt3A_583 : i32 to vector<16xi32>
      %lt3A_585 = arith.cmpi slt, %get3A_582, %lt3A_584 : vector<16xi32>
      %select_n3A_586 = arith.select %lt3A_585, %get3A_582, %add3A_14 : vector<16xi1>, vector<16xi32>
      %swap3A_587 = arith.constant 0 : i32
      %swap3A_588 = arith.index_cast %swap3A_587 : i32 to index
      %swap3A_589 = arith.constant 96 : index
      %swap3A_590 = tpu.vector_load %arg8[%swap3A_588, %swap3A_589] {strides = array<i32>} : memref<2x128xi32, #tpu.memory_space<vmem>>, vector<1x16xi32>,
      %swap3A_591 = vector.shape_cast %swap3A_590 : vector<1x16xi32> to vector<16xi32>
      %swap3A_592 = vector.shape_cast %select_n3A_586 : vector<16xi32> to vector<1x16xi32>
      tpu.vector_store %arg8[%swap3A_588, %swap3A_589], %swap3A_592 {strides = array<i32>} : memref<2x128xi32, #tpu.memory_space<vmem>>, vector<1x16xi32>,
      %sub3A_593 = arith.constant 5000 : i32
      %sub3A_594 = vector.broadcast %sub3A_593 : i32 to vector<16xi32>
      %sub3A_595 = arith.subi %get3A_582, %sub3A_594 : vector<16xi32>
      %select_n3A_596 = arith.select %lt3A_585, %add3A_14, %sub3A_595 : vector<16xi1>, vector<16xi32>
      %swap3A_597 = arith.constant 0 : i32
      %swap3A_598 = arith.index_cast %swap3A_597 : i32 to index
      %swap3A_599 = arith.constant 96 : index
      %swap3A_600 = tpu.vector_load %arg9[%swap3A_598, %swap3A_599] {strides = array<i32>} : memref<2x128xi32, #tpu.memory_space<vmem>>, vector<1x16xi32>,
      %swap3A_601 = vector.shape_cast %swap3A_600 : vector<1x16xi32> to vector<16xi32>
      %swap3A_602 = vector.shape_cast %select_n3A_596 : vector<16xi32> to vector<1x16xi32>
      tpu.vector_store %arg9[%swap3A_598, %swap3A_599], %swap3A_602 {strides = array<i32>} : memref<2x128xi32, #tpu.memory_space<vmem>>, vector<1x16xi32>,
      %get3A_603 = arith.constant 10096 : index
      %get3A_604 = tpu.vector_load %arg7[%get3A_603] {strides = array<i32>} : memref<10112xi32, #tpu.memory_space<vmem>>, vector<16xi32>,
      %get3A_605 = vector.shape_cast %get3A_604 : vector<16xi32> to vector<16xi32>
      %lt3A_606 = arith.constant 5000 : i32
      %lt3A_607 = vector.broadcast %lt3A_606 : i32 to vector<16xi32>
      %lt3A_608 = arith.cmpi slt, %get3A_605, %lt3A_607 : vector<16xi32>
      %select_n3A_609 = arith.select %lt3A_608, %get3A_605, %add3A_14 : vector<16xi1>, vector<16xi32>
      %swap3A_610 = arith.constant 0 : i32
      %swap3A_611 = arith.index_cast %swap3A_610 : i32 to index
      %swap3A_612 = arith.constant 112 : index
      %swap3A_613 = tpu.vector_load %arg8[%swap3A_611, %swap3A_612] {strides = array<i32>} : memref<2x128xi32, #tpu.memory_space<vmem>>, vector<1x16xi32>,
      %swap3A_614 = vector.shape_cast %swap3A_613 : vector<1x16xi32> to vector<16xi32>
      %swap3A_615 = vector.shape_cast %select_n3A_609 : vector<16xi32> to vector<1x16xi32>
      tpu.vector_store %arg8[%swap3A_611, %swap3A_612], %swap3A_615 {strides = array<i32>} : memref<2x128xi32, #tpu.memory_space<vmem>>, vector<1x16xi32>,
      %sub3A_616 = arith.constant 5000 : i32
      %sub3A_617 = vector.broadcast %sub3A_616 : i32 to vector<16xi32>
      %sub3A_618 = arith.subi %get3A_605, %sub3A_617 : vector<16xi32>
      %select_n3A_619 = arith.select %lt3A_608, %add3A_14, %sub3A_618 : vector<16xi1>, vector<16xi32>
      %swap3A_620 = arith.constant 0 : i32
      %swap3A_621 = arith.index_cast %swap3A_620 : i32 to index
      %swap3A_622 = arith.constant 112 : index
      %swap3A_623 = tpu.vector_load %arg9[%swap3A_621, %swap3A_622] {strides = array<i32>} : memref<2x128xi32, #tpu.memory_space<vmem>>, vector<1x16xi32>,
      %swap3A_624 = vector.shape_cast %swap3A_623 : vector<1x16xi32> to vector<16xi32>
      %swap3A_625 = vector.shape_cast %select_n3A_619 : vector<16xi32> to vector<1x16xi32>
      tpu.vector_store %arg9[%swap3A_621, %swap3A_622], %swap3A_625 {strides = array<i32>} : memref<2x128xi32, #tpu.memory_space<vmem>>, vector<1x16xi32>,
      %run_scoped3A_626 = arith.constant 0 : i32
      "tpu.region"() ({
        %run_scoped3A_628 = tpu.sem_alloc : memref<!tpu.dma_semaphore, #tpu.memory_space<semaphore_mem>>
        %dma_start3A_629 = arith.constant 0 : i32
        %dma_start3A_630 = tpu.memref_slice %arg8[%run_scoped3A_626, %dma_start3A_629] : memref<2x128xi32, #tpu.memory_space<vmem>> -> memref<1x128xi32, #tpu.memory_space<vmem>>
        %dma_start3A_631 = tpu.memref_squeeze %dma_start3A_630 : memref<1x128xi32, #tpu.memory_space<vmem>> -> memref<128xi32, #tpu.memory_space<vmem>>
        %dma_start3A_632 = arith.constant 0 : i32
        %dma_start3A_633 = arith.constant 0 : i32
        %dma_start3A_634 = tpu.memref_slice %arg12[%dma_start3A_632, %dma_start3A_633] : memref<5008x16xf32, #tpu.memory_space<vmem_shared>> -> memref<5008x16xf32, #tpu.memory_space<vmem_shared>>
        tpu.enqueue_indirect_dma source(%arg10 : memref<128x16xf32, #tpu.memory_space<vmem>>) target(%dma_start3A_634 : memref<5008x16xf32, #tpu.memory_space<vmem_shared>>) offsets(%dma_start3A_631 : memref<128xi32, #tpu.memory_space<vmem>>) semaphore(%run_scoped3A_628 : memref<!tpu.dma_semaphore, #tpu.memory_space<semaphore_mem>>) {add = true}
        %dma_wait3A_635 = arith.constant 0 : i32
        %dma_wait3A_636 = tpu.memref_slice %arg8[%run_scoped3A_626, %dma_wait3A_635] : memref<2x128xi32, #tpu.memory_space<vmem>> -> memref<1x128xi32, #tpu.memory_space<vmem>>
        %dma_wait3A_637 = tpu.memref_squeeze %dma_wait3A_636 : memref<1x128xi32, #tpu.memory_space<vmem>> -> memref<128xi32, #tpu.memory_space<vmem>>
        %dma_wait3A_638 = arith.constant 0 : i32
        %dma_wait3A_639 = arith.constant 0 : i32
        %dma_wait3A_640 = tpu.memref_slice %arg12[%dma_wait3A_638, %dma_wait3A_639] : memref<5008x16xf32, #tpu.memory_space<vmem_shared>> -> memref<5008x16xf32, #tpu.memory_space<vmem_shared>>
        tpu.wait_indirect_dma semaphore(%run_scoped3A_628 : memref<!tpu.dma_semaphore, #tpu.memory_space<semaphore_mem>>) src(%arg10 : memref<128x16xf32, #tpu.memory_space<vmem>>) dst(%dma_wait3A_640 : memref<5008x16xf32, #tpu.memory_space<vmem_shared>>)
        tpu.yield
      }) : () -> ()
      %run_scoped3A_627 = arith.constant 0 : i32
      "tpu.region"() ({
        %run_scoped3A_628 = tpu.sem_alloc : memref<!tpu.dma_semaphore, #tpu.memory_space<semaphore_mem>>
        %dma_start3A_629 = arith.constant 0 : i32
        %dma_start3A_630 = tpu.memref_slice %arg9[%run_scoped3A_627, %dma_start3A_629] : memref<2x128xi32, #tpu.memory_space<vmem>> -> memref<1x128xi32, #tpu.memory_space<vmem>>
        %dma_start3A_631 = tpu.memref_squeeze %dma_start3A_630 : memref<1x128xi32, #tpu.memory_space<vmem>> -> memref<128xi32, #tpu.memory_space<vmem>>
        %dma_start3A_632 = arith.constant 0 : i32
        %dma_start3A_633 = arith.constant 0 : i32
        %dma_start3A_634 = tpu.memref_slice %arg12[%dma_start3A_632, %dma_start3A_633] : memref<5008x16xf32, #tpu.memory_space<vmem_shared>> -> memref<5008x16xf32, #tpu.memory_space<vmem_shared>>
        tpu.enqueue_indirect_dma source(%arg11 : memref<128x16xf32, #tpu.memory_space<vmem>>) target(%dma_start3A_634 : memref<5008x16xf32, #tpu.memory_space<vmem_shared>>) offsets(%dma_start3A_631 : memref<128xi32, #tpu.memory_space<vmem>>) semaphore(%run_scoped3A_628 : memref<!tpu.dma_semaphore, #tpu.memory_space<semaphore_mem>>) {add = true}
        %dma_wait3A_635 = arith.constant 0 : i32
        %dma_wait3A_636 = tpu.memref_slice %arg9[%run_scoped3A_627, %dma_wait3A_635] : memref<2x128xi32, #tpu.memory_space<vmem>> -> memref<1x128xi32, #tpu.memory_space<vmem>>
        %dma_wait3A_637 = tpu.memref_squeeze %dma_wait3A_636 : memref<1x128xi32, #tpu.memory_space<vmem>> -> memref<128xi32, #tpu.memory_space<vmem>>
        %dma_wait3A_638 = arith.constant 0 : i32
        %dma_wait3A_639 = arith.constant 0 : i32
        %dma_wait3A_640 = tpu.memref_slice %arg12[%dma_wait3A_638, %dma_wait3A_639] : memref<5008x16xf32, #tpu.memory_space<vmem_shared>> -> memref<5008x16xf32, #tpu.memory_space<vmem_shared>>
        tpu.wait_indirect_dma semaphore(%run_scoped3A_628 : memref<!tpu.dma_semaphore, #tpu.memory_space<semaphore_mem>>) src(%arg11 : memref<128x16xf32, #tpu.memory_space<vmem>>) dst(%dma_wait3A_640 : memref<5008x16xf32, #tpu.memory_space<vmem_shared>>)
        tpu.yield
      }) : () -> ()
    } else {
    }
    %barrier3A_441 = arith.constant 0 : index
    tpu.barrier barrier_id(%barrier3A_441)
    "tpu.region"() ({
      %run_scoped3A_442 = tpu.sem_alloc : memref<!tpu.dma_semaphore, #tpu.memory_space<semaphore_mem>>
      %dma_start3A_443 = arith.constant 0 : i32
      %dma_start3A_444 = tpu.memref_slice %arg6[%arg0, %mul3A_9, %dma_start3A_443] : memref<2x5008x16xf32, #tpu.memory_space<hbm>> -> memref<1x313x16xf32, #tpu.memory_space<hbm>>
      %dma_start3A_445 = tpu.memref_squeeze %dma_start3A_444 : memref<1x313x16xf32, #tpu.memory_space<hbm>> -> memref<313x16xf32, #tpu.memory_space<hbm>>
      %dma_start3A_446 = arith.constant 0 : i32
      %dma_start3A_447 = tpu.memref_slice %arg12[%mul3A_9, %dma_start3A_446] : memref<5008x16xf32, #tpu.memory_space<vmem_shared>> -> memref<313x16xf32, #tpu.memory_space<vmem_shared>>
      tpu.enqueue_dma source(%dma_start3A_447 : memref<313x16xf32, #tpu.memory_space<vmem_shared>>) target(%dma_start3A_445 : memref<313x16xf32, #tpu.memory_space<hbm>>) target_semaphore(%run_scoped3A_442 : memref<!tpu.dma_semaphore, #tpu.memory_space<semaphore_mem>>)
      %dma_wait3A_448 = arith.constant 0 : i32
      %dma_wait3A_449 = tpu.memref_slice %arg6[%arg0, %mul3A_9, %dma_wait3A_448] : memref<2x5008x16xf32, #tpu.memory_space<hbm>> -> memref<1x313x16xf32, #tpu.memory_space<hbm>>
      %dma_wait3A_450 = tpu.memref_squeeze %dma_wait3A_449 : memref<1x313x16xf32, #tpu.memory_space<hbm>> -> memref<313x16xf32, #tpu.memory_space<hbm>>
      %dma_wait3A_451 = arith.constant 0 : i32
      %dma_wait3A_452 = tpu.memref_slice %arg12[%mul3A_9, %dma_wait3A_451] : memref<5008x16xf32, #tpu.memory_space<vmem_shared>> -> memref<313x16xf32, #tpu.memory_space<vmem_shared>>
      tpu.wait_dma2 semaphore(%run_scoped3A_442 : memref<!tpu.dma_semaphore, #tpu.memory_space<semaphore_mem>>) src(%dma_wait3A_452 : memref<313x16xf32, #tpu.memory_space<vmem_shared>>) dst(%dma_wait3A_450 : memref<313x16xf32, #tpu.memory_space<hbm>>)
      tpu.yield
    }) : () -> ()
    return
  }
}

#map = affine_map<(d0, d1) -> (0, 0)>
#map1 = affine_map<(d0, d1) -> (0, 0, 0)>
module attributes {stable_mosaic.version = 14 : i64} {
  func.func @_agg_body(%arg0: i32, %arg1: i32, %arg2: memref<10000x128xf32, #tpu.memory_space<hbm>>, %arg3: memref<2x320000xi32, #tpu.memory_space<hbm>>, %arg4: memref<10000x128xf32, #tpu.memory_space<hbm>>, %arg5: memref<2x10000x128xf32, #tpu.memory_space<hbm>>, %arg6: memref<10112xi32, #tpu.memory_space<vmem>>, %arg7: memref<2x128xi32, #tpu.memory_space<vmem>>, %arg8: memref<128x128xf32, #tpu.memory_space<vmem>>, %arg9: memref<128x128xf32, #tpu.memory_space<vmem>>, %arg10: memref<10000x128xf32, #tpu.memory_space<vmem_shared>>, %arg11: memref<!tpu.dma_semaphore, #tpu.memory_space<semaphore_mem>>, %arg12: memref<!tpu.dma_semaphore, #tpu.memory_space<semaphore_mem>>, %arg13: memref<!tpu.dma_semaphore, #tpu.memory_space<semaphore_mem>>, %arg14: memref<!tpu.dma_semaphore, #tpu.memory_space<semaphore_mem>>) attributes {dimension_semantics = [#tpu.dimension_semantics<core_parallel>, #tpu.dimension_semantics<subcore_parallel>], iteration_bounds = array<i64: 2, 16>, scalar_prefetch = 0 : i64, scratch_operands = 9 : i64, tpu.core_type = #tpu.core_type<sc_vector_subcore>, window_params = [{transform_indices = #map}, {transform_indices = #map}, {transform_indices = #map}, {transform_indices = #map1}]} {
    %mul3A = arith.constant 2 : i32
    %mul3A_0 = arith.muli %arg1, %mul3A : i32
    %add3A = arith.addi %mul3A_0, %arg0 : i32
    %mul3A_1 = arith.constant 78 : i32
    %mul3A_2 = arith.muli %mul3A_1, %add3A : i32
    %sub3A = arith.constant 28 : i32
    %sub3A_3 = arith.subi %add3A, %sub3A : i32
    %max3A = arith.constant 0 : i32
    %max3A_4 = arith.maxsi %sub3A_3, %max3A : i32
    %add3A_5 = arith.addi %mul3A_2, %max3A_4 : i32
    %mul3A_6 = arith.constant 128 : i32
    %mul3A_7 = arith.muli %add3A_5, %mul3A_6 : i32
    %run_scoped3A = arith.constant 0 : i32
    "tpu.region"() ({
      %run_scoped3A_106 = tpu.sem_alloc : memref<!tpu.dma_semaphore, #tpu.memory_space<semaphore_mem>>
      %dma_start3A_107 = tpu.memref_slice %arg3[%run_scoped3A, %mul3A_7] : memref<2x320000xi32, #tpu.memory_space<hbm>> -> memref<1x10112xi32, #tpu.memory_space<hbm>>
      %dma_start3A_108 = tpu.memref_squeeze %dma_start3A_107 : memref<1x10112xi32, #tpu.memory_space<hbm>> -> memref<10112xi32, #tpu.memory_space<hbm>>
      %dma_start3A_109 = tpu.memref_slice %arg3[%run_scoped3A, %mul3A_7] : memref<2x320000xi32, #tpu.memory_space<hbm>> -> memref<1x10112xi32, #tpu.memory_space<hbm>>
      %dma_start3A_110 = tpu.memref_squeeze %dma_start3A_109 : memref<1x10112xi32, #tpu.memory_space<hbm>> -> memref<10112xi32, #tpu.memory_space<hbm>>
      tpu.enqueue_dma source(%dma_start3A_110 : memref<10112xi32, #tpu.memory_space<hbm>>) target(%arg6 : memref<10112xi32, #tpu.memory_space<vmem>>) target_semaphore(%run_scoped3A_106 : memref<!tpu.dma_semaphore, #tpu.memory_space<semaphore_mem>>)
      %dma_wait3A_111 = tpu.memref_slice %arg3[%run_scoped3A, %mul3A_7] : memref<2x320000xi32, #tpu.memory_space<hbm>> -> memref<1x10112xi32, #tpu.memory_space<hbm>>
      %dma_wait3A_112 = tpu.memref_squeeze %dma_wait3A_111 : memref<1x10112xi32, #tpu.memory_space<hbm>> -> memref<10112xi32, #tpu.memory_space<hbm>>
      %dma_wait3A_113 = tpu.memref_slice %arg3[%run_scoped3A, %mul3A_7] : memref<2x320000xi32, #tpu.memory_space<hbm>> -> memref<1x10112xi32, #tpu.memory_space<hbm>>
      %dma_wait3A_114 = tpu.memref_squeeze %dma_wait3A_113 : memref<1x10112xi32, #tpu.memory_space<hbm>> -> memref<10112xi32, #tpu.memory_space<hbm>>
      tpu.wait_dma2 semaphore(%run_scoped3A_106 : memref<!tpu.dma_semaphore, #tpu.memory_space<semaphore_mem>>) src(%dma_wait3A_114 : memref<10112xi32, #tpu.memory_space<hbm>>) dst(%arg6 : memref<10112xi32, #tpu.memory_space<vmem>>)
      tpu.yield
    }) : () -> ()
    %mul3A_8 = arith.constant 625 : i32
    %mul3A_9 = arith.muli %arg1, %mul3A_8 : i32
    %eq3A = arith.constant 0 : i32
    %eq3A_10 = arith.cmpi eq, %arg0, %eq3A : i32
    %convert_element_type3A = arith.extui %eq3A_10 : i1 to i32
    %cond3A = arith.constant 0 : i32
    %cond3A_11 = arith.cmpi ne, %convert_element_type3A, %cond3A : i32
    scf.if %cond3A_11 {
      "tpu.region"() ({
        %run_scoped3A_106 = tpu.sem_alloc : memref<!tpu.dma_semaphore, #tpu.memory_space<semaphore_mem>>
        %dma_start3A_107 = arith.constant 0 : i32
        %dma_start3A_108 = tpu.memref_slice %arg10[%mul3A_9, %dma_start3A_107] : memref<10000x128xf32, #tpu.memory_space<vmem_shared>> -> memref<625x128xf32, #tpu.memory_space<vmem_shared>>
        %dma_start3A_109 = arith.constant 0 : i32
        %dma_start3A_110 = tpu.memref_slice %arg2[%mul3A_9, %dma_start3A_109] : memref<10000x128xf32, #tpu.memory_space<hbm>> -> memref<625x128xf32, #tpu.memory_space<hbm>>
        tpu.enqueue_dma source(%dma_start3A_110 : memref<625x128xf32, #tpu.memory_space<hbm>>) target(%dma_start3A_108 : memref<625x128xf32, #tpu.memory_space<vmem_shared>>) target_semaphore(%run_scoped3A_106 : memref<!tpu.dma_semaphore, #tpu.memory_space<semaphore_mem>>)
        %dma_wait3A_111 = arith.constant 0 : i32
        %dma_wait3A_112 = tpu.memref_slice %arg10[%mul3A_9, %dma_wait3A_111] : memref<10000x128xf32, #tpu.memory_space<vmem_shared>> -> memref<625x128xf32, #tpu.memory_space<vmem_shared>>
        %dma_wait3A_113 = arith.constant 0 : i32
        %dma_wait3A_114 = tpu.memref_slice %arg2[%mul3A_9, %dma_wait3A_113] : memref<10000x128xf32, #tpu.memory_space<hbm>> -> memref<625x128xf32, #tpu.memory_space<hbm>>
        tpu.wait_dma2 semaphore(%run_scoped3A_106 : memref<!tpu.dma_semaphore, #tpu.memory_space<semaphore_mem>>) src(%dma_wait3A_114 : memref<625x128xf32, #tpu.memory_space<hbm>>) dst(%dma_wait3A_112 : memref<625x128xf32, #tpu.memory_space<vmem_shared>>)
        tpu.yield
      }) : () -> ()
    } else {
    }
    %eq3A_12 = arith.constant 1 : i32
    %eq3A_13 = arith.cmpi eq, %arg0, %eq3A_12 : i32
    %convert_element_type3A_14 = arith.extui %eq3A_13 : i1 to i32
    %cond3A_15 = arith.constant 0 : i32
    %cond3A_16 = arith.cmpi ne, %convert_element_type3A_14, %cond3A_15 : i32
    scf.if %cond3A_16 {
      "tpu.region"() ({
        %run_scoped3A_106 = tpu.sem_alloc : memref<!tpu.dma_semaphore, #tpu.memory_space<semaphore_mem>>
        %dma_start3A_107 = arith.constant 0 : i32
        %dma_start3A_108 = tpu.memref_slice %arg10[%mul3A_9, %dma_start3A_107] : memref<10000x128xf32, #tpu.memory_space<vmem_shared>> -> memref<625x128xf32, #tpu.memory_space<vmem_shared>>
        %dma_start3A_109 = arith.constant 0 : i32
        %dma_start3A_110 = tpu.memref_slice %arg4[%mul3A_9, %dma_start3A_109] : memref<10000x128xf32, #tpu.memory_space<hbm>> -> memref<625x128xf32, #tpu.memory_space<hbm>>
        tpu.enqueue_dma source(%dma_start3A_110 : memref<625x128xf32, #tpu.memory_space<hbm>>) target(%dma_start3A_108 : memref<625x128xf32, #tpu.memory_space<vmem_shared>>) target_semaphore(%run_scoped3A_106 : memref<!tpu.dma_semaphore, #tpu.memory_space<semaphore_mem>>)
        %dma_wait3A_111 = arith.constant 0 : i32
        %dma_wait3A_112 = tpu.memref_slice %arg10[%mul3A_9, %dma_wait3A_111] : memref<10000x128xf32, #tpu.memory_space<vmem_shared>> -> memref<625x128xf32, #tpu.memory_space<vmem_shared>>
        %dma_wait3A_113 = arith.constant 0 : i32
        %dma_wait3A_114 = tpu.memref_slice %arg4[%mul3A_9, %dma_wait3A_113] : memref<10000x128xf32, #tpu.memory_space<hbm>> -> memref<625x128xf32, #tpu.memory_space<hbm>>
        tpu.wait_dma2 semaphore(%run_scoped3A_106 : memref<!tpu.dma_semaphore, #tpu.memory_space<semaphore_mem>>) src(%dma_wait3A_114 : memref<625x128xf32, #tpu.memory_space<hbm>>) dst(%dma_wait3A_112 : memref<625x128xf32, #tpu.memory_space<vmem_shared>>)
        tpu.yield
      }) : () -> ()
    } else {
    }
    %barrier3A = arith.constant 0 : index
    tpu.barrier barrier_id(%barrier3A)
    %dma_start3A = arith.constant 0 : i32
    %dma_start3A_17 = tpu.memref_slice %arg6[%dma_start3A] : memref<10112xi32, #tpu.memory_space<vmem>> -> memref<128xi32, #tpu.memory_space<vmem>>
    %dma_start3A_18 = arith.constant 0 : i32
    %dma_start3A_19 = arith.constant 0 : i32
    %dma_start3A_20 = tpu.memref_slice %arg2[%dma_start3A_18, %dma_start3A_19] : memref<10000x128xf32, #tpu.memory_space<hbm>> -> memref<10000x128xf32, #tpu.memory_space<hbm>>
    tpu.enqueue_indirect_dma source(%dma_start3A_20 : memref<10000x128xf32, #tpu.memory_space<hbm>>) target(%arg8 : memref<128x128xf32, #tpu.memory_space<vmem>>) offsets(%dma_start3A_17 : memref<128xi32, #tpu.memory_space<vmem>>) semaphore(%arg11 : memref<!tpu.dma_semaphore, #tpu.memory_space<semaphore_mem>>)
    %add3A_21 = arith.constant 0 : i32
    %add3A_22 = arith.addi %add3A_5, %add3A_21 : i32
    %mul3A_23 = arith.constant 128 : i32
    %mul3A_24 = arith.muli %add3A_22, %mul3A_23 : i32
    %dma_start3A_25 = arith.constant 1 : i32
    %dma_start3A_26 = arith.constant 0 : i32
    %dma_start3A_27 = arith.constant 0 : i32
    %dma_start3A_28 = tpu.memref_slice %arg7[%dma_start3A_26, %dma_start3A_27] : memref<2x128xi32, #tpu.memory_space<vmem>> -> memref<1x128xi32, #tpu.memory_space<vmem>>
    %dma_start3A_29 = tpu.memref_squeeze %dma_start3A_28 : memref<1x128xi32, #tpu.memory_space<vmem>> -> memref<128xi32, #tpu.memory_space<vmem>>
    %dma_start3A_30 = tpu.memref_slice %arg3[%dma_start3A_25, %mul3A_24] : memref<2x320000xi32, #tpu.memory_space<hbm>> -> memref<1x128xi32, #tpu.memory_space<hbm>>
    %dma_start3A_31 = tpu.memref_squeeze %dma_start3A_30 : memref<1x128xi32, #tpu.memory_space<hbm>> -> memref<128xi32, #tpu.memory_space<hbm>>
    %dma_start3A_32 = arith.constant 0 : i32
    %dma_start3A_33 = tpu.memref_slice %arg7[%dma_start3A_26, %dma_start3A_32] : memref<2x128xi32, #tpu.memory_space<vmem>> -> memref<1x128xi32, #tpu.memory_space<vmem>>
    %dma_start3A_34 = tpu.memref_squeeze %dma_start3A_33 : memref<1x128xi32, #tpu.memory_space<vmem>> -> memref<128xi32, #tpu.memory_space<vmem>>
    %dma_start3A_35 = tpu.memref_slice %arg3[%dma_start3A_25, %mul3A_24] : memref<2x320000xi32, #tpu.memory_space<hbm>> -> memref<1x128xi32, #tpu.memory_space<hbm>>
    %dma_start3A_36 = tpu.memref_squeeze %dma_start3A_35 : memref<1x128xi32, #tpu.memory_space<hbm>> -> memref<128xi32, #tpu.memory_space<hbm>>
    tpu.enqueue_dma source(%dma_start3A_36 : memref<128xi32, #tpu.memory_space<hbm>>) target(%dma_start3A_34 : memref<128xi32, #tpu.memory_space<vmem>>) target_semaphore(%arg13 : memref<!tpu.dma_semaphore, #tpu.memory_space<semaphore_mem>>)
    %dma_start3A_37 = arith.constant 128 : i32
    %dma_start3A_38 = tpu.memref_slice %arg6[%dma_start3A_37] : memref<10112xi32, #tpu.memory_space<vmem>> -> memref<128xi32, #tpu.memory_space<vmem>>
    %dma_start3A_39 = arith.constant 0 : i32
    %dma_start3A_40 = arith.constant 0 : i32
    %dma_start3A_41 = tpu.memref_slice %arg2[%dma_start3A_39, %dma_start3A_40] : memref<10000x128xf32, #tpu.memory_space<hbm>> -> memref<10000x128xf32, #tpu.memory_space<hbm>>
    tpu.enqueue_indirect_dma source(%dma_start3A_41 : memref<10000x128xf32, #tpu.memory_space<hbm>>) target(%arg9 : memref<128x128xf32, #tpu.memory_space<vmem>>) offsets(%dma_start3A_38 : memref<128xi32, #tpu.memory_space<vmem>>) semaphore(%arg12 : memref<!tpu.dma_semaphore, #tpu.memory_space<semaphore_mem>>)
    %add3A_42 = arith.constant 1 : i32
    %add3A_43 = arith.addi %add3A_5, %add3A_42 : i32
    %mul3A_44 = arith.constant 128 : i32
    %mul3A_45 = arith.muli %add3A_43, %mul3A_44 : i32
    %dma_start3A_46 = arith.constant 1 : i32
    %dma_start3A_47 = arith.constant 1 : i32
    %dma_start3A_48 = arith.constant 0 : i32
    %dma_start3A_49 = tpu.memref_slice %arg7[%dma_start3A_47, %dma_start3A_48] : memref<2x128xi32, #tpu.memory_space<vmem>> -> memref<1x128xi32, #tpu.memory_space<vmem>>
    %dma_start3A_50 = tpu.memref_squeeze %dma_start3A_49 : memref<1x128xi32, #tpu.memory_space<vmem>> -> memref<128xi32, #tpu.memory_space<vmem>>
    %dma_start3A_51 = tpu.memref_slice %arg3[%dma_start3A_46, %mul3A_45] : memref<2x320000xi32, #tpu.memory_space<hbm>> -> memref<1x128xi32, #tpu.memory_space<hbm>>
    %dma_start3A_52 = tpu.memref_squeeze %dma_start3A_51 : memref<1x128xi32, #tpu.memory_space<hbm>> -> memref<128xi32, #tpu.memory_space<hbm>>
    %dma_start3A_53 = arith.constant 0 : i32
    %dma_start3A_54 = tpu.memref_slice %arg7[%dma_start3A_47, %dma_start3A_53] : memref<2x128xi32, #tpu.memory_space<vmem>> -> memref<1x128xi32, #tpu.memory_space<vmem>>
    %dma_start3A_55 = tpu.memref_squeeze %dma_start3A_54 : memref<1x128xi32, #tpu.memory_space<vmem>> -> memref<128xi32, #tpu.memory_space<vmem>>
    %dma_start3A_56 = tpu.memref_slice %arg3[%dma_start3A_46, %mul3A_45] : memref<2x320000xi32, #tpu.memory_space<hbm>> -> memref<1x128xi32, #tpu.memory_space<hbm>>
    %dma_start3A_57 = tpu.memref_squeeze %dma_start3A_56 : memref<1x128xi32, #tpu.memory_space<hbm>> -> memref<128xi32, #tpu.memory_space<hbm>>
    tpu.enqueue_dma source(%dma_start3A_57 : memref<128xi32, #tpu.memory_space<hbm>>) target(%dma_start3A_55 : memref<128xi32, #tpu.memory_space<vmem>>) target_semaphore(%arg14 : memref<!tpu.dma_semaphore, #tpu.memory_space<semaphore_mem>>)
    %scan3A = arith.constant 0 : i32
    %scan3A_58 = arith.constant 0 : i32
    %scan3A_59 = arith.constant 39 : i32
    %scan3A_60 = arith.addi %scan3A_58, %scan3A_59 : i32
    %scan3A_61 = arith.constant 1 : i32
    %scan3A_62 = scf.for %scan3A_106 = %scan3A_58 to %scan3A_60 step %scan3A_61 iter_args(%scan3A_107 = %scan3A) -> (i32)  : i32 {
      %mul3A_108 = arith.constant 2 : i32
      %mul3A_109 = arith.muli %mul3A_108, %scan3A_106 : i32
      %dma_wait3A_110 = arith.constant 0 : i32
      %dma_wait3A_111 = tpu.memref_slice %arg6[%dma_wait3A_110] : memref<10112xi32, #tpu.memory_space<vmem>> -> memref<128xi32, #tpu.memory_space<vmem>>
      %dma_wait3A_112 = arith.constant 0 : i32
      %dma_wait3A_113 = arith.constant 0 : i32
      %dma_wait3A_114 = tpu.memref_slice %arg2[%dma_wait3A_112, %dma_wait3A_113] : memref<10000x128xf32, #tpu.memory_space<hbm>> -> memref<10000x128xf32, #tpu.memory_space<hbm>>
      tpu.wait_indirect_dma semaphore(%arg11 : memref<!tpu.dma_semaphore, #tpu.memory_space<semaphore_mem>>) src(%dma_wait3A_114 : memref<10000x128xf32, #tpu.memory_space<hbm>>) dst(%arg8 : memref<128x128xf32, #tpu.memory_space<vmem>>)
      %dma_wait3A_115 = arith.constant 1 : i32
      %dma_wait3A_116 = arith.constant 0 : i32
      %dma_wait3A_117 = arith.constant 0 : i32
      %dma_wait3A_118 = tpu.memref_slice %arg7[%dma_wait3A_116, %dma_wait3A_117] : memref<2x128xi32, #tpu.memory_space<vmem>> -> memref<1x128xi32, #tpu.memory_space<vmem>>
      %dma_wait3A_119 = tpu.memref_squeeze %dma_wait3A_118 : memref<1x128xi32, #tpu.memory_space<vmem>> -> memref<128xi32, #tpu.memory_space<vmem>>
      %dma_wait3A_120 = arith.constant 0 : i32
      %dma_wait3A_121 = tpu.memref_slice %arg3[%dma_wait3A_115, %dma_wait3A_120] : memref<2x320000xi32, #tpu.memory_space<hbm>> -> memref<1x128xi32, #tpu.memory_space<hbm>>
      %dma_wait3A_122 = tpu.memref_squeeze %dma_wait3A_121 : memref<1x128xi32, #tpu.memory_space<hbm>> -> memref<128xi32, #tpu.memory_space<hbm>>
      %dma_wait3A_123 = arith.constant 0 : i32
      %dma_wait3A_124 = tpu.memref_slice %arg7[%dma_wait3A_116, %dma_wait3A_123] : memref<2x128xi32, #tpu.memory_space<vmem>> -> memref<1x128xi32, #tpu.memory_space<vmem>>
      %dma_wait3A_125 = tpu.memref_squeeze %dma_wait3A_124 : memref<1x128xi32, #tpu.memory_space<vmem>> -> memref<128xi32, #tpu.memory_space<vmem>>
      %dma_wait3A_126 = arith.constant 0 : i32
      %dma_wait3A_127 = tpu.memref_slice %arg3[%dma_wait3A_115, %dma_wait3A_126] : memref<2x320000xi32, #tpu.memory_space<hbm>> -> memref<1x128xi32, #tpu.memory_space<hbm>>
      %dma_wait3A_128 = tpu.memref_squeeze %dma_wait3A_127 : memref<1x128xi32, #tpu.memory_space<hbm>> -> memref<128xi32, #tpu.memory_space<hbm>>
      tpu.wait_dma2 semaphore(%arg13 : memref<!tpu.dma_semaphore, #tpu.memory_space<semaphore_mem>>) src(%dma_wait3A_128 : memref<128xi32, #tpu.memory_space<hbm>>) dst(%dma_wait3A_125 : memref<128xi32, #tpu.memory_space<vmem>>)
      %run_scoped3A_129 = arith.constant 0 : i32
      "tpu.region"() ({
        %run_scoped3A_204 = tpu.sem_alloc : memref<!tpu.dma_semaphore, #tpu.memory_space<semaphore_mem>>
        %dma_start3A_205 = arith.constant 0 : i32
        %dma_start3A_206 = tpu.memref_slice %arg7[%run_scoped3A_129, %dma_start3A_205] : memref<2x128xi32, #tpu.memory_space<vmem>> -> memref<1x128xi32, #tpu.memory_space<vmem>>
        %dma_start3A_207 = tpu.memref_squeeze %dma_start3A_206 : memref<1x128xi32, #tpu.memory_space<vmem>> -> memref<128xi32, #tpu.memory_space<vmem>>
        %dma_start3A_208 = arith.constant 0 : i32
        %dma_start3A_209 = arith.constant 0 : i32
        %dma_start3A_210 = tpu.memref_slice %arg10[%dma_start3A_208, %dma_start3A_209] : memref<10000x128xf32, #tpu.memory_space<vmem_shared>> -> memref<10000x128xf32, #tpu.memory_space<vmem_shared>>
        tpu.enqueue_indirect_dma source(%arg8 : memref<128x128xf32, #tpu.memory_space<vmem>>) target(%dma_start3A_210 : memref<10000x128xf32, #tpu.memory_space<vmem_shared>>) offsets(%dma_start3A_207 : memref<128xi32, #tpu.memory_space<vmem>>) semaphore(%run_scoped3A_204 : memref<!tpu.dma_semaphore, #tpu.memory_space<semaphore_mem>>) {add = true}
        %dma_wait3A_211 = arith.constant 0 : i32
        %dma_wait3A_212 = tpu.memref_slice %arg7[%run_scoped3A_129, %dma_wait3A_211] : memref<2x128xi32, #tpu.memory_space<vmem>> -> memref<1x128xi32, #tpu.memory_space<vmem>>
        %dma_wait3A_213 = tpu.memref_squeeze %dma_wait3A_212 : memref<1x128xi32, #tpu.memory_space<vmem>> -> memref<128xi32, #tpu.memory_space<vmem>>
        %dma_wait3A_214 = arith.constant 0 : i32
        %dma_wait3A_215 = arith.constant 0 : i32
        %dma_wait3A_216 = tpu.memref_slice %arg10[%dma_wait3A_214, %dma_wait3A_215] : memref<10000x128xf32, #tpu.memory_space<vmem_shared>> -> memref<10000x128xf32, #tpu.memory_space<vmem_shared>>
        tpu.wait_indirect_dma semaphore(%run_scoped3A_204 : memref<!tpu.dma_semaphore, #tpu.memory_space<semaphore_mem>>) src(%arg8 : memref<128x128xf32, #tpu.memory_space<vmem>>) dst(%dma_wait3A_216 : memref<10000x128xf32, #tpu.memory_space<vmem_shared>>)
        tpu.yield
      }) : () -> ()
      %add3A_130 = arith.constant 2 : i32
      %add3A_131 = arith.addi %mul3A_109, %add3A_130 : i32
      %add3A_132 = arith.constant 0 : i32
      %add3A_133 = arith.addi %add3A_131, %add3A_132 : i32
      %min3A = arith.constant 77 : i32
      %min3A_134 = arith.minsi %add3A_133, %min3A : i32
      %mul3A_135 = arith.constant 128 : i32
      %mul3A_136 = arith.muli %min3A_134, %mul3A_135 : i32
      %dma_start3A_137 = tpu.memref_slice %arg6[%mul3A_136] : memref<10112xi32, #tpu.memory_space<vmem>> -> memref<128xi32, #tpu.memory_space<vmem>>
      %dma_start3A_138 = arith.constant 0 : i32
      %dma_start3A_139 = arith.constant 0 : i32
      %dma_start3A_140 = tpu.memref_slice %arg2[%dma_start3A_138, %dma_start3A_139] : memref<10000x128xf32, #tpu.memory_space<hbm>> -> memref<10000x128xf32, #tpu.memory_space<hbm>>
      tpu.enqueue_indirect_dma source(%dma_start3A_140 : memref<10000x128xf32, #tpu.memory_space<hbm>>) target(%arg8 : memref<128x128xf32, #tpu.memory_space<vmem>>) offsets(%dma_start3A_137 : memref<128xi32, #tpu.memory_space<vmem>>) semaphore(%arg11 : memref<!tpu.dma_semaphore, #tpu.memory_space<semaphore_mem>>)
      %add3A_141 = arith.addi %add3A_5, %min3A_134 : i32
      %mul3A_142 = arith.constant 128 : i32
      %mul3A_143 = arith.muli %add3A_141, %mul3A_142 : i32
      %dma_start3A_144 = arith.constant 1 : i32
      %dma_start3A_145 = arith.constant 0 : i32
      %dma_start3A_146 = arith.constant 0 : i32
      %dma_start3A_147 = tpu.memref_slice %arg7[%dma_start3A_145, %dma_start3A_146] : memref<2x128xi32, #tpu.memory_space<vmem>> -> memref<1x128xi32, #tpu.memory_space<vmem>>
      %dma_start3A_148 = tpu.memref_squeeze %dma_start3A_147 : memref<1x128xi32, #tpu.memory_space<vmem>> -> memref<128xi32, #tpu.memory_space<vmem>>
      %dma_start3A_149 = tpu.memref_slice %arg3[%dma_start3A_144, %mul3A_143] : memref<2x320000xi32, #tpu.memory_space<hbm>> -> memref<1x128xi32, #tpu.memory_space<hbm>>
      %dma_start3A_150 = tpu.memref_squeeze %dma_start3A_149 : memref<1x128xi32, #tpu.memory_space<hbm>> -> memref<128xi32, #tpu.memory_space<hbm>>
      %dma_start3A_151 = arith.constant 0 : i32
      %dma_start3A_152 = tpu.memref_slice %arg7[%dma_start3A_145, %dma_start3A_151] : memref<2x128xi32, #tpu.memory_space<vmem>> -> memref<1x128xi32, #tpu.memory_space<vmem>>
      %dma_start3A_153 = tpu.memref_squeeze %dma_start3A_152 : memref<1x128xi32, #tpu.memory_space<vmem>> -> memref<128xi32, #tpu.memory_space<vmem>>
      %dma_start3A_154 = tpu.memref_slice %arg3[%dma_start3A_144, %mul3A_143] : memref<2x320000xi32, #tpu.memory_space<hbm>> -> memref<1x128xi32, #tpu.memory_space<hbm>>
      %dma_start3A_155 = tpu.memref_squeeze %dma_start3A_154 : memref<1x128xi32, #tpu.memory_space<hbm>> -> memref<128xi32, #tpu.memory_space<hbm>>
      tpu.enqueue_dma source(%dma_start3A_155 : memref<128xi32, #tpu.memory_space<hbm>>) target(%dma_start3A_153 : memref<128xi32, #tpu.memory_space<vmem>>) target_semaphore(%arg13 : memref<!tpu.dma_semaphore, #tpu.memory_space<semaphore_mem>>)
      %dma_wait3A_156 = arith.constant 0 : i32
      %dma_wait3A_157 = tpu.memref_slice %arg6[%dma_wait3A_156] : memref<10112xi32, #tpu.memory_space<vmem>> -> memref<128xi32, #tpu.memory_space<vmem>>
      %dma_wait3A_158 = arith.constant 0 : i32
      %dma_wait3A_159 = arith.constant 0 : i32
      %dma_wait3A_160 = tpu.memref_slice %arg2[%dma_wait3A_158, %dma_wait3A_159] : memref<10000x128xf32, #tpu.memory_space<hbm>> -> memref<10000x128xf32, #tpu.memory_space<hbm>>
      tpu.wait_indirect_dma semaphore(%arg12 : memref<!tpu.dma_semaphore, #tpu.memory_space<semaphore_mem>>) src(%dma_wait3A_160 : memref<10000x128xf32, #tpu.memory_space<hbm>>) dst(%arg9 : memref<128x128xf32, #tpu.memory_space<vmem>>)
      %dma_wait3A_161 = arith.constant 1 : i32
      %dma_wait3A_162 = arith.constant 1 : i32
      %dma_wait3A_163 = arith.constant 0 : i32
      %dma_wait3A_164 = tpu.memref_slice %arg7[%dma_wait3A_162, %dma_wait3A_163] : memref<2x128xi32, #tpu.memory_space<vmem>> -> memref<1x128xi32, #tpu.memory_space<vmem>>
      %dma_wait3A_165 = tpu.memref_squeeze %dma_wait3A_164 : memref<1x128xi32, #tpu.memory_space<vmem>> -> memref<128xi32, #tpu.memory_space<vmem>>
      %dma_wait3A_166 = arith.constant 0 : i32
      %dma_wait3A_167 = tpu.memref_slice %arg3[%dma_wait3A_161, %dma_wait3A_166] : memref<2x320000xi32, #tpu.memory_space<hbm>> -> memref<1x128xi32, #tpu.memory_space<hbm>>
      %dma_wait3A_168 = tpu.memref_squeeze %dma_wait3A_167 : memref<1x128xi32, #tpu.memory_space<hbm>> -> memref<128xi32, #tpu.memory_space<hbm>>
      %dma_wait3A_169 = arith.constant 0 : i32
      %dma_wait3A_170 = tpu.memref_slice %arg7[%dma_wait3A_162, %dma_wait3A_169] : memref<2x128xi32, #tpu.memory_space<vmem>> -> memref<1x128xi32, #tpu.memory_space<vmem>>
      %dma_wait3A_171 = tpu.memref_squeeze %dma_wait3A_170 : memref<1x128xi32, #tpu.memory_space<vmem>> -> memref<128xi32, #tpu.memory_space<vmem>>
      %dma_wait3A_172 = arith.constant 0 : i32
      %dma_wait3A_173 = tpu.memref_slice %arg3[%dma_wait3A_161, %dma_wait3A_172] : memref<2x320000xi32, #tpu.memory_space<hbm>> -> memref<1x128xi32, #tpu.memory_space<hbm>>
      %dma_wait3A_174 = tpu.memref_squeeze %dma_wait3A_173 : memref<1x128xi32, #tpu.memory_space<hbm>> -> memref<128xi32, #tpu.memory_space<hbm>>
      tpu.wait_dma2 semaphore(%arg14 : memref<!tpu.dma_semaphore, #tpu.memory_space<semaphore_mem>>) src(%dma_wait3A_174 : memref<128xi32, #tpu.memory_space<hbm>>) dst(%dma_wait3A_171 : memref<128xi32, #tpu.memory_space<vmem>>)
      %run_scoped3A_175 = arith.constant 1 : i32
      "tpu.region"() ({
        %run_scoped3A_204 = tpu.sem_alloc : memref<!tpu.dma_semaphore, #tpu.memory_space<semaphore_mem>>
        %dma_start3A_205 = arith.constant 0 : i32
        %dma_start3A_206 = tpu.memref_slice %arg7[%run_scoped3A_175, %dma_start3A_205] : memref<2x128xi32, #tpu.memory_space<vmem>> -> memref<1x128xi32, #tpu.memory_space<vmem>>
        %dma_start3A_207 = tpu.memref_squeeze %dma_start3A_206 : memref<1x128xi32, #tpu.memory_space<vmem>> -> memref<128xi32, #tpu.memory_space<vmem>>
        %dma_start3A_208 = arith.constant 0 : i32
        %dma_start3A_209 = arith.constant 0 : i32
        %dma_start3A_210 = tpu.memref_slice %arg10[%dma_start3A_208, %dma_start3A_209] : memref<10000x128xf32, #tpu.memory_space<vmem_shared>> -> memref<10000x128xf32, #tpu.memory_space<vmem_shared>>
        tpu.enqueue_indirect_dma source(%arg9 : memref<128x128xf32, #tpu.memory_space<vmem>>) target(%dma_start3A_210 : memref<10000x128xf32, #tpu.memory_space<vmem_shared>>) offsets(%dma_start3A_207 : memref<128xi32, #tpu.memory_space<vmem>>) semaphore(%run_scoped3A_204 : memref<!tpu.dma_semaphore, #tpu.memory_space<semaphore_mem>>) {add = true}
        %dma_wait3A_211 = arith.constant 0 : i32
        %dma_wait3A_212 = tpu.memref_slice %arg7[%run_scoped3A_175, %dma_wait3A_211] : memref<2x128xi32, #tpu.memory_space<vmem>> -> memref<1x128xi32, #tpu.memory_space<vmem>>
        %dma_wait3A_213 = tpu.memref_squeeze %dma_wait3A_212 : memref<1x128xi32, #tpu.memory_space<vmem>> -> memref<128xi32, #tpu.memory_space<vmem>>
        %dma_wait3A_214 = arith.constant 0 : i32
        %dma_wait3A_215 = arith.constant 0 : i32
        %dma_wait3A_216 = tpu.memref_slice %arg10[%dma_wait3A_214, %dma_wait3A_215] : memref<10000x128xf32, #tpu.memory_space<vmem_shared>> -> memref<10000x128xf32, #tpu.memory_space<vmem_shared>>
        tpu.wait_indirect_dma semaphore(%run_scoped3A_204 : memref<!tpu.dma_semaphore, #tpu.memory_space<semaphore_mem>>) src(%arg9 : memref<128x128xf32, #tpu.memory_space<vmem>>) dst(%dma_wait3A_216 : memref<10000x128xf32, #tpu.memory_space<vmem_shared>>)
        tpu.yield
      }) : () -> ()
      %add3A_176 = arith.constant 2 : i32
      %add3A_177 = arith.addi %mul3A_109, %add3A_176 : i32
      %add3A_178 = arith.constant 1 : i32
      %add3A_179 = arith.addi %add3A_177, %add3A_178 : i32
      %min3A_180 = arith.constant 77 : i32
      %min3A_181 = arith.minsi %add3A_179, %min3A_180 : i32
      %mul3A_182 = arith.constant 128 : i32
      %mul3A_183 = arith.muli %min3A_181, %mul3A_182 : i32
      %dma_start3A_184 = tpu.memref_slice %arg6[%mul3A_183] : memref<10112xi32, #tpu.memory_space<vmem>> -> memref<128xi32, #tpu.memory_space<vmem>>
      %dma_start3A_185 = arith.constant 0 : i32
      %dma_start3A_186 = arith.constant 0 : i32
      %dma_start3A_187 = tpu.memref_slice %arg2[%dma_start3A_185, %dma_start3A_186] : memref<10000x128xf32, #tpu.memory_space<hbm>> -> memref<10000x128xf32, #tpu.memory_space<hbm>>
      tpu.enqueue_indirect_dma source(%dma_start3A_187 : memref<10000x128xf32, #tpu.memory_space<hbm>>) target(%arg9 : memref<128x128xf32, #tpu.memory_space<vmem>>) offsets(%dma_start3A_184 : memref<128xi32, #tpu.memory_space<vmem>>) semaphore(%arg12 : memref<!tpu.dma_semaphore, #tpu.memory_space<semaphore_mem>>)
      %add3A_188 = arith.addi %add3A_5, %min3A_181 : i32
      %mul3A_189 = arith.constant 128 : i32
      %mul3A_190 = arith.muli %add3A_188, %mul3A_189 : i32
      %dma_start3A_191 = arith.constant 1 : i32
      %dma_start3A_192 = arith.constant 1 : i32
      %dma_start3A_193 = arith.constant 0 : i32
      %dma_start3A_194 = tpu.memref_slice %arg7[%dma_start3A_192, %dma_start3A_193] : memref<2x128xi32, #tpu.memory_space<vmem>> -> memref<1x128xi32, #tpu.memory_space<vmem>>
      %dma_start3A_195 = tpu.memref_squeeze %dma_start3A_194 : memref<1x128xi32, #tpu.memory_space<vmem>> -> memref<128xi32, #tpu.memory_space<vmem>>
      %dma_start3A_196 = tpu.memref_slice %arg3[%dma_start3A_191, %mul3A_190] : memref<2x320000xi32, #tpu.memory_space<hbm>> -> memref<1x128xi32, #tpu.memory_space<hbm>>
      %dma_start3A_197 = tpu.memref_squeeze %dma_start3A_196 : memref<1x128xi32, #tpu.memory_space<hbm>> -> memref<128xi32, #tpu.memory_space<hbm>>
      %dma_start3A_198 = arith.constant 0 : i32
      %dma_start3A_199 = tpu.memref_slice %arg7[%dma_start3A_192, %dma_start3A_198] : memref<2x128xi32, #tpu.memory_space<vmem>> -> memref<1x128xi32, #tpu.memory_space<vmem>>
      %dma_start3A_200 = tpu.memref_squeeze %dma_start3A_199 : memref<1x128xi32, #tpu.memory_space<vmem>> -> memref<128xi32, #tpu.memory_space<vmem>>
      %dma_start3A_201 = tpu.memref_slice %arg3[%dma_start3A_191, %mul3A_190] : memref<2x320000xi32, #tpu.memory_space<hbm>> -> memref<1x128xi32, #tpu.memory_space<hbm>>
      %dma_start3A_202 = tpu.memref_squeeze %dma_start3A_201 : memref<1x128xi32, #tpu.memory_space<hbm>> -> memref<128xi32, #tpu.memory_space<hbm>>
      tpu.enqueue_dma source(%dma_start3A_202 : memref<128xi32, #tpu.memory_space<hbm>>) target(%dma_start3A_200 : memref<128xi32, #tpu.memory_space<vmem>>) target_semaphore(%arg14 : memref<!tpu.dma_semaphore, #tpu.memory_space<semaphore_mem>>)
      %scan3A_203 = arith.constant 0 : i32
      scf.yield %scan3A_203 : i32
    }
    %scan3A_63 = arith.constant 39 : i32
    %dma_wait3A = arith.constant 0 : i32
    %dma_wait3A_64 = tpu.memref_slice %arg6[%dma_wait3A] : memref<10112xi32, #tpu.memory_space<vmem>> -> memref<128xi32, #tpu.memory_space<vmem>>
    %dma_wait3A_65 = arith.constant 0 : i32
    %dma_wait3A_66 = arith.constant 0 : i32
    %dma_wait3A_67 = tpu.memref_slice %arg2[%dma_wait3A_65, %dma_wait3A_66] : memref<10000x128xf32, #tpu.memory_space<hbm>> -> memref<10000x128xf32, #tpu.memory_space<hbm>>
    tpu.wait_indirect_dma semaphore(%arg11 : memref<!tpu.dma_semaphore, #tpu.memory_space<semaphore_mem>>) src(%dma_wait3A_67 : memref<10000x128xf32, #tpu.memory_space<hbm>>) dst(%arg8 : memref<128x128xf32, #tpu.memory_space<vmem>>)
    %dma_wait3A_68 = arith.constant 1 : i32
    %dma_wait3A_69 = arith.constant 0 : i32
    %dma_wait3A_70 = arith.constant 0 : i32
    %dma_wait3A_71 = tpu.memref_slice %arg7[%dma_wait3A_69, %dma_wait3A_70] : memref<2x128xi32, #tpu.memory_space<vmem>> -> memref<1x128xi32, #tpu.memory_space<vmem>>
    %dma_wait3A_72 = tpu.memref_squeeze %dma_wait3A_71 : memref<1x128xi32, #tpu.memory_space<vmem>> -> memref<128xi32, #tpu.memory_space<vmem>>
    %dma_wait3A_73 = arith.constant 0 : i32
    %dma_wait3A_74 = tpu.memref_slice %arg3[%dma_wait3A_68, %dma_wait3A_73] : memref<2x320000xi32, #tpu.memory_space<hbm>> -> memref<1x128xi32, #tpu.memory_space<hbm>>
    %dma_wait3A_75 = tpu.memref_squeeze %dma_wait3A_74 : memref<1x128xi32, #tpu.memory_space<hbm>> -> memref<128xi32, #tpu.memory_space<hbm>>
    %dma_wait3A_76 = arith.constant 0 : i32
    %dma_wait3A_77 = tpu.memref_slice %arg7[%dma_wait3A_69, %dma_wait3A_76] : memref<2x128xi32, #tpu.memory_space<vmem>> -> memref<1x128xi32, #tpu.memory_space<vmem>>
    %dma_wait3A_78 = tpu.memref_squeeze %dma_wait3A_77 : memref<1x128xi32, #tpu.memory_space<vmem>> -> memref<128xi32, #tpu.memory_space<vmem>>
    %dma_wait3A_79 = arith.constant 0 : i32
    %dma_wait3A_80 = tpu.memref_slice %arg3[%dma_wait3A_68, %dma_wait3A_79] : memref<2x320000xi32, #tpu.memory_space<hbm>> -> memref<1x128xi32, #tpu.memory_space<hbm>>
    %dma_wait3A_81 = tpu.memref_squeeze %dma_wait3A_80 : memref<1x128xi32, #tpu.memory_space<hbm>> -> memref<128xi32, #tpu.memory_space<hbm>>
    tpu.wait_dma2 semaphore(%arg13 : memref<!tpu.dma_semaphore, #tpu.memory_space<semaphore_mem>>) src(%dma_wait3A_81 : memref<128xi32, #tpu.memory_space<hbm>>) dst(%dma_wait3A_78 : memref<128xi32, #tpu.memory_space<vmem>>)
    %dma_wait3A_82 = arith.constant 0 : i32
    %dma_wait3A_83 = tpu.memref_slice %arg6[%dma_wait3A_82] : memref<10112xi32, #tpu.memory_space<vmem>> -> memref<128xi32, #tpu.memory_space<vmem>>
    %dma_wait3A_84 = arith.constant 0 : i32
    %dma_wait3A_85 = arith.constant 0 : i32
    %dma_wait3A_86 = tpu.memref_slice %arg2[%dma_wait3A_84, %dma_wait3A_85] : memref<10000x128xf32, #tpu.memory_space<hbm>> -> memref<10000x128xf32, #tpu.memory_space<hbm>>
    tpu.wait_indirect_dma semaphore(%arg12 : memref<!tpu.dma_semaphore, #tpu.memory_space<semaphore_mem>>) src(%dma_wait3A_86 : memref<10000x128xf32, #tpu.memory_space<hbm>>) dst(%arg9 : memref<128x128xf32, #tpu.memory_space<vmem>>)
    %dma_wait3A_87 = arith.constant 1 : i32
    %dma_wait3A_88 = arith.constant 1 : i32
    %dma_wait3A_89 = arith.constant 0 : i32
    %dma_wait3A_90 = tpu.memref_slice %arg7[%dma_wait3A_88, %dma_wait3A_89] : memref<2x128xi32, #tpu.memory_space<vmem>> -> memref<1x128xi32, #tpu.memory_space<vmem>>
    %dma_wait3A_91 = tpu.memref_squeeze %dma_wait3A_90 : memref<1x128xi32, #tpu.memory_space<vmem>> -> memref<128xi32, #tpu.memory_space<vmem>>
    %dma_wait3A_92 = arith.constant 0 : i32
    %dma_wait3A_93 = tpu.memref_slice %arg3[%dma_wait3A_87, %dma_wait3A_92] : memref<2x320000xi32, #tpu.memory_space<hbm>> -> memref<1x128xi32, #tpu.memory_space<hbm>>
    %dma_wait3A_94 = tpu.memref_squeeze %dma_wait3A_93 : memref<1x128xi32, #tpu.memory_space<hbm>> -> memref<128xi32, #tpu.memory_space<hbm>>
    %dma_wait3A_95 = arith.constant 0 : i32
    %dma_wait3A_96 = tpu.memref_slice %arg7[%dma_wait3A_88, %dma_wait3A_95] : memref<2x128xi32, #tpu.memory_space<vmem>> -> memref<1x128xi32, #tpu.memory_space<vmem>>
    %dma_wait3A_97 = tpu.memref_squeeze %dma_wait3A_96 : memref<1x128xi32, #tpu.memory_space<vmem>> -> memref<128xi32, #tpu.memory_space<vmem>>
    %dma_wait3A_98 = arith.constant 0 : i32
    %dma_wait3A_99 = tpu.memref_slice %arg3[%dma_wait3A_87, %dma_wait3A_98] : memref<2x320000xi32, #tpu.memory_space<hbm>> -> memref<1x128xi32, #tpu.memory_space<hbm>>
    %dma_wait3A_100 = tpu.memref_squeeze %dma_wait3A_99 : memref<1x128xi32, #tpu.memory_space<hbm>> -> memref<128xi32, #tpu.memory_space<hbm>>
    tpu.wait_dma2 semaphore(%arg14 : memref<!tpu.dma_semaphore, #tpu.memory_space<semaphore_mem>>) src(%dma_wait3A_100 : memref<128xi32, #tpu.memory_space<hbm>>) dst(%dma_wait3A_97 : memref<128xi32, #tpu.memory_space<vmem>>)
    %ge3A = arith.constant 28 : i32
    %ge3A_101 = arith.cmpi sge, %add3A, %ge3A : i32
    %convert_element_type3A_102 = arith.extui %ge3A_101 : i1 to i32
    %cond3A_103 = arith.constant 0 : i32
    %cond3A_104 = arith.cmpi ne, %convert_element_type3A_102, %cond3A_103 : i32
    scf.if %cond3A_104 {
      %add3A_106 = arith.constant 78 : i32
      %add3A_107 = arith.addi %add3A_5, %add3A_106 : i32
      %mul3A_108 = arith.constant 128 : i32
      %mul3A_109 = arith.muli %add3A_107, %mul3A_108 : i32
      %run_scoped3A_110 = arith.constant 1 : i32
      %run_scoped3A_111 = arith.constant 0 : i32
      "tpu.region"() ({
        %run_scoped3A_113 = tpu.sem_alloc : memref<!tpu.dma_semaphore, #tpu.memory_space<semaphore_mem>>
        %dma_start3A_114 = arith.constant 0 : i32
        %dma_start3A_115 = tpu.memref_slice %arg7[%run_scoped3A_111, %dma_start3A_114] : memref<2x128xi32, #tpu.memory_space<vmem>> -> memref<1x128xi32, #tpu.memory_space<vmem>>
        %dma_start3A_116 = tpu.memref_squeeze %dma_start3A_115 : memref<1x128xi32, #tpu.memory_space<vmem>> -> memref<128xi32, #tpu.memory_space<vmem>>
        %dma_start3A_117 = tpu.memref_slice %arg3[%run_scoped3A_110, %mul3A_109] : memref<2x320000xi32, #tpu.memory_space<hbm>> -> memref<1x128xi32, #tpu.memory_space<hbm>>
        %dma_start3A_118 = tpu.memref_squeeze %dma_start3A_117 : memref<1x128xi32, #tpu.memory_space<hbm>> -> memref<128xi32, #tpu.memory_space<hbm>>
        %dma_start3A_119 = arith.constant 0 : i32
        %dma_start3A_120 = tpu.memref_slice %arg7[%run_scoped3A_111, %dma_start3A_119] : memref<2x128xi32, #tpu.memory_space<vmem>> -> memref<1x128xi32, #tpu.memory_space<vmem>>
        %dma_start3A_121 = tpu.memref_squeeze %dma_start3A_120 : memref<1x128xi32, #tpu.memory_space<vmem>> -> memref<128xi32, #tpu.memory_space<vmem>>
        %dma_start3A_122 = tpu.memref_slice %arg3[%run_scoped3A_110, %mul3A_109] : memref<2x320000xi32, #tpu.memory_space<hbm>> -> memref<1x128xi32, #tpu.memory_space<hbm>>
        %dma_start3A_123 = tpu.memref_squeeze %dma_start3A_122 : memref<1x128xi32, #tpu.memory_space<hbm>> -> memref<128xi32, #tpu.memory_space<hbm>>
        tpu.enqueue_dma source(%dma_start3A_123 : memref<128xi32, #tpu.memory_space<hbm>>) target(%dma_start3A_121 : memref<128xi32, #tpu.memory_space<vmem>>) target_semaphore(%run_scoped3A_113 : memref<!tpu.dma_semaphore, #tpu.memory_space<semaphore_mem>>)
        %dma_wait3A_124 = arith.constant 0 : i32
        %dma_wait3A_125 = tpu.memref_slice %arg7[%run_scoped3A_111, %dma_wait3A_124] : memref<2x128xi32, #tpu.memory_space<vmem>> -> memref<1x128xi32, #tpu.memory_space<vmem>>
        %dma_wait3A_126 = tpu.memref_squeeze %dma_wait3A_125 : memref<1x128xi32, #tpu.memory_space<vmem>> -> memref<128xi32, #tpu.memory_space<vmem>>
        %dma_wait3A_127 = tpu.memref_slice %arg3[%run_scoped3A_110, %mul3A_109] : memref<2x320000xi32, #tpu.memory_space<hbm>> -> memref<1x128xi32, #tpu.memory_space<hbm>>
        %dma_wait3A_128 = tpu.memref_squeeze %dma_wait3A_127 : memref<1x128xi32, #tpu.memory_space<hbm>> -> memref<128xi32, #tpu.memory_space<hbm>>
        %dma_wait3A_129 = arith.constant 0 : i32
        %dma_wait3A_130 = tpu.memref_slice %arg7[%run_scoped3A_111, %dma_wait3A_129] : memref<2x128xi32, #tpu.memory_space<vmem>> -> memref<1x128xi32, #tpu.memory_space<vmem>>
        %dma_wait3A_131 = tpu.memref_squeeze %dma_wait3A_130 : memref<1x128xi32, #tpu.memory_space<vmem>> -> memref<128xi32, #tpu.memory_space<vmem>>
        %dma_wait3A_132 = tpu.memref_slice %arg3[%run_scoped3A_110, %mul3A_109] : memref<2x320000xi32, #tpu.memory_space<hbm>> -> memref<1x128xi32, #tpu.memory_space<hbm>>
        %dma_wait3A_133 = tpu.memref_squeeze %dma_wait3A_132 : memref<1x128xi32, #tpu.memory_space<hbm>> -> memref<128xi32, #tpu.memory_space<hbm>>
        tpu.wait_dma2 semaphore(%run_scoped3A_113 : memref<!tpu.dma_semaphore, #tpu.memory_space<semaphore_mem>>) src(%dma_wait3A_133 : memref<128xi32, #tpu.memory_space<hbm>>) dst(%dma_wait3A_131 : memref<128xi32, #tpu.memory_space<vmem>>)
        tpu.yield
      }) : () -> ()
      "tpu.region"() ({
        %run_scoped3A_113 = tpu.sem_alloc : memref<!tpu.dma_semaphore, #tpu.memory_space<semaphore_mem>>
        %dma_start3A_114 = arith.constant 9984 : i32
        %dma_start3A_115 = tpu.memref_slice %arg6[%dma_start3A_114] : memref<10112xi32, #tpu.memory_space<vmem>> -> memref<128xi32, #tpu.memory_space<vmem>>
        %dma_start3A_116 = arith.constant 0 : i32
        %dma_start3A_117 = arith.constant 0 : i32
        %dma_start3A_118 = tpu.memref_slice %arg2[%dma_start3A_116, %dma_start3A_117] : memref<10000x128xf32, #tpu.memory_space<hbm>> -> memref<10000x128xf32, #tpu.memory_space<hbm>>
        tpu.enqueue_indirect_dma source(%dma_start3A_118 : memref<10000x128xf32, #tpu.memory_space<hbm>>) target(%arg8 : memref<128x128xf32, #tpu.memory_space<vmem>>) offsets(%dma_start3A_115 : memref<128xi32, #tpu.memory_space<vmem>>) semaphore(%run_scoped3A_113 : memref<!tpu.dma_semaphore, #tpu.memory_space<semaphore_mem>>)
        %dma_wait3A_119 = arith.constant 9984 : i32
        %dma_wait3A_120 = tpu.memref_slice %arg6[%dma_wait3A_119] : memref<10112xi32, #tpu.memory_space<vmem>> -> memref<128xi32, #tpu.memory_space<vmem>>
        %dma_wait3A_121 = arith.constant 0 : i32
        %dma_wait3A_122 = arith.constant 0 : i32
        %dma_wait3A_123 = tpu.memref_slice %arg2[%dma_wait3A_121, %dma_wait3A_122] : memref<10000x128xf32, #tpu.memory_space<hbm>> -> memref<10000x128xf32, #tpu.memory_space<hbm>>
        tpu.wait_indirect_dma semaphore(%run_scoped3A_113 : memref<!tpu.dma_semaphore, #tpu.memory_space<semaphore_mem>>) src(%dma_wait3A_123 : memref<10000x128xf32, #tpu.memory_space<hbm>>) dst(%arg8 : memref<128x128xf32, #tpu.memory_space<vmem>>)
        tpu.yield
      }) : () -> ()
      %run_scoped3A_112 = arith.constant 0 : i32
      "tpu.region"() ({
        %run_scoped3A_113 = tpu.sem_alloc : memref<!tpu.dma_semaphore, #tpu.memory_space<semaphore_mem>>
        %dma_start3A_114 = arith.constant 0 : i32
        %dma_start3A_115 = tpu.memref_slice %arg7[%run_scoped3A_112, %dma_start3A_114] : memref<2x128xi32, #tpu.memory_space<vmem>> -> memref<1x128xi32, #tpu.memory_space<vmem>>
        %dma_start3A_116 = tpu.memref_squeeze %dma_start3A_115 : memref<1x128xi32, #tpu.memory_space<vmem>> -> memref<128xi32, #tpu.memory_space<vmem>>
        %dma_start3A_117 = arith.constant 0 : i32
        %dma_start3A_118 = arith.constant 0 : i32
        %dma_start3A_119 = tpu.memref_slice %arg10[%dma_start3A_117, %dma_start3A_118] : memref<10000x128xf32, #tpu.memory_space<vmem_shared>> -> memref<10000x128xf32, #tpu.memory_space<vmem_shared>>
        tpu.enqueue_indirect_dma source(%arg8 : memref<128x128xf32, #tpu.memory_space<vmem>>) target(%dma_start3A_119 : memref<10000x128xf32, #tpu.memory_space<vmem_shared>>) offsets(%dma_start3A_116 : memref<128xi32, #tpu.memory_space<vmem>>) semaphore(%run_scoped3A_113 : memref<!tpu.dma_semaphore, #tpu.memory_space<semaphore_mem>>) {add = true}
        %dma_wait3A_120 = arith.constant 0 : i32
        %dma_wait3A_121 = tpu.memref_slice %arg7[%run_scoped3A_112, %dma_wait3A_120] : memref<2x128xi32, #tpu.memory_space<vmem>> -> memref<1x128xi32, #tpu.memory_space<vmem>>
        %dma_wait3A_122 = tpu.memref_squeeze %dma_wait3A_121 : memref<1x128xi32, #tpu.memory_space<vmem>> -> memref<128xi32, #tpu.memory_space<vmem>>
        %dma_wait3A_123 = arith.constant 0 : i32
        %dma_wait3A_124 = arith.constant 0 : i32
        %dma_wait3A_125 = tpu.memref_slice %arg10[%dma_wait3A_123, %dma_wait3A_124] : memref<10000x128xf32, #tpu.memory_space<vmem_shared>> -> memref<10000x128xf32, #tpu.memory_space<vmem_shared>>
        tpu.wait_indirect_dma semaphore(%run_scoped3A_113 : memref<!tpu.dma_semaphore, #tpu.memory_space<semaphore_mem>>) src(%arg8 : memref<128x128xf32, #tpu.memory_space<vmem>>) dst(%dma_wait3A_125 : memref<10000x128xf32, #tpu.memory_space<vmem_shared>>)
        tpu.yield
      }) : () -> ()
    } else {
    }
    %barrier3A_105 = arith.constant 0 : index
    tpu.barrier barrier_id(%barrier3A_105)
    "tpu.region"() ({
      %run_scoped3A_106 = tpu.sem_alloc : memref<!tpu.dma_semaphore, #tpu.memory_space<semaphore_mem>>
      %dma_start3A_107 = arith.constant 0 : i32
      %dma_start3A_108 = tpu.memref_slice %arg5[%arg0, %mul3A_9, %dma_start3A_107] : memref<2x10000x128xf32, #tpu.memory_space<hbm>> -> memref<1x625x128xf32, #tpu.memory_space<hbm>>
      %dma_start3A_109 = tpu.memref_squeeze %dma_start3A_108 : memref<1x625x128xf32, #tpu.memory_space<hbm>> -> memref<625x128xf32, #tpu.memory_space<hbm>>
      %dma_start3A_110 = arith.constant 0 : i32
      %dma_start3A_111 = tpu.memref_slice %arg10[%mul3A_9, %dma_start3A_110] : memref<10000x128xf32, #tpu.memory_space<vmem_shared>> -> memref<625x128xf32, #tpu.memory_space<vmem_shared>>
      tpu.enqueue_dma source(%dma_start3A_111 : memref<625x128xf32, #tpu.memory_space<vmem_shared>>) target(%dma_start3A_109 : memref<625x128xf32, #tpu.memory_space<hbm>>) target_semaphore(%run_scoped3A_106 : memref<!tpu.dma_semaphore, #tpu.memory_space<semaphore_mem>>)
      %dma_wait3A_112 = arith.constant 0 : i32
      %dma_wait3A_113 = tpu.memref_slice %arg5[%arg0, %mul3A_9, %dma_wait3A_112] : memref<2x10000x128xf32, #tpu.memory_space<hbm>> -> memref<1x625x128xf32, #tpu.memory_space<hbm>>
      %dma_wait3A_114 = tpu.memref_squeeze %dma_wait3A_113 : memref<1x625x128xf32, #tpu.memory_space<hbm>> -> memref<625x128xf32, #tpu.memory_space<hbm>>
      %dma_wait3A_115 = arith.constant 0 : i32
      %dma_wait3A_116 = tpu.memref_slice %arg10[%mul3A_9, %dma_wait3A_115] : memref<10000x128xf32, #tpu.memory_space<vmem_shared>> -> memref<625x128xf32, #tpu.memory_space<vmem_shared>>
      tpu.wait_dma2 semaphore(%run_scoped3A_106 : memref<!tpu.dma_semaphore, #tpu.memory_space<semaphore_mem>>) src(%dma_wait3A_116 : memref<625x128xf32, #tpu.memory_space<vmem_shared>>) dst(%dma_wait3A_114 : memref<625x128xf32, #tpu.memory_space<hbm>>)
      tpu.yield
    }) : () -> ()
    return
  }
}

module attributes {stable_mosaic.version = 14 : i64} {
  func.func @_tc0_body(%arg0: i32, %arg1: memref<1000x128xf32, #tpu.memory_space<vmem>>, %arg2: memref<128x128xf32, #tpu.memory_space<vmem>>, %arg3: memref<1000x128xf32, #tpu.memory_space<vmem>>) attributes {dimension_semantics = [#tpu.dimension_semantics<arbitrary>], iteration_bounds = array<i64: 10>, scalar_prefetch = 0 : i64, scratch_operands = 0 : i64, tpu.core_type = #tpu.core_type<tc>, window_params = [{transform_indices = @transform_0, window_bounds = array<i64: 1000, 128>}, {pipeline_mode = #tpu.pipeline_mode<synchronous>, transform_indices = @transform_1, window_bounds = array<i64: 128, 128>}, {transform_indices = @transform_2, window_bounds = array<i64: 1000, 128>}]} {
    %get3A = arith.constant 0 : index
    %get3A_0 = arith.constant 0 : index
    %get3A_1 = vector.load %arg1[%get3A, %get3A_0] : memref<1000x128xf32, #tpu.memory_space<vmem>>, vector<1000x128xf32>
    %get3A_2 = arith.constant 0 : index
    %get3A_3 = arith.constant 0 : index
    %get3A_4 = vector.load %arg2[%get3A_2, %get3A_3] : memref<128x128xf32, #tpu.memory_space<vmem>>, vector<128x128xf32>
    %dot_general3A = arith.constant dense<0.000000e+00> : vector<1000x128xf32>
    %dot_general3A_5 = tpu.matmul %get3A_1, %get3A_4, %dot_general3A {dimension_numbers = #tpu.dot_dimension_numbers<[1], [0], [0], [1], [0, 0, 1, 1], [], []>, transpose_lhs_hint = false} : vector<1000x128xf32>, vector<128x128xf32>, vector<1000x128xf32> -> vector<1000x128xf32>
    %swap3A = arith.constant 0 : index
    %swap3A_6 = arith.constant 0 : index
    %swap3A_7 = vector.load %arg3[%swap3A, %swap3A_6] : memref<1000x128xf32, #tpu.memory_space<vmem>>, vector<1000x128xf32>
    tpu.vector_store %arg3[%swap3A, %swap3A_6], %dot_general3A_5 {strides = array<i32>} : memref<1000x128xf32, #tpu.memory_space<vmem>>, vector<1000x128xf32>,
    return
  }
  func.func @transform_0(%arg0: i32) -> (i32, i32) {
    %c0_i32 = arith.constant 0 : i32
    %c0_i32_0 = arith.constant 0 : i32
    return %arg0, %c0_i32 : i32, i32
  }
  func.func @transform_1(%arg0: i32) -> (i32, i32) {
    %c0_i32 = arith.constant 0 : i32
    %c0_i32_0 = arith.constant 0 : i32
    %c0_i32_1 = arith.constant 0 : i32
    return %c0_i32, %c0_i32_0 : i32, i32
  }
  func.func @transform_2(%arg0: i32) -> (i32, i32) {
    %c0_i32 = arith.constant 0 : i32
    %c0_i32_0 = arith.constant 0 : i32
    return %arg0, %c0_i32 : i32, i32
  }
}

module attributes {stable_mosaic.version = 14 : i64} {
  func.func @_tc1_body(%arg0: i32, %arg1: memref<1000x128xf32, #tpu.memory_space<vmem>>, %arg2: memref<2x1000x16xf32, #tpu.memory_space<vmem>>, %arg3: memref<1000x128xf32, #tpu.memory_space<vmem>>, %arg4: memref<1000x8xf32, #tpu.memory_space<vmem>>) attributes {dimension_semantics = [#tpu.dimension_semantics<arbitrary>], iteration_bounds = array<i64: 10>, scalar_prefetch = 0 : i64, scratch_operands = 0 : i64, tpu.core_type = #tpu.core_type<tc>, window_params = [{transform_indices = @transform_0, window_bounds = array<i64: 1000, 128>}, {transform_indices = @transform_1, window_bounds = array<i64: 2, 1000, 16>}, {transform_indices = @transform_2, window_bounds = array<i64: 1000, 128>}, {transform_indices = @transform_3, window_bounds = array<i64: 1000, 8>}]} {
    %get3A = arith.constant 0 : index
    %get3A_0 = arith.constant 0 : index
    %get3A_1 = arith.constant 0 : index
    %get3A_2 = vector.load %arg2[%get3A, %get3A_0, %get3A_1] : memref<2x1000x16xf32, #tpu.memory_space<vmem>>, vector<2x1000x16xf32>
    %slice3A = vector.extract_strided_slice %get3A_2 {offsets = [0, 0, 0], sizes = [2, 1000, 8], strides = [1, 1, 1]} : vector<2x1000x16xf32> to vector<2x1000x8xf32>
    %reduce_sum3A = arith.constant dense<0.000000e+00> : vector<1000xf32>
    %reduce_sum3A_3 = vector.multi_reduction <add>, %slice3A, %reduce_sum3A [0, 2] : vector<2x1000x8xf32> to vector<1000xf32>
    %slice3A_4 = vector.extract_strided_slice %get3A_2 {offsets = [0, 0, 8], sizes = [2, 1000, 8], strides = [1, 1, 1]} : vector<2x1000x16xf32> to vector<2x1000x8xf32>
    %reduce_sum3A_5 = arith.constant dense<0.000000e+00> : vector<1000xf32>
    %reduce_sum3A_6 = vector.multi_reduction <add>, %slice3A_4, %reduce_sum3A_5 [0, 2] : vector<2x1000x8xf32> to vector<1000xf32>
    %lt3A = arith.constant 5 : i32
    %lt3A_7 = arith.cmpi slt, %arg0, %lt3A : i32
    %select_n3A = arith.select %lt3A_7, %reduce_sum3A_3, %reduce_sum3A_6 : vector<1000xf32>
    %broadcast_in_dim3A = vector.shape_cast %select_n3A : vector<1000xf32> to vector<1000x1xf32>
    %add3A = arith.constant 1.000000e+00 : f32
    %add3A_8 = vector.broadcast %add3A : f32 to vector<1000x1xf32>
    %add3A_9 = arith.addf %broadcast_in_dim3A, %add3A_8 : vector<1000x1xf32>
    %rsqrt3A = math.rsqrt %add3A_9 : vector<1000x1xf32>
    %get3A_10 = arith.constant 0 : index
    %get3A_11 = arith.constant 0 : index
    %get3A_12 = vector.load %arg1[%get3A_10, %get3A_11] : memref<1000x128xf32, #tpu.memory_space<vmem>>, vector<1000x128xf32>
    %mul3A = vector.broadcast %rsqrt3A : vector<1000x1xf32> to vector<1000x128xf32>
    %mul3A_13 = arith.mulf %get3A_12, %mul3A : vector<1000x128xf32>
    %swap3A = arith.constant 0 : index
    %swap3A_14 = arith.constant 0 : index
    %swap3A_15 = vector.load %arg3[%swap3A, %swap3A_14] : memref<1000x128xf32, #tpu.memory_space<vmem>>, vector<1000x128xf32>
    tpu.vector_store %arg3[%swap3A, %swap3A_14], %mul3A_13 {strides = array<i32>} : memref<1000x128xf32, #tpu.memory_space<vmem>>, vector<1000x128xf32>,
    %broadcast_in_dim3A_16 = vector.shape_cast %rsqrt3A : vector<1000x1xf32> to vector<1000x1xf32>
    %broadcast_in_dim3A_17 = vector.broadcast %broadcast_in_dim3A_16 : vector<1000x1xf32> to vector<1000x8xf32>
    %swap3A_18 = arith.constant 0 : index
    %swap3A_19 = arith.constant 0 : index
    %swap3A_20 = vector.load %arg4[%swap3A_18, %swap3A_19] : memref<1000x8xf32, #tpu.memory_space<vmem>>, vector<1000x8xf32>
    tpu.vector_store %arg4[%swap3A_18, %swap3A_19], %broadcast_in_dim3A_17 {strides = array<i32>} : memref<1000x8xf32, #tpu.memory_space<vmem>>, vector<1000x8xf32>,
    return
  }
  func.func @transform_0(%arg0: i32) -> (i32, i32) {
    %c0_i32 = arith.constant 0 : i32
    %c0_i32_0 = arith.constant 0 : i32
    return %arg0, %c0_i32 : i32, i32
  }
  func.func @transform_1(%arg0: i32) -> (i32, i32, i32) {
    %jit3A = arith.constant 5 : i32
    %eq3A = arith.constant 0 : i32
    %eq3A_0 = arith.cmpi eq, %jit3A, %eq3A : i32
    %jit3A_1 = arith.constant 1 : i32
    %select_n3A = arith.select %eq3A_0, %jit3A_1, %jit3A : i32
    %rem3A = arith.remsi %arg0, %select_n3A : i32
    %ne3A = arith.constant 0 : i32
    %ne3A_2 = arith.cmpi ne, %rem3A, %ne3A : i32
    %lt3A = arith.constant 0 : i32
    %lt3A_3 = arith.cmpi slt, %rem3A, %lt3A : i32
    %lt3A_4 = arith.constant 0 : i32
    %lt3A_5 = arith.cmpi slt, %select_n3A, %lt3A_4 : i32
    %ne3A_6 = arith.xori %lt3A_3, %lt3A_5 : i1
    %and3A = arith.andi %ne3A_6, %ne3A_2 : i1
    %add3A = arith.addi %rem3A, %select_n3A : i32
    %select_n3A_7 = arith.select %and3A, %add3A, %rem3A : i32
    %c0_i32 = arith.constant 0 : i32
    %c0_i32_8 = arith.constant 0 : i32
    %c0_i32_9 = arith.constant 0 : i32
    return %c0_i32, %select_n3A_7, %c0_i32_8 : i32, i32, i32
  }
  func.func @transform_2(%arg0: i32) -> (i32, i32) {
    %c0_i32 = arith.constant 0 : i32
    %c0_i32_0 = arith.constant 0 : i32
    return %arg0, %c0_i32 : i32, i32
  }
  func.func @transform_3(%arg0: i32) -> (i32, i32) {
    %c0_i32 = arith.constant 0 : i32
    %c0_i32_0 = arith.constant 0 : i32
    return %arg0, %c0_i32 : i32, i32
  }
}

module attributes {stable_mosaic.version = 14 : i64} {
  func.func @_tc2_body(%arg0: i32, %arg1: memref<2x1000x128xf32, #tpu.memory_space<vmem>>, %arg2: memref<1000x8xf32, #tpu.memory_space<vmem>>, %arg3: memref<1x128xf32, #tpu.memory_space<vmem>>, %arg4: memref<128x64xf32, #tpu.memory_space<vmem>>, %arg5: memref<1000x64xf32, #tpu.memory_space<vmem>>) attributes {dimension_semantics = [#tpu.dimension_semantics<arbitrary>], iteration_bounds = array<i64: 10>, scalar_prefetch = 0 : i64, scratch_operands = 0 : i64, tpu.core_type = #tpu.core_type<tc>, window_params = [{transform_indices = @transform_0, window_bounds = array<i64: 2, 1000, 128>}, {transform_indices = @transform_1, window_bounds = array<i64: 1000, 8>}, {pipeline_mode = #tpu.pipeline_mode<synchronous>, transform_indices = @transform_2, window_bounds = array<i64: 1, 128>}, {pipeline_mode = #tpu.pipeline_mode<synchronous>, transform_indices = @transform_3, window_bounds = array<i64: 128, 64>}, {transform_indices = @transform_4, window_bounds = array<i64: 1000, 64>}]} {
    %get3A = arith.constant 0 : index
    %get3A_0 = arith.constant 0 : index
    %get3A_1 = vector.load %arg2[%get3A, %get3A_0] : memref<1000x8xf32, #tpu.memory_space<vmem>>, vector<1000x1xf32>
    %get3A_2 = arith.constant 0 : index
    %get3A_3 = arith.constant 0 : index
    %get3A_4 = arith.constant 0 : index
    %get3A_5 = vector.load %arg1[%get3A_2, %get3A_3, %get3A_4] : memref<2x1000x128xf32, #tpu.memory_space<vmem>>, vector<1x1000x128xf32>
    %get3A_6 = vector.shape_cast %get3A_5 : vector<1x1000x128xf32> to vector<1000x128xf32>
    %get3A_7 = arith.constant 1 : index
    %get3A_8 = arith.constant 0 : index
    %get3A_9 = arith.constant 0 : index
    %get3A_10 = vector.load %arg1[%get3A_7, %get3A_8, %get3A_9] : memref<2x1000x128xf32, #tpu.memory_space<vmem>>, vector<1x1000x128xf32>
    %get3A_11 = vector.shape_cast %get3A_10 : vector<1x1000x128xf32> to vector<1000x128xf32>
    %add3A = arith.addf %get3A_6, %get3A_11 : vector<1000x128xf32>
    %mul3A = vector.broadcast %get3A_1 : vector<1000x1xf32> to vector<1000x128xf32>
    %mul3A_12 = arith.mulf %add3A, %mul3A : vector<1000x128xf32>
    %get3A_13 = arith.constant 0 : index
    %get3A_14 = arith.constant 0 : index
    %get3A_15 = vector.load %arg3[%get3A_13, %get3A_14] : memref<1x128xf32, #tpu.memory_space<vmem>>, vector<1x128xf32>
    %add3A_16 = vector.broadcast %get3A_15 : vector<1x128xf32> to vector<1000x128xf32>
    %add3A_17 = arith.addf %mul3A_12, %add3A_16 : vector<1000x128xf32>
    %max3A = arith.constant 0.000000e+00 : f32
    %max3A_18 = vector.broadcast %max3A : f32 to vector<1000x128xf32>
    %max3A_19 = arith.maximumf %add3A_17, %max3A_18 : vector<1000x128xf32>
    %get3A_20 = arith.constant 0 : index
    %get3A_21 = arith.constant 0 : index
    %get3A_22 = vector.load %arg4[%get3A_20, %get3A_21] : memref<128x64xf32, #tpu.memory_space<vmem>>, vector<128x64xf32>
    %dot_general3A = arith.constant dense<0.000000e+00> : vector<1000x64xf32>
    %dot_general3A_23 = tpu.matmul %max3A_19, %get3A_22, %dot_general3A {dimension_numbers = #tpu.dot_dimension_numbers<[1], [0], [0], [1], [0, 0, 1, 1], [], []>, transpose_lhs_hint = false} : vector<1000x128xf32>, vector<128x64xf32>, vector<1000x64xf32> -> vector<1000x64xf32>
    %mul3A_24 = vector.broadcast %get3A_1 : vector<1000x1xf32> to vector<1000x64xf32>
    %mul3A_25 = arith.mulf %dot_general3A_23, %mul3A_24 : vector<1000x64xf32>
    %swap3A = arith.constant 0 : index
    %swap3A_26 = arith.constant 0 : index
    %swap3A_27 = vector.load %arg5[%swap3A, %swap3A_26] : memref<1000x64xf32, #tpu.memory_space<vmem>>, vector<1000x64xf32>
    tpu.vector_store %arg5[%swap3A, %swap3A_26], %mul3A_25 {strides = array<i32>} : memref<1000x64xf32, #tpu.memory_space<vmem>>, vector<1000x64xf32>,
    return
  }
  func.func @transform_0(%arg0: i32) -> (i32, i32, i32) {
    %c0_i32 = arith.constant 0 : i32
    %c0_i32_0 = arith.constant 0 : i32
    %c0_i32_1 = arith.constant 0 : i32
    return %c0_i32, %arg0, %c0_i32_0 : i32, i32, i32
  }
  func.func @transform_1(%arg0: i32) -> (i32, i32) {
    %c0_i32 = arith.constant 0 : i32
    %c0_i32_0 = arith.constant 0 : i32
    return %arg0, %c0_i32 : i32, i32
  }
  func.func @transform_2(%arg0: i32) -> (i32, i32) {
    %c0_i32 = arith.constant 0 : i32
    %c0_i32_0 = arith.constant 0 : i32
    %c0_i32_1 = arith.constant 0 : i32
    return %c0_i32, %c0_i32_0 : i32, i32
  }
  func.func @transform_3(%arg0: i32) -> (i32, i32) {
    %c0_i32 = arith.constant 0 : i32
    %c0_i32_0 = arith.constant 0 : i32
    %c0_i32_1 = arith.constant 0 : i32
    return %c0_i32, %c0_i32_0 : i32, i32
  }
  func.func @transform_4(%arg0: i32) -> (i32, i32) {
    %c0_i32 = arith.constant 0 : i32
    %c0_i32_0 = arith.constant 0 : i32
    return %arg0, %c0_i32 : i32, i32
  }
}

module attributes {stable_mosaic.version = 14 : i64} {
  func.func @_tc3_body(%arg0: i32, %arg1: memref<2x1000x64xf32, #tpu.memory_space<vmem>>, %arg2: memref<1000x8xf32, #tpu.memory_space<vmem>>, %arg3: memref<1x64xf32, #tpu.memory_space<vmem>>, %arg4: memref<1000x64xf32, #tpu.memory_space<vmem>>) attributes {dimension_semantics = [#tpu.dimension_semantics<arbitrary>], iteration_bounds = array<i64: 10>, scalar_prefetch = 0 : i64, scratch_operands = 0 : i64, tpu.core_type = #tpu.core_type<tc>, window_params = [{transform_indices = @transform_0, window_bounds = array<i64: 2, 1000, 64>}, {transform_indices = @transform_1, window_bounds = array<i64: 1000, 8>}, {pipeline_mode = #tpu.pipeline_mode<synchronous>, transform_indices = @transform_2, window_bounds = array<i64: 1, 64>}, {transform_indices = @transform_3, window_bounds = array<i64: 1000, 64>}]} {
    %get3A = arith.constant 0 : index
    %get3A_0 = arith.constant 0 : index
    %get3A_1 = vector.load %arg2[%get3A, %get3A_0] : memref<1000x8xf32, #tpu.memory_space<vmem>>, vector<1000x1xf32>
    %get3A_2 = arith.constant 0 : index
    %get3A_3 = arith.constant 0 : index
    %get3A_4 = arith.constant 0 : index
    %get3A_5 = vector.load %arg1[%get3A_2, %get3A_3, %get3A_4] : memref<2x1000x64xf32, #tpu.memory_space<vmem>>, vector<1x1000x64xf32>
    %get3A_6 = vector.shape_cast %get3A_5 : vector<1x1000x64xf32> to vector<1000x64xf32>
    %get3A_7 = arith.constant 1 : index
    %get3A_8 = arith.constant 0 : index
    %get3A_9 = arith.constant 0 : index
    %get3A_10 = vector.load %arg1[%get3A_7, %get3A_8, %get3A_9] : memref<2x1000x64xf32, #tpu.memory_space<vmem>>, vector<1x1000x64xf32>
    %get3A_11 = vector.shape_cast %get3A_10 : vector<1x1000x64xf32> to vector<1000x64xf32>
    %add3A = arith.addf %get3A_6, %get3A_11 : vector<1000x64xf32>
    %mul3A = vector.broadcast %get3A_1 : vector<1000x1xf32> to vector<1000x64xf32>
    %mul3A_12 = arith.mulf %add3A, %mul3A : vector<1000x64xf32>
    %get3A_13 = arith.constant 0 : index
    %get3A_14 = arith.constant 0 : index
    %get3A_15 = vector.load %arg3[%get3A_13, %get3A_14] : memref<1x64xf32, #tpu.memory_space<vmem>>, vector<1x64xf32>
    %add3A_16 = vector.broadcast %get3A_15 : vector<1x64xf32> to vector<1000x64xf32>
    %add3A_17 = arith.addf %mul3A_12, %add3A_16 : vector<1000x64xf32>
    %swap3A = arith.constant 0 : index
    %swap3A_18 = arith.constant 0 : index
    %swap3A_19 = vector.load %arg4[%swap3A, %swap3A_18] : memref<1000x64xf32, #tpu.memory_space<vmem>>, vector<1000x64xf32>
    tpu.vector_store %arg4[%swap3A, %swap3A_18], %add3A_17 {strides = array<i32>} : memref<1000x64xf32, #tpu.memory_space<vmem>>, vector<1000x64xf32>,
    return
  }
  func.func @transform_0(%arg0: i32) -> (i32, i32, i32) {
    %c0_i32 = arith.constant 0 : i32
    %c0_i32_0 = arith.constant 0 : i32
    %c0_i32_1 = arith.constant 0 : i32
    return %c0_i32, %arg0, %c0_i32_0 : i32, i32, i32
  }
  func.func @transform_1(%arg0: i32) -> (i32, i32) {
    %c0_i32 = arith.constant 0 : i32
    %c0_i32_0 = arith.constant 0 : i32
    return %arg0, %c0_i32 : i32, i32
  }
  func.func @transform_2(%arg0: i32) -> (i32, i32) {
    %c0_i32 = arith.constant 0 : i32
    %c0_i32_0 = arith.constant 0 : i32
    %c0_i32_1 = arith.constant 0 : i32
    return %c0_i32, %c0_i32_0 : i32, i32
  }
  func.func @transform_3(%arg0: i32) -> (i32, i32) {
    %c0_i32 = arith.constant 0 : i32
    %c0_i32_0 = arith.constant 0 : i32
    return %arg0, %c0_i32 : i32, i32
  }
}

</mosaic_0001>

<sc_bundles>
// kernel: kernel.12.cloned.1.call-start
scs
__scs_entry_jumppad:
0x0: {  	(pc) =	sbr.rel $0x88, $3  }
0x1: {  	(tag) =	ssettag $0x0;
	lr =	simm.s32 $0x1  }
0x2: {  	[smem:$0x3F9B] =	sst lr;
	_ =	strace $0xD0000000  }
0x3: {  	_ = 	snop  }
0x4: {  	_ = 	snop  }
0x5: {  	_ = 	snop  }
0x6: {  	_ = 	snop  }
0x7: {  	_ = 	snop  }
__scs_overlays_trampoline_lowered:
0x8: {  	[smem:$0x3FAA] =	sst s0  }
0x9: {  	[smem:$0x3FAB] =	sst s1  }
0xa: {  	[smem:$0x3FAC] =	sst s2  }
0xb: {  	[smem:$0x3FAD] =	sst s3  }
0xc: {  	[smem:$0x3FAE] =	sst s4  }
0xd: {  	[smem:$0x3FAF] =	sst s5  }
0xe: {  	[smem:$0x3FB0] =	sst s6  }
0xf: {  	[smem:$0x3FB1] =	sst s7  }
0x10: {  	[smem:$0x3FB2] =	sst s8  }
0x11: {  	[smem:$0x3FB3] =	sst s9;
	s0 =	simm.s32 @!p0 $0x0  }
0x12: {  	s1 =	sld [smem:$0x3F99];
	s0 =	simm.s32 @p0 $0x1  }
0x13: {  	[smem:$0x3FB4] =	sst s0;
	s0 =	simm.s32 @!p1 $0x0  }
0x14: {  	s2 =	sld [smem:$0x3F98];
	s0 =	simm.s32 @p1 $0x1  }
0x15: {  	[smem:$0x3FB5] =	sst s0;
	s0 =	simm.s32 @!p2 $0x0  }
0x16: {  	s3 =	sld [smem:$0x3FDB];
	s0 =	simm.s32 @p2 $0x1  }
0x17: {  	s4 =	simm.s32 $0x1BF5;
	[smem:$0x3FB7] =	sst s0  }
0x18: {  	s0 =	sld [smem:$0x3F9A];
	_ =	swait.ge [sflag:s4], $0x0  }
0x19: {  	s7 =	sld [smem:$0x3F9B]  }
0x1a: {  	s8 =	sadd.s32 $0xFFFFE003, lr  }
0x1b: {  	s9 =	sadd.s32 $0xFFFFFEF7, lr;
	s5 =	simm.s32 $0xFFFFFFFF;
	p2 =	slt.u32 s8, $0xFFFFF086  }
0x1c: {  	p1 =	slt.u32 s9, $0xF7A;
	s5 =	simm.s32 @!p2 $0x0  }
0x1d: {  	s5 =	simm.s32 @p1 $0x1;
	p0 =	seq.s32 s7, s2  }
0x1e: {  	s7 =	smul.u32 @!p0 $0xF7A, s2;
	p2 =	seq.s32 @!p0 s5, $0x0  }
0x1f: {  	s9 =	smul.u32 $0xF7A, s1;
	s8 =	simm.s32 @!p0 $0x1BF5;
	p2 =	por !p2, p0  }
0x20: {  	[sflag:s8] =	ssyncset.s32 @!p0 $0xFFFFF086;
	s6 =	sadd.s32 @!p0 s3, s7;
	s7 =	simm.s32 @!p0 $0x108  }
0x21: {  	s3 =	sadd.s32 s3, s9;
	s6 =	sadd.s32 @!p0 $0x88, s6;
	s7 =	simm.s32 @p2 $0x1082  }
0x22: {  	[simem:s7], [sflag:s8] =	dma.local @!p0 [hbm:s6], $0xF7A  }
0x23: {  	s9 =	sor.u32 $0xD0000000, s2;
	s6 =	simm.s32 $0x108;
	_ =	swait.ge @!p0 [sflag:s8], $0x0  }
0x24: {  	s3 =	sadd.s32 $0x88, s3;
	s6 =	simm.s32 @!p1 $0x1082;
	[sflag:s4] =	ssyncset.s32 $0xFFFFF086  }
0x25: {  	[simem:s6], [sflag:s4] =	dma.local [hbm:s3], $0xF7A  }
0x26: {  	[smem:$0x3F9B] =	sst s1;
	(tag) =	ssettag s2;
	_ =	strace s9  }
0x27: {  	s1 =	sld [smem:$0x3FAB]  }
0x28: {  	s2 =	sld [smem:$0x3FAC]  }
0x29: {  	s4 =	sld [smem:$0x3FAE]  }
0x2a: {  	p0 =	seq.s32 s5, $0x0;
	s5 =	sld [smem:$0x3FAF]  }
0x2b: {  	s6 =	sld [smem:$0x3FB0]  }
0x2c: {  	s7 =	sld [smem:$0x3FB1]  }
0x2d: {  	s3 =	simm.s32 $0x108;
	s8 =	sld [smem:$0x3FB2]  }
0x2e: {  	s3 =	simm.s32 @!p0 $0x1082;
	s9 =	sld [smem:$0x3FB3]  }
0x2f: {  	lr =	sadd.s32 s0, s3;
	s0 =	sld [smem:$0x3FAA]  }
0x30: {  	s3 =	sld [smem:$0x3FAD]  }
0x31: {  	[smem:$0x3FB6] =	sst s10  }
0x32: {  	s10 =	sld [smem:$0x3FB4];
	_ =	sdelay $0x3  }
0x33: {  	p0 =	seq.s32 s10, $0x1;
	s10 =	sld [smem:$0x3FB6];
	_ =	sdelay $0x3  }
0x34: {  	[smem:$0x3FB6] =	sst s10  }
0x35: {  	s10 =	sld [smem:$0x3FB5];
	_ =	sdelay $0x3  }
0x36: {  	p1 =	seq.s32 s10, $0x1;
	s10 =	sld [smem:$0x3FB6];
	_ =	sdelay $0x3  }
0x37: {  	[smem:$0x3FB6] =	sst s10  }
0x38: {  	s10 =	sld [smem:$0x3FB7]  }
0x39: {  	_ = 	snop;
	(pc) =	sbr.ind lr, $3  }
0x3a: {  	_ = 	snop  }
0x3b: {  	_ = 	snop  }
0x3c: {  	p2 =	seq.s32 s10, $0x1;
	s10 =	sld [smem:$0x3FB6]  }
0x3d: {  	_ =	shalt  }
0x3e: {  	_ =	shalt  }
0x3f: {  	_ =	shalt  }
0x40: {  	_ =	shalt  }
0x41: {  	_ =	shalt  }
0x42: {  	_ =	shalt  }
0x43: {  	_ =	shalt  }
0x44: {  	_ =	shalt  }
0x45: {  	_ =	shalt  }
0x46: {  	_ =	shalt  }
0x47: {  	_ =	shalt  }
0x48: {  	_ =	shalt  }
0x49: {  	_ =	shalt  }
0x4a: {  	_ =	shalt  }
0x4b: {  	_ =	shalt  }
0x4c: {  	_ =	shalt  }
0x4d: {  	_ =	shalt  }
0x4e: {  	_ =	shalt  }
0x4f: {  	_ =	shalt  }
0x50: {  	_ =	shalt  }
0x51: {  	_ =	shalt  }
0x52: {  	_ =	shalt  }
0x53: {  	_ =	shalt  }
0x54: {  	_ =	shalt  }
0x55: {  	_ =	shalt  }
0x56: {  	_ =	shalt  }
0x57: {  	_ =	shalt  }
0x58: {  	_ =	shalt  }
0x59: {  	_ =	shalt  }
0x5a: {  	_ =	shalt  }
0x5b: {  	_ =	shalt  }
0x5c: {  	_ =	shalt  }
0x5d: {  	_ =	shalt  }
0x5e: {  	_ =	shalt  }
0x5f: {  	_ =	shalt  }
0x60: {  	_ =	shalt  }
0x61: {  	_ =	shalt  }
0x62: {  	_ =	shalt  }
0x63: {  	_ =	shalt  }
0x64: {  	_ =	shalt  }
0x65: {  	_ =	shalt  }
0x66: {  	_ =	shalt  }
0x67: {  	_ =	shalt  }
0x68: {  	_ =	shalt  }
0x69: {  	_ =	shalt  }
0x6a: {  	_ =	shalt  }
0x6b: {  	_ =	shalt  }
0x6c: {  	_ =	shalt  }
0x6d: {  	_ =	shalt  }
0x6e: {  	_ =	shalt  }
0x6f: {  	_ =	shalt  }
0x70: {  	_ =	shalt  }
0x71: {  	_ =	shalt  }
0x72: {  	_ =	shalt  }
0x73: {  	_ =	shalt  }
0x74: {  	_ =	shalt  }
0x75: {  	_ =	shalt  }
0x76: {  	_ =	shalt  }
0x77: {  	_ =	shalt  }
0x78: {  	_ =	shalt  }
0x79: {  	_ =	shalt  }
0x7a: {  	_ =	shalt  }
0x7b: {  	_ =	shalt  }
0x7c: {  	_ =	shalt  }
0x7d: {  	_ =	shalt  }
0x7e: {  	_ =	shalt  }
0x7f: {  	_ =	shalt  }
0x80: {  	_ =	shalt  }
0x81: {  	_ =	shalt  }
0x82: {  	_ =	shalt  }
0x83: {  	_ =	shalt  }
0x84: {  	_ =	shalt  }
0x85: {  	_ =	shalt  }
0x86: {  	_ =	shalt  }
0x87: {  	_ =	shalt  }
.Lfunc_end0:
.L_simem_size_0:
called_computation.1_lowered:
.L_overlay_start_0:
0x88: {  	s2 =	sld [smem:$0x3FD9]  }
0x89: {  	s3 =	sld [smem:$0x3FFE];
	_ =	sdelay $0x1  }
0x8a: {  	s1 =	srdreg.scid  }
0x8b: {  	s0 =	sand.u32 $0x1, s1  }
0x8c: {  	s17 =	sshll.u32 s0, $0xA;
	s2 =	sadd.s32 s3, s2  }
0x8d: {  	s2 =	sadd.s32 s2, s17  }
0x8e: {  	[smem:$0x3FC2] =	sst s2  }
0x8f: {  	_ = 	snop  }
0x90: {  	s2 =	sld [smem:$0x3FD0];
	(tm) =	ssettm $0x1  }
0x91: {  	s18 =	sld [smem:$0x3FFB];
	_ =	sdelay $0x3  }
0x92: {  	_ =	strace s18  }
0x93: {  	s3 =	sld [smem:$0x3FFC];
	_ =	sdelay $0x3  }
0x94: {  	_ =	strace s3  }
0x95: {  	s3 =	sld [smem:$0x3FFD];
	_ =	sdelay $0x3  }
0x96: {  	_ =	strace s3  }
0x97: {  	_ =	strace $0x8FFFFFFF  }
0x98: {  	s19 =	sld [smem:$0x3FDB];
	_ =	sdelay $0x1  }
0x99: {  	s4 =	simm.s32 $_scs_section_size  }
0x9a: {  	s5 =	simm.s32 $_size__tile_overlayer_lowered;
	s6 =	simm.s32 $_tile_overlayer_lowered  }
0x9b: {  	s22 =	simm.s32 $0x1BFF;
	s21 =	sshll.u32 s6, $0x1;
	s3 =	sadd.s32 s4, s19  }
0x9c: {  	s7 =	simm.s32 $0x0;
	s20 =	sshll.u32 s5, $0x1;
	s5 =	sadd.s32 s21, s3  }
0x9d: {  	[timem:s7], [sflag:s22] =	dma.local [hbm:s5], s20  }
0x9e: {  	_ =	swait.ge [sflag:s22], s20  }
0x9f: {  	s4 =	ssub.s32 $0x0, s20;
	[sflag:s22] =	ssyncset.done $0x0  }
0xa0: {  	[sflag:s22] =	ssyncadd.s32 s4;
	_ =	sdelay $0x1  }
0xa1: {  	s23 =	simm.s32 $0x1B8B  }
0xa2: {  	_ =	swait.ge [sflag:s23], $0x1  }
0xa3: {  	[sflag:s23] =	ssyncset.done $0x0  }
0xa4: {  	s25 =	simm.s32 $0x1B8E;
	s24 =	sld [smem:$0x3FFE];
	[sflag:s23] =	ssyncadd.s32 $0xFFFFFFFF  }
0xa5: {  	s26 =	simm.s32 $execute0_lowered;
	[smem:$0x3FD2] =	sst s25  }
0xa6: {  	s5 =	sshll.u32 s26, $0x1;
	_ =	strace $0x80000049;
	[dreg:$0x1] =	wrdreg $0xFFFFFFFF  }
0xa7: {  	s28 =	simm.s32 $_size_execute0_lowered;
	s3 =	sadd.s32 s3, s5;
	[dreg:$0x0] =	wrdreg $0x0  }
0xa8: {  	s5 =	sshll.u32 s28, $0x1;
	[dreg:$0x2] =	wrdreg s3  }
0xa9: {  	[dreg:$0x3] =	wrdreg s5  }
0xaa: {  	[dreg:$0x4] =	wrdreg $0xC0  }
0xab: {  	_ =	task [dreg:s7], $0x5FFFF  }
0xac: {  	[dreg:$0x1] =	wrdreg $0xFFFFFFFF  }
0xad: {  	[dreg:$0x0] =	wrdreg $0x60  }
0xae: {  	[dreg:$0x2] =	wrdreg s24  }
0xaf: {  	[dreg:$0x3] =	wrdreg s2  }
0xb0: {  	[dreg:$0x4] =	wrdreg $0xA8800  }
0xb1: {  	[dreg:$0x5] =	wrdreg $0x9  }
0xb2: {  	_ =	task.clear_ibuf [dreg:s7], $0x6FFFF;
	_ =	strace $0x90000049  }
0xb3: {  	s29 =	simm.s32 $0x9;
	_ =	strace $0x8000004B  }
0xb4: {  	_ =	swait.ge [sflag:s29], $0x1  }
0xb5: {  	[sflag:s29] =	ssyncadd.s32 $0xFFFFFFFF  }
0xb6: {  	_ =	strace $0x9000004B  }
0xb7: {  	_ =	sfence  }
0xb8: {  	s30 =	sld [smem:$0x0];
	_ =	sdelay $0x2  }
0xb9: {  	s31 =	sshll.u32 s1, $0xD;
	s1 =	sshrl.u32 s1, $0x2  }
0xba: {  	s3 =	sand.u32 $0x4000, s31;
	s1 =	sadd.s32 s1, s30  }
0xbb: {  	s0 =	sor.u32 s3, s0;
	s1 =	sshll.u32 s1, $0x11  }
0xbc: {  	s0 =	sor.u32 s1, s0  }
0xbd: {  	s0 =	sadd.s32 $0x8F2B, s0  }
0xbe: {  	[sflag:s0] =	ssyncadd.remote.s32 $0x1  }
0xbf: {  	_ =	sfence.sel $0xFFFF  }
0xc0: {  	[dreg:$0x0] =	wrdreg $0xFFFFFFFF;
	(pc) =	sbr.abs _section_cstart, $3  }
0xc1: {  	[dreg:$0x1] =	wrdreg $0xFFFFFFFF  }
0xc2: {  	_ =	task.clear_ibuf [dreg:s7], $0x2FFFF;
	_ =	strace $0x9FFFFFFF  }
0xc3: {  	(tm) =	ssettm $0x7FFFFFFF  }
tec
execute0_lowered:
.L_overlay_start_1:
0x0: {  	(tag) =	ssettag $0x1  }
0x1: {  	s0 =	rddreg [dreg:$0x0]  }
0x2: {  	s1 =	rddreg [dreg:$0x1]  }
0x3: {  	s2 =	rddreg [dreg:$0x2];
	s4 =	srdreg.scid  }
0x4: {  	s26 =	stileid.u32;
	s3 =	simm.s32 $0x0;
	s19 =	simm.s32 $0x2880  }
0x5: {  	s20 =	simm.s32 $0x2780;
	s21 =	simm.s32 $0x6880;
	s29 =	simm.s32 $0x2680  }
0x6: {  	s30 =	simm.s32 $0x0;
	s12 =	sand.u32 $0x1, s4;
	s22 =	sshll.u32 s26, $0x1  }
0x7: {  	[smem:$0x7FF] =	sst s3;
	s6 =	smul.u32 $0x13880, s26;
	s4 =	sadd.s32 $0x1800, s0  }
0x8: {  	s14 =	sadd.s32 $0x28A00, s0;
	s18 =	smul.u32 $0x9E0, s26;
	s31 =	sshll.u32 s26, $0x6  }
0x9: {  	s13 =	sor.u32 s12, s22;
	_ =	strace $0x8000004A;
	s7 =	smul.u32 $0x138800, s12  }
0xa: {  	s23 =	ssub.s32 $0x2, s12;
	p0 =	seq.s32 s12, $0x1;
	s24 =	smul.u32 $0x4F0, s12  }
0xb: {  	s22 =	simm.s32 $0x2800;
	s5 =	smul.u32 $0x4E, s13;
	s8 =	smax.u32 s13, $0x1C  }
0xc: {  	s9 =	sshrl.u32 s23, $0x1;
	s17 =	sadd.s32 s6, s2;
	s16 =	sshrl.u32 s6, $0x3  }
0xd: {  	s25 =	sadd.s32 s18, s1;
	s28 =	smin.u32 s13, $0x1C;
	s18 =	simm.s32 $0x80  }
0xe: {  	s7 =	sadd.s32 s6, s7;
	s10 =	ssub.s32 s23, s9;
	s17 =	sshrl.u32 s17, $0x3  }
0xf: {  	s23 =	simm.s32 $0x1;
	s5 =	sadd.s32 s5, s8;
	s7 =	sshrl.u32 s7, $0x3  }
0x10: {  	s10 =	smax.u32 s10, $0x1;
	s5 =	sshll.u32 s5, $0x4;
	s0 =	sadd.s32 s7, s0  }
0x11: {  	s15 =	sadd.s32 s1, s5;
	s9 =	sadd.s32 $0x4FC00, s0;
	s0 =	smov.u32 s4  }
0x12: {  	s1 =	sshll.u32 s28, $0x4;
	s5 =	sadd.s32 $0xFFFFFE40, s15;
	s6 =	sadd.s32 $0x9A80, s15  }
0x13: {  	s7 =	sadd.s32 $0x9A90, s15;
	s8 =	sadd.s32 $0x9F60, s15;
	s11 =	sadd.s32 $0x9F50, s15  }
0x14: {  	s0 =	smov.u32 @p0 s14;
	s13 =	sadd.s32 $0x9F40, s15;
	s15 =	simm.s32 $0x5  }
0x15: {  	p0 =	slt.u32 s26, $0xE;
	s26 =	simm.s32 $0x4;
	[dreg:$0x4] =	wrdreg s5  }
0x16: {  	s12 =	sadd.s32 s0, s16;
	s0 =	sadd.s32 s24, s25;
	s16 =	sor.u32 $0x1C05, s31  }
0x17: {  	s24 =	simm.s32 $0x3;
	s25 =	simm.s32 $0x2;
	s14 =	ssub.s32 s0, s1  }
.LBB2_1:
0x18: {  	s0 =	rddreg [dreg:$0x4]  }
0x19: {  	[tilespmem:s3], [sflag:$0x5] =	stream.linear.gather [hbm4b:s0+s3], $0x2780, $0x38;
	[tilespmem:$0x1E100] =	vst v63  }
0x1a: {  	_ =	swait.ge [sflag:s15], $0x2780  }
0x1b: {  	[sflag:s15] =	ssyncset.done $0x0  }
0x1c: {  	[sflag:s15] =	ssyncadd.s32 $0xFFFFD880  }
0x1d: {  	[spmem:s17], [sflag:s16] =	dma.local [hbm:s12], $0x2710  }
0x1e: {  	_ =	swait.ge [sflag:s15], $0x2710  }
0x1f: {  	[sflag:s15] =	ssyncset.done $0x0  }
0x20: {  	[sflag:s15] =	ssyncadd.s32 $0xFFFFD8F0  }
0x21: {  	[bflag:$0x0] =	sbarrier.arrive $0xFFFF  }
0x22: {  	[tilespmem:s19], [sflag:$0x1] =	stream.indirect.gather [hbm4b:s4+s18], $0x80, s3, s18, $0xb8;
	[tilespmem:$0x1E100] =	vst v63  }
0x23: {  	_ = 	snop  }
0x24: {  	[tilespmem:s20], [sflag:$0x3] =	stream.linear.gather [hbm4b:s6+s3], $0x80, $0x38;
	[tilespmem:$0x1E100] =	vst v63  }
0x25: {  	_ = 	snop  }
0x26: {  	[tilespmem:s21], [sflag:$0x2] =	stream.indirect.gather [hbm4b:s4+s18], $0x80, s18, s18, $0xb8;
	[tilespmem:$0x1E100] =	vst v63  }
0x27: {  	_ = 	snop  }
0x28: {  	[tilespmem:s22], [sflag:$0x4] =	stream.linear.gather [hbm4b:s7+s3], $0x80, $0x38;
	[tilespmem:$0x1E100] =	vst v63  }
0x29: {  	_ =	swait.ge [sflag:s23], $0x4000  }
0x2a: {  	[sflag:s23] =	ssyncset.done $0x0  }
0x2b: {  	[sflag:s23] =	ssyncadd.s32 $0xFFFFC000  }
0x2c: {  	_ =	swait.ge [sflag:s24], $0x80  }
0x2d: {  	[sflag:s24] =	ssyncset.done $0x0  }
0x2e: {  	[sflag:s24] =	ssyncadd.s32 $0xFFFFFF80  }
0x2f: {  	[spmem:s2] =	stream.indirect.scatter.add.f32 [tilespmem:s19], [sflag:$0x5], $0x80, s20, s18, $0xb8;
	[tilespmem:$0x1E100] =	vst v63  }
0x30: {  	_ =	swait.ge [sflag:s15], $0x4000  }
0x31: {  	[sflag:s15] =	ssyncset.done $0x0  }
0x32: {  	s28 =	simm.s32 $0x100;
	s1 =	sadd.s32 $0x0, s14;
	[sflag:s15] =	ssyncadd.s32 $0xFFFFC000  }
0x33: {  	[tilespmem:s19], [sflag:$0x1] =	stream.indirect.gather [hbm4b:s4+s18], $0x80, s28, s18, $0xb8;
	[tilespmem:$0x1E100] =	vst v63  }
0x34: {  	s5 =	sadd.s32 $0x9C60, s1  }
0x35: {  	[tilespmem:s20], [sflag:$0x3] =	stream.linear.gather [hbm4b:s5+s3], $0x80, $0x38;
	[tilespmem:$0x1E100] =	vst v63  }
0x36: {  	_ =	swait.ge [sflag:s25], $0x4000  }
0x37: {  	[sflag:s25] =	ssyncset.done $0x0  }
0x38: {  	[sflag:s25] =	ssyncadd.s32 $0xFFFFC000  }
0x39: {  	_ =	swait.ge [sflag:s26], $0x80  }
0x3a: {  	[sflag:s26] =	ssyncset.done $0x0  }
0x3b: {  	[sflag:s26] =	ssyncadd.s32 $0xFFFFFF80  }
0x3c: {  	[spmem:s2] =	stream.indirect.scatter.add.f32 [tilespmem:s21], [sflag:$0x5], $0x80, s22, s18, $0xb8;
	[tilespmem:$0x1E100] =	vst v63  }
0x3d: {  	_ =	swait.ge [sflag:s15], $0x4000  }
0x3e: {  	s31 =	simm.s32 $0x20;
	s1 =	sadd.s32 $0x9C70, s1;
	[sflag:s15] =	ssyncset.done $0x0  }
0x3f: {  	s0 =	simm.s32 $0x280;
	s28 =	simm.s32 $0x180;
	[sflag:s15] =	ssyncadd.s32 $0xFFFFC000  }
0x40: {  	[tilespmem:s21], [sflag:$0x2] =	stream.indirect.gather [hbm4b:s4+s18], $0x80, s28, s18, $0xb8;
	[tilespmem:$0x1E100] =	vst v63  }
.LBB2_2:
0x41: {  	[tilespmem:s22], [sflag:$0x4] =	stream.linear.gather [hbm4b:s1+s3], $0x80, $0x38;
	[tilespmem:$0x1E100] =	vst v63  }
0x42: {  	s1 =	smov.u32 s31  }
0x43: {  	p1 =	sne.s32 s31, $0x480;
	s31 =	sadd.s32 $0x20, s31;
	_ =	swait.ge [sflag:s23], $0x4000  }
0x44: {  	[sflag:s23] =	ssyncset.done $0x0  }
0x45: {  	[sflag:s23] =	ssyncadd.s32 $0xFFFFC000  }
0x46: {  	_ =	swait.ge [sflag:s24], $0x80  }
0x47: {  	[sflag:s24] =	ssyncset.done $0x0  }
0x48: {  	[sflag:s24] =	ssyncadd.s32 $0xFFFFFF80  }
0x49: {  	[spmem:s2] =	stream.indirect.scatter.add.f32 [tilespmem:s19], [sflag:$0x5], $0x80, s20, s18, $0xb8;
	[tilespmem:$0x1E100] =	vst v63  }
0x4a: {  	_ =	swait.ge [sflag:s15], $0x4000  }
0x4b: {  	[sflag:s15] =	ssyncset.done $0x0  }
0x4c: {  	s28 =	sadd.s32 $0xFFFFFF80, s0;
	s1 =	sadd.s32 s1, s14;
	[sflag:s15] =	ssyncadd.s32 $0xFFFFC000  }
0x4d: {  	[tilespmem:s19], [sflag:$0x1] =	stream.indirect.gather [hbm4b:s4+s18], $0x80, s28, s18, $0xb8;
	[tilespmem:$0x1E100] =	vst v63  }
0x4e: {  	s28 =	sadd.s32 $0x9C60, s1  }
0x4f: {  	[tilespmem:s20], [sflag:$0x3] =	stream.linear.gather [hbm4b:s28+s3], $0x80, $0x38;
	[tilespmem:$0x1E100] =	vst v63  }
0x50: {  	_ =	swait.ge [sflag:s25], $0x4000  }
0x51: {  	[sflag:s25] =	ssyncset.done $0x0  }
0x52: {  	[sflag:s25] =	ssyncadd.s32 $0xFFFFC000  }
0x53: {  	_ =	swait.ge [sflag:s26], $0x80  }
0x54: {  	[sflag:s26] =	ssyncset.done $0x0  }
0x55: {  	[sflag:s26] =	ssyncadd.s32 $0xFFFFFF80  }
0x56: {  	[spmem:s2] =	stream.indirect.scatter.add.f32 [tilespmem:s21], [sflag:$0x5], $0x80, s22, s18, $0xb8;
	[tilespmem:$0x1E100] =	vst v63  }
.Ltmp0:
0x57: {  	_ =	swait.ge [sflag:s15], $0x4000;
	(pc) =	sbr.rel @p1 .LBB2_2-.Ltmp0, $4  }
0x58: {  	[sflag:s15] =	ssyncset.done $0x0  }
0x59: {  	[sflag:s15] =	ssyncadd.s32 $0xFFFFC000  }
0x5a: {  	[tilespmem:s21], [sflag:$0x2] =	stream.indirect.gather [hbm4b:s4+s18], $0x80, s0, s18, $0xb8;
	[tilespmem:$0x1E100] =	vst v63  }
0x5b: {  	s1 =	sadd.s32 $0x9C70, s1;
	s0 =	sadd.s32 $0x100, s0  }
0x5c: {  	[tilespmem:s22], [sflag:$0x4] =	stream.linear.gather [hbm4b:s1+s3], $0x80, $0x38;
	[tilespmem:$0x1E100] =	vst v63  }
0x5d: {  	_ =	swait.ge [sflag:s23], $0x4000  }
0x5e: {  	[sflag:s23] =	ssyncset.done $0x0  }
0x5f: {  	[sflag:s23] =	ssyncadd.s32 $0xFFFFC000  }
0x60: {  	_ =	swait.ge [sflag:s24], $0x80  }
0x61: {  	[sflag:s24] =	ssyncset.done $0x0  }
0x62: {  	[sflag:s24] =	ssyncadd.s32 $0xFFFFFF80  }
0x63: {  	[spmem:s2] =	stream.indirect.scatter.add.f32 [tilespmem:s19], [sflag:$0x5], $0x80, s20, s18, $0xb8;
	[tilespmem:$0x1E100] =	vst v63  }
0x64: {  	_ =	swait.ge [sflag:s15], $0x4000  }
0x65: {  	[sflag:s15] =	ssyncset.done $0x0  }
0x66: {  	s0 =	simm.s32 $0x2600;
	[sflag:s15] =	ssyncadd.s32 $0xFFFFC000  }
0x67: {  	[tilespmem:s19], [sflag:$0x1] =	stream.indirect.gather [hbm4b:s4+s18], $0x80, s0, s18, $0xb8;
	[tilespmem:$0x1E100] =	vst v63  }
0x68: {  	_ = 	snop  }
0x69: {  	[tilespmem:s20], [sflag:$0x3] =	stream.linear.gather [hbm4b:s13+s3], $0x80, $0x38;
	[tilespmem:$0x1E100] =	vst v63  }
0x6a: {  	_ =	swait.ge [sflag:s25], $0x4000  }
0x6b: {  	[sflag:s25] =	ssyncset.done $0x0  }
0x6c: {  	[sflag:s25] =	ssyncadd.s32 $0xFFFFC000  }
0x6d: {  	_ =	swait.ge [sflag:s26], $0x80  }
0x6e: {  	[sflag:s26] =	ssyncset.done $0x0  }
0x6f: {  	[sflag:s26] =	ssyncadd.s32 $0xFFFFFF80  }
0x70: {  	[spmem:s2] =	stream.indirect.scatter.add.f32 [tilespmem:s21], [sflag:$0x5], $0x80, s22, s18, $0xb8;
	[tilespmem:$0x1E100] =	vst v63  }
0x71: {  	_ =	swait.ge [sflag:s15], $0x4000  }
0x72: {  	[sflag:s15] =	ssyncset.done $0x0  }
0x73: {  	[sflag:s15] =	ssyncadd.s32 $0xFFFFC000  }
0x74: {  	[tilespmem:s21], [sflag:$0x2] =	stream.indirect.gather [hbm4b:s4+s18], $0x80, s29, s18, $0xb8;
	[tilespmem:$0x1E100] =	vst v63  }
0x75: {  	_ = 	snop  }
0x76: {  	[tilespmem:s22], [sflag:$0x4] =	stream.linear.gather [hbm4b:s11+s3], $0x80, $0x38;
	[tilespmem:$0x1E100] =	vst v63  }
0x77: {  	_ =	swait.ge [sflag:s23], $0x4000  }
0x78: {  	[sflag:s23] =	ssyncset.done $0x0  }
0x79: {  	[sflag:s23] =	ssyncadd.s32 $0xFFFFC000  }
0x7a: {  	_ =	swait.ge [sflag:s24], $0x80  }
0x7b: {  	[sflag:s24] =	ssyncset.done $0x0  }
0x7c: {  	[sflag:s24] =	ssyncadd.s32 $0xFFFFFF80  }
0x7d: {  	[spmem:s2] =	stream.indirect.scatter.add.f32 [tilespmem:s19], [sflag:$0x5], $0x80, s20, s18, $0xb8;
	[tilespmem:$0x1E100] =	vst v63  }
0x7e: {  	_ =	swait.ge [sflag:s15], $0x4000  }
0x7f: {  	[sflag:s15] =	ssyncset.done $0x0  }
0x80: {  	[sflag:s15] =	ssyncadd.s32 $0xFFFFC000  }
0x81: {  	[tilespmem:s19], [sflag:$0x1] =	stream.indirect.gather [hbm4b:s4+s18], $0x80, s29, s18, $0xb8;
	[tilespmem:$0x1E100] =	vst v63  }
0x82: {  	_ = 	snop  }
0x83: {  	[tilespmem:s20], [sflag:$0x3] =	stream.linear.gather [hbm4b:s11+s3], $0x80, $0x38;
	[tilespmem:$0x1E100] =	vst v63  }
0x84: {  	_ =	swait.ge [sflag:s25], $0x4000  }
0x85: {  	[sflag:s25] =	ssyncset.done $0x0  }
0x86: {  	[sflag:s25] =	ssyncadd.s32 $0xFFFFC000  }
0x87: {  	_ =	swait.ge [sflag:s26], $0x80  }
0x88: {  	[sflag:s26] =	ssyncset.done $0x0  }
0x89: {  	[sflag:s26] =	ssyncadd.s32 $0xFFFFFF80  }
0x8a: {  	[spmem:s2] =	stream.indirect.scatter.add.f32 [tilespmem:s21], [sflag:$0x5], $0x80, s22, s18, $0xb8;
	[tilespmem:$0x1E100] =	vst v63  }
0x8b: {  	_ =	swait.ge [sflag:s15], $0x4000  }
0x8c: {  	[sflag:s15] =	ssyncset.done $0x0  }
0x8d: {  	[sflag:s15] =	ssyncadd.s32 $0xFFFFC000  }
0x8e: {  	[tilespmem:s21], [sflag:$0x2] =	stream.indirect.gather [hbm4b:s4+s18], $0x80, s29, s18, $0xb8;
	[tilespmem:$0x1E100] =	vst v63  }
0x8f: {  	_ = 	snop  }
0x90: {  	[tilespmem:s22], [sflag:$0x4] =	stream.linear.gather [hbm4b:s11+s3], $0x80, $0x38;
	[tilespmem:$0x1E100] =	vst v63  }
0x91: {  	_ =	swait.ge [sflag:s23], $0x4000  }
0x92: {  	[sflag:s23] =	ssyncset.done $0x0  }
0x93: {  	[sflag:s23] =	ssyncadd.s32 $0xFFFFC000  }
0x94: {  	_ =	swait.ge [sflag:s24], $0x80  }
0x95: {  	[sflag:s24] =	ssyncset.done $0x0  }
0x96: {  	[sflag:s24] =	ssyncadd.s32 $0xFFFFFF80  }
0x97: {  	_ =	swait.ge [sflag:s25], $0x4000  }
0x98: {  	[sflag:s25] =	ssyncset.done $0x0  }
0x99: {  	[sflag:s25] =	ssyncadd.s32 $0xFFFFC000  }
0x9a: {  	_ =	swait.ge [sflag:s26], $0x80  }
0x9b: {  	[sflag:s26] =	ssyncset.done $0x0  }
0x9c: {  	s1 =	simm.s32 @!p0 $0x2780;
	s0 =	simm.s32 @!p0 $0x0;
	[sflag:s26] =	ssyncadd.s32 $0xFFFFFF80  }
0x9d: {  	[tilespmem:s1], [sflag:$0x5] =	stream.linear.gather @!p0 [hbm4b:s8+s0], $0x80, $0x38;
	[tilespmem:$0x1E100] =	vst v63  }
0x9e: {  	s0 =	simm.s32 @!p0 $0x5  }
0x9f: {  	_ =	swait.ge @!p0 [sflag:s0], $0x80  }
0xa0: {  	s28 =	simm.s32 @!p0 $0x80;
	[sflag:s0] =	ssyncset.done @!p0 $0x0  }
0xa1: {  	s31 =	simm.s32 @!p0 $0x2700;
	s5 =	simm.s32 @!p0 $0x2880;
	[sflag:s0] =	ssyncadd.s32 @!p0 $0xFFFFFF80  }
0xa2: {  	[tilespmem:s5], [sflag:$0x5] =	stream.indirect.gather @!p0 [hbm4b:s4+s28], $0x80, s31, s28, $0xb8;
	[tilespmem:$0x1E100] =	vst v63  }
0xa3: {  	_ =	swait.ge @!p0 [sflag:s0], $0x4000  }
0xa4: {  	[sflag:s0] =	ssyncset.done @!p0 $0x0  }
0xa5: {  	[sflag:s0] =	ssyncadd.s32 @!p0 $0xFFFFC000  }
0xa6: {  	[spmem:s2] =	stream.indirect.scatter.add.f32 @!p0 [tilespmem:s5], [sflag:$0x5], $0x80, s1, s28, $0xb8;
	[tilespmem:$0x1E100] =	vst v63  }
0xa7: {  	_ =	swait.ge @!p0 [sflag:s0], $0x4000  }
0xa8: {  	s30 =	sadd.s32 $0x1, s30;
	[sflag:s0] =	ssyncset.done @!p0 $0x0  }
0xa9: {  	p1 =	sne.s32 s30, s10;
	[sflag:s0] =	ssyncadd.s32 @!p0 $0xFFFFC000  }
.Ltmp1:
0xaa: {  	[bflag:$0x0] =	sbarrier.arrive $0xFFFF;
	(pc) =	sbr.rel @p1 .LBB2_1-.Ltmp1, $4  }
0xab: {  	[hbm:s9], [sflag:s16] =	dma.local [spmem:s17], $0x2710  }
0xac: {  	_ =	swait.ge [sflag:s15], $0x2710  }
0xad: {  	[sflag:s15] =	ssyncset.done $0x0  }
0xae: {  	[sflag:s15] =	ssyncadd.s32 $0xFFFFD8F0  }
0xaf: {  	_ =	sfence.sel $0x180000  }
0xb0: {  	[bflag:$0x0] =	sbarrier.arrive $0xFFFF  }
0xb1: {  	_ =	strace $0x9000004A  }
0xb2: {  	s0 =	stileid.u32;
	[bflag:$0x2] =	sbarrier.arrive $0xFFFF  }
0xb3: {  	p0 =	sne.s32 s0, $0x0;
	s0 =	rddreg [dreg:$0x3]  }
0xb4: {  	s0 =	sadd.s32 @!p0 $0x100000, s0  }
0xb5: {  	[sflag:s0] =	ssyncadd.tile.s32 @!p0 $0x1;
	_ =	shalt  }
.Lfunc_end2:
_tile_overlayer_lowered:
.L_overlay_start_2:
0xb6: {  	(tag) =	ssettag $0x2  }
0xb7: {  	s0 =	rddreg [dreg:$0x0];
	s2 =	stileid.u32  }
0xb8: {  	s1 =	rddreg [dreg:$0x1];
	p0 =	sne.s32 s2, $0x0  }
0xb9: {  	s3 =	rddreg [dreg:$0x2];
	[bflag:$0x3] =	sbarrier.arrive $0xFFFF;
	s2 =	simm.s32 @!p0 $0x1C05  }
0xba: {  	[timem:s3], [sflag:s2] =	dma.local @!p0 [hbm:s0], s1  }
0xbb: {  	s0 =	simm.s32 @!p0 $0x5  }
0xbc: {  	_ =	swait.ge @!p0 [sflag:s0], s1  }
0xbd: {  	s1 =	ssub.s32 @!p0 $0x0, s1;
	[sflag:s0] =	ssyncset.done @!p0 $0x0  }
0xbe: {  	[sflag:s0] =	ssyncadd.s32 @!p0 s1  }
0xbf: {  	[bflag:$0x3] =	sbarrier.arrive $0xFFFF  }
0xc0: {  	_ =	shalt  }

// kernel: kernel.15.cloned.1.call-start
scs
__scs_entry_jumppad:
0x0: {  	(pc) =	sbr.rel $0x88, $3  }
0x1: {  	(tag) =	ssettag $0x0;
	lr =	simm.s32 $0x1  }
0x2: {  	[smem:$0x3F9B] =	sst lr;
	_ =	strace $0xD0000000  }
0x3: {  	_ = 	snop  }
0x4: {  	_ = 	snop  }
0x5: {  	_ = 	snop  }
0x6: {  	_ = 	snop  }
0x7: {  	_ = 	snop  }
__scs_overlays_trampoline_lowered:
0x8: {  	[smem:$0x3FAA] =	sst s0  }
0x9: {  	[smem:$0x3FAB] =	sst s1  }
0xa: {  	[smem:$0x3FAC] =	sst s2  }
0xb: {  	[smem:$0x3FAD] =	sst s3  }
0xc: {  	[smem:$0x3FAE] =	sst s4  }
0xd: {  	[smem:$0x3FAF] =	sst s5  }
0xe: {  	[smem:$0x3FB0] =	sst s6  }
0xf: {  	[smem:$0x3FB1] =	sst s7  }
0x10: {  	[smem:$0x3FB2] =	sst s8  }
0x11: {  	[smem:$0x3FB3] =	sst s9;
	s0 =	simm.s32 @!p0 $0x0  }
0x12: {  	s1 =	sld [smem:$0x3F99];
	s0 =	simm.s32 @p0 $0x1  }
0x13: {  	[smem:$0x3FB4] =	sst s0;
	s0 =	simm.s32 @!p1 $0x0  }
0x14: {  	s2 =	sld [smem:$0x3F98];
	s0 =	simm.s32 @p1 $0x1  }
0x15: {  	[smem:$0x3FB5] =	sst s0;
	s0 =	simm.s32 @!p2 $0x0  }
0x16: {  	s3 =	sld [smem:$0x3FDB];
	s0 =	simm.s32 @p2 $0x1  }
0x17: {  	s4 =	simm.s32 $0x1BF5;
	[smem:$0x3FB7] =	sst s0  }
0x18: {  	s0 =	sld [smem:$0x3F9A];
	_ =	swait.ge [sflag:s4], $0x0  }
0x19: {  	s7 =	sld [smem:$0x3F9B]  }
0x1a: {  	s8 =	sadd.s32 $0xFFFFE003, lr  }
0x1b: {  	s9 =	sadd.s32 $0xFFFFFEF7, lr;
	s5 =	simm.s32 $0xFFFFFFFF;
	p2 =	slt.u32 s8, $0xFFFFF086  }
0x1c: {  	p1 =	slt.u32 s9, $0xF7A;
	s5 =	simm.s32 @!p2 $0x0  }
0x1d: {  	s5 =	simm.s32 @p1 $0x1;
	p0 =	seq.s32 s7, s2  }
0x1e: {  	s7 =	smul.u32 @!p0 $0xF7A, s2;
	p2 =	seq.s32 @!p0 s5, $0x0  }
0x1f: {  	s9 =	smul.u32 $0xF7A, s1;
	s8 =	simm.s32 @!p0 $0x1BF5;
	p2 =	por !p2, p0  }
0x20: {  	[sflag:s8] =	ssyncset.s32 @!p0 $0xFFFFF086;
	s6 =	sadd.s32 @!p0 s3, s7;
	s7 =	simm.s32 @!p0 $0x108  }
0x21: {  	s3 =	sadd.s32 s3, s9;
	s6 =	sadd.s32 @!p0 $0x88, s6;
	s7 =	simm.s32 @p2 $0x1082  }
0x22: {  	[simem:s7], [sflag:s8] =	dma.local @!p0 [hbm:s6], $0xF7A  }
0x23: {  	s9 =	sor.u32 $0xD0000000, s2;
	s6 =	simm.s32 $0x108;
	_ =	swait.ge @!p0 [sflag:s8], $0x0  }
0x24: {  	s3 =	sadd.s32 $0x88, s3;
	s6 =	simm.s32 @!p1 $0x1082;
	[sflag:s4] =	ssyncset.s32 $0xFFFFF086  }
0x25: {  	[simem:s6], [sflag:s4] =	dma.local [hbm:s3], $0xF7A  }
0x26: {  	[smem:$0x3F9B] =	sst s1;
	(tag) =	ssettag s2;
	_ =	strace s9  }
0x27: {  	s1 =	sld [smem:$0x3FAB]  }
0x28: {  	s2 =	sld [smem:$0x3FAC]  }
0x29: {  	s4 =	sld [smem:$0x3FAE]  }
0x2a: {  	p0 =	seq.s32 s5, $0x0;
	s5 =	sld [smem:$0x3FAF]  }
0x2b: {  	s6 =	sld [smem:$0x3FB0]  }
0x2c: {  	s7 =	sld [smem:$0x3FB1]  }
0x2d: {  	s3 =	simm.s32 $0x108;
	s8 =	sld [smem:$0x3FB2]  }
0x2e: {  	s3 =	simm.s32 @!p0 $0x1082;
	s9 =	sld [smem:$0x3FB3]  }
0x2f: {  	lr =	sadd.s32 s0, s3;
	s0 =	sld [smem:$0x3FAA]  }
0x30: {  	s3 =	sld [smem:$0x3FAD]  }
0x31: {  	[smem:$0x3FB6] =	sst s10  }
0x32: {  	s10 =	sld [smem:$0x3FB4];
	_ =	sdelay $0x3  }
0x33: {  	p0 =	seq.s32 s10, $0x1;
	s10 =	sld [smem:$0x3FB6];
	_ =	sdelay $0x3  }
0x34: {  	[smem:$0x3FB6] =	sst s10  }
0x35: {  	s10 =	sld [smem:$0x3FB5];
	_ =	sdelay $0x3  }
0x36: {  	p1 =	seq.s32 s10, $0x1;
	s10 =	sld [smem:$0x3FB6];
	_ =	sdelay $0x3  }
0x37: {  	[smem:$0x3FB6] =	sst s10  }
0x38: {  	s10 =	sld [smem:$0x3FB7]  }
0x39: {  	_ = 	snop;
	(pc) =	sbr.ind lr, $3  }
0x3a: {  	_ = 	snop  }
0x3b: {  	_ = 	snop  }
0x3c: {  	p2 =	seq.s32 s10, $0x1;
	s10 =	sld [smem:$0x3FB6]  }
0x3d: {  	_ =	shalt  }
0x3e: {  	_ =	shalt  }
0x3f: {  	_ =	shalt  }
0x40: {  	_ =	shalt  }
0x41: {  	_ =	shalt  }
0x42: {  	_ =	shalt  }
0x43: {  	_ =	shalt  }
0x44: {  	_ =	shalt  }
0x45: {  	_ =	shalt  }
0x46: {  	_ =	shalt  }
0x47: {  	_ =	shalt  }
0x48: {  	_ =	shalt  }
0x49: {  	_ =	shalt  }
0x4a: {  	_ =	shalt  }
0x4b: {  	_ =	shalt  }
0x4c: {  	_ =	shalt  }
0x4d: {  	_ =	shalt  }
0x4e: {  	_ =	shalt  }
0x4f: {  	_ =	shalt  }
0x50: {  	_ =	shalt  }
0x51: {  	_ =	shalt  }
0x52: {  	_ =	shalt  }
0x53: {  	_ =	shalt  }
0x54: {  	_ =	shalt  }
0x55: {  	_ =	shalt  }
0x56: {  	_ =	shalt  }
0x57: {  	_ =	shalt  }
0x58: {  	_ =	shalt  }
0x59: {  	_ =	shalt  }
0x5a: {  	_ =	shalt  }
0x5b: {  	_ =	shalt  }
0x5c: {  	_ =	shalt  }
0x5d: {  	_ =	shalt  }
0x5e: {  	_ =	shalt  }
0x5f: {  	_ =	shalt  }
0x60: {  	_ =	shalt  }
0x61: {  	_ =	shalt  }
0x62: {  	_ =	shalt  }
0x63: {  	_ =	shalt  }
0x64: {  	_ =	shalt  }
0x65: {  	_ =	shalt  }
0x66: {  	_ =	shalt  }
0x67: {  	_ =	shalt  }
0x68: {  	_ =	shalt  }
0x69: {  	_ =	shalt  }
0x6a: {  	_ =	shalt  }
0x6b: {  	_ =	shalt  }
0x6c: {  	_ =	shalt  }
0x6d: {  	_ =	shalt  }
0x6e: {  	_ =	shalt  }
0x6f: {  	_ =	shalt  }
0x70: {  	_ =	shalt  }
0x71: {  	_ =	shalt  }
0x72: {  	_ =	shalt  }
0x73: {  	_ =	shalt  }
0x74: {  	_ =	shalt  }
0x75: {  	_ =	shalt  }
0x76: {  	_ =	shalt  }
0x77: {  	_ =	shalt  }
0x78: {  	_ =	shalt  }
0x79: {  	_ =	shalt  }
0x7a: {  	_ =	shalt  }
0x7b: {  	_ =	shalt  }
0x7c: {  	_ =	shalt  }
0x7d: {  	_ =	shalt  }
0x7e: {  	_ =	shalt  }
0x7f: {  	_ =	shalt  }
0x80: {  	_ =	shalt  }
0x81: {  	_ =	shalt  }
0x82: {  	_ =	shalt  }
0x83: {  	_ =	shalt  }
0x84: {  	_ =	shalt  }
0x85: {  	_ =	shalt  }
0x86: {  	_ =	shalt  }
0x87: {  	_ =	shalt  }
.Lfunc_end0:
.L_simem_size_0:
called_computation.2_lowered:
.L_overlay_start_0:
0x88: {  	s2 =	sld [smem:$0x3FD9]  }
0x89: {  	s3 =	sld [smem:$0x3FFE];
	_ =	sdelay $0x1  }
0x8a: {  	s1 =	srdreg.scid  }
0x8b: {  	s0 =	sand.u32 $0x1, s1  }
0x8c: {  	s17 =	sshll.u32 s0, $0xA;
	s2 =	sadd.s32 s3, s2  }
0x8d: {  	s2 =	sadd.s32 s2, s17  }
0x8e: {  	[smem:$0x3FC2] =	sst s2  }
0x8f: {  	_ = 	snop  }
0x90: {  	s2 =	sld [smem:$0x3FD0];
	(tm) =	ssettm $0x1  }
0x91: {  	s18 =	sld [smem:$0x3FFB];
	_ =	sdelay $0x3  }
0x92: {  	_ =	strace s18  }
0x93: {  	s3 =	sld [smem:$0x3FFC];
	_ =	sdelay $0x3  }
0x94: {  	_ =	strace s3  }
0x95: {  	s3 =	sld [smem:$0x3FFD];
	_ =	sdelay $0x3  }
0x96: {  	_ =	strace s3  }
0x97: {  	_ =	strace $0x8FFFFFFF  }
0x98: {  	s19 =	sld [smem:$0x3FDB];
	_ =	sdelay $0x1  }
0x99: {  	s4 =	simm.s32 $_scs_section_size  }
0x9a: {  	s5 =	simm.s32 $_size__tile_overlayer_lowered;
	s6 =	simm.s32 $_tile_overlayer_lowered  }
0x9b: {  	s22 =	simm.s32 $0x1BFF;
	s21 =	sshll.u32 s6, $0x1;
	s3 =	sadd.s32 s4, s19  }
0x9c: {  	s7 =	simm.s32 $0x0;
	s20 =	sshll.u32 s5, $0x1;
	s5 =	sadd.s32 s21, s3  }
0x9d: {  	[timem:s7], [sflag:s22] =	dma.local [hbm:s5], s20  }
0x9e: {  	_ =	swait.ge [sflag:s22], s20  }
0x9f: {  	s4 =	ssub.s32 $0x0, s20;
	[sflag:s22] =	ssyncset.done $0x0  }
0xa0: {  	[sflag:s22] =	ssyncadd.s32 s4;
	_ =	sdelay $0x1  }
0xa1: {  	s23 =	simm.s32 $0x1B8B  }
0xa2: {  	_ =	swait.ge [sflag:s23], $0x1  }
0xa3: {  	[sflag:s23] =	ssyncset.done $0x0  }
0xa4: {  	s25 =	simm.s32 $0x1B8E;
	s24 =	sld [smem:$0x3FFE];
	[sflag:s23] =	ssyncadd.s32 $0xFFFFFFFF  }
0xa5: {  	s26 =	simm.s32 $execute0_lowered;
	[smem:$0x3FD2] =	sst s25  }
0xa6: {  	s5 =	sshll.u32 s26, $0x1;
	_ =	strace $0x8000004C;
	[dreg:$0x1] =	wrdreg $0xFFFFFFFF  }
0xa7: {  	s28 =	simm.s32 $_size_execute0_lowered;
	s3 =	sadd.s32 s3, s5;
	[dreg:$0x0] =	wrdreg $0x0  }
0xa8: {  	s5 =	sshll.u32 s28, $0x1;
	[dreg:$0x2] =	wrdreg s3  }
0xa9: {  	[dreg:$0x3] =	wrdreg s5  }
0xaa: {  	[dreg:$0x4] =	wrdreg $0xC0  }
0xab: {  	_ =	task [dreg:s7], $0x5FFFF  }
0xac: {  	[dreg:$0x1] =	wrdreg $0xFFFFFFFF  }
0xad: {  	[dreg:$0x0] =	wrdreg $0x60  }
0xae: {  	[dreg:$0x2] =	wrdreg s24  }
0xaf: {  	[dreg:$0x3] =	wrdreg s2  }
0xb0: {  	[dreg:$0x4] =	wrdreg $0x68800  }
0xb1: {  	[dreg:$0x5] =	wrdreg $0x9  }
0xb2: {  	_ =	task.clear_ibuf [dreg:s7], $0x6FFFF;
	_ =	strace $0x9000004C  }
0xb3: {  	s29 =	simm.s32 $0x9;
	_ =	strace $0x8000004E  }
0xb4: {  	_ =	swait.ge [sflag:s29], $0x1  }
0xb5: {  	[sflag:s29] =	ssyncadd.s32 $0xFFFFFFFF  }
0xb6: {  	_ =	strace $0x9000004E  }
0xb7: {  	_ =	sfence  }
0xb8: {  	s30 =	sld [smem:$0x0];
	_ =	sdelay $0x2  }
0xb9: {  	s31 =	sshll.u32 s1, $0xD;
	s1 =	sshrl.u32 s1, $0x2  }
0xba: {  	s3 =	sand.u32 $0x4000, s31;
	s1 =	sadd.s32 s1, s30  }
0xbb: {  	s0 =	sor.u32 s3, s0;
	s1 =	sshll.u32 s1, $0x11  }
0xbc: {  	s0 =	sor.u32 s1, s0  }
0xbd: {  	s0 =	sadd.s32 $0x8F2B, s0  }
0xbe: {  	[sflag:s0] =	ssyncadd.remote.s32 $0x1  }
0xbf: {  	_ =	sfence.sel $0xFFFF  }
0xc0: {  	[dreg:$0x0] =	wrdreg $0xFFFFFFFF;
	(pc) =	sbr.abs _section_cstart, $3  }
0xc1: {  	[dreg:$0x1] =	wrdreg $0xFFFFFFFF  }
0xc2: {  	_ =	task.clear_ibuf [dreg:s7], $0x2FFFF;
	_ =	strace $0x9FFFFFFF  }
0xc3: {  	(tm) =	ssettm $0x7FFFFFFF  }
tec
execute0_lowered:
.L_overlay_start_1:
0x0: {  	(tag) =	ssettag $0x1  }
0x1: {  	s0 =	rddreg [dreg:$0x0]  }
0x2: {  	s1 =	rddreg [dreg:$0x1]  }
0x3: {  	s2 =	rddreg [dreg:$0x2];
	s3 =	srdreg.scid  }
0x4: {  	s26 =	stileid.u32;
	s19 =	simm.s32 $0x2880;
	s20 =	simm.s32 $0x2780  }
0x5: {  	s21 =	simm.s32 $0x4880;
	s22 =	simm.s32 $0x2800;
	s29 =	simm.s32 $0x2680  }
0x6: {  	s30 =	simm.s32 $0x0;
	s12 =	sand.u32 $0x1, s3;
	s4 =	sshll.u32 s26, $0x1  }
0x7: {  	s3 =	simm.s32 $0x0;
	s6 =	smul.u32 $0x9C40, s26;
	s14 =	sadd.s32 $0x15200, s0  }
0x8: {  	s18 =	smul.u32 $0x9E0, s26;
	s31 =	sshll.u32 s26, $0x6;
	s13 =	sor.u32 s12, s4  }
0x9: {  	[smem:$0x7FF] =	sst s3;
	s7 =	smul.u32 $0x9C400, s12;
	s4 =	sadd.s32 $0x1800, s0  }
0xa: {  	s23 =	ssub.s32 $0x2, s12;
	p0 =	seq.s32 s12, $0x1;
	s24 =	smul.u32 $0x4F0, s12  }
0xb: {  	s5 =	smul.u32 $0x4E, s13;
	_ =	strace $0x8000004D;
	s8 =	smax.u32 s13, $0x1C  }
0xc: {  	s9 =	sshrl.u32 s23, $0x1;
	s17 =	sadd.s32 s6, s2;
	s16 =	sshrl.u32 s6, $0x3  }
0xd: {  	s25 =	sadd.s32 s18, s1;
	s28 =	smin.u32 s13, $0x1C;
	s18 =	simm.s32 $0x80  }
0xe: {  	s7 =	sadd.s32 s6, s7;
	s10 =	ssub.s32 s23, s9;
	s17 =	sshrl.u32 s17, $0x3  }
0xf: {  	s23 =	simm.s32 $0x1;
	s5 =	sadd.s32 s5, s8;
	s7 =	sshrl.u32 s7, $0x3  }
0x10: {  	s10 =	smax.u32 s10, $0x1;
	s5 =	sshll.u32 s5, $0x4;
	s0 =	sadd.s32 s7, s0  }
0x11: {  	s15 =	sadd.s32 s1, s5;
	s9 =	sadd.s32 $0x28C00, s0;
	s0 =	smov.u32 s4  }
0x12: {  	s1 =	sshll.u32 s28, $0x4;
	s5 =	sadd.s32 $0xFFFFFE40, s15;
	s6 =	sadd.s32 $0x9A80, s15  }
0x13: {  	s7 =	sadd.s32 $0x9A90, s15;
	s8 =	sadd.s32 $0x9F60, s15;
	s11 =	sadd.s32 $0x9F50, s15  }
0x14: {  	s0 =	smov.u32 @p0 s14;
	s13 =	sadd.s32 $0x9F40, s15;
	s15 =	simm.s32 $0x5  }
0x15: {  	p0 =	slt.u32 s26, $0xE;
	s26 =	simm.s32 $0x4;
	[dreg:$0x4] =	wrdreg s5  }
0x16: {  	s12 =	sadd.s32 s0, s16;
	s0 =	sadd.s32 s24, s25;
	s16 =	sor.u32 $0x1C05, s31  }
0x17: {  	s24 =	simm.s32 $0x3;
	s25 =	simm.s32 $0x2;
	s14 =	ssub.s32 s0, s1  }
.LBB2_1:
0x18: {  	s0 =	rddreg [dreg:$0x4]  }
0x19: {  	[tilespmem:s3], [sflag:$0x5] =	stream.linear.gather [hbm4b:s0+s3], $0x2780, $0x38;
	[tilespmem:$0x104C0] =	vst v63  }
0x1a: {  	_ =	swait.ge [sflag:s15], $0x2780  }
0x1b: {  	[sflag:s15] =	ssyncset.done $0x0  }
0x1c: {  	[sflag:s15] =	ssyncadd.s32 $0xFFFFD880  }
0x1d: {  	[spmem:s17], [sflag:s16] =	dma.local [hbm:s12], $0x1388  }
0x1e: {  	_ =	swait.ge [sflag:s15], $0x1388  }
0x1f: {  	[sflag:s15] =	ssyncset.done $0x0  }
0x20: {  	[sflag:s15] =	ssyncadd.s32 $0xFFFFEC78  }
0x21: {  	[bflag:$0x0] =	sbarrier.arrive $0xFFFF  }
0x22: {  	[tilespmem:s19], [sflag:$0x1] =	stream.indirect.gather [hbm4b:s4+s18], $0x40, s3, s18, $0xb8;
	[tilespmem:$0x104C0] =	vst v63  }
0x23: {  	_ = 	snop  }
0x24: {  	[tilespmem:s20], [sflag:$0x3] =	stream.linear.gather [hbm4b:s6+s3], $0x80, $0x38;
	[tilespmem:$0x104C0] =	vst v63  }
0x25: {  	_ = 	snop  }
0x26: {  	[tilespmem:s21], [sflag:$0x2] =	stream.indirect.gather [hbm4b:s4+s18], $0x40, s18, s18, $0xb8;
	[tilespmem:$0x104C0] =	vst v63  }
0x27: {  	_ = 	snop  }
0x28: {  	[tilespmem:s22], [sflag:$0x4] =	stream.linear.gather [hbm4b:s7+s3], $0x80, $0x38;
	[tilespmem:$0x104C0] =	vst v63  }
0x29: {  	_ =	swait.ge [sflag:s23], $0x2000  }
0x2a: {  	[sflag:s23] =	ssyncset.done $0x0  }
0x2b: {  	[sflag:s23] =	ssyncadd.s32 $0xFFFFE000  }
0x2c: {  	_ =	swait.ge [sflag:s24], $0x80  }
0x2d: {  	[sflag:s24] =	ssyncset.done $0x0  }
0x2e: {  	[sflag:s24] =	ssyncadd.s32 $0xFFFFFF80  }
0x2f: {  	[spmem:s2] =	stream.indirect.scatter.add.f32 [tilespmem:s19], [sflag:$0x5], $0x40, s20, s18, $0xb8;
	[tilespmem:$0x104C0] =	vst v63  }
0x30: {  	_ =	swait.ge [sflag:s15], $0x2000  }
0x31: {  	[sflag:s15] =	ssyncset.done $0x0  }
0x32: {  	s28 =	simm.s32 $0x100;
	s1 =	sadd.s32 $0x0, s14;
	[sflag:s15] =	ssyncadd.s32 $0xFFFFE000  }
0x33: {  	[tilespmem:s19], [sflag:$0x1] =	stream.indirect.gather [hbm4b:s4+s18], $0x40, s28, s18, $0xb8;
	[tilespmem:$0x104C0] =	vst v63  }
0x34: {  	s5 =	sadd.s32 $0x9C60, s1  }
0x35: {  	[tilespmem:s20], [sflag:$0x3] =	stream.linear.gather [hbm4b:s5+s3], $0x80, $0x38;
	[tilespmem:$0x104C0] =	vst v63  }
0x36: {  	_ =	swait.ge [sflag:s25], $0x2000  }
0x37: {  	[sflag:s25] =	ssyncset.done $0x0  }
0x38: {  	[sflag:s25] =	ssyncadd.s32 $0xFFFFE000  }
0x39: {  	_ =	swait.ge [sflag:s26], $0x80  }
0x3a: {  	[sflag:s26] =	ssyncset.done $0x0  }
0x3b: {  	[sflag:s26] =	ssyncadd.s32 $0xFFFFFF80  }
0x3c: {  	[spmem:s2] =	stream.indirect.scatter.add.f32 [tilespmem:s21], [sflag:$0x5], $0x40, s22, s18, $0xb8;
	[tilespmem:$0x104C0] =	vst v63  }
0x3d: {  	_ =	swait.ge [sflag:s15], $0x2000  }
0x3e: {  	s31 =	simm.s32 $0x20;
	s1 =	sadd.s32 $0x9C70, s1;
	[sflag:s15] =	ssyncset.done $0x0  }
0x3f: {  	s0 =	simm.s32 $0x280;
	s28 =	simm.s32 $0x180;
	[sflag:s15] =	ssyncadd.s32 $0xFFFFE000  }
0x40: {  	[tilespmem:s21], [sflag:$0x2] =	stream.indirect.gather [hbm4b:s4+s18], $0x40, s28, s18, $0xb8;
	[tilespmem:$0x104C0] =	vst v63  }
.LBB2_2:
0x41: {  	[tilespmem:s22], [sflag:$0x4] =	stream.linear.gather [hbm4b:s1+s3], $0x80, $0x38;
	[tilespmem:$0x104C0] =	vst v63  }
0x42: {  	s1 =	smov.u32 s31  }
0x43: {  	p1 =	sne.s32 s31, $0x480;
	s31 =	sadd.s32 $0x20, s31;
	_ =	swait.ge [sflag:s23], $0x2000  }
0x44: {  	[sflag:s23] =	ssyncset.done $0x0  }
0x45: {  	[sflag:s23] =	ssyncadd.s32 $0xFFFFE000  }
0x46: {  	_ =	swait.ge [sflag:s24], $0x80  }
0x47: {  	[sflag:s24] =	ssyncset.done $0x0  }
0x48: {  	[sflag:s24] =	ssyncadd.s32 $0xFFFFFF80  }
0x49: {  	[spmem:s2] =	stream.indirect.scatter.add.f32 [tilespmem:s19], [sflag:$0x5], $0x40, s20, s18, $0xb8;
	[tilespmem:$0x104C0] =	vst v63  }
0x4a: {  	_ =	swait.ge [sflag:s15], $0x2000  }
0x4b: {  	[sflag:s15] =	ssyncset.done $0x0  }
0x4c: {  	s28 =	sadd.s32 $0xFFFFFF80, s0;
	s1 =	sadd.s32 s1, s14;
	[sflag:s15] =	ssyncadd.s32 $0xFFFFE000  }
0x4d: {  	[tilespmem:s19], [sflag:$0x1] =	stream.indirect.gather [hbm4b:s4+s18], $0x40, s28, s18, $0xb8;
	[tilespmem:$0x104C0] =	vst v63  }
0x4e: {  	s28 =	sadd.s32 $0x9C60, s1  }
0x4f: {  	[tilespmem:s20], [sflag:$0x3] =	stream.linear.gather [hbm4b:s28+s3], $0x80, $0x38;
	[tilespmem:$0x104C0] =	vst v63  }
0x50: {  	_ =	swait.ge [sflag:s25], $0x2000  }
0x51: {  	[sflag:s25] =	ssyncset.done $0x0  }
0x52: {  	[sflag:s25] =	ssyncadd.s32 $0xFFFFE000  }
0x53: {  	_ =	swait.ge [sflag:s26], $0x80  }
0x54: {  	[sflag:s26] =	ssyncset.done $0x0  }
0x55: {  	[sflag:s26] =	ssyncadd.s32 $0xFFFFFF80  }
0x56: {  	[spmem:s2] =	stream.indirect.scatter.add.f32 [tilespmem:s21], [sflag:$0x5], $0x40, s22, s18, $0xb8;
	[tilespmem:$0x104C0] =	vst v63  }
.Ltmp0:
0x57: {  	_ =	swait.ge [sflag:s15], $0x2000;
	(pc) =	sbr.rel @p1 .LBB2_2-.Ltmp0, $4  }
0x58: {  	[sflag:s15] =	ssyncset.done $0x0  }
0x59: {  	[sflag:s15] =	ssyncadd.s32 $0xFFFFE000  }
0x5a: {  	[tilespmem:s21], [sflag:$0x2] =	stream.indirect.gather [hbm4b:s4+s18], $0x40, s0, s18, $0xb8;
	[tilespmem:$0x104C0] =	vst v63  }
0x5b: {  	s1 =	sadd.s32 $0x9C70, s1;
	s0 =	sadd.s32 $0x100, s0  }
0x5c: {  	[tilespmem:s22], [sflag:$0x4] =	stream.linear.gather [hbm4b:s1+s3], $0x80, $0x38;
	[tilespmem:$0x104C0] =	vst v63  }
0x5d: {  	_ =	swait.ge [sflag:s23], $0x2000  }
0x5e: {  	[sflag:s23] =	ssyncset.done $0x0  }
0x5f: {  	[sflag:s23] =	ssyncadd.s32 $0xFFFFE000  }
0x60: {  	_ =	swait.ge [sflag:s24], $0x80  }
0x61: {  	[sflag:s24] =	ssyncset.done $0x0  }
0x62: {  	[sflag:s24] =	ssyncadd.s32 $0xFFFFFF80  }
0x63: {  	[spmem:s2] =	stream.indirect.scatter.add.f32 [tilespmem:s19], [sflag:$0x5], $0x40, s20, s18, $0xb8;
	[tilespmem:$0x104C0] =	vst v63  }
0x64: {  	_ =	swait.ge [sflag:s15], $0x2000  }
0x65: {  	[sflag:s15] =	ssyncset.done $0x0  }
0x66: {  	s0 =	simm.s32 $0x2600;
	[sflag:s15] =	ssyncadd.s32 $0xFFFFE000  }
0x67: {  	[tilespmem:s19], [sflag:$0x1] =	stream.indirect.gather [hbm4b:s4+s18], $0x40, s0, s18, $0xb8;
	[tilespmem:$0x104C0] =	vst v63  }
0x68: {  	_ = 	snop  }
0x69: {  	[tilespmem:s20], [sflag:$0x3] =	stream.linear.gather [hbm4b:s13+s3], $0x80, $0x38;
	[tilespmem:$0x104C0] =	vst v63  }
0x6a: {  	_ =	swait.ge [sflag:s25], $0x2000  }
0x6b: {  	[sflag:s25] =	ssyncset.done $0x0  }
0x6c: {  	[sflag:s25] =	ssyncadd.s32 $0xFFFFE000  }
0x6d: {  	_ =	swait.ge [sflag:s26], $0x80  }
0x6e: {  	[sflag:s26] =	ssyncset.done $0x0  }
0x6f: {  	[sflag:s26] =	ssyncadd.s32 $0xFFFFFF80  }
0x70: {  	[spmem:s2] =	stream.indirect.scatter.add.f32 [tilespmem:s21], [sflag:$0x5], $0x40, s22, s18, $0xb8;
	[tilespmem:$0x104C0] =	vst v63  }
0x71: {  	_ =	swait.ge [sflag:s15], $0x2000  }
0x72: {  	[sflag:s15] =	ssyncset.done $0x0  }
0x73: {  	[sflag:s15] =	ssyncadd.s32 $0xFFFFE000  }
0x74: {  	[tilespmem:s21], [sflag:$0x2] =	stream.indirect.gather [hbm4b:s4+s18], $0x40, s29, s18, $0xb8;
	[tilespmem:$0x104C0] =	vst v63  }
0x75: {  	_ = 	snop  }
0x76: {  	[tilespmem:s22], [sflag:$0x4] =	stream.linear.gather [hbm4b:s11+s3], $0x80, $0x38;
	[tilespmem:$0x104C0] =	vst v63  }
0x77: {  	_ =	swait.ge [sflag:s23], $0x2000  }
0x78: {  	[sflag:s23] =	ssyncset.done $0x0  }
0x79: {  	[sflag:s23] =	ssyncadd.s32 $0xFFFFE000  }
0x7a: {  	_ =	swait.ge [sflag:s24], $0x80  }
0x7b: {  	[sflag:s24] =	ssyncset.done $0x0  }
0x7c: {  	[sflag:s24] =	ssyncadd.s32 $0xFFFFFF80  }
0x7d: {  	[spmem:s2] =	stream.indirect.scatter.add.f32 [tilespmem:s19], [sflag:$0x5], $0x40, s20, s18, $0xb8;
	[tilespmem:$0x104C0] =	vst v63  }
0x7e: {  	_ =	swait.ge [sflag:s15], $0x2000  }
0x7f: {  	[sflag:s15] =	ssyncset.done $0x0  }
0x80: {  	[sflag:s15] =	ssyncadd.s32 $0xFFFFE000  }
0x81: {  	[tilespmem:s19], [sflag:$0x1] =	stream.indirect.gather [hbm4b:s4+s18], $0x40, s29, s18, $0xb8;
	[tilespmem:$0x104C0] =	vst v63  }
0x82: {  	_ = 	snop  }
0x83: {  	[tilespmem:s20], [sflag:$0x3] =	stream.linear.gather [hbm4b:s11+s3], $0x80, $0x38;
	[tilespmem:$0x104C0] =	vst v63  }
0x84: {  	_ =	swait.ge [sflag:s25], $0x2000  }
0x85: {  	[sflag:s25] =	ssyncset.done $0x0  }
0x86: {  	[sflag:s25] =	ssyncadd.s32 $0xFFFFE000  }
0x87: {  	_ =	swait.ge [sflag:s26], $0x80  }
0x88: {  	[sflag:s26] =	ssyncset.done $0x0  }
0x89: {  	[sflag:s26] =	ssyncadd.s32 $0xFFFFFF80  }
0x8a: {  	[spmem:s2] =	stream.indirect.scatter.add.f32 [tilespmem:s21], [sflag:$0x5], $0x40, s22, s18, $0xb8;
	[tilespmem:$0x104C0] =	vst v63  }
0x8b: {  	_ =	swait.ge [sflag:s15], $0x2000  }
0x8c: {  	[sflag:s15] =	ssyncset.done $0x0  }
0x8d: {  	[sflag:s15] =	ssyncadd.s32 $0xFFFFE000  }
0x8e: {  	[tilespmem:s21], [sflag:$0x2] =	stream.indirect.gather [hbm4b:s4+s18], $0x40, s29, s18, $0xb8;
	[tilespmem:$0x104C0] =	vst v63  }
0x8f: {  	_ = 	snop  }
0x90: {  	[tilespmem:s22], [sflag:$0x4] =	stream.linear.gather [hbm4b:s11+s3], $0x80, $0x38;
	[tilespmem:$0x104C0] =	vst v63  }
0x91: {  	_ =	swait.ge [sflag:s23], $0x2000  }
0x92: {  	[sflag:s23] =	ssyncset.done $0x0  }
0x93: {  	[sflag:s23] =	ssyncadd.s32 $0xFFFFE000  }
0x94: {  	_ =	swait.ge [sflag:s24], $0x80  }
0x95: {  	[sflag:s24] =	ssyncset.done $0x0  }
0x96: {  	[sflag:s24] =	ssyncadd.s32 $0xFFFFFF80  }
0x97: {  	_ =	swait.ge [sflag:s25], $0x2000  }
0x98: {  	[sflag:s25] =	ssyncset.done $0x0  }
0x99: {  	[sflag:s25] =	ssyncadd.s32 $0xFFFFE000  }
0x9a: {  	_ =	swait.ge [sflag:s26], $0x80  }
0x9b: {  	[sflag:s26] =	ssyncset.done $0x0  }
0x9c: {  	s1 =	simm.s32 @!p0 $0x2780;
	s0 =	simm.s32 @!p0 $0x0;
	[sflag:s26] =	ssyncadd.s32 $0xFFFFFF80  }
0x9d: {  	[tilespmem:s1], [sflag:$0x5] =	stream.linear.gather @!p0 [hbm4b:s8+s0], $0x80, $0x38;
	[tilespmem:$0x104C0] =	vst v63  }
0x9e: {  	s0 =	simm.s32 @!p0 $0x5  }
0x9f: {  	_ =	swait.ge @!p0 [sflag:s0], $0x80  }
0xa0: {  	s28 =	simm.s32 @!p0 $0x80;
	[sflag:s0] =	ssyncset.done @!p0 $0x0  }
0xa1: {  	s31 =	simm.s32 @!p0 $0x2700;
	s5 =	simm.s32 @!p0 $0x2880;
	[sflag:s0] =	ssyncadd.s32 @!p0 $0xFFFFFF80  }
0xa2: {  	[tilespmem:s5], [sflag:$0x5] =	stream.indirect.gather @!p0 [hbm4b:s4+s28], $0x40, s31, s28, $0xb8;
	[tilespmem:$0x104C0] =	vst v63  }
0xa3: {  	_ =	swait.ge @!p0 [sflag:s0], $0x2000  }
0xa4: {  	[sflag:s0] =	ssyncset.done @!p0 $0x0  }
0xa5: {  	[sflag:s0] =	ssyncadd.s32 @!p0 $0xFFFFE000  }
0xa6: {  	[spmem:s2] =	stream.indirect.scatter.add.f32 @!p0 [tilespmem:s5], [sflag:$0x5], $0x40, s1, s28, $0xb8;
	[tilespmem:$0x104C0] =	vst v63  }
0xa7: {  	_ =	swait.ge @!p0 [sflag:s0], $0x2000  }
0xa8: {  	s30 =	sadd.s32 $0x1, s30;
	[sflag:s0] =	ssyncset.done @!p0 $0x0  }
0xa9: {  	p1 =	sne.s32 s30, s10;
	[sflag:s0] =	ssyncadd.s32 @!p0 $0xFFFFE000  }
.Ltmp1:
0xaa: {  	[bflag:$0x0] =	sbarrier.arrive $0xFFFF;
	(pc) =	sbr.rel @p1 .LBB2_1-.Ltmp1, $4  }
0xab: {  	[hbm:s9], [sflag:s16] =	dma.local [spmem:s17], $0x1388  }
0xac: {  	_ =	swait.ge [sflag:s15], $0x1388  }
0xad: {  	[sflag:s15] =	ssyncset.done $0x0  }
0xae: {  	[sflag:s15] =	ssyncadd.s32 $0xFFFFEC78  }
0xaf: {  	_ =	sfence.sel $0x180000  }
0xb0: {  	[bflag:$0x0] =	sbarrier.arrive $0xFFFF  }
0xb1: {  	_ =	strace $0x9000004D  }
0xb2: {  	s0 =	stileid.u32;
	[bflag:$0x2] =	sbarrier.arrive $0xFFFF  }
0xb3: {  	p0 =	sne.s32 s0, $0x0;
	s0 =	rddreg [dreg:$0x3]  }
0xb4: {  	s0 =	sadd.s32 @!p0 $0x100000, s0  }
0xb5: {  	[sflag:s0] =	ssyncadd.tile.s32 @!p0 $0x1;
	_ =	shalt  }
.Lfunc_end2:
_tile_overlayer_lowered:
.L_overlay_start_2:
0xb6: {  	(tag) =	ssettag $0x2  }
0xb7: {  	s0 =	rddreg [dreg:$0x0];
	s2 =	stileid.u32  }
0xb8: {  	s1 =	rddreg [dreg:$0x1];
	p0 =	sne.s32 s2, $0x0  }
0xb9: {  	s3 =	rddreg [dreg:$0x2];
	[bflag:$0x3] =	sbarrier.arrive $0xFFFF;
	s2 =	simm.s32 @!p0 $0x1C05  }
0xba: {  	[timem:s3], [sflag:s2] =	dma.local @!p0 [hbm:s0], s1  }
0xbb: {  	s0 =	simm.s32 @!p0 $0x5  }
0xbc: {  	_ =	swait.ge @!p0 [sflag:s0], s1  }
0xbd: {  	s1 =	ssub.s32 @!p0 $0x0, s1;
	[sflag:s0] =	ssyncset.done @!p0 $0x0  }
0xbe: {  	[sflag:s0] =	ssyncadd.s32 @!p0 s1  }
0xbf: {  	[bflag:$0x3] =	sbarrier.arrive $0xFFFF  }
0xc0: {  	_ =	shalt  }

// kernel: kernel.9.cloned.1.call-start
scs
__scs_entry_jumppad:
0x0: {  	(pc) =	sbr.rel $0x88, $3  }
0x1: {  	(tag) =	ssettag $0x0;
	lr =	simm.s32 $0x1  }
0x2: {  	[smem:$0x3F9B] =	sst lr;
	_ =	strace $0xD0000000  }
0x3: {  	_ = 	snop  }
0x4: {  	_ = 	snop  }
0x5: {  	_ = 	snop  }
0x6: {  	_ = 	snop  }
0x7: {  	_ = 	snop  }
__scs_overlays_trampoline_lowered:
0x8: {  	[smem:$0x3FAA] =	sst s0  }
0x9: {  	[smem:$0x3FAB] =	sst s1  }
0xa: {  	[smem:$0x3FAC] =	sst s2  }
0xb: {  	[smem:$0x3FAD] =	sst s3  }
0xc: {  	[smem:$0x3FAE] =	sst s4  }
0xd: {  	[smem:$0x3FAF] =	sst s5  }
0xe: {  	[smem:$0x3FB0] =	sst s6  }
0xf: {  	[smem:$0x3FB1] =	sst s7  }
0x10: {  	[smem:$0x3FB2] =	sst s8  }
0x11: {  	[smem:$0x3FB3] =	sst s9;
	s0 =	simm.s32 @!p0 $0x0  }
0x12: {  	s1 =	sld [smem:$0x3F99];
	s0 =	simm.s32 @p0 $0x1  }
0x13: {  	[smem:$0x3FB4] =	sst s0;
	s0 =	simm.s32 @!p1 $0x0  }
0x14: {  	s2 =	sld [smem:$0x3F98];
	s0 =	simm.s32 @p1 $0x1  }
0x15: {  	[smem:$0x3FB5] =	sst s0;
	s0 =	simm.s32 @!p2 $0x0  }
0x16: {  	s3 =	sld [smem:$0x3FDB];
	s0 =	simm.s32 @p2 $0x1  }
0x17: {  	s4 =	simm.s32 $0x1BF5;
	[smem:$0x3FB7] =	sst s0  }
0x18: {  	s0 =	sld [smem:$0x3F9A];
	_ =	swait.ge [sflag:s4], $0x0  }
0x19: {  	s7 =	sld [smem:$0x3F9B]  }
0x1a: {  	s8 =	sadd.s32 $0xFFFFE003, lr  }
0x1b: {  	s9 =	sadd.s32 $0xFFFFFEF7, lr;
	s5 =	simm.s32 $0xFFFFFFFF;
	p2 =	slt.u32 s8, $0xFFFFF086  }
0x1c: {  	p1 =	slt.u32 s9, $0xF7A;
	s5 =	simm.s32 @!p2 $0x0  }
0x1d: {  	s5 =	simm.s32 @p1 $0x1;
	p0 =	seq.s32 s7, s2  }
0x1e: {  	s7 =	smul.u32 @!p0 $0xF7A, s2;
	p2 =	seq.s32 @!p0 s5, $0x0  }
0x1f: {  	s9 =	smul.u32 $0xF7A, s1;
	s8 =	simm.s32 @!p0 $0x1BF5;
	p2 =	por !p2, p0  }
0x20: {  	[sflag:s8] =	ssyncset.s32 @!p0 $0xFFFFF086;
	s6 =	sadd.s32 @!p0 s3, s7;
	s7 =	simm.s32 @!p0 $0x108  }
0x21: {  	s3 =	sadd.s32 s3, s9;
	s6 =	sadd.s32 @!p0 $0x88, s6;
	s7 =	simm.s32 @p2 $0x1082  }
0x22: {  	[simem:s7], [sflag:s8] =	dma.local @!p0 [hbm:s6], $0xF7A  }
0x23: {  	s9 =	sor.u32 $0xD0000000, s2;
	s6 =	simm.s32 $0x108;
	_ =	swait.ge @!p0 [sflag:s8], $0x0  }
0x24: {  	s3 =	sadd.s32 $0x88, s3;
	s6 =	simm.s32 @!p1 $0x1082;
	[sflag:s4] =	ssyncset.s32 $0xFFFFF086  }
0x25: {  	[simem:s6], [sflag:s4] =	dma.local [hbm:s3], $0xF7A  }
0x26: {  	[smem:$0x3F9B] =	sst s1;
	(tag) =	ssettag s2;
	_ =	strace s9  }
0x27: {  	s1 =	sld [smem:$0x3FAB]  }
0x28: {  	s2 =	sld [smem:$0x3FAC]  }
0x29: {  	s4 =	sld [smem:$0x3FAE]  }
0x2a: {  	p0 =	seq.s32 s5, $0x0;
	s5 =	sld [smem:$0x3FAF]  }
0x2b: {  	s6 =	sld [smem:$0x3FB0]  }
0x2c: {  	s7 =	sld [smem:$0x3FB1]  }
0x2d: {  	s3 =	simm.s32 $0x108;
	s8 =	sld [smem:$0x3FB2]  }
0x2e: {  	s3 =	simm.s32 @!p0 $0x1082;
	s9 =	sld [smem:$0x3FB3]  }
0x2f: {  	lr =	sadd.s32 s0, s3;
	s0 =	sld [smem:$0x3FAA]  }
0x30: {  	s3 =	sld [smem:$0x3FAD]  }
0x31: {  	[smem:$0x3FB6] =	sst s10  }
0x32: {  	s10 =	sld [smem:$0x3FB4];
	_ =	sdelay $0x3  }
0x33: {  	p0 =	seq.s32 s10, $0x1;
	s10 =	sld [smem:$0x3FB6];
	_ =	sdelay $0x3  }
0x34: {  	[smem:$0x3FB6] =	sst s10  }
0x35: {  	s10 =	sld [smem:$0x3FB5];
	_ =	sdelay $0x3  }
0x36: {  	p1 =	seq.s32 s10, $0x1;
	s10 =	sld [smem:$0x3FB6];
	_ =	sdelay $0x3  }
0x37: {  	[smem:$0x3FB6] =	sst s10  }
0x38: {  	s10 =	sld [smem:$0x3FB7]  }
0x39: {  	_ = 	snop;
	(pc) =	sbr.ind lr, $3  }
0x3a: {  	_ = 	snop  }
0x3b: {  	_ = 	snop  }
0x3c: {  	p2 =	seq.s32 s10, $0x1;
	s10 =	sld [smem:$0x3FB6]  }
0x3d: {  	_ =	shalt  }
0x3e: {  	_ =	shalt  }
0x3f: {  	_ =	shalt  }
0x40: {  	_ =	shalt  }
0x41: {  	_ =	shalt  }
0x42: {  	_ =	shalt  }
0x43: {  	_ =	shalt  }
0x44: {  	_ =	shalt  }
0x45: {  	_ =	shalt  }
0x46: {  	_ =	shalt  }
0x47: {  	_ =	shalt  }
0x48: {  	_ =	shalt  }
0x49: {  	_ =	shalt  }
0x4a: {  	_ =	shalt  }
0x4b: {  	_ =	shalt  }
0x4c: {  	_ =	shalt  }
0x4d: {  	_ =	shalt  }
0x4e: {  	_ =	shalt  }
0x4f: {  	_ =	shalt  }
0x50: {  	_ =	shalt  }
0x51: {  	_ =	shalt  }
0x52: {  	_ =	shalt  }
0x53: {  	_ =	shalt  }
0x54: {  	_ =	shalt  }
0x55: {  	_ =	shalt  }
0x56: {  	_ =	shalt  }
0x57: {  	_ =	shalt  }
0x58: {  	_ =	shalt  }
0x59: {  	_ =	shalt  }
0x5a: {  	_ =	shalt  }
0x5b: {  	_ =	shalt  }
0x5c: {  	_ =	shalt  }
0x5d: {  	_ =	shalt  }
0x5e: {  	_ =	shalt  }
0x5f: {  	_ =	shalt  }
0x60: {  	_ =	shalt  }
0x61: {  	_ =	shalt  }
0x62: {  	_ =	shalt  }
0x63: {  	_ =	shalt  }
0x64: {  	_ =	shalt  }
0x65: {  	_ =	shalt  }
0x66: {  	_ =	shalt  }
0x67: {  	_ =	shalt  }
0x68: {  	_ =	shalt  }
0x69: {  	_ =	shalt  }
0x6a: {  	_ =	shalt  }
0x6b: {  	_ =	shalt  }
0x6c: {  	_ =	shalt  }
0x6d: {  	_ =	shalt  }
0x6e: {  	_ =	shalt  }
0x6f: {  	_ =	shalt  }
0x70: {  	_ =	shalt  }
0x71: {  	_ =	shalt  }
0x72: {  	_ =	shalt  }
0x73: {  	_ =	shalt  }
0x74: {  	_ =	shalt  }
0x75: {  	_ =	shalt  }
0x76: {  	_ =	shalt  }
0x77: {  	_ =	shalt  }
0x78: {  	_ =	shalt  }
0x79: {  	_ =	shalt  }
0x7a: {  	_ =	shalt  }
0x7b: {  	_ =	shalt  }
0x7c: {  	_ =	shalt  }
0x7d: {  	_ =	shalt  }
0x7e: {  	_ =	shalt  }
0x7f: {  	_ =	shalt  }
0x80: {  	_ =	shalt  }
0x81: {  	_ =	shalt  }
0x82: {  	_ =	shalt  }
0x83: {  	_ =	shalt  }
0x84: {  	_ =	shalt  }
0x85: {  	_ =	shalt  }
0x86: {  	_ =	shalt  }
0x87: {  	_ =	shalt  }
.Lfunc_end0:
.L_simem_size_0:
called_computation_lowered:
.L_overlay_start_0:
0x88: {  	s2 =	sld [smem:$0x3FD9]  }
0x89: {  	s3 =	sld [smem:$0x3FFE];
	_ =	sdelay $0x1  }
0x8a: {  	s1 =	srdreg.scid  }
0x8b: {  	s0 =	sand.u32 $0x1, s1  }
0x8c: {  	s17 =	sshll.u32 s0, $0xA;
	s2 =	sadd.s32 s3, s2  }
0x8d: {  	s2 =	sadd.s32 s2, s17  }
0x8e: {  	[smem:$0x3FC2] =	sst s2  }
0x8f: {  	_ = 	snop  }
0x90: {  	s2 =	sld [smem:$0x3FD0];
	(tm) =	ssettm $0x1  }
0x91: {  	s18 =	sld [smem:$0x3FFB];
	_ =	sdelay $0x3  }
0x92: {  	_ =	strace s18  }
0x93: {  	s3 =	sld [smem:$0x3FFC];
	_ =	sdelay $0x3  }
0x94: {  	_ =	strace s3  }
0x95: {  	s3 =	sld [smem:$0x3FFD];
	_ =	sdelay $0x3  }
0x96: {  	_ =	strace s3  }
0x97: {  	_ =	strace $0x8FFFFFFF  }
0x98: {  	s19 =	sld [smem:$0x3FDB];
	_ =	sdelay $0x1  }
0x99: {  	s4 =	simm.s32 $_scs_section_size  }
0x9a: {  	s5 =	simm.s32 $_size__tile_overlayer_lowered;
	s6 =	simm.s32 $_tile_overlayer_lowered  }
0x9b: {  	s22 =	simm.s32 $0x1BFF;
	s21 =	sshll.u32 s6, $0x1;
	s3 =	sadd.s32 s4, s19  }
0x9c: {  	s7 =	simm.s32 $0x0;
	s20 =	sshll.u32 s5, $0x1;
	s5 =	sadd.s32 s21, s3  }
0x9d: {  	[timem:s7], [sflag:s22] =	dma.local [hbm:s5], s20  }
0x9e: {  	_ =	swait.ge [sflag:s22], s20  }
0x9f: {  	s4 =	ssub.s32 $0x0, s20;
	[sflag:s22] =	ssyncset.done $0x0  }
0xa0: {  	[sflag:s22] =	ssyncadd.s32 s4;
	_ =	sdelay $0x1  }
0xa1: {  	s23 =	simm.s32 $0x1B8B  }
0xa2: {  	_ =	swait.ge [sflag:s23], $0x1  }
0xa3: {  	[sflag:s23] =	ssyncset.done $0x0  }
0xa4: {  	s25 =	simm.s32 $0x1B8E;
	s24 =	sld [smem:$0x3FFE];
	[sflag:s23] =	ssyncadd.s32 $0xFFFFFFFF  }
0xa5: {  	s26 =	simm.s32 $execute0_lowered;
	[smem:$0x3FD2] =	sst s25  }
0xa6: {  	s5 =	sshll.u32 s26, $0x1;
	_ =	strace $0x80000046;
	[dreg:$0x1] =	wrdreg $0xFFFFFFFF  }
0xa7: {  	s28 =	simm.s32 $_size_execute0_lowered;
	s3 =	sadd.s32 s3, s5;
	[dreg:$0x0] =	wrdreg $0x0  }
0xa8: {  	s5 =	sshll.u32 s28, $0x1;
	[dreg:$0x2] =	wrdreg s3  }
0xa9: {  	[dreg:$0x3] =	wrdreg s5  }
0xaa: {  	[dreg:$0x4] =	wrdreg $0xC0  }
0xab: {  	_ =	task [dreg:s7], $0x5FFFF  }
0xac: {  	[dreg:$0x1] =	wrdreg $0xFFFFFFFF  }
0xad: {  	[dreg:$0x0] =	wrdreg $0x60  }
0xae: {  	[dreg:$0x2] =	wrdreg s2  }
0xaf: {  	[dreg:$0x3] =	wrdreg s24  }
0xb0: {  	[dreg:$0x4] =	wrdreg $0x39800  }
0xb1: {  	[dreg:$0x5] =	wrdreg $0x9  }
0xb2: {  	_ =	task.clear_ibuf [dreg:s7], $0x6FFFF;
	_ =	strace $0x90000046  }
0xb3: {  	s29 =	simm.s32 $0x9;
	_ =	strace $0x80000048  }
0xb4: {  	_ =	swait.ge [sflag:s29], $0x1  }
0xb5: {  	[sflag:s29] =	ssyncadd.s32 $0xFFFFFFFF  }
0xb6: {  	_ =	strace $0x90000048  }
0xb7: {  	_ =	sfence  }
0xb8: {  	s30 =	sld [smem:$0x0];
	_ =	sdelay $0x2  }
0xb9: {  	s31 =	sshll.u32 s1, $0xD;
	s1 =	sshrl.u32 s1, $0x2  }
0xba: {  	s3 =	sand.u32 $0x4000, s31;
	s1 =	sadd.s32 s1, s30  }
0xbb: {  	s0 =	sor.u32 s3, s0;
	s1 =	sshll.u32 s1, $0x11  }
0xbc: {  	s0 =	sor.u32 s1, s0  }
0xbd: {  	s0 =	sadd.s32 $0x8F2B, s0  }
0xbe: {  	[sflag:s0] =	ssyncadd.remote.s32 $0x1  }
0xbf: {  	_ =	sfence.sel $0xFFFF  }
0xc0: {  	[dreg:$0x0] =	wrdreg $0xFFFFFFFF;
	(pc) =	sbr.abs _section_cstart, $3  }
0xc1: {  	[dreg:$0x1] =	wrdreg $0xFFFFFFFF  }
0xc2: {  	_ =	task.clear_ibuf [dreg:s7], $0x2FFFF;
	_ =	strace $0x9FFFFFFF  }
0xc3: {  	(tm) =	ssettm $0x7FFFFFFF  }
tec
execute0_lowered:
.L_overlay_start_1:
0x0: {  	(tag) =	ssettag $0x1  }
0x1: {  	s6 =	rddreg [dreg:$0x0]  }
0x2: {  	s7 =	rddreg [dreg:$0x1]  }
0x3: {  	s2 =	rddreg [dreg:$0x2]  }
0x4: {  	s0 =	rddreg [dreg:$0x3]  }
0x5: {  	s1 =	stileid.u32;
	s4 =	srdreg.scid;
	s3 =	simm.s32 $0x0  }
0x6: {  	s15 =	simm.s32 $0x80;
	s16 =	simm.s32 $0x2780;
	s17 =	simm.s32 $0x2880  }
0x7: {  	s18 =	simm.s32 $0x2800;
	s19 =	simm.s32 $0x2900;
	s20 =	simm.s32 $0x1  }
0x8: {  	s21 =	simm.s32 $0x3;
	s22 =	simm.s32 $0x2;
	s23 =	simm.s32 $0x4  }
0x9: {  	s24 =	simm.s32 $0x0;
	s8 =	sand.u32 $0x1, s4;
	s26 =	sshll.u32 s1, $0x1  }
0xa: {  	[smem:$0x7FF] =	sst s3;
	s9 =	smul.u32 $0x1390, s1;
	s4 =	sadd.s32 $0x1800, s7  }
0xb: {  	s31 =	sshll.u32 s1, $0x6;
	p0 =	slt.u32 s1, $0xE;
	s5 =	sor.u32 s8, s26  }
0xc: {  	_ =	strace $0x80000047;
	s12 =	smul.u32 $0x13900, s8;
	s8 =	ssub.s32 $0x2, s8  }
0xd: {  	s10 =	smul.u32 $0x4E, s5;
	s11 =	sshrl.u32 s9, $0x3;
	s13 =	smax.u32 s5, $0x1C  }
0xe: {  	s5 =	sadd.s32 $0x1C00, s7;
	s28 =	sshrl.u32 s8, $0x1;
	s14 =	sadd.s32 s9, s2  }
0xf: {  	s11 =	sadd.s32 s11, s7;
	s12 =	sadd.s32 s9, s12;
	s30 =	ssub.s32 s8, s28  }
.Ltmp0:
0x10: {  	s14 =	sshrl.u32 s14, $0x3;
	s10 =	sadd.s32 s10, s13;
	(pc) =	sbr.rel .LBB2_1-.Ltmp0, $4  }
0x11: {  	s12 =	sshrl.u32 s12, $0x3;
	s9 =	smax.u32 s30, $0x1;
	s13 =	sor.u32 $0x1C05, s31  }
0x12: {  	s10 =	sshll.u32 s10, $0x4;
	s29 =	sadd.s32 s12, s7;
	s7 =	sadd.s32 $0x1E00, s11  }
0x13: {  	v0 =	vlaneseq.u32;
	s11 =	simm.s32 $0x2980;
	s12 =	simm.s32 $0x3180;
	s6 =	sadd.s32 s6, s10  }
0x14: {  	v0 =	vor.u32 $0x1388, v0;
	s8 =	sadd.s32 $0x4600, s29;
	s10 =	simm.s32 $0x5;
	s6 =	sadd.s32 $0x9A80, s6  }
.LBB2_5:
0x15: {  	s24 =	sadd.s32 $0x1, s24  }
0x16: {  	p1 =	sne.s32 s24, s9  }
.Ltmp1:
0x17: {  	[bflag:$0x0] =	sbarrier.arrive $0xFFFF;
	(pc) =	sbr.rel @!p1 .LBB2_6-.Ltmp1, $4  }
0x18: {  	[hbm:s8], [sflag:s13] =	dma.local [spmem:s14], $0x272  }
0x19: {  	_ =	swait.ge [sflag:s10], $0x272  }
0x1a: {  	[sflag:s10] =	ssyncset.done $0x0  }
0x1b: {  	[sflag:s10] =	ssyncadd.s32 $0xFFFFFD8E  }
.LBB2_1:
0x1c: {  	[tilespmem:s3], [sflag:$0x5] =	stream.linear.gather [hbm4b:s6+s3], $0x2780, $0x38;
	[tilespmem:$0x4D10] =	vst v63  }
0x1d: {  	_ =	swait.ge [sflag:s10], $0x2780  }
0x1e: {  	[sflag:s10] =	ssyncset.done $0x0  }
0x1f: {  	[sflag:s10] =	ssyncadd.s32 $0xFFFFD880  }
0x20: {  	[tilespmem:s11], [sflag:$0x5] =	stream.linear.gather [hbm4b:s4+s3], $0x800, $0x38;
	[tilespmem:$0x4D10] =	vst v63  }
0x21: {  	_ =	swait.ge [sflag:s10], $0x800  }
0x22: {  	[sflag:s10] =	ssyncset.done $0x0  }
0x23: {  	[sflag:s10] =	ssyncadd.s32 $0xFFFFF800  }
0x24: {  	[tilespmem:s12], [sflag:$0x5] =	stream.linear.gather [hbm4b:s5+s3], $0x800, $0x38;
	[tilespmem:$0x4D10] =	vst v63  }
0x25: {  	_ =	swait.ge [sflag:s10], $0x800  }
0x26: {  	[sflag:s10] =	ssyncset.done $0x0  }
0x27: {  	[sflag:s10] =	ssyncadd.s32 $0xFFFFF800  }
0x28: {  	[spmem:s14], [sflag:s13] =	dma.local [hbm:s7], $0x272  }
0x29: {  	_ =	swait.ge [sflag:s10], $0x272  }
0x2a: {  	[sflag:s10] =	ssyncset.done $0x0  }
0x2b: {  	[sflag:s10] =	ssyncadd.s32 $0xFFFFFD8E  }
0x2c: {  	[bflag:$0x0] =	sbarrier.arrive $0xFFFF  }
0x2d: {  	v1 =	vld [tilespmem:$0x0];
	_ =	sdelay $0x1  }
0x2e: {  	v2 =	vld [tilespmem:$0x10];
	_ =	sdelay $0x1  }
0x2f: {  	v3 =	vld [tilespmem:$0x20]  }
0x30: {  	vm0 =	vlt.s32 v1, $0x1388  }
0x31: {  	v5 =	vld [tilespmem:$0x30];
	v4 =	vsel vm0, v1, v0;
	v1 =	vadd.s32 $0xFFFFEC78, v1  }
0x32: {  	vm11 =	vlt.s32 v2, $0x1388;
	[tilespmem:$0x2780] =	vst v4;
	v1 =	vsel vm0, v0, v1  }
0x33: {  	v56 =	vld [tilespmem:$0x40];
	[tilespmem:$0x2880] =	vst v1;
	v1 =	vsel vm11, v2, v0;
	v2 =	vadd.s32 $0xFFFFEC78, v2  }
0x34: {  	vm12 =	vlt.s32 v3, $0x1388;
	[tilespmem:$0x2790] =	vst v1;
	v1 =	vsel vm11, v0, v2  }
0x35: {  	v2 =	vadd.s32 $0xFFFFEC78, v3;
	[tilespmem:$0x2890] =	vst v1;
	v1 =	vsel vm12, v3, v0;
	v3 =	vld [tilespmem:$0x50]  }
0x36: {  	vm13 =	vlt.s32 v5, $0x1388;
	[tilespmem:$0x27A0] =	vst v1;
	v1 =	vsel vm12, v0, v2  }
0x37: {  	v57 =	vld [tilespmem:$0x60];
	v2 =	vadd.s32 $0xFFFFEC78, v5;
	[tilespmem:$0x28A0] =	vst v1;
	v1 =	vsel vm13, v5, v0  }
0x38: {  	vm14 =	vlt.s32 v56, $0x1388;
	[tilespmem:$0x27B0] =	vst v1;
	v1 =	vsel vm13, v0, v2  }
0x39: {  	v58 =	vld [tilespmem:$0x70];
	v2 =	vadd.s32 $0xFFFFEC78, v56;
	[tilespmem:$0x28B0] =	vst v1;
	v1 =	vsel vm14, v56, v0  }
0x3a: {  	[tilespmem:$0x27C0] =	vst v1;
	v1 =	vsel vm14, v0, v2;
	vm15 =	vlt.s32 v3, $0x1388  }
0x3b: {  	v2 =	vadd.s32 $0xFFFFEC78, v3;
	[tilespmem:$0x28C0] =	vst v1;
	v1 =	vsel vm15, v3, v0  }
0x3c: {  	vm4 =	vlt.s32 v57, $0x1388;
	[tilespmem:$0x27D0] =	vst v1;
	v1 =	vsel vm15, v0, v2  }
0x3d: {  	v2 =	vadd.s32 $0xFFFFEC78, v57;
	[tilespmem:$0x28D0] =	vst v1;
	v1 =	vsel vm4, v57, v0  }
0x3e: {  	vm5 =	vlt.s32 v58, $0x1388;
	[tilespmem:$0x27E0] =	vst v1;
	v1 =	vsel vm4, v0, v2  }
0x3f: {  	v2 =	vadd.s32 $0xFFFFEC78, v58;
	[tilespmem:$0x28E0] =	vst v1;
	v1 =	vsel vm5, v58, v0  }
0x40: {  	[tilespmem:$0x27F0] =	vst v1;
	v1 =	vsel vm5, v0, v2  }
0x41: {  	[tilespmem:$0x28F0] =	vst v1  }
0x42: {  	[spmem:s2] =	stream.indirect.scatter.add.f32 [tilespmem:s11], [sflag:$0x1], $0x10, s16, s15, $0xb8;
	[tilespmem:$0x4D10] =	vst v63  }
0x43: {  	_ = 	snop  }
0x44: {  	[spmem:s2] =	stream.indirect.scatter.add.f32 [tilespmem:s12], [sflag:$0x3], $0x10, s17, s15, $0xb8;
	[tilespmem:$0x4D10] =	vst v63  }
0x45: {  	v1 =	vld [tilespmem:$0x80];
	_ =	sdelay $0x1  }
0x46: {  	v2 =	vld [tilespmem:$0x90];
	_ =	sdelay $0x1  }
0x47: {  	v3 =	vld [tilespmem:$0xA0]  }
0x48: {  	vm6 =	vlt.s32 v1, $0x1388  }
0x49: {  	v60 =	vld [tilespmem:$0xB0];
	v59 =	vsel vm6, v1, v0;
	v1 =	vadd.s32 $0xFFFFEC78, v1  }
0x4a: {  	vm7 =	vlt.s32 v2, $0x1388;
	[tilespmem:$0x2800] =	vst v59;
	v1 =	vsel vm6, v0, v1  }
0x4b: {  	v61 =	vld [tilespmem:$0xC0];
	[tilespmem:$0x2900] =	vst v1;
	v1 =	vsel vm7, v2, v0;
	v2 =	vadd.s32 $0xFFFFEC78, v2  }
0x4c: {  	vm8 =	vlt.s32 v3, $0x1388;
	[tilespmem:$0x2810] =	vst v1;
	v1 =	vsel vm7, v0, v2  }
0x4d: {  	v2 =	vadd.s32 $0xFFFFEC78, v3;
	[tilespmem:$0x2910] =	vst v1;
	v1 =	vsel vm8, v3, v0;
	v3 =	vld [tilespmem:$0xD0]  }
0x4e: {  	vm9 =	vlt.s32 v60, $0x1388;
	[tilespmem:$0x2820] =	vst v1;
	v1 =	vsel vm8, v0, v2  }
0x4f: {  	v62 =	vld [tilespmem:$0xE0];
	v2 =	vadd.s32 $0xFFFFEC78, v60;
	[tilespmem:$0x2920] =	vst v1;
	v1 =	vsel vm9, v60, v0  }
0x50: {  	vm10 =	vlt.s32 v61, $0x1388;
	[tilespmem:$0x2830] =	vst v1;
	v1 =	vsel vm9, v0, v2  }
0x51: {  	v63 =	vld [tilespmem:$0xF0];
	v2 =	vadd.s32 $0xFFFFEC78, v61;
	[tilespmem:$0x2930] =	vst v1;
	v1 =	vsel vm10, v61, v0  }
0x52: {  	[tilespmem:$0x2840] =	vst v1;
	v1 =	vsel vm10, v0, v2;
	vm11 =	vlt.s32 v3, $0x1388  }
0x53: {  	v2 =	vadd.s32 $0xFFFFEC78, v3;
	[tilespmem:$0x2940] =	vst v1;
	v1 =	vsel vm11, v3, v0  }
0x54: {  	vm12 =	vlt.s32 v62, $0x1388;
	[tilespmem:$0x2850] =	vst v1;
	v1 =	vsel vm11, v0, v2  }
0x55: {  	v2 =	vadd.s32 $0xFFFFEC78, v62;
	[tilespmem:$0x2950] =	vst v1;
	v1 =	vsel vm12, v62, v0  }
0x56: {  	vm13 =	vlt.s32 v63, $0x1388;
	[tilespmem:$0x2860] =	vst v1;
	v1 =	vsel vm12, v0, v2  }
0x57: {  	v2 =	vadd.s32 $0xFFFFEC78, v63;
	[tilespmem:$0x2960] =	vst v1;
	v1 =	vsel vm13, v63, v0  }
0x58: {  	[tilespmem:$0x2870] =	vst v1;
	v1 =	vsel vm13, v0, v2  }
0x59: {  	[tilespmem:$0x2970] =	vst v1  }
0x5a: {  	[spmem:s2] =	stream.indirect.scatter.add.f32 [tilespmem:s11], [sflag:$0x2], $0x10, s18, s15, $0xb8;
	[tilespmem:$0x4D10] =	vst v63  }
0x5b: {  	_ = 	snop  }
0x5c: {  	[spmem:s2] =	stream.indirect.scatter.add.f32 [tilespmem:s12], [sflag:$0x4], $0x10, s19, s15, $0xb8;
	[tilespmem:$0x4D10] =	vst v63  }
0x5d: {  	_ =	swait.ge [sflag:s20], $0x800  }
0x5e: {  	[sflag:s20] =	ssyncset.done $0x0  }
0x5f: {  	[sflag:s20] =	ssyncadd.s32 $0xFFFFF800  }
0x60: {  	_ =	swait.ge [sflag:s21], $0x800  }
0x61: {  	[sflag:s21] =	ssyncset.done $0x0  }
0x62: {  	s25 =	simm.s32 $0x1F0;
	[sflag:s21] =	ssyncadd.s32 $0xFFFFF800  }
0x63: {  	v1 =	vld [tilespmem:s25+$0xFFFFFF10];
	_ =	sdelay $0x4  }
0x64: {  	vm14 =	vlt.s32 v1, $0x1388  }
0x65: {  	v2 =	vadd.s32 $0xFFFFEC78, v1;
	v1 =	vsel vm14, v1, v0  }
0x66: {  	v2 =	vsel vm14, v0, v2;
	[tilespmem:$0x2780] =	vst v1  }
0x67: {  	[tilespmem:$0x2880] =	vst v2  }
0x68: {  	v1 =	vld [tilespmem:s25+$0xFFFFFF20];
	_ =	sdelay $0x4  }
0x69: {  	vm15 =	vlt.s32 v1, $0x1388  }
0x6a: {  	v2 =	vadd.s32 $0xFFFFEC78, v1;
	v1 =	vsel vm15, v1, v0  }
0x6b: {  	v2 =	vsel vm15, v0, v2;
	[tilespmem:$0x2790] =	vst v1  }
0x6c: {  	[tilespmem:$0x2890] =	vst v2  }
0x6d: {  	v1 =	vld [tilespmem:s25+$0xFFFFFF30];
	_ =	sdelay $0x4  }
0x6e: {  	vm4 =	vlt.s32 v1, $0x1388  }
0x6f: {  	v2 =	vadd.s32 $0xFFFFEC78, v1;
	v1 =	vsel vm4, v1, v0  }
0x70: {  	v2 =	vsel vm4, v0, v2;
	[tilespmem:$0x27A0] =	vst v1  }
0x71: {  	[tilespmem:$0x28A0] =	vst v2  }
0x72: {  	v1 =	vld [tilespmem:s25+$0xFFFFFF40];
	_ =	sdelay $0x4  }
0x73: {  	vm5 =	vlt.s32 v1, $0x1388  }
0x74: {  	v2 =	vadd.s32 $0xFFFFEC78, v1;
	v1 =	vsel vm5, v1, v0  }
0x75: {  	v2 =	vsel vm5, v0, v2;
	[tilespmem:$0x27B0] =	vst v1  }
0x76: {  	[tilespmem:$0x28B0] =	vst v2  }
0x77: {  	v1 =	vld [tilespmem:s25+$0xFFFFFF50];
	_ =	sdelay $0x4  }
0x78: {  	vm6 =	vlt.s32 v1, $0x1388  }
0x79: {  	v2 =	vadd.s32 $0xFFFFEC78, v1;
	v1 =	vsel vm6, v1, v0  }
0x7a: {  	v2 =	vsel vm6, v0, v2;
	[tilespmem:$0x27C0] =	vst v1  }
0x7b: {  	[tilespmem:$0x28C0] =	vst v2  }
0x7c: {  	v1 =	vld [tilespmem:s25+$0xFFFFFF60];
	_ =	sdelay $0x4  }
0x7d: {  	vm7 =	vlt.s32 v1, $0x1388  }
0x7e: {  	v2 =	vadd.s32 $0xFFFFEC78, v1;
	v1 =	vsel vm7, v1, v0  }
0x7f: {  	v2 =	vsel vm7, v0, v2;
	[tilespmem:$0x27D0] =	vst v1  }
0x80: {  	[tilespmem:$0x28D0] =	vst v2  }
0x81: {  	v1 =	vld [tilespmem:s25+$0xFFFFFF70];
	_ =	sdelay $0x4  }
0x82: {  	vm8 =	vlt.s32 v1, $0x1388  }
0x83: {  	v2 =	vadd.s32 $0xFFFFEC78, v1;
	v1 =	vsel vm8, v1, v0  }
0x84: {  	v2 =	vsel vm8, v0, v2;
	[tilespmem:$0x27E0] =	vst v1  }
0x85: {  	[tilespmem:$0x28E0] =	vst v2  }
0x86: {  	v1 =	vld [tilespmem:s25+$0xFFFFFF80];
	_ =	sdelay $0x4  }
0x87: {  	vm9 =	vlt.s32 v1, $0x1388  }
0x88: {  	v2 =	vadd.s32 $0xFFFFEC78, v1;
	v1 =	vsel vm9, v1, v0  }
0x89: {  	v2 =	vsel vm9, v0, v2;
	[tilespmem:$0x27F0] =	vst v1  }
0x8a: {  	[tilespmem:$0x28F0] =	vst v2  }
0x8b: {  	[spmem:s2] =	stream.indirect.scatter.add.f32 [tilespmem:s11], [sflag:$0x1], $0x10, s16, s15, $0xb8;
	[tilespmem:$0x4D10] =	vst v63  }
0x8c: {  	_ = 	snop  }
0x8d: {  	[spmem:s2] =	stream.indirect.scatter.add.f32 [tilespmem:s12], [sflag:$0x3], $0x10, s17, s15, $0xb8;
	[tilespmem:$0x4D10] =	vst v63  }
0x8e: {  	_ =	swait.ge [sflag:s22], $0x800  }
0x8f: {  	[sflag:s22] =	ssyncset.done $0x0  }
0x90: {  	[sflag:s22] =	ssyncadd.s32 $0xFFFFF800  }
0x91: {  	_ =	swait.ge [sflag:s23], $0x800  }
0x92: {  	[sflag:s23] =	ssyncset.done $0x0  }
0x93: {  	[sflag:s23] =	ssyncadd.s32 $0xFFFFF800  }
0x94: {  	v1 =	vld [tilespmem:s25+$0xFFFFFF90];
	_ =	sdelay $0x4  }
0x95: {  	vm10 =	vlt.s32 v1, $0x1388  }
0x96: {  	v2 =	vadd.s32 $0xFFFFEC78, v1;
	v1 =	vsel vm10, v1, v0  }
0x97: {  	v2 =	vsel vm10, v0, v2;
	[tilespmem:$0x2800] =	vst v1  }
0x98: {  	[tilespmem:$0x2900] =	vst v2  }
0x99: {  	v1 =	vld [tilespmem:s25+$0xFFFFFFA0];
	_ =	sdelay $0x4  }
0x9a: {  	vm11 =	vlt.s32 v1, $0x1388  }
0x9b: {  	v2 =	vadd.s32 $0xFFFFEC78, v1;
	v1 =	vsel vm11, v1, v0  }
0x9c: {  	v2 =	vsel vm11, v0, v2;
	[tilespmem:$0x2810] =	vst v1  }
0x9d: {  	[tilespmem:$0x2910] =	vst v2  }
0x9e: {  	v1 =	vld [tilespmem:s25+$0xFFFFFFB0];
	_ =	sdelay $0x4  }
0x9f: {  	vm12 =	vlt.s32 v1, $0x1388  }
0xa0: {  	v2 =	vadd.s32 $0xFFFFEC78, v1;
	v1 =	vsel vm12, v1, v0  }
0xa1: {  	v2 =	vsel vm12, v0, v2;
	[tilespmem:$0x2820] =	vst v1  }
0xa2: {  	[tilespmem:$0x2920] =	vst v2  }
0xa3: {  	v1 =	vld [tilespmem:s25+$0xFFFFFFC0];
	_ =	sdelay $0x4  }
0xa4: {  	vm13 =	vlt.s32 v1, $0x1388  }
0xa5: {  	v2 =	vadd.s32 $0xFFFFEC78, v1;
	v1 =	vsel vm13, v1, v0  }
0xa6: {  	v2 =	vsel vm13, v0, v2;
	[tilespmem:$0x2830] =	vst v1  }
0xa7: {  	[tilespmem:$0x2930] =	vst v2  }
0xa8: {  	v1 =	vld [tilespmem:s25+$0xFFFFFFD0];
	_ =	sdelay $0x4  }
0xa9: {  	vm14 =	vlt.s32 v1, $0x1388  }
0xaa: {  	v2 =	vadd.s32 $0xFFFFEC78, v1;
	v1 =	vsel vm14, v1, v0  }
0xab: {  	v2 =	vsel vm14, v0, v2;
	[tilespmem:$0x2840] =	vst v1  }
0xac: {  	[tilespmem:$0x2940] =	vst v2  }
0xad: {  	v1 =	vld [tilespmem:s25+$0xFFFFFFE0];
	_ =	sdelay $0x4  }
0xae: {  	vm15 =	vlt.s32 v1, $0x1388  }
0xaf: {  	v2 =	vadd.s32 $0xFFFFEC78, v1;
	v1 =	vsel vm15, v1, v0  }
0xb0: {  	v2 =	vsel vm15, v0, v2;
	[tilespmem:$0x2850] =	vst v1  }
0xb1: {  	[tilespmem:$0x2950] =	vst v2  }
0xb2: {  	s26 =	simm.s32 $0xBC0;
	v1 =	vld [tilespmem:s25+$0xFFFFFFF0]  }
.LBB2_2:
0xb3: {  	_ =	sdelay $0x2  }
0xb4: {  	p1 =	sne.s32 s26, $0x9BC0;
	s28 =	smov.u32 s26;
	s26 =	sadd.s32 $0x400, s26  }
0xb5: {  	vm0 =	vlt.s32 v1, $0x1388;
	v2 =	vadd.s32 $0xFFFFEC78, v1  }
0xb6: {  	v1 =	vsel vm0, v1, v0;
	v2 =	vsel vm0, v0, v2  }
0xb7: {  	[tilespmem:$0x2860] =	vst v1  }
0xb8: {  	[tilespmem:$0x2960] =	vst v2  }
0xb9: {  	v1 =	vld [tilespmem:s25+$0x0];
	_ =	sdelay $0x4  }
0xba: {  	vm0 =	vlt.s32 v1, $0x1388;
	v2 =	vadd.s32 $0xFFFFEC78, v1  }
0xbb: {  	v1 =	vsel vm0, v1, v0;
	v2 =	vsel vm0, v0, v2  }
0xbc: {  	[tilespmem:$0x2870] =	vst v1  }
0xbd: {  	[tilespmem:$0x2970] =	vst v2  }
0xbe: {  	[spmem:s2] =	stream.indirect.scatter.add.f32 [tilespmem:s11], [sflag:$0x2], $0x10, s18, s15, $0xb8;
	[tilespmem:$0x4D10] =	vst v63  }
0xbf: {  	_ = 	snop  }
0xc0: {  	[spmem:s2] =	stream.indirect.scatter.add.f32 [tilespmem:s12], [sflag:$0x4], $0x10, s19, s15, $0xb8;
	[tilespmem:$0x4D10] =	vst v63  }
0xc1: {  	_ =	swait.ge [sflag:s20], $0x800  }
0xc2: {  	[sflag:s20] =	ssyncset.done $0x0  }
0xc3: {  	[sflag:s20] =	ssyncadd.s32 $0xFFFFF800  }
0xc4: {  	_ =	swait.ge [sflag:s21], $0x800  }
0xc5: {  	[sflag:s21] =	ssyncset.done $0x0  }
0xc6: {  	s25 =	sshra.s32 s28, $0x2;
	[sflag:s21] =	ssyncadd.s32 $0xFFFFF800  }
0xc7: {  	v1 =	vld [tilespmem:s25+$0xFFFFFF10];
	_ =	sdelay $0x4  }
0xc8: {  	vm0 =	vlt.s32 v1, $0x1388;
	v2 =	vadd.s32 $0xFFFFEC78, v1  }
0xc9: {  	v1 =	vsel vm0, v1, v0;
	v2 =	vsel vm0, v0, v2  }
0xca: {  	[tilespmem:$0x2780] =	vst v1  }
0xcb: {  	[tilespmem:$0x2880] =	vst v2  }
0xcc: {  	v1 =	vld [tilespmem:s25+$0xFFFFFF20];
	_ =	sdelay $0x4  }
0xcd: {  	vm0 =	vlt.s32 v1, $0x1388;
	v2 =	vadd.s32 $0xFFFFEC78, v1  }
0xce: {  	v1 =	vsel vm0, v1, v0;
	v2 =	vsel vm0, v0, v2  }
0xcf: {  	[tilespmem:$0x2790] =	vst v1  }
0xd0: {  	[tilespmem:$0x2890] =	vst v2  }
0xd1: {  	v1 =	vld [tilespmem:s25+$0xFFFFFF30];
	_ =	sdelay $0x4  }
0xd2: {  	vm0 =	vlt.s32 v1, $0x1388;
	v2 =	vadd.s32 $0xFFFFEC78, v1  }
0xd3: {  	v1 =	vsel vm0, v1, v0;
	v2 =	vsel vm0, v0, v2  }
0xd4: {  	[tilespmem:$0x27A0] =	vst v1  }
0xd5: {  	[tilespmem:$0x28A0] =	vst v2  }
0xd6: {  	v1 =	vld [tilespmem:s25+$0xFFFFFF40];
	_ =	sdelay $0x4  }
0xd7: {  	vm0 =	vlt.s32 v1, $0x1388;
	v2 =	vadd.s32 $0xFFFFEC78, v1  }
0xd8: {  	v1 =	vsel vm0, v1, v0;
	v2 =	vsel vm0, v0, v2  }
0xd9: {  	[tilespmem:$0x27B0] =	vst v1  }
0xda: {  	[tilespmem:$0x28B0] =	vst v2  }
0xdb: {  	v1 =	vld [tilespmem:s25+$0xFFFFFF50];
	_ =	sdelay $0x4  }
0xdc: {  	vm0 =	vlt.s32 v1, $0x1388;
	v2 =	vadd.s32 $0xFFFFEC78, v1  }
0xdd: {  	v1 =	vsel vm0, v1, v0;
	v2 =	vsel vm0, v0, v2  }
0xde: {  	[tilespmem:$0x27C0] =	vst v1  }
0xdf: {  	[tilespmem:$0x28C0] =	vst v2  }
0xe0: {  	v1 =	vld [tilespmem:s25+$0xFFFFFF60];
	_ =	sdelay $0x4  }
0xe1: {  	vm0 =	vlt.s32 v1, $0x1388;
	v2 =	vadd.s32 $0xFFFFEC78, v1  }
0xe2: {  	v1 =	vsel vm0, v1, v0;
	v2 =	vsel vm0, v0, v2  }
0xe3: {  	[tilespmem:$0x27D0] =	vst v1  }
0xe4: {  	[tilespmem:$0x28D0] =	vst v2  }
0xe5: {  	v1 =	vld [tilespmem:s25+$0xFFFFFF70];
	_ =	sdelay $0x4  }
0xe6: {  	vm0 =	vlt.s32 v1, $0x1388;
	v2 =	vadd.s32 $0xFFFFEC78, v1  }
0xe7: {  	v1 =	vsel vm0, v1, v0;
	v2 =	vsel vm0, v0, v2  }
0xe8: {  	[tilespmem:$0x27E0] =	vst v1  }
0xe9: {  	[tilespmem:$0x28E0] =	vst v2  }
0xea: {  	v1 =	vld [tilespmem:s25+$0xFFFFFF80];
	_ =	sdelay $0x4  }
0xeb: {  	vm0 =	vlt.s32 v1, $0x1388;
	v2 =	vadd.s32 $0xFFFFEC78, v1  }
0xec: {  	v1 =	vsel vm0, v1, v0;
	v2 =	vsel vm0, v0, v2  }
0xed: {  	[tilespmem:$0x27F0] =	vst v1  }
0xee: {  	[tilespmem:$0x28F0] =	vst v2  }
0xef: {  	[spmem:s2] =	stream.indirect.scatter.add.f32 [tilespmem:s11], [sflag:$0x1], $0x10, s16, s15, $0xb8;
	[tilespmem:$0x4D10] =	vst v63  }
0xf0: {  	_ = 	snop  }
0xf1: {  	[spmem:s2] =	stream.indirect.scatter.add.f32 [tilespmem:s12], [sflag:$0x3], $0x10, s17, s15, $0xb8;
	[tilespmem:$0x4D10] =	vst v63  }
0xf2: {  	_ =	swait.ge [sflag:s22], $0x800  }
0xf3: {  	[sflag:s22] =	ssyncset.done $0x0  }
0xf4: {  	[sflag:s22] =	ssyncadd.s32 $0xFFFFF800  }
0xf5: {  	_ =	swait.ge [sflag:s23], $0x800  }
0xf6: {  	[sflag:s23] =	ssyncset.done $0x0  }
0xf7: {  	[sflag:s23] =	ssyncadd.s32 $0xFFFFF800  }
0xf8: {  	v1 =	vld [tilespmem:s25+$0xFFFFFF90];
	_ =	sdelay $0x4  }
0xf9: {  	vm0 =	vlt.s32 v1, $0x1388;
	v2 =	vadd.s32 $0xFFFFEC78, v1  }
0xfa: {  	v1 =	vsel vm0, v1, v0;
	v2 =	vsel vm0, v0, v2  }
0xfb: {  	[tilespmem:$0x2800] =	vst v1  }
0xfc: {  	[tilespmem:$0x2900] =	vst v2  }
0xfd: {  	v1 =	vld [tilespmem:s25+$0xFFFFFFA0];
	_ =	sdelay $0x4  }
0xfe: {  	vm0 =	vlt.s32 v1, $0x1388;
	v2 =	vadd.s32 $0xFFFFEC78, v1  }
0xff: {  	v1 =	vsel vm0, v1, v0;
	v2 =	vsel vm0, v0, v2  }
0x100: {  	[tilespmem:$0x2810] =	vst v1  }
0x101: {  	[tilespmem:$0x2910] =	vst v2  }
0x102: {  	v1 =	vld [tilespmem:s25+$0xFFFFFFB0];
	_ =	sdelay $0x4  }
0x103: {  	vm0 =	vlt.s32 v1, $0x1388;
	v2 =	vadd.s32 $0xFFFFEC78, v1  }
0x104: {  	v1 =	vsel vm0, v1, v0;
	v2 =	vsel vm0, v0, v2  }
0x105: {  	[tilespmem:$0x2820] =	vst v1  }
0x106: {  	[tilespmem:$0x2920] =	vst v2  }
0x107: {  	v1 =	vld [tilespmem:s25+$0xFFFFFFC0];
	_ =	sdelay $0x4  }
0x108: {  	vm0 =	vlt.s32 v1, $0x1388;
	v2 =	vadd.s32 $0xFFFFEC78, v1  }
0x109: {  	v1 =	vsel vm0, v1, v0;
	v2 =	vsel vm0, v0, v2  }
0x10a: {  	[tilespmem:$0x2830] =	vst v1  }
0x10b: {  	[tilespmem:$0x2930] =	vst v2  }
0x10c: {  	v1 =	vld [tilespmem:s25+$0xFFFFFFD0];
	_ =	sdelay $0x4  }
0x10d: {  	vm0 =	vlt.s32 v1, $0x1388;
	v2 =	vadd.s32 $0xFFFFEC78, v1  }
0x10e: {  	v1 =	vsel vm0, v1, v0;
	v2 =	vsel vm0, v0, v2  }
0x10f: {  	[tilespmem:$0x2840] =	vst v1  }
0x110: {  	[tilespmem:$0x2940] =	vst v2  }
0x111: {  	v1 =	vld [tilespmem:s25+$0xFFFFFFE0];
	_ =	sdelay $0x4  }
.Ltmp2:
0x112: {  	vm0 =	vlt.s32 v1, $0x1388;
	v2 =	vadd.s32 $0xFFFFEC78, v1;
	(pc) =	sbr.rel @p1 .LBB2_2-.Ltmp2, $4  }
0x113: {  	v1 =	vsel vm0, v1, v0;
	v2 =	vsel vm0, v0, v2  }
0x114: {  	[tilespmem:$0x2850] =	vst v1  }
0x115: {  	[tilespmem:$0x2950] =	vst v2  }
0x116: {  	v1 =	vld [tilespmem:s25+$0xFFFFFFF0]  }
0x117: {  	_ =	sdelay $0x3  }
0x118: {  	vm0 =	vlt.s32 v1, $0x1388  }
0x119: {  	v2 =	vadd.s32 $0xFFFFEC78, v1;
	v1 =	vsel vm0, v1, v0  }
0x11a: {  	v2 =	vsel vm0, v0, v2;
	[tilespmem:$0x2860] =	vst v1  }
0x11b: {  	[tilespmem:$0x2960] =	vst v2  }
0x11c: {  	v1 =	vld [tilespmem:s25+$0x0];
	_ =	sdelay $0x4  }
0x11d: {  	vm15 =	vlt.s32 v1, $0x1388  }
0x11e: {  	v2 =	vadd.s32 $0xFFFFEC78, v1;
	v1 =	vsel vm15, v1, v0  }
0x11f: {  	v2 =	vsel vm15, v0, v2;
	[tilespmem:$0x2870] =	vst v1  }
0x120: {  	[tilespmem:$0x2970] =	vst v2  }
0x121: {  	[spmem:s2] =	stream.indirect.scatter.add.f32 [tilespmem:s11], [sflag:$0x2], $0x10, s18, s15, $0xb8;
	[tilespmem:$0x4D10] =	vst v63  }
0x122: {  	_ = 	snop  }
0x123: {  	[spmem:s2] =	stream.indirect.scatter.add.f32 [tilespmem:s12], [sflag:$0x4], $0x10, s19, s15, $0xb8;
	[tilespmem:$0x4D10] =	vst v63  }
0x124: {  	_ =	swait.ge [sflag:s20], $0x800  }
0x125: {  	[sflag:s20] =	ssyncset.done $0x0  }
0x126: {  	[sflag:s20] =	ssyncadd.s32 $0xFFFFF800  }
0x127: {  	_ =	swait.ge [sflag:s21], $0x800  }
0x128: {  	[sflag:s21] =	ssyncset.done $0x0  }
0x129: {  	[sflag:s21] =	ssyncadd.s32 $0xFFFFF800  }
0x12a: {  	_ =	swait.ge [sflag:s22], $0x800  }
.Ltmp3:
0x12b: {  	[sflag:s22] =	ssyncset.done $0x0;
	(pc) =	sbr.rel @p0 .LBB2_5-.Ltmp3, $4  }
0x12c: {  	[sflag:s22] =	ssyncadd.s32 $0xFFFFF800  }
0x12d: {  	_ =	swait.ge [sflag:s23], $0x800  }
0x12e: {  	[sflag:s23] =	ssyncset.done $0x0  }
0x12f: {  	[sflag:s23] =	ssyncadd.s32 $0xFFFFF800  }
0x130: {  	v1 =	vld [tilespmem:$0x2700];
	_ =	sdelay $0x1  }
0x131: {  	v2 =	vld [tilespmem:$0x2710];
	_ =	sdelay $0x1  }
0x132: {  	v3 =	vld [tilespmem:$0x2720]  }
0x133: {  	vm0 =	vlt.s32 v1, $0x1388  }
0x134: {  	v5 =	vld [tilespmem:$0x2730];
	v4 =	vsel vm0, v1, v0;
	v1 =	vadd.s32 $0xFFFFEC78, v1  }
0x135: {  	vm9 =	vlt.s32 v2, $0x1388;
	[tilespmem:$0x2780] =	vst v4;
	v1 =	vsel vm0, v0, v1  }
0x136: {  	v61 =	vld [tilespmem:$0x2740];
	[tilespmem:$0x2880] =	vst v1;
	v1 =	vsel vm9, v2, v0;
	v2 =	vadd.s32 $0xFFFFEC78, v2  }
0x137: {  	vm10 =	vlt.s32 v3, $0x1388;
	[tilespmem:$0x2790] =	vst v1;
	v1 =	vsel vm9, v0, v2  }
0x138: {  	v2 =	vadd.s32 $0xFFFFEC78, v3;
	[tilespmem:$0x2890] =	vst v1;
	v1 =	vsel vm10, v3, v0;
	v3 =	vld [tilespmem:$0x2750]  }
0x139: {  	vm11 =	vlt.s32 v5, $0x1388;
	[tilespmem:$0x27A0] =	vst v1;
	v1 =	vsel vm10, v0, v2  }
0x13a: {  	v62 =	vld [tilespmem:$0x2760];
	v2 =	vadd.s32 $0xFFFFEC78, v5;
	[tilespmem:$0x28A0] =	vst v1;
	v1 =	vsel vm11, v5, v0  }
0x13b: {  	vm12 =	vlt.s32 v61, $0x1388;
	[tilespmem:$0x27B0] =	vst v1;
	v1 =	vsel vm11, v0, v2  }
0x13c: {  	v63 =	vld [tilespmem:$0x2770];
	v2 =	vadd.s32 $0xFFFFEC78, v61;
	[tilespmem:$0x28B0] =	vst v1;
	v1 =	vsel vm12, v61, v0  }
0x13d: {  	[tilespmem:$0x27C0] =	vst v1;
	v1 =	vsel vm12, v0, v2;
	vm13 =	vlt.s32 v3, $0x1388  }
0x13e: {  	v2 =	vadd.s32 $0xFFFFEC78, v3;
	[tilespmem:$0x28C0] =	vst v1;
	v1 =	vsel vm13, v3, v0  }
0x13f: {  	vm14 =	vlt.s32 v62, $0x1388;
	[tilespmem:$0x27D0] =	vst v1;
	v1 =	vsel vm13, v0, v2  }
0x140: {  	v2 =	vadd.s32 $0xFFFFEC78, v62;
	[tilespmem:$0x28D0] =	vst v1;
	v1 =	vsel vm14, v62, v0  }
0x141: {  	vm15 =	vlt.s32 v63, $0x1388;
	[tilespmem:$0x27E0] =	vst v1;
	v1 =	vsel vm14, v0, v2  }
0x142: {  	v2 =	vadd.s32 $0xFFFFEC78, v63;
	[tilespmem:$0x28E0] =	vst v1;
	v1 =	vsel vm15, v63, v0  }
0x143: {  	[tilespmem:$0x27F0] =	vst v1;
	v1 =	vsel vm15, v0, v2  }
0x144: {  	[tilespmem:$0x28F0] =	vst v1  }
0x145: {  	[spmem:s2] =	stream.indirect.scatter.add.f32 [tilespmem:s11], [sflag:$0x5], $0x10, s16, s15, $0xb8;
	[tilespmem:$0x4D10] =	vst v63  }
0x146: {  	_ =	swait.ge [sflag:s10], $0x800  }
0x147: {  	[sflag:s10] =	ssyncset.done $0x0  }
.Ltmp4:
0x148: {  	[sflag:s10] =	ssyncadd.s32 $0xFFFFF800;
	(pc) =	sbr.rel .LBB2_5-.Ltmp4, $4  }
0x149: {  	[spmem:s2] =	stream.indirect.scatter.add.f32 [tilespmem:s12], [sflag:$0x5], $0x10, s17, s15, $0xb8;
	[tilespmem:$0x4D10] =	vst v63  }
0x14a: {  	_ =	swait.ge [sflag:s10], $0x800  }
0x14b: {  	[sflag:s10] =	ssyncset.done $0x0  }
0x14c: {  	[sflag:s10] =	ssyncadd.s32 $0xFFFFF800  }
.LBB2_6:
0x14d: {  	_ =	sfence.sel $0x180000  }
0x14e: {  	[bflag:$0x0] =	sbarrier.arrive $0xFFFF  }
0x14f: {  	p0 =	sne.s32 s1, $0x0;
	_ =	strace $0x90000047  }
0x150: {  	s0 =	sadd.s32 @!p0 $0x100000, s0;
	[bflag:$0x2] =	sbarrier.arrive $0xFFFF  }
0x151: {  	[sflag:s0] =	ssyncadd.tile.s32 @!p0 $0x1;
	_ =	shalt  }
.Lfunc_end2:
_tile_overlayer_lowered:
.L_overlay_start_2:
0x152: {  	(tag) =	ssettag $0x2  }
0x153: {  	s0 =	rddreg [dreg:$0x0];
	s2 =	stileid.u32  }
0x154: {  	s1 =	rddreg [dreg:$0x1];
	p0 =	sne.s32 s2, $0x0  }
0x155: {  	s3 =	rddreg [dreg:$0x2];
	[bflag:$0x3] =	sbarrier.arrive $0xFFFF;
	s2 =	simm.s32 @!p0 $0x1C05  }
0x156: {  	[timem:s3], [sflag:s2] =	dma.local @!p0 [hbm:s0], s1  }
0x157: {  	s0 =	simm.s32 @!p0 $0x5  }
0x158: {  	_ =	swait.ge @!p0 [sflag:s0], s1  }
0x159: {  	s1 =	ssub.s32 @!p0 $0x0, s1;
	[sflag:s0] =	ssyncset.done @!p0 $0x0  }
0x15a: {  	[sflag:s0] =	ssyncadd.s32 @!p0 s1  }
0x15b: {  	[bflag:$0x3] =	sbarrier.arrive $0xFFFF  }
0x15c: {  	_ =	shalt  }

</sc_bundles>
